<compile_context>
chip_gen: v7x
topology: tpu7x:2x2x1
jax: 0.10.2.dev20260603
libtpu: 0.0.44.dev20260713+nightly
codegen_flags: <defaults>
</compile_context>

<pallas_src>
import functools

import jax
import jax.numpy as jnp
from jax import lax
from jax.experimental import pallas as pl
from jax.experimental.pallas import tpu as pltpu
from jax.experimental.pallas import tpu_sc as plsc

NUM_TYPES = 1024
EMBED = 512
NNZ = 32768
N_DATA = 32768
NC = 2
NS = 16
NW = NC * NS
CHUNK = 64
IDS_PER_W = N_DATA // NW
W_CHUNKS = IDS_PER_W // CHUNK

TC_R = 4096
TC_STEPS = NNZ // TC_R

_MESH = plsc.VectorSubcoreMesh(core_axis_name="c", subcore_axis_name="s")


@functools.partial(
    pl.kernel,
    out_type=jax.ShapeDtypeStruct((N_DATA, EMBED), jnp.float32),
    mesh=_MESH,
    scratch_types=[
        pltpu.VMEM((W_CHUNKS, CHUNK), jnp.int32),
        pltpu.VMEM((CHUNK, EMBED), jnp.float32),
        pltpu.VMEM((CHUNK, EMBED), jnp.float32),
        pltpu.SemaphoreType.DMA,
        pltpu.SemaphoreType.DMA,
    ],
)
def _row_gather(table_hbm, idx_hbm, out_hbm, idx_v, rows0, rows1, gsem, wsem):
    c = lax.axis_index("c")
    s = lax.axis_index("s")
    wid = c * NS + s

    pltpu.sync_copy(idx_hbm.at[pl.ds(wid * W_CHUNKS, W_CHUNKS)], idx_v)
    bufs = (rows0, rows1)
    cp = pltpu.async_copy(table_hbm.at[idx_v.at[0]], bufs[0], gsem)
    wr = None
    for j in range(W_CHUNKS):
        cp.wait()
        if wr is not None:
            wr.wait()
        if j + 1 < W_CHUNKS:
            cp = pltpu.async_copy(
                table_hbm.at[idx_v.at[j + 1]], bufs[(j + 1) % 2], gsem)
        wr = pltpu.async_copy(
            bufs[j % 2],
            out_hbm.at[pl.ds(wid * IDS_PER_W + j * CHUNK, CHUNK)], wsem)
    wr.wait()


def _tc_segsum_body(types_ref, g_ref, edge_ref, out_ref):
    i = pl.program_id(0)

    @pl.when(i == 0)
    def _():
        out_ref[...] = edge_ref[...]

    t = types_ref[0, 0, :]
    oh = (lax.broadcasted_iota(jnp.int32, (NUM_TYPES, TC_R), 0)
          == t[None, :]).astype(jnp.bfloat16)
    g = g_ref[...].astype(jnp.bfloat16)
    out_ref[...] += jnp.dot(oh, g, preferred_element_type=jnp.float32)


_tc_segsum = pl.pallas_call(
    _tc_segsum_body,
    grid=(TC_STEPS,),
    in_specs=[
        pl.BlockSpec((1, 1, TC_R), lambda i: (i, 0, 0)),
        pl.BlockSpec((TC_R, EMBED), lambda i: (i, 0)),
        pl.BlockSpec((NUM_TYPES, EMBED), lambda i: (0, 0)),
    ],
    out_specs=pl.BlockSpec((NUM_TYPES, EMBED), lambda i: (0, 0)),
    out_shape=jax.ShapeDtypeStruct((NUM_TYPES, EMBED), jnp.float32),
    compiler_params=pltpu.CompilerParams(
        dimension_semantics=("arbitrary",)),
)


def kernel(data, attr_ids, type_ids, attr_table, edge_type_table):
    aidx = attr_ids.reshape(NW * W_CHUNKS, CHUNK)
    didx = data.reshape(NW * W_CHUNKS, CHUNK)
    types3 = type_ids.reshape(TC_STEPS, 1, TC_R)
    gathered = _row_gather(attr_table, aidx)
    fused = _tc_segsum(types3, gathered, edge_type_table)
    return _row_gather(fused, didx)

# --- scband reference (transcript-rebuilt; emitter-appended) ---
"""Pipeline reference for scband-edge-embedding-30623116821332 (READ-ONLY COPY).

The authoritative reference and input builder live on the scoring server;
editing this copy changes nothing except your own understanding.
"""

import jax, jax.numpy as jnp
import numpy as np

NUM_EDGE_TYPE = 1024
ATTR_NUM = 50000
NNZ = 32768
N_DATA = 32768
EMBED = 512


def setup_inputs(seed: int = 0) -> dict:
    key = jax.random.key(seed)
    k1, k2, k3, k4, k5 = jax.random.split(key, 5)
    # edge-type id per query element (flattened ragged batch)
    data = jax.random.randint(k1, (N_DATA,), 0, NUM_EDGE_TYPE, dtype=jnp.int32)
    # ragged type->attr mapping flattened as (attr_id, type_id) pairs, sorted by type
    attr_ids = jax.random.randint(k2, (NNZ,), 0, ATTR_NUM, dtype=jnp.int32)
    type_ids = jnp.sort(jax.random.randint(k3, (NNZ,), 0, NUM_EDGE_TYPE, dtype=jnp.int32))
    init_range = 6.0 / np.sqrt(EMBED)
    attr_table = jax.random.uniform(k4, (ATTR_NUM, EMBED), minval=-init_range, maxval=init_range, dtype=jnp.float32)
    edge_type_table = jax.random.uniform(k5, (NUM_EDGE_TYPE, EMBED), minval=-init_range, maxval=init_range, dtype=jnp.float32)
    return {
        "data": data,
        "attr_ids": attr_ids,
        "type_ids": type_ids,
        "attr_table": attr_table,
        "edge_type_table": edge_type_table,
    }


def reference(data, attr_ids, type_ids, attr_table, edge_type_table):
    # Original torch loop: for each edge type in `data`, sum the embeddings of
    # all attrs belonging to that type (zero vector if the type has no attrs),
    # then add the edge-type embedding (fusion_type == 'add').
    # Equivalent vectorized form: segment-sum attr embeddings per type, then gather.
    gathered = jnp.take(attr_table, attr_ids, axis=0)                      # [NNZ, EMBED]
    per_type = jax.ops.segment_sum(gathered, type_ids, num_segments=NUM_EDGE_TYPE)  # [T, EMBED]; empty types -> 0 (matches zero_attr)
    attr_emb = jnp.take(per_type, data, axis=0)                            # [N_DATA, EMBED]
    type_emb = jnp.take(edge_type_table, data, axis=0)                     # [N_DATA, EMBED]
    return type_emb + attr_emb

if __name__ == "__main__":
    import jax
    _d = setup_inputs()
    print(jax.jit(kernel)(*tuple(_d.values())))

</pallas_src>

<mosaic_0001>
#map = affine_map<(d0, d1) -> (0, 0)>
module attributes {stable_mosaic.version = 14 : i64} {
  func.func @_row_gather(%arg0: i32, %arg1: i32, %arg2: memref<50000x512xf32, #tpu.memory_space<hbm>>, %arg3: memref<512x64xi32, #tpu.memory_space<hbm>>, %arg4: memref<32768x512xf32, #tpu.memory_space<hbm>>, %arg5: memref<16x64xi32, #tpu.memory_space<vmem>>, %arg6: memref<64x512xf32, #tpu.memory_space<vmem>>, %arg7: memref<64x512xf32, #tpu.memory_space<vmem>>, %arg8: memref<!tpu.dma_semaphore, #tpu.memory_space<semaphore_mem>>, %arg9: memref<!tpu.dma_semaphore, #tpu.memory_space<semaphore_mem>>) attributes {dimension_semantics = [#tpu.dimension_semantics<core_parallel>, #tpu.dimension_semantics<subcore_parallel>], iteration_bounds = array<i64: 2, 16>, scalar_prefetch = 0 : i64, scratch_operands = 5 : i64, tpu.core_type = #tpu.core_type<sc_vector_subcore>, window_params = [{transform_indices = #map}, {transform_indices = #map}, {transform_indices = #map}]} {
    %mul3A = arith.constant 16 : i32
    %mul3A_0 = arith.muli %arg0, %mul3A : i32
    %add3A = arith.addi %mul3A_0, %arg1 : i32
    %mul3A_1 = arith.constant 16 : i32
    %mul3A_2 = arith.muli %add3A, %mul3A_1 : i32
    "tpu.region"() ({
      %run_scoped3A = tpu.sem_alloc : memref<!tpu.dma_semaphore, #tpu.memory_space<semaphore_mem>>
      %dma_start3A_417 = arith.constant 0 : i32
      %dma_start3A_418 = tpu.memref_slice %arg3[%mul3A_2, %dma_start3A_417] : memref<512x64xi32, #tpu.memory_space<hbm>> -> memref<16x64xi32, #tpu.memory_space<hbm>>
      %dma_start3A_419 = arith.constant 0 : i32
      %dma_start3A_420 = tpu.memref_slice %arg3[%mul3A_2, %dma_start3A_419] : memref<512x64xi32, #tpu.memory_space<hbm>> -> memref<16x64xi32, #tpu.memory_space<hbm>>
      tpu.enqueue_dma source(%dma_start3A_420 : memref<16x64xi32, #tpu.memory_space<hbm>>) target(%arg5 : memref<16x64xi32, #tpu.memory_space<vmem>>) target_semaphore(%run_scoped3A : memref<!tpu.dma_semaphore, #tpu.memory_space<semaphore_mem>>)
      %dma_wait3A_421 = arith.constant 0 : i32
      %dma_wait3A_422 = tpu.memref_slice %arg3[%mul3A_2, %dma_wait3A_421] : memref<512x64xi32, #tpu.memory_space<hbm>> -> memref<16x64xi32, #tpu.memory_space<hbm>>
      %dma_wait3A_423 = arith.constant 0 : i32
      %dma_wait3A_424 = tpu.memref_slice %arg3[%mul3A_2, %dma_wait3A_423] : memref<512x64xi32, #tpu.memory_space<hbm>> -> memref<16x64xi32, #tpu.memory_space<hbm>>
      tpu.wait_dma2 semaphore(%run_scoped3A : memref<!tpu.dma_semaphore, #tpu.memory_space<semaphore_mem>>) src(%dma_wait3A_424 : memref<16x64xi32, #tpu.memory_space<hbm>>) dst(%arg5 : memref<16x64xi32, #tpu.memory_space<vmem>>)
      tpu.yield
    }) : () -> ()
    %dma_start3A = arith.constant 0 : i32
    %dma_start3A_3 = arith.constant 0 : i32
    %dma_start3A_4 = tpu.memref_slice %arg5[%dma_start3A, %dma_start3A_3] : memref<16x64xi32, #tpu.memory_space<vmem>> -> memref<1x64xi32, #tpu.memory_space<vmem>>
    %dma_start3A_5 = tpu.memref_squeeze %dma_start3A_4 : memref<1x64xi32, #tpu.memory_space<vmem>> -> memref<64xi32, #tpu.memory_space<vmem>>
    %dma_start3A_6 = arith.constant 0 : i32
    %dma_start3A_7 = arith.constant 0 : i32
    %dma_start3A_8 = tpu.memref_slice %arg2[%dma_start3A_6, %dma_start3A_7] : memref<50000x512xf32, #tpu.memory_space<hbm>> -> memref<50000x512xf32, #tpu.memory_space<hbm>>
    tpu.enqueue_indirect_dma source(%dma_start3A_8 : memref<50000x512xf32, #tpu.memory_space<hbm>>) target(%arg6 : memref<64x512xf32, #tpu.memory_space<vmem>>) offsets(%dma_start3A_5 : memref<64xi32, #tpu.memory_space<vmem>>) semaphore(%arg8 : memref<!tpu.dma_semaphore, #tpu.memory_space<semaphore_mem>>)
    %dma_wait3A = arith.constant 0 : i32
    %dma_wait3A_9 = arith.constant 0 : i32
    %dma_wait3A_10 = tpu.memref_slice %arg5[%dma_wait3A, %dma_wait3A_9] : memref<16x64xi32, #tpu.memory_space<vmem>> -> memref<1x64xi32, #tpu.memory_space<vmem>>
    %dma_wait3A_11 = tpu.memref_squeeze %dma_wait3A_10 : memref<1x64xi32, #tpu.memory_space<vmem>> -> memref<64xi32, #tpu.memory_space<vmem>>
    %dma_wait3A_12 = arith.constant 0 : i32
    %dma_wait3A_13 = arith.constant 0 : i32
    %dma_wait3A_14 = tpu.memref_slice %arg2[%dma_wait3A_12, %dma_wait3A_13] : memref<50000x512xf32, #tpu.memory_space<hbm>> -> memref<50000x512xf32, #tpu.memory_space<hbm>>
    tpu.wait_indirect_dma semaphore(%arg8 : memref<!tpu.dma_semaphore, #tpu.memory_space<semaphore_mem>>) src(%dma_wait3A_14 : memref<50000x512xf32, #tpu.memory_space<hbm>>) dst(%arg6 : memref<64x512xf32, #tpu.memory_space<vmem>>)
    %dma_start3A_15 = arith.constant 1 : i32
    %dma_start3A_16 = arith.constant 0 : i32
    %dma_start3A_17 = tpu.memref_slice %arg5[%dma_start3A_15, %dma_start3A_16] : memref<16x64xi32, #tpu.memory_space<vmem>> -> memref<1x64xi32, #tpu.memory_space<vmem>>
    %dma_start3A_18 = tpu.memref_squeeze %dma_start3A_17 : memref<1x64xi32, #tpu.memory_space<vmem>> -> memref<64xi32, #tpu.memory_space<vmem>>
    %dma_start3A_19 = arith.constant 0 : i32
    %dma_start3A_20 = arith.constant 0 : i32
    %dma_start3A_21 = tpu.memref_slice %arg2[%dma_start3A_19, %dma_start3A_20] : memref<50000x512xf32, #tpu.memory_space<hbm>> -> memref<50000x512xf32, #tpu.memory_space<hbm>>
    tpu.enqueue_indirect_dma source(%dma_start3A_21 : memref<50000x512xf32, #tpu.memory_space<hbm>>) target(%arg7 : memref<64x512xf32, #tpu.memory_space<vmem>>) offsets(%dma_start3A_18 : memref<64xi32, #tpu.memory_space<vmem>>) semaphore(%arg8 : memref<!tpu.dma_semaphore, #tpu.memory_space<semaphore_mem>>)
    %mul3A_22 = arith.constant 1024 : i32
    %mul3A_23 = arith.muli %add3A, %mul3A_22 : i32
    %add3A_24 = arith.constant 0 : i32
    %add3A_25 = arith.addi %mul3A_23, %add3A_24 : i32
    %dma_start3A_26 = arith.constant 0 : i32
    %dma_start3A_27 = tpu.memref_slice %arg4[%add3A_25, %dma_start3A_26] : memref<32768x512xf32, #tpu.memory_space<hbm>> -> memref<64x512xf32, #tpu.memory_space<hbm>>
    %dma_start3A_28 = arith.constant 0 : i32
    %dma_start3A_29 = tpu.memref_slice %arg4[%add3A_25, %dma_start3A_28] : memref<32768x512xf32, #tpu.memory_space<hbm>> -> memref<64x512xf32, #tpu.memory_space<hbm>>
    tpu.enqueue_dma source(%arg6 : memref<64x512xf32, #tpu.memory_space<vmem>>) target(%dma_start3A_29 : memref<64x512xf32, #tpu.memory_space<hbm>>) target_semaphore(%arg9 : memref<!tpu.dma_semaphore, #tpu.memory_space<semaphore_mem>>)
    %dma_wait3A_30 = arith.constant 1 : i32
    %dma_wait3A_31 = arith.constant 0 : i32
    %dma_wait3A_32 = tpu.memref_slice %arg5[%dma_wait3A_30, %dma_wait3A_31] : memref<16x64xi32, #tpu.memory_space<vmem>> -> memref<1x64xi32, #tpu.memory_space<vmem>>
    %dma_wait3A_33 = tpu.memref_squeeze %dma_wait3A_32 : memref<1x64xi32, #tpu.memory_space<vmem>> -> memref<64xi32, #tpu.memory_space<vmem>>
    %dma_wait3A_34 = arith.constant 0 : i32
    %dma_wait3A_35 = arith.constant 0 : i32
    %dma_wait3A_36 = tpu.memref_slice %arg2[%dma_wait3A_34, %dma_wait3A_35] : memref<50000x512xf32, #tpu.memory_space<hbm>> -> memref<50000x512xf32, #tpu.memory_space<hbm>>
    tpu.wait_indirect_dma semaphore(%arg8 : memref<!tpu.dma_semaphore, #tpu.memory_space<semaphore_mem>>) src(%dma_wait3A_36 : memref<50000x512xf32, #tpu.memory_space<hbm>>) dst(%arg7 : memref<64x512xf32, #tpu.memory_space<vmem>>)
    %dma_wait3A_37 = arith.constant 0 : i32
    %dma_wait3A_38 = tpu.memref_slice %arg4[%add3A_25, %dma_wait3A_37] : memref<32768x512xf32, #tpu.memory_space<hbm>> -> memref<64x512xf32, #tpu.memory_space<hbm>>
    %dma_wait3A_39 = arith.constant 0 : i32
    %dma_wait3A_40 = tpu.memref_slice %arg4[%add3A_25, %dma_wait3A_39] : memref<32768x512xf32, #tpu.memory_space<hbm>> -> memref<64x512xf32, #tpu.memory_space<hbm>>
    tpu.wait_dma2 semaphore(%arg9 : memref<!tpu.dma_semaphore, #tpu.memory_space<semaphore_mem>>) src(%arg6 : memref<64x512xf32, #tpu.memory_space<vmem>>) dst(%dma_wait3A_40 : memref<64x512xf32, #tpu.memory_space<hbm>>)
    %dma_start3A_41 = arith.constant 2 : i32
    %dma_start3A_42 = arith.constant 0 : i32
    %dma_start3A_43 = tpu.memref_slice %arg5[%dma_start3A_41, %dma_start3A_42] : memref<16x64xi32, #tpu.memory_space<vmem>> -> memref<1x64xi32, #tpu.memory_space<vmem>>
    %dma_start3A_44 = tpu.memref_squeeze %dma_start3A_43 : memref<1x64xi32, #tpu.memory_space<vmem>> -> memref<64xi32, #tpu.memory_space<vmem>>
    %dma_start3A_45 = arith.constant 0 : i32
    %dma_start3A_46 = arith.constant 0 : i32
    %dma_start3A_47 = tpu.memref_slice %arg2[%dma_start3A_45, %dma_start3A_46] : memref<50000x512xf32, #tpu.memory_space<hbm>> -> memref<50000x512xf32, #tpu.memory_space<hbm>>
    tpu.enqueue_indirect_dma source(%dma_start3A_47 : memref<50000x512xf32, #tpu.memory_space<hbm>>) target(%arg6 : memref<64x512xf32, #tpu.memory_space<vmem>>) offsets(%dma_start3A_44 : memref<64xi32, #tpu.memory_space<vmem>>) semaphore(%arg8 : memref<!tpu.dma_semaphore, #tpu.memory_space<semaphore_mem>>)
    %mul3A_48 = arith.constant 1024 : i32
    %mul3A_49 = arith.muli %add3A, %mul3A_48 : i32
    %add3A_50 = arith.constant 64 : i32
    %add3A_51 = arith.addi %mul3A_49, %add3A_50 : i32
    %dma_start3A_52 = arith.constant 0 : i32
    %dma_start3A_53 = tpu.memref_slice %arg4[%add3A_51, %dma_start3A_52] : memref<32768x512xf32, #tpu.memory_space<hbm>> -> memref<64x512xf32, #tpu.memory_space<hbm>>
    %dma_start3A_54 = arith.constant 0 : i32
    %dma_start3A_55 = tpu.memref_slice %arg4[%add3A_51, %dma_start3A_54] : memref<32768x512xf32, #tpu.memory_space<hbm>> -> memref<64x512xf32, #tpu.memory_space<hbm>>
    tpu.enqueue_dma source(%arg7 : memref<64x512xf32, #tpu.memory_space<vmem>>) target(%dma_start3A_55 : memref<64x512xf32, #tpu.memory_space<hbm>>) target_semaphore(%arg9 : memref<!tpu.dma_semaphore, #tpu.memory_space<semaphore_mem>>)
    %dma_wait3A_56 = arith.constant 2 : i32
    %dma_wait3A_57 = arith.constant 0 : i32
    %dma_wait3A_58 = tpu.memref_slice %arg5[%dma_wait3A_56, %dma_wait3A_57] : memref<16x64xi32, #tpu.memory_space<vmem>> -> memref<1x64xi32, #tpu.memory_space<vmem>>
    %dma_wait3A_59 = tpu.memref_squeeze %dma_wait3A_58 : memref<1x64xi32, #tpu.memory_space<vmem>> -> memref<64xi32, #tpu.memory_space<vmem>>
    %dma_wait3A_60 = arith.constant 0 : i32
    %dma_wait3A_61 = arith.constant 0 : i32
    %dma_wait3A_62 = tpu.memref_slice %arg2[%dma_wait3A_60, %dma_wait3A_61] : memref<50000x512xf32, #tpu.memory_space<hbm>> -> memref<50000x512xf32, #tpu.memory_space<hbm>>
    tpu.wait_indirect_dma semaphore(%arg8 : memref<!tpu.dma_semaphore, #tpu.memory_space<semaphore_mem>>) src(%dma_wait3A_62 : memref<50000x512xf32, #tpu.memory_space<hbm>>) dst(%arg6 : memref<64x512xf32, #tpu.memory_space<vmem>>)
    %dma_wait3A_63 = arith.constant 0 : i32
    %dma_wait3A_64 = tpu.memref_slice %arg4[%add3A_51, %dma_wait3A_63] : memref<32768x512xf32, #tpu.memory_space<hbm>> -> memref<64x512xf32, #tpu.memory_space<hbm>>
    %dma_wait3A_65 = arith.constant 0 : i32
    %dma_wait3A_66 = tpu.memref_slice %arg4[%add3A_51, %dma_wait3A_65] : memref<32768x512xf32, #tpu.memory_space<hbm>> -> memref<64x512xf32, #tpu.memory_space<hbm>>
    tpu.wait_dma2 semaphore(%arg9 : memref<!tpu.dma_semaphore, #tpu.memory_space<semaphore_mem>>) src(%arg7 : memref<64x512xf32, #tpu.memory_space<vmem>>) dst(%dma_wait3A_66 : memref<64x512xf32, #tpu.memory_space<hbm>>)
    %dma_start3A_67 = arith.constant 3 : i32
    %dma_start3A_68 = arith.constant 0 : i32
    %dma_start3A_69 = tpu.memref_slice %arg5[%dma_start3A_67, %dma_start3A_68] : memref<16x64xi32, #tpu.memory_space<vmem>> -> memref<1x64xi32, #tpu.memory_space<vmem>>
    %dma_start3A_70 = tpu.memref_squeeze %dma_start3A_69 : memref<1x64xi32, #tpu.memory_space<vmem>> -> memref<64xi32, #tpu.memory_space<vmem>>
    %dma_start3A_71 = arith.constant 0 : i32
    %dma_start3A_72 = arith.constant 0 : i32
    %dma_start3A_73 = tpu.memref_slice %arg2[%dma_start3A_71, %dma_start3A_72] : memref<50000x512xf32, #tpu.memory_space<hbm>> -> memref<50000x512xf32, #tpu.memory_space<hbm>>
    tpu.enqueue_indirect_dma source(%dma_start3A_73 : memref<50000x512xf32, #tpu.memory_space<hbm>>) target(%arg7 : memref<64x512xf32, #tpu.memory_space<vmem>>) offsets(%dma_start3A_70 : memref<64xi32, #tpu.memory_space<vmem>>) semaphore(%arg8 : memref<!tpu.dma_semaphore, #tpu.memory_space<semaphore_mem>>)
    %mul3A_74 = arith.constant 1024 : i32
    %mul3A_75 = arith.muli %add3A, %mul3A_74 : i32
    %add3A_76 = arith.constant 128 : i32
    %add3A_77 = arith.addi %mul3A_75, %add3A_76 : i32
    %dma_start3A_78 = arith.constant 0 : i32
    %dma_start3A_79 = tpu.memref_slice %arg4[%add3A_77, %dma_start3A_78] : memref<32768x512xf32, #tpu.memory_space<hbm>> -> memref<64x512xf32, #tpu.memory_space<hbm>>
    %dma_start3A_80 = arith.constant 0 : i32
    %dma_start3A_81 = tpu.memref_slice %arg4[%add3A_77, %dma_start3A_80] : memref<32768x512xf32, #tpu.memory_space<hbm>> -> memref<64x512xf32, #tpu.memory_space<hbm>>
    tpu.enqueue_dma source(%arg6 : memref<64x512xf32, #tpu.memory_space<vmem>>) target(%dma_start3A_81 : memref<64x512xf32, #tpu.memory_space<hbm>>) target_semaphore(%arg9 : memref<!tpu.dma_semaphore, #tpu.memory_space<semaphore_mem>>)
    %dma_wait3A_82 = arith.constant 3 : i32
    %dma_wait3A_83 = arith.constant 0 : i32
    %dma_wait3A_84 = tpu.memref_slice %arg5[%dma_wait3A_82, %dma_wait3A_83] : memref<16x64xi32, #tpu.memory_space<vmem>> -> memref<1x64xi32, #tpu.memory_space<vmem>>
    %dma_wait3A_85 = tpu.memref_squeeze %dma_wait3A_84 : memref<1x64xi32, #tpu.memory_space<vmem>> -> memref<64xi32, #tpu.memory_space<vmem>>
    %dma_wait3A_86 = arith.constant 0 : i32
    %dma_wait3A_87 = arith.constant 0 : i32
    %dma_wait3A_88 = tpu.memref_slice %arg2[%dma_wait3A_86, %dma_wait3A_87] : memref<50000x512xf32, #tpu.memory_space<hbm>> -> memref<50000x512xf32, #tpu.memory_space<hbm>>
    tpu.wait_indirect_dma semaphore(%arg8 : memref<!tpu.dma_semaphore, #tpu.memory_space<semaphore_mem>>) src(%dma_wait3A_88 : memref<50000x512xf32, #tpu.memory_space<hbm>>) dst(%arg7 : memref<64x512xf32, #tpu.memory_space<vmem>>)
    %dma_wait3A_89 = arith.constant 0 : i32
    %dma_wait3A_90 = tpu.memref_slice %arg4[%add3A_77, %dma_wait3A_89] : memref<32768x512xf32, #tpu.memory_space<hbm>> -> memref<64x512xf32, #tpu.memory_space<hbm>>
    %dma_wait3A_91 = arith.constant 0 : i32
    %dma_wait3A_92 = tpu.memref_slice %arg4[%add3A_77, %dma_wait3A_91] : memref<32768x512xf32, #tpu.memory_space<hbm>> -> memref<64x512xf32, #tpu.memory_space<hbm>>
    tpu.wait_dma2 semaphore(%arg9 : memref<!tpu.dma_semaphore, #tpu.memory_space<semaphore_mem>>) src(%arg6 : memref<64x512xf32, #tpu.memory_space<vmem>>) dst(%dma_wait3A_92 : memref<64x512xf32, #tpu.memory_space<hbm>>)
    %dma_start3A_93 = arith.constant 4 : i32
    %dma_start3A_94 = arith.constant 0 : i32
    %dma_start3A_95 = tpu.memref_slice %arg5[%dma_start3A_93, %dma_start3A_94] : memref<16x64xi32, #tpu.memory_space<vmem>> -> memref<1x64xi32, #tpu.memory_space<vmem>>
    %dma_start3A_96 = tpu.memref_squeeze %dma_start3A_95 : memref<1x64xi32, #tpu.memory_space<vmem>> -> memref<64xi32, #tpu.memory_space<vmem>>
    %dma_start3A_97 = arith.constant 0 : i32
    %dma_start3A_98 = arith.constant 0 : i32
    %dma_start3A_99 = tpu.memref_slice %arg2[%dma_start3A_97, %dma_start3A_98] : memref<50000x512xf32, #tpu.memory_space<hbm>> -> memref<50000x512xf32, #tpu.memory_space<hbm>>
    tpu.enqueue_indirect_dma source(%dma_start3A_99 : memref<50000x512xf32, #tpu.memory_space<hbm>>) target(%arg6 : memref<64x512xf32, #tpu.memory_space<vmem>>) offsets(%dma_start3A_96 : memref<64xi32, #tpu.memory_space<vmem>>) semaphore(%arg8 : memref<!tpu.dma_semaphore, #tpu.memory_space<semaphore_mem>>)
    %mul3A_100 = arith.constant 1024 : i32
    %mul3A_101 = arith.muli %add3A, %mul3A_100 : i32
    %add3A_102 = arith.constant 192 : i32
    %add3A_103 = arith.addi %mul3A_101, %add3A_102 : i32
    %dma_start3A_104 = arith.constant 0 : i32
    %dma_start3A_105 = tpu.memref_slice %arg4[%add3A_103, %dma_start3A_104] : memref<32768x512xf32, #tpu.memory_space<hbm>> -> memref<64x512xf32, #tpu.memory_space<hbm>>
    %dma_start3A_106 = arith.constant 0 : i32
    %dma_start3A_107 = tpu.memref_slice %arg4[%add3A_103, %dma_start3A_106] : memref<32768x512xf32, #tpu.memory_space<hbm>> -> memref<64x512xf32, #tpu.memory_space<hbm>>
    tpu.enqueue_dma source(%arg7 : memref<64x512xf32, #tpu.memory_space<vmem>>) target(%dma_start3A_107 : memref<64x512xf32, #tpu.memory_space<hbm>>) target_semaphore(%arg9 : memref<!tpu.dma_semaphore, #tpu.memory_space<semaphore_mem>>)
    %dma_wait3A_108 = arith.constant 4 : i32
    %dma_wait3A_109 = arith.constant 0 : i32
    %dma_wait3A_110 = tpu.memref_slice %arg5[%dma_wait3A_108, %dma_wait3A_109] : memref<16x64xi32, #tpu.memory_space<vmem>> -> memref<1x64xi32, #tpu.memory_space<vmem>>
    %dma_wait3A_111 = tpu.memref_squeeze %dma_wait3A_110 : memref<1x64xi32, #tpu.memory_space<vmem>> -> memref<64xi32, #tpu.memory_space<vmem>>
    %dma_wait3A_112 = arith.constant 0 : i32
    %dma_wait3A_113 = arith.constant 0 : i32
    %dma_wait3A_114 = tpu.memref_slice %arg2[%dma_wait3A_112, %dma_wait3A_113] : memref<50000x512xf32, #tpu.memory_space<hbm>> -> memref<50000x512xf32, #tpu.memory_space<hbm>>
    tpu.wait_indirect_dma semaphore(%arg8 : memref<!tpu.dma_semaphore, #tpu.memory_space<semaphore_mem>>) src(%dma_wait3A_114 : memref<50000x512xf32, #tpu.memory_space<hbm>>) dst(%arg6 : memref<64x512xf32, #tpu.memory_space<vmem>>)
    %dma_wait3A_115 = arith.constant 0 : i32
    %dma_wait3A_116 = tpu.memref_slice %arg4[%add3A_103, %dma_wait3A_115] : memref<32768x512xf32, #tpu.memory_space<hbm>> -> memref<64x512xf32, #tpu.memory_space<hbm>>
    %dma_wait3A_117 = arith.constant 0 : i32
    %dma_wait3A_118 = tpu.memref_slice %arg4[%add3A_103, %dma_wait3A_117] : memref<32768x512xf32, #tpu.memory_space<hbm>> -> memref<64x512xf32, #tpu.memory_space<hbm>>
    tpu.wait_dma2 semaphore(%arg9 : memref<!tpu.dma_semaphore, #tpu.memory_space<semaphore_mem>>) src(%arg7 : memref<64x512xf32, #tpu.memory_space<vmem>>) dst(%dma_wait3A_118 : memref<64x512xf32, #tpu.memory_space<hbm>>)
    %dma_start3A_119 = arith.constant 5 : i32
    %dma_start3A_120 = arith.constant 0 : i32
    %dma_start3A_121 = tpu.memref_slice %arg5[%dma_start3A_119, %dma_start3A_120] : memref<16x64xi32, #tpu.memory_space<vmem>> -> memref<1x64xi32, #tpu.memory_space<vmem>>
    %dma_start3A_122 = tpu.memref_squeeze %dma_start3A_121 : memref<1x64xi32, #tpu.memory_space<vmem>> -> memref<64xi32, #tpu.memory_space<vmem>>
    %dma_start3A_123 = arith.constant 0 : i32
    %dma_start3A_124 = arith.constant 0 : i32
    %dma_start3A_125 = tpu.memref_slice %arg2[%dma_start3A_123, %dma_start3A_124] : memref<50000x512xf32, #tpu.memory_space<hbm>> -> memref<50000x512xf32, #tpu.memory_space<hbm>>
    tpu.enqueue_indirect_dma source(%dma_start3A_125 : memref<50000x512xf32, #tpu.memory_space<hbm>>) target(%arg7 : memref<64x512xf32, #tpu.memory_space<vmem>>) offsets(%dma_start3A_122 : memref<64xi32, #tpu.memory_space<vmem>>) semaphore(%arg8 : memref<!tpu.dma_semaphore, #tpu.memory_space<semaphore_mem>>)
    %mul3A_126 = arith.constant 1024 : i32
    %mul3A_127 = arith.muli %add3A, %mul3A_126 : i32
    %add3A_128 = arith.constant 256 : i32
    %add3A_129 = arith.addi %mul3A_127, %add3A_128 : i32
    %dma_start3A_130 = arith.constant 0 : i32
    %dma_start3A_131 = tpu.memref_slice %arg4[%add3A_129, %dma_start3A_130] : memref<32768x512xf32, #tpu.memory_space<hbm>> -> memref<64x512xf32, #tpu.memory_space<hbm>>
    %dma_start3A_132 = arith.constant 0 : i32
    %dma_start3A_133 = tpu.memref_slice %arg4[%add3A_129, %dma_start3A_132] : memref<32768x512xf32, #tpu.memory_space<hbm>> -> memref<64x512xf32, #tpu.memory_space<hbm>>
    tpu.enqueue_dma source(%arg6 : memref<64x512xf32, #tpu.memory_space<vmem>>) target(%dma_start3A_133 : memref<64x512xf32, #tpu.memory_space<hbm>>) target_semaphore(%arg9 : memref<!tpu.dma_semaphore, #tpu.memory_space<semaphore_mem>>)
    %dma_wait3A_134 = arith.constant 5 : i32
    %dma_wait3A_135 = arith.constant 0 : i32
    %dma_wait3A_136 = tpu.memref_slice %arg5[%dma_wait3A_134, %dma_wait3A_135] : memref<16x64xi32, #tpu.memory_space<vmem>> -> memref<1x64xi32, #tpu.memory_space<vmem>>
    %dma_wait3A_137 = tpu.memref_squeeze %dma_wait3A_136 : memref<1x64xi32, #tpu.memory_space<vmem>> -> memref<64xi32, #tpu.memory_space<vmem>>
    %dma_wait3A_138 = arith.constant 0 : i32
    %dma_wait3A_139 = arith.constant 0 : i32
    %dma_wait3A_140 = tpu.memref_slice %arg2[%dma_wait3A_138, %dma_wait3A_139] : memref<50000x512xf32, #tpu.memory_space<hbm>> -> memref<50000x512xf32, #tpu.memory_space<hbm>>
    tpu.wait_indirect_dma semaphore(%arg8 : memref<!tpu.dma_semaphore, #tpu.memory_space<semaphore_mem>>) src(%dma_wait3A_140 : memref<50000x512xf32, #tpu.memory_space<hbm>>) dst(%arg7 : memref<64x512xf32, #tpu.memory_space<vmem>>)
    %dma_wait3A_141 = arith.constant 0 : i32
    %dma_wait3A_142 = tpu.memref_slice %arg4[%add3A_129, %dma_wait3A_141] : memref<32768x512xf32, #tpu.memory_space<hbm>> -> memref<64x512xf32, #tpu.memory_space<hbm>>
    %dma_wait3A_143 = arith.constant 0 : i32
    %dma_wait3A_144 = tpu.memref_slice %arg4[%add3A_129, %dma_wait3A_143] : memref<32768x512xf32, #tpu.memory_space<hbm>> -> memref<64x512xf32, #tpu.memory_space<hbm>>
    tpu.wait_dma2 semaphore(%arg9 : memref<!tpu.dma_semaphore, #tpu.memory_space<semaphore_mem>>) src(%arg6 : memref<64x512xf32, #tpu.memory_space<vmem>>) dst(%dma_wait3A_144 : memref<64x512xf32, #tpu.memory_space<hbm>>)
    %dma_start3A_145 = arith.constant 6 : i32
    %dma_start3A_146 = arith.constant 0 : i32
    %dma_start3A_147 = tpu.memref_slice %arg5[%dma_start3A_145, %dma_start3A_146] : memref<16x64xi32, #tpu.memory_space<vmem>> -> memref<1x64xi32, #tpu.memory_space<vmem>>
    %dma_start3A_148 = tpu.memref_squeeze %dma_start3A_147 : memref<1x64xi32, #tpu.memory_space<vmem>> -> memref<64xi32, #tpu.memory_space<vmem>>
    %dma_start3A_149 = arith.constant 0 : i32
    %dma_start3A_150 = arith.constant 0 : i32
    %dma_start3A_151 = tpu.memref_slice %arg2[%dma_start3A_149, %dma_start3A_150] : memref<50000x512xf32, #tpu.memory_space<hbm>> -> memref<50000x512xf32, #tpu.memory_space<hbm>>
    tpu.enqueue_indirect_dma source(%dma_start3A_151 : memref<50000x512xf32, #tpu.memory_space<hbm>>) target(%arg6 : memref<64x512xf32, #tpu.memory_space<vmem>>) offsets(%dma_start3A_148 : memref<64xi32, #tpu.memory_space<vmem>>) semaphore(%arg8 : memref<!tpu.dma_semaphore, #tpu.memory_space<semaphore_mem>>)
    %mul3A_152 = arith.constant 1024 : i32
    %mul3A_153 = arith.muli %add3A, %mul3A_152 : i32
    %add3A_154 = arith.constant 320 : i32
    %add3A_155 = arith.addi %mul3A_153, %add3A_154 : i32
    %dma_start3A_156 = arith.constant 0 : i32
    %dma_start3A_157 = tpu.memref_slice %arg4[%add3A_155, %dma_start3A_156] : memref<32768x512xf32, #tpu.memory_space<hbm>> -> memref<64x512xf32, #tpu.memory_space<hbm>>
    %dma_start3A_158 = arith.constant 0 : i32
    %dma_start3A_159 = tpu.memref_slice %arg4[%add3A_155, %dma_start3A_158] : memref<32768x512xf32, #tpu.memory_space<hbm>> -> memref<64x512xf32, #tpu.memory_space<hbm>>
    tpu.enqueue_dma source(%arg7 : memref<64x512xf32, #tpu.memory_space<vmem>>) target(%dma_start3A_159 : memref<64x512xf32, #tpu.memory_space<hbm>>) target_semaphore(%arg9 : memref<!tpu.dma_semaphore, #tpu.memory_space<semaphore_mem>>)
    %dma_wait3A_160 = arith.constant 6 : i32
    %dma_wait3A_161 = arith.constant 0 : i32
    %dma_wait3A_162 = tpu.memref_slice %arg5[%dma_wait3A_160, %dma_wait3A_161] : memref<16x64xi32, #tpu.memory_space<vmem>> -> memref<1x64xi32, #tpu.memory_space<vmem>>
    %dma_wait3A_163 = tpu.memref_squeeze %dma_wait3A_162 : memref<1x64xi32, #tpu.memory_space<vmem>> -> memref<64xi32, #tpu.memory_space<vmem>>
    %dma_wait3A_164 = arith.constant 0 : i32
    %dma_wait3A_165 = arith.constant 0 : i32
    %dma_wait3A_166 = tpu.memref_slice %arg2[%dma_wait3A_164, %dma_wait3A_165] : memref<50000x512xf32, #tpu.memory_space<hbm>> -> memref<50000x512xf32, #tpu.memory_space<hbm>>
    tpu.wait_indirect_dma semaphore(%arg8 : memref<!tpu.dma_semaphore, #tpu.memory_space<semaphore_mem>>) src(%dma_wait3A_166 : memref<50000x512xf32, #tpu.memory_space<hbm>>) dst(%arg6 : memref<64x512xf32, #tpu.memory_space<vmem>>)
    %dma_wait3A_167 = arith.constant 0 : i32
    %dma_wait3A_168 = tpu.memref_slice %arg4[%add3A_155, %dma_wait3A_167] : memref<32768x512xf32, #tpu.memory_space<hbm>> -> memref<64x512xf32, #tpu.memory_space<hbm>>
    %dma_wait3A_169 = arith.constant 0 : i32
    %dma_wait3A_170 = tpu.memref_slice %arg4[%add3A_155, %dma_wait3A_169] : memref<32768x512xf32, #tpu.memory_space<hbm>> -> memref<64x512xf32, #tpu.memory_space<hbm>>
    tpu.wait_dma2 semaphore(%arg9 : memref<!tpu.dma_semaphore, #tpu.memory_space<semaphore_mem>>) src(%arg7 : memref<64x512xf32, #tpu.memory_space<vmem>>) dst(%dma_wait3A_170 : memref<64x512xf32, #tpu.memory_space<hbm>>)
    %dma_start3A_171 = arith.constant 7 : i32
    %dma_start3A_172 = arith.constant 0 : i32
    %dma_start3A_173 = tpu.memref_slice %arg5[%dma_start3A_171, %dma_start3A_172] : memref<16x64xi32, #tpu.memory_space<vmem>> -> memref<1x64xi32, #tpu.memory_space<vmem>>
    %dma_start3A_174 = tpu.memref_squeeze %dma_start3A_173 : memref<1x64xi32, #tpu.memory_space<vmem>> -> memref<64xi32, #tpu.memory_space<vmem>>
    %dma_start3A_175 = arith.constant 0 : i32
    %dma_start3A_176 = arith.constant 0 : i32
    %dma_start3A_177 = tpu.memref_slice %arg2[%dma_start3A_175, %dma_start3A_176] : memref<50000x512xf32, #tpu.memory_space<hbm>> -> memref<50000x512xf32, #tpu.memory_space<hbm>>
    tpu.enqueue_indirect_dma source(%dma_start3A_177 : memref<50000x512xf32, #tpu.memory_space<hbm>>) target(%arg7 : memref<64x512xf32, #tpu.memory_space<vmem>>) offsets(%dma_start3A_174 : memref<64xi32, #tpu.memory_space<vmem>>) semaphore(%arg8 : memref<!tpu.dma_semaphore, #tpu.memory_space<semaphore_mem>>)
    %mul3A_178 = arith.constant 1024 : i32
    %mul3A_179 = arith.muli %add3A, %mul3A_178 : i32
    %add3A_180 = arith.constant 384 : i32
    %add3A_181 = arith.addi %mul3A_179, %add3A_180 : i32
    %dma_start3A_182 = arith.constant 0 : i32
    %dma_start3A_183 = tpu.memref_slice %arg4[%add3A_181, %dma_start3A_182] : memref<32768x512xf32, #tpu.memory_space<hbm>> -> memref<64x512xf32, #tpu.memory_space<hbm>>
    %dma_start3A_184 = arith.constant 0 : i32
    %dma_start3A_185 = tpu.memref_slice %arg4[%add3A_181, %dma_start3A_184] : memref<32768x512xf32, #tpu.memory_space<hbm>> -> memref<64x512xf32, #tpu.memory_space<hbm>>
    tpu.enqueue_dma source(%arg6 : memref<64x512xf32, #tpu.memory_space<vmem>>) target(%dma_start3A_185 : memref<64x512xf32, #tpu.memory_space<hbm>>) target_semaphore(%arg9 : memref<!tpu.dma_semaphore, #tpu.memory_space<semaphore_mem>>)
    %dma_wait3A_186 = arith.constant 7 : i32
    %dma_wait3A_187 = arith.constant 0 : i32
    %dma_wait3A_188 = tpu.memref_slice %arg5[%dma_wait3A_186, %dma_wait3A_187] : memref<16x64xi32, #tpu.memory_space<vmem>> -> memref<1x64xi32, #tpu.memory_space<vmem>>
    %dma_wait3A_189 = tpu.memref_squeeze %dma_wait3A_188 : memref<1x64xi32, #tpu.memory_space<vmem>> -> memref<64xi32, #tpu.memory_space<vmem>>
    %dma_wait3A_190 = arith.constant 0 : i32
    %dma_wait3A_191 = arith.constant 0 : i32
    %dma_wait3A_192 = tpu.memref_slice %arg2[%dma_wait3A_190, %dma_wait3A_191] : memref<50000x512xf32, #tpu.memory_space<hbm>> -> memref<50000x512xf32, #tpu.memory_space<hbm>>
    tpu.wait_indirect_dma semaphore(%arg8 : memref<!tpu.dma_semaphore, #tpu.memory_space<semaphore_mem>>) src(%dma_wait3A_192 : memref<50000x512xf32, #tpu.memory_space<hbm>>) dst(%arg7 : memref<64x512xf32, #tpu.memory_space<vmem>>)
    %dma_wait3A_193 = arith.constant 0 : i32
    %dma_wait3A_194 = tpu.memref_slice %arg4[%add3A_181, %dma_wait3A_193] : memref<32768x512xf32, #tpu.memory_space<hbm>> -> memref<64x512xf32, #tpu.memory_space<hbm>>
    %dma_wait3A_195 = arith.constant 0 : i32
    %dma_wait3A_196 = tpu.memref_slice %arg4[%add3A_181, %dma_wait3A_195] : memref<32768x512xf32, #tpu.memory_space<hbm>> -> memref<64x512xf32, #tpu.memory_space<hbm>>
    tpu.wait_dma2 semaphore(%arg9 : memref<!tpu.dma_semaphore, #tpu.memory_space<semaphore_mem>>) src(%arg6 : memref<64x512xf32, #tpu.memory_space<vmem>>) dst(%dma_wait3A_196 : memref<64x512xf32, #tpu.memory_space<hbm>>)
    %dma_start3A_197 = arith.constant 8 : i32
    %dma_start3A_198 = arith.constant 0 : i32
    %dma_start3A_199 = tpu.memref_slice %arg5[%dma_start3A_197, %dma_start3A_198] : memref<16x64xi32, #tpu.memory_space<vmem>> -> memref<1x64xi32, #tpu.memory_space<vmem>>
    %dma_start3A_200 = tpu.memref_squeeze %dma_start3A_199 : memref<1x64xi32, #tpu.memory_space<vmem>> -> memref<64xi32, #tpu.memory_space<vmem>>
    %dma_start3A_201 = arith.constant 0 : i32
    %dma_start3A_202 = arith.constant 0 : i32
    %dma_start3A_203 = tpu.memref_slice %arg2[%dma_start3A_201, %dma_start3A_202] : memref<50000x512xf32, #tpu.memory_space<hbm>> -> memref<50000x512xf32, #tpu.memory_space<hbm>>
    tpu.enqueue_indirect_dma source(%dma_start3A_203 : memref<50000x512xf32, #tpu.memory_space<hbm>>) target(%arg6 : memref<64x512xf32, #tpu.memory_space<vmem>>) offsets(%dma_start3A_200 : memref<64xi32, #tpu.memory_space<vmem>>) semaphore(%arg8 : memref<!tpu.dma_semaphore, #tpu.memory_space<semaphore_mem>>)
    %mul3A_204 = arith.constant 1024 : i32
    %mul3A_205 = arith.muli %add3A, %mul3A_204 : i32
    %add3A_206 = arith.constant 448 : i32
    %add3A_207 = arith.addi %mul3A_205, %add3A_206 : i32
    %dma_start3A_208 = arith.constant 0 : i32
    %dma_start3A_209 = tpu.memref_slice %arg4[%add3A_207, %dma_start3A_208] : memref<32768x512xf32, #tpu.memory_space<hbm>> -> memref<64x512xf32, #tpu.memory_space<hbm>>
    %dma_start3A_210 = arith.constant 0 : i32
    %dma_start3A_211 = tpu.memref_slice %arg4[%add3A_207, %dma_start3A_210] : memref<32768x512xf32, #tpu.memory_space<hbm>> -> memref<64x512xf32, #tpu.memory_space<hbm>>
    tpu.enqueue_dma source(%arg7 : memref<64x512xf32, #tpu.memory_space<vmem>>) target(%dma_start3A_211 : memref<64x512xf32, #tpu.memory_space<hbm>>) target_semaphore(%arg9 : memref<!tpu.dma_semaphore, #tpu.memory_space<semaphore_mem>>)
    %dma_wait3A_212 = arith.constant 8 : i32
    %dma_wait3A_213 = arith.constant 0 : i32
    %dma_wait3A_214 = tpu.memref_slice %arg5[%dma_wait3A_212, %dma_wait3A_213] : memref<16x64xi32, #tpu.memory_space<vmem>> -> memref<1x64xi32, #tpu.memory_space<vmem>>
    %dma_wait3A_215 = tpu.memref_squeeze %dma_wait3A_214 : memref<1x64xi32, #tpu.memory_space<vmem>> -> memref<64xi32, #tpu.memory_space<vmem>>
    %dma_wait3A_216 = arith.constant 0 : i32
    %dma_wait3A_217 = arith.constant 0 : i32
    %dma_wait3A_218 = tpu.memref_slice %arg2[%dma_wait3A_216, %dma_wait3A_217] : memref<50000x512xf32, #tpu.memory_space<hbm>> -> memref<50000x512xf32, #tpu.memory_space<hbm>>
    tpu.wait_indirect_dma semaphore(%arg8 : memref<!tpu.dma_semaphore, #tpu.memory_space<semaphore_mem>>) src(%dma_wait3A_218 : memref<50000x512xf32, #tpu.memory_space<hbm>>) dst(%arg6 : memref<64x512xf32, #tpu.memory_space<vmem>>)
    %dma_wait3A_219 = arith.constant 0 : i32
    %dma_wait3A_220 = tpu.memref_slice %arg4[%add3A_207, %dma_wait3A_219] : memref<32768x512xf32, #tpu.memory_space<hbm>> -> memref<64x512xf32, #tpu.memory_space<hbm>>
    %dma_wait3A_221 = arith.constant 0 : i32
    %dma_wait3A_222 = tpu.memref_slice %arg4[%add3A_207, %dma_wait3A_221] : memref<32768x512xf32, #tpu.memory_space<hbm>> -> memref<64x512xf32, #tpu.memory_space<hbm>>
    tpu.wait_dma2 semaphore(%arg9 : memref<!tpu.dma_semaphore, #tpu.memory_space<semaphore_mem>>) src(%arg7 : memref<64x512xf32, #tpu.memory_space<vmem>>) dst(%dma_wait3A_222 : memref<64x512xf32, #tpu.memory_space<hbm>>)
    %dma_start3A_223 = arith.constant 9 : i32
    %dma_start3A_224 = arith.constant 0 : i32
    %dma_start3A_225 = tpu.memref_slice %arg5[%dma_start3A_223, %dma_start3A_224] : memref<16x64xi32, #tpu.memory_space<vmem>> -> memref<1x64xi32, #tpu.memory_space<vmem>>
    %dma_start3A_226 = tpu.memref_squeeze %dma_start3A_225 : memref<1x64xi32, #tpu.memory_space<vmem>> -> memref<64xi32, #tpu.memory_space<vmem>>
    %dma_start3A_227 = arith.constant 0 : i32
    %dma_start3A_228 = arith.constant 0 : i32
    %dma_start3A_229 = tpu.memref_slice %arg2[%dma_start3A_227, %dma_start3A_228] : memref<50000x512xf32, #tpu.memory_space<hbm>> -> memref<50000x512xf32, #tpu.memory_space<hbm>>
    tpu.enqueue_indirect_dma source(%dma_start3A_229 : memref<50000x512xf32, #tpu.memory_space<hbm>>) target(%arg7 : memref<64x512xf32, #tpu.memory_space<vmem>>) offsets(%dma_start3A_226 : memref<64xi32, #tpu.memory_space<vmem>>) semaphore(%arg8 : memref<!tpu.dma_semaphore, #tpu.memory_space<semaphore_mem>>)
    %mul3A_230 = arith.constant 1024 : i32
    %mul3A_231 = arith.muli %add3A, %mul3A_230 : i32
    %add3A_232 = arith.constant 512 : i32
    %add3A_233 = arith.addi %mul3A_231, %add3A_232 : i32
    %dma_start3A_234 = arith.constant 0 : i32
    %dma_start3A_235 = tpu.memref_slice %arg4[%add3A_233, %dma_start3A_234] : memref<32768x512xf32, #tpu.memory_space<hbm>> -> memref<64x512xf32, #tpu.memory_space<hbm>>
    %dma_start3A_236 = arith.constant 0 : i32
    %dma_start3A_237 = tpu.memref_slice %arg4[%add3A_233, %dma_start3A_236] : memref<32768x512xf32, #tpu.memory_space<hbm>> -> memref<64x512xf32, #tpu.memory_space<hbm>>
    tpu.enqueue_dma source(%arg6 : memref<64x512xf32, #tpu.memory_space<vmem>>) target(%dma_start3A_237 : memref<64x512xf32, #tpu.memory_space<hbm>>) target_semaphore(%arg9 : memref<!tpu.dma_semaphore, #tpu.memory_space<semaphore_mem>>)
    %dma_wait3A_238 = arith.constant 9 : i32
    %dma_wait3A_239 = arith.constant 0 : i32
    %dma_wait3A_240 = tpu.memref_slice %arg5[%dma_wait3A_238, %dma_wait3A_239] : memref<16x64xi32, #tpu.memory_space<vmem>> -> memref<1x64xi32, #tpu.memory_space<vmem>>
    %dma_wait3A_241 = tpu.memref_squeeze %dma_wait3A_240 : memref<1x64xi32, #tpu.memory_space<vmem>> -> memref<64xi32, #tpu.memory_space<vmem>>
    %dma_wait3A_242 = arith.constant 0 : i32
    %dma_wait3A_243 = arith.constant 0 : i32
    %dma_wait3A_244 = tpu.memref_slice %arg2[%dma_wait3A_242, %dma_wait3A_243] : memref<50000x512xf32, #tpu.memory_space<hbm>> -> memref<50000x512xf32, #tpu.memory_space<hbm>>
    tpu.wait_indirect_dma semaphore(%arg8 : memref<!tpu.dma_semaphore, #tpu.memory_space<semaphore_mem>>) src(%dma_wait3A_244 : memref<50000x512xf32, #tpu.memory_space<hbm>>) dst(%arg7 : memref<64x512xf32, #tpu.memory_space<vmem>>)
    %dma_wait3A_245 = arith.constant 0 : i32
    %dma_wait3A_246 = tpu.memref_slice %arg4[%add3A_233, %dma_wait3A_245] : memref<32768x512xf32, #tpu.memory_space<hbm>> -> memref<64x512xf32, #tpu.memory_space<hbm>>
    %dma_wait3A_247 = arith.constant 0 : i32
    %dma_wait3A_248 = tpu.memref_slice %arg4[%add3A_233, %dma_wait3A_247] : memref<32768x512xf32, #tpu.memory_space<hbm>> -> memref<64x512xf32, #tpu.memory_space<hbm>>
    tpu.wait_dma2 semaphore(%arg9 : memref<!tpu.dma_semaphore, #tpu.memory_space<semaphore_mem>>) src(%arg6 : memref<64x512xf32, #tpu.memory_space<vmem>>) dst(%dma_wait3A_248 : memref<64x512xf32, #tpu.memory_space<hbm>>)
    %dma_start3A_249 = arith.constant 10 : i32
    %dma_start3A_250 = arith.constant 0 : i32
    %dma_start3A_251 = tpu.memref_slice %arg5[%dma_start3A_249, %dma_start3A_250] : memref<16x64xi32, #tpu.memory_space<vmem>> -> memref<1x64xi32, #tpu.memory_space<vmem>>
    %dma_start3A_252 = tpu.memref_squeeze %dma_start3A_251 : memref<1x64xi32, #tpu.memory_space<vmem>> -> memref<64xi32, #tpu.memory_space<vmem>>
    %dma_start3A_253 = arith.constant 0 : i32
    %dma_start3A_254 = arith.constant 0 : i32
    %dma_start3A_255 = tpu.memref_slice %arg2[%dma_start3A_253, %dma_start3A_254] : memref<50000x512xf32, #tpu.memory_space<hbm>> -> memref<50000x512xf32, #tpu.memory_space<hbm>>
    tpu.enqueue_indirect_dma source(%dma_start3A_255 : memref<50000x512xf32, #tpu.memory_space<hbm>>) target(%arg6 : memref<64x512xf32, #tpu.memory_space<vmem>>) offsets(%dma_start3A_252 : memref<64xi32, #tpu.memory_space<vmem>>) semaphore(%arg8 : memref<!tpu.dma_semaphore, #tpu.memory_space<semaphore_mem>>)
    %mul3A_256 = arith.constant 1024 : i32
    %mul3A_257 = arith.muli %add3A, %mul3A_256 : i32
    %add3A_258 = arith.constant 576 : i32
    %add3A_259 = arith.addi %mul3A_257, %add3A_258 : i32
    %dma_start3A_260 = arith.constant 0 : i32
    %dma_start3A_261 = tpu.memref_slice %arg4[%add3A_259, %dma_start3A_260] : memref<32768x512xf32, #tpu.memory_space<hbm>> -> memref<64x512xf32, #tpu.memory_space<hbm>>
    %dma_start3A_262 = arith.constant 0 : i32
    %dma_start3A_263 = tpu.memref_slice %arg4[%add3A_259, %dma_start3A_262] : memref<32768x512xf32, #tpu.memory_space<hbm>> -> memref<64x512xf32, #tpu.memory_space<hbm>>
    tpu.enqueue_dma source(%arg7 : memref<64x512xf32, #tpu.memory_space<vmem>>) target(%dma_start3A_263 : memref<64x512xf32, #tpu.memory_space<hbm>>) target_semaphore(%arg9 : memref<!tpu.dma_semaphore, #tpu.memory_space<semaphore_mem>>)
    %dma_wait3A_264 = arith.constant 10 : i32
    %dma_wait3A_265 = arith.constant 0 : i32
    %dma_wait3A_266 = tpu.memref_slice %arg5[%dma_wait3A_264, %dma_wait3A_265] : memref<16x64xi32, #tpu.memory_space<vmem>> -> memref<1x64xi32, #tpu.memory_space<vmem>>
    %dma_wait3A_267 = tpu.memref_squeeze %dma_wait3A_266 : memref<1x64xi32, #tpu.memory_space<vmem>> -> memref<64xi32, #tpu.memory_space<vmem>>
    %dma_wait3A_268 = arith.constant 0 : i32
    %dma_wait3A_269 = arith.constant 0 : i32
    %dma_wait3A_270 = tpu.memref_slice %arg2[%dma_wait3A_268, %dma_wait3A_269] : memref<50000x512xf32, #tpu.memory_space<hbm>> -> memref<50000x512xf32, #tpu.memory_space<hbm>>
    tpu.wait_indirect_dma semaphore(%arg8 : memref<!tpu.dma_semaphore, #tpu.memory_space<semaphore_mem>>) src(%dma_wait3A_270 : memref<50000x512xf32, #tpu.memory_space<hbm>>) dst(%arg6 : memref<64x512xf32, #tpu.memory_space<vmem>>)
    %dma_wait3A_271 = arith.constant 0 : i32
    %dma_wait3A_272 = tpu.memref_slice %arg4[%add3A_259, %dma_wait3A_271] : memref<32768x512xf32, #tpu.memory_space<hbm>> -> memref<64x512xf32, #tpu.memory_space<hbm>>
    %dma_wait3A_273 = arith.constant 0 : i32
    %dma_wait3A_274 = tpu.memref_slice %arg4[%add3A_259, %dma_wait3A_273] : memref<32768x512xf32, #tpu.memory_space<hbm>> -> memref<64x512xf32, #tpu.memory_space<hbm>>
    tpu.wait_dma2 semaphore(%arg9 : memref<!tpu.dma_semaphore, #tpu.memory_space<semaphore_mem>>) src(%arg7 : memref<64x512xf32, #tpu.memory_space<vmem>>) dst(%dma_wait3A_274 : memref<64x512xf32, #tpu.memory_space<hbm>>)
    %dma_start3A_275 = arith.constant 11 : i32
    %dma_start3A_276 = arith.constant 0 : i32
    %dma_start3A_277 = tpu.memref_slice %arg5[%dma_start3A_275, %dma_start3A_276] : memref<16x64xi32, #tpu.memory_space<vmem>> -> memref<1x64xi32, #tpu.memory_space<vmem>>
    %dma_start3A_278 = tpu.memref_squeeze %dma_start3A_277 : memref<1x64xi32, #tpu.memory_space<vmem>> -> memref<64xi32, #tpu.memory_space<vmem>>
    %dma_start3A_279 = arith.constant 0 : i32
    %dma_start3A_280 = arith.constant 0 : i32
    %dma_start3A_281 = tpu.memref_slice %arg2[%dma_start3A_279, %dma_start3A_280] : memref<50000x512xf32, #tpu.memory_space<hbm>> -> memref<50000x512xf32, #tpu.memory_space<hbm>>
    tpu.enqueue_indirect_dma source(%dma_start3A_281 : memref<50000x512xf32, #tpu.memory_space<hbm>>) target(%arg7 : memref<64x512xf32, #tpu.memory_space<vmem>>) offsets(%dma_start3A_278 : memref<64xi32, #tpu.memory_space<vmem>>) semaphore(%arg8 : memref<!tpu.dma_semaphore, #tpu.memory_space<semaphore_mem>>)
    %mul3A_282 = arith.constant 1024 : i32
    %mul3A_283 = arith.muli %add3A, %mul3A_282 : i32
    %add3A_284 = arith.constant 640 : i32
    %add3A_285 = arith.addi %mul3A_283, %add3A_284 : i32
    %dma_start3A_286 = arith.constant 0 : i32
    %dma_start3A_287 = tpu.memref_slice %arg4[%add3A_285, %dma_start3A_286] : memref<32768x512xf32, #tpu.memory_space<hbm>> -> memref<64x512xf32, #tpu.memory_space<hbm>>
    %dma_start3A_288 = arith.constant 0 : i32
    %dma_start3A_289 = tpu.memref_slice %arg4[%add3A_285, %dma_start3A_288] : memref<32768x512xf32, #tpu.memory_space<hbm>> -> memref<64x512xf32, #tpu.memory_space<hbm>>
    tpu.enqueue_dma source(%arg6 : memref<64x512xf32, #tpu.memory_space<vmem>>) target(%dma_start3A_289 : memref<64x512xf32, #tpu.memory_space<hbm>>) target_semaphore(%arg9 : memref<!tpu.dma_semaphore, #tpu.memory_space<semaphore_mem>>)
    %dma_wait3A_290 = arith.constant 11 : i32
    %dma_wait3A_291 = arith.constant 0 : i32
    %dma_wait3A_292 = tpu.memref_slice %arg5[%dma_wait3A_290, %dma_wait3A_291] : memref<16x64xi32, #tpu.memory_space<vmem>> -> memref<1x64xi32, #tpu.memory_space<vmem>>
    %dma_wait3A_293 = tpu.memref_squeeze %dma_wait3A_292 : memref<1x64xi32, #tpu.memory_space<vmem>> -> memref<64xi32, #tpu.memory_space<vmem>>
    %dma_wait3A_294 = arith.constant 0 : i32
    %dma_wait3A_295 = arith.constant 0 : i32
    %dma_wait3A_296 = tpu.memref_slice %arg2[%dma_wait3A_294, %dma_wait3A_295] : memref<50000x512xf32, #tpu.memory_space<hbm>> -> memref<50000x512xf32, #tpu.memory_space<hbm>>
    tpu.wait_indirect_dma semaphore(%arg8 : memref<!tpu.dma_semaphore, #tpu.memory_space<semaphore_mem>>) src(%dma_wait3A_296 : memref<50000x512xf32, #tpu.memory_space<hbm>>) dst(%arg7 : memref<64x512xf32, #tpu.memory_space<vmem>>)
    %dma_wait3A_297 = arith.constant 0 : i32
    %dma_wait3A_298 = tpu.memref_slice %arg4[%add3A_285, %dma_wait3A_297] : memref<32768x512xf32, #tpu.memory_space<hbm>> -> memref<64x512xf32, #tpu.memory_space<hbm>>
    %dma_wait3A_299 = arith.constant 0 : i32
    %dma_wait3A_300 = tpu.memref_slice %arg4[%add3A_285, %dma_wait3A_299] : memref<32768x512xf32, #tpu.memory_space<hbm>> -> memref<64x512xf32, #tpu.memory_space<hbm>>
    tpu.wait_dma2 semaphore(%arg9 : memref<!tpu.dma_semaphore, #tpu.memory_space<semaphore_mem>>) src(%arg6 : memref<64x512xf32, #tpu.memory_space<vmem>>) dst(%dma_wait3A_300 : memref<64x512xf32, #tpu.memory_space<hbm>>)
    %dma_start3A_301 = arith.constant 12 : i32
    %dma_start3A_302 = arith.constant 0 : i32
    %dma_start3A_303 = tpu.memref_slice %arg5[%dma_start3A_301, %dma_start3A_302] : memref<16x64xi32, #tpu.memory_space<vmem>> -> memref<1x64xi32, #tpu.memory_space<vmem>>
    %dma_start3A_304 = tpu.memref_squeeze %dma_start3A_303 : memref<1x64xi32, #tpu.memory_space<vmem>> -> memref<64xi32, #tpu.memory_space<vmem>>
    %dma_start3A_305 = arith.constant 0 : i32
    %dma_start3A_306 = arith.constant 0 : i32
    %dma_start3A_307 = tpu.memref_slice %arg2[%dma_start3A_305, %dma_start3A_306] : memref<50000x512xf32, #tpu.memory_space<hbm>> -> memref<50000x512xf32, #tpu.memory_space<hbm>>
    tpu.enqueue_indirect_dma source(%dma_start3A_307 : memref<50000x512xf32, #tpu.memory_space<hbm>>) target(%arg6 : memref<64x512xf32, #tpu.memory_space<vmem>>) offsets(%dma_start3A_304 : memref<64xi32, #tpu.memory_space<vmem>>) semaphore(%arg8 : memref<!tpu.dma_semaphore, #tpu.memory_space<semaphore_mem>>)
    %mul3A_308 = arith.constant 1024 : i32
    %mul3A_309 = arith.muli %add3A, %mul3A_308 : i32
    %add3A_310 = arith.constant 704 : i32
    %add3A_311 = arith.addi %mul3A_309, %add3A_310 : i32
    %dma_start3A_312 = arith.constant 0 : i32
    %dma_start3A_313 = tpu.memref_slice %arg4[%add3A_311, %dma_start3A_312] : memref<32768x512xf32, #tpu.memory_space<hbm>> -> memref<64x512xf32, #tpu.memory_space<hbm>>
    %dma_start3A_314 = arith.constant 0 : i32
    %dma_start3A_315 = tpu.memref_slice %arg4[%add3A_311, %dma_start3A_314] : memref<32768x512xf32, #tpu.memory_space<hbm>> -> memref<64x512xf32, #tpu.memory_space<hbm>>
    tpu.enqueue_dma source(%arg7 : memref<64x512xf32, #tpu.memory_space<vmem>>) target(%dma_start3A_315 : memref<64x512xf32, #tpu.memory_space<hbm>>) target_semaphore(%arg9 : memref<!tpu.dma_semaphore, #tpu.memory_space<semaphore_mem>>)
    %dma_wait3A_316 = arith.constant 12 : i32
    %dma_wait3A_317 = arith.constant 0 : i32
    %dma_wait3A_318 = tpu.memref_slice %arg5[%dma_wait3A_316, %dma_wait3A_317] : memref<16x64xi32, #tpu.memory_space<vmem>> -> memref<1x64xi32, #tpu.memory_space<vmem>>
    %dma_wait3A_319 = tpu.memref_squeeze %dma_wait3A_318 : memref<1x64xi32, #tpu.memory_space<vmem>> -> memref<64xi32, #tpu.memory_space<vmem>>
    %dma_wait3A_320 = arith.constant 0 : i32
    %dma_wait3A_321 = arith.constant 0 : i32
    %dma_wait3A_322 = tpu.memref_slice %arg2[%dma_wait3A_320, %dma_wait3A_321] : memref<50000x512xf32, #tpu.memory_space<hbm>> -> memref<50000x512xf32, #tpu.memory_space<hbm>>
    tpu.wait_indirect_dma semaphore(%arg8 : memref<!tpu.dma_semaphore, #tpu.memory_space<semaphore_mem>>) src(%dma_wait3A_322 : memref<50000x512xf32, #tpu.memory_space<hbm>>) dst(%arg6 : memref<64x512xf32, #tpu.memory_space<vmem>>)
    %dma_wait3A_323 = arith.constant 0 : i32
    %dma_wait3A_324 = tpu.memref_slice %arg4[%add3A_311, %dma_wait3A_323] : memref<32768x512xf32, #tpu.memory_space<hbm>> -> memref<64x512xf32, #tpu.memory_space<hbm>>
    %dma_wait3A_325 = arith.constant 0 : i32
    %dma_wait3A_326 = tpu.memref_slice %arg4[%add3A_311, %dma_wait3A_325] : memref<32768x512xf32, #tpu.memory_space<hbm>> -> memref<64x512xf32, #tpu.memory_space<hbm>>
    tpu.wait_dma2 semaphore(%arg9 : memref<!tpu.dma_semaphore, #tpu.memory_space<semaphore_mem>>) src(%arg7 : memref<64x512xf32, #tpu.memory_space<vmem>>) dst(%dma_wait3A_326 : memref<64x512xf32, #tpu.memory_space<hbm>>)
    %dma_start3A_327 = arith.constant 13 : i32
    %dma_start3A_328 = arith.constant 0 : i32
    %dma_start3A_329 = tpu.memref_slice %arg5[%dma_start3A_327, %dma_start3A_328] : memref<16x64xi32, #tpu.memory_space<vmem>> -> memref<1x64xi32, #tpu.memory_space<vmem>>
    %dma_start3A_330 = tpu.memref_squeeze %dma_start3A_329 : memref<1x64xi32, #tpu.memory_space<vmem>> -> memref<64xi32, #tpu.memory_space<vmem>>
    %dma_start3A_331 = arith.constant 0 : i32
    %dma_start3A_332 = arith.constant 0 : i32
    %dma_start3A_333 = tpu.memref_slice %arg2[%dma_start3A_331, %dma_start3A_332] : memref<50000x512xf32, #tpu.memory_space<hbm>> -> memref<50000x512xf32, #tpu.memory_space<hbm>>
    tpu.enqueue_indirect_dma source(%dma_start3A_333 : memref<50000x512xf32, #tpu.memory_space<hbm>>) target(%arg7 : memref<64x512xf32, #tpu.memory_space<vmem>>) offsets(%dma_start3A_330 : memref<64xi32, #tpu.memory_space<vmem>>) semaphore(%arg8 : memref<!tpu.dma_semaphore, #tpu.memory_space<semaphore_mem>>)
    %mul3A_334 = arith.constant 1024 : i32
    %mul3A_335 = arith.muli %add3A, %mul3A_334 : i32
    %add3A_336 = arith.constant 768 : i32
    %add3A_337 = arith.addi %mul3A_335, %add3A_336 : i32
    %dma_start3A_338 = arith.constant 0 : i32
    %dma_start3A_339 = tpu.memref_slice %arg4[%add3A_337, %dma_start3A_338] : memref<32768x512xf32, #tpu.memory_space<hbm>> -> memref<64x512xf32, #tpu.memory_space<hbm>>
    %dma_start3A_340 = arith.constant 0 : i32
    %dma_start3A_341 = tpu.memref_slice %arg4[%add3A_337, %dma_start3A_340] : memref<32768x512xf32, #tpu.memory_space<hbm>> -> memref<64x512xf32, #tpu.memory_space<hbm>>
    tpu.enqueue_dma source(%arg6 : memref<64x512xf32, #tpu.memory_space<vmem>>) target(%dma_start3A_341 : memref<64x512xf32, #tpu.memory_space<hbm>>) target_semaphore(%arg9 : memref<!tpu.dma_semaphore, #tpu.memory_space<semaphore_mem>>)
    %dma_wait3A_342 = arith.constant 13 : i32
    %dma_wait3A_343 = arith.constant 0 : i32
    %dma_wait3A_344 = tpu.memref_slice %arg5[%dma_wait3A_342, %dma_wait3A_343] : memref<16x64xi32, #tpu.memory_space<vmem>> -> memref<1x64xi32, #tpu.memory_space<vmem>>
    %dma_wait3A_345 = tpu.memref_squeeze %dma_wait3A_344 : memref<1x64xi32, #tpu.memory_space<vmem>> -> memref<64xi32, #tpu.memory_space<vmem>>
    %dma_wait3A_346 = arith.constant 0 : i32
    %dma_wait3A_347 = arith.constant 0 : i32
    %dma_wait3A_348 = tpu.memref_slice %arg2[%dma_wait3A_346, %dma_wait3A_347] : memref<50000x512xf32, #tpu.memory_space<hbm>> -> memref<50000x512xf32, #tpu.memory_space<hbm>>
    tpu.wait_indirect_dma semaphore(%arg8 : memref<!tpu.dma_semaphore, #tpu.memory_space<semaphore_mem>>) src(%dma_wait3A_348 : memref<50000x512xf32, #tpu.memory_space<hbm>>) dst(%arg7 : memref<64x512xf32, #tpu.memory_space<vmem>>)
    %dma_wait3A_349 = arith.constant 0 : i32
    %dma_wait3A_350 = tpu.memref_slice %arg4[%add3A_337, %dma_wait3A_349] : memref<32768x512xf32, #tpu.memory_space<hbm>> -> memref<64x512xf32, #tpu.memory_space<hbm>>
    %dma_wait3A_351 = arith.constant 0 : i32
    %dma_wait3A_352 = tpu.memref_slice %arg4[%add3A_337, %dma_wait3A_351] : memref<32768x512xf32, #tpu.memory_space<hbm>> -> memref<64x512xf32, #tpu.memory_space<hbm>>
    tpu.wait_dma2 semaphore(%arg9 : memref<!tpu.dma_semaphore, #tpu.memory_space<semaphore_mem>>) src(%arg6 : memref<64x512xf32, #tpu.memory_space<vmem>>) dst(%dma_wait3A_352 : memref<64x512xf32, #tpu.memory_space<hbm>>)
    %dma_start3A_353 = arith.constant 14 : i32
    %dma_start3A_354 = arith.constant 0 : i32
    %dma_start3A_355 = tpu.memref_slice %arg5[%dma_start3A_353, %dma_start3A_354] : memref<16x64xi32, #tpu.memory_space<vmem>> -> memref<1x64xi32, #tpu.memory_space<vmem>>
    %dma_start3A_356 = tpu.memref_squeeze %dma_start3A_355 : memref<1x64xi32, #tpu.memory_space<vmem>> -> memref<64xi32, #tpu.memory_space<vmem>>
    %dma_start3A_357 = arith.constant 0 : i32
    %dma_start3A_358 = arith.constant 0 : i32
    %dma_start3A_359 = tpu.memref_slice %arg2[%dma_start3A_357, %dma_start3A_358] : memref<50000x512xf32, #tpu.memory_space<hbm>> -> memref<50000x512xf32, #tpu.memory_space<hbm>>
    tpu.enqueue_indirect_dma source(%dma_start3A_359 : memref<50000x512xf32, #tpu.memory_space<hbm>>) target(%arg6 : memref<64x512xf32, #tpu.memory_space<vmem>>) offsets(%dma_start3A_356 : memref<64xi32, #tpu.memory_space<vmem>>) semaphore(%arg8 : memref<!tpu.dma_semaphore, #tpu.memory_space<semaphore_mem>>)
    %mul3A_360 = arith.constant 1024 : i32
    %mul3A_361 = arith.muli %add3A, %mul3A_360 : i32
    %add3A_362 = arith.constant 832 : i32
    %add3A_363 = arith.addi %mul3A_361, %add3A_362 : i32
    %dma_start3A_364 = arith.constant 0 : i32
    %dma_start3A_365 = tpu.memref_slice %arg4[%add3A_363, %dma_start3A_364] : memref<32768x512xf32, #tpu.memory_space<hbm>> -> memref<64x512xf32, #tpu.memory_space<hbm>>
    %dma_start3A_366 = arith.constant 0 : i32
    %dma_start3A_367 = tpu.memref_slice %arg4[%add3A_363, %dma_start3A_366] : memref<32768x512xf32, #tpu.memory_space<hbm>> -> memref<64x512xf32, #tpu.memory_space<hbm>>
    tpu.enqueue_dma source(%arg7 : memref<64x512xf32, #tpu.memory_space<vmem>>) target(%dma_start3A_367 : memref<64x512xf32, #tpu.memory_space<hbm>>) target_semaphore(%arg9 : memref<!tpu.dma_semaphore, #tpu.memory_space<semaphore_mem>>)
    %dma_wait3A_368 = arith.constant 14 : i32
    %dma_wait3A_369 = arith.constant 0 : i32
    %dma_wait3A_370 = tpu.memref_slice %arg5[%dma_wait3A_368, %dma_wait3A_369] : memref<16x64xi32, #tpu.memory_space<vmem>> -> memref<1x64xi32, #tpu.memory_space<vmem>>
    %dma_wait3A_371 = tpu.memref_squeeze %dma_wait3A_370 : memref<1x64xi32, #tpu.memory_space<vmem>> -> memref<64xi32, #tpu.memory_space<vmem>>
    %dma_wait3A_372 = arith.constant 0 : i32
    %dma_wait3A_373 = arith.constant 0 : i32
    %dma_wait3A_374 = tpu.memref_slice %arg2[%dma_wait3A_372, %dma_wait3A_373] : memref<50000x512xf32, #tpu.memory_space<hbm>> -> memref<50000x512xf32, #tpu.memory_space<hbm>>
    tpu.wait_indirect_dma semaphore(%arg8 : memref<!tpu.dma_semaphore, #tpu.memory_space<semaphore_mem>>) src(%dma_wait3A_374 : memref<50000x512xf32, #tpu.memory_space<hbm>>) dst(%arg6 : memref<64x512xf32, #tpu.memory_space<vmem>>)
    %dma_wait3A_375 = arith.constant 0 : i32
    %dma_wait3A_376 = tpu.memref_slice %arg4[%add3A_363, %dma_wait3A_375] : memref<32768x512xf32, #tpu.memory_space<hbm>> -> memref<64x512xf32, #tpu.memory_space<hbm>>
    %dma_wait3A_377 = arith.constant 0 : i32
    %dma_wait3A_378 = tpu.memref_slice %arg4[%add3A_363, %dma_wait3A_377] : memref<32768x512xf32, #tpu.memory_space<hbm>> -> memref<64x512xf32, #tpu.memory_space<hbm>>
    tpu.wait_dma2 semaphore(%arg9 : memref<!tpu.dma_semaphore, #tpu.memory_space<semaphore_mem>>) src(%arg7 : memref<64x512xf32, #tpu.memory_space<vmem>>) dst(%dma_wait3A_378 : memref<64x512xf32, #tpu.memory_space<hbm>>)
    %dma_start3A_379 = arith.constant 15 : i32
    %dma_start3A_380 = arith.constant 0 : i32
    %dma_start3A_381 = tpu.memref_slice %arg5[%dma_start3A_379, %dma_start3A_380] : memref<16x64xi32, #tpu.memory_space<vmem>> -> memref<1x64xi32, #tpu.memory_space<vmem>>
    %dma_start3A_382 = tpu.memref_squeeze %dma_start3A_381 : memref<1x64xi32, #tpu.memory_space<vmem>> -> memref<64xi32, #tpu.memory_space<vmem>>
    %dma_start3A_383 = arith.constant 0 : i32
    %dma_start3A_384 = arith.constant 0 : i32
    %dma_start3A_385 = tpu.memref_slice %arg2[%dma_start3A_383, %dma_start3A_384] : memref<50000x512xf32, #tpu.memory_space<hbm>> -> memref<50000x512xf32, #tpu.memory_space<hbm>>
    tpu.enqueue_indirect_dma source(%dma_start3A_385 : memref<50000x512xf32, #tpu.memory_space<hbm>>) target(%arg7 : memref<64x512xf32, #tpu.memory_space<vmem>>) offsets(%dma_start3A_382 : memref<64xi32, #tpu.memory_space<vmem>>) semaphore(%arg8 : memref<!tpu.dma_semaphore, #tpu.memory_space<semaphore_mem>>)
    %mul3A_386 = arith.constant 1024 : i32
    %mul3A_387 = arith.muli %add3A, %mul3A_386 : i32
    %add3A_388 = arith.constant 896 : i32
    %add3A_389 = arith.addi %mul3A_387, %add3A_388 : i32
    %dma_start3A_390 = arith.constant 0 : i32
    %dma_start3A_391 = tpu.memref_slice %arg4[%add3A_389, %dma_start3A_390] : memref<32768x512xf32, #tpu.memory_space<hbm>> -> memref<64x512xf32, #tpu.memory_space<hbm>>
    %dma_start3A_392 = arith.constant 0 : i32
    %dma_start3A_393 = tpu.memref_slice %arg4[%add3A_389, %dma_start3A_392] : memref<32768x512xf32, #tpu.memory_space<hbm>> -> memref<64x512xf32, #tpu.memory_space<hbm>>
    tpu.enqueue_dma source(%arg6 : memref<64x512xf32, #tpu.memory_space<vmem>>) target(%dma_start3A_393 : memref<64x512xf32, #tpu.memory_space<hbm>>) target_semaphore(%arg9 : memref<!tpu.dma_semaphore, #tpu.memory_space<semaphore_mem>>)
    %dma_wait3A_394 = arith.constant 15 : i32
    %dma_wait3A_395 = arith.constant 0 : i32
    %dma_wait3A_396 = tpu.memref_slice %arg5[%dma_wait3A_394, %dma_wait3A_395] : memref<16x64xi32, #tpu.memory_space<vmem>> -> memref<1x64xi32, #tpu.memory_space<vmem>>
    %dma_wait3A_397 = tpu.memref_squeeze %dma_wait3A_396 : memref<1x64xi32, #tpu.memory_space<vmem>> -> memref<64xi32, #tpu.memory_space<vmem>>
    %dma_wait3A_398 = arith.constant 0 : i32
    %dma_wait3A_399 = arith.constant 0 : i32
    %dma_wait3A_400 = tpu.memref_slice %arg2[%dma_wait3A_398, %dma_wait3A_399] : memref<50000x512xf32, #tpu.memory_space<hbm>> -> memref<50000x512xf32, #tpu.memory_space<hbm>>
    tpu.wait_indirect_dma semaphore(%arg8 : memref<!tpu.dma_semaphore, #tpu.memory_space<semaphore_mem>>) src(%dma_wait3A_400 : memref<50000x512xf32, #tpu.memory_space<hbm>>) dst(%arg7 : memref<64x512xf32, #tpu.memory_space<vmem>>)
    %dma_wait3A_401 = arith.constant 0 : i32
    %dma_wait3A_402 = tpu.memref_slice %arg4[%add3A_389, %dma_wait3A_401] : memref<32768x512xf32, #tpu.memory_space<hbm>> -> memref<64x512xf32, #tpu.memory_space<hbm>>
    %dma_wait3A_403 = arith.constant 0 : i32
    %dma_wait3A_404 = tpu.memref_slice %arg4[%add3A_389, %dma_wait3A_403] : memref<32768x512xf32, #tpu.memory_space<hbm>> -> memref<64x512xf32, #tpu.memory_space<hbm>>
    tpu.wait_dma2 semaphore(%arg9 : memref<!tpu.dma_semaphore, #tpu.memory_space<semaphore_mem>>) src(%arg6 : memref<64x512xf32, #tpu.memory_space<vmem>>) dst(%dma_wait3A_404 : memref<64x512xf32, #tpu.memory_space<hbm>>)
    %mul3A_405 = arith.constant 1024 : i32
    %mul3A_406 = arith.muli %add3A, %mul3A_405 : i32
    %add3A_407 = arith.constant 960 : i32
    %add3A_408 = arith.addi %mul3A_406, %add3A_407 : i32
    %dma_start3A_409 = arith.constant 0 : i32
    %dma_start3A_410 = tpu.memref_slice %arg4[%add3A_408, %dma_start3A_409] : memref<32768x512xf32, #tpu.memory_space<hbm>> -> memref<64x512xf32, #tpu.memory_space<hbm>>
    %dma_start3A_411 = arith.constant 0 : i32
    %dma_start3A_412 = tpu.memref_slice %arg4[%add3A_408, %dma_start3A_411] : memref<32768x512xf32, #tpu.memory_space<hbm>> -> memref<64x512xf32, #tpu.memory_space<hbm>>
    tpu.enqueue_dma source(%arg7 : memref<64x512xf32, #tpu.memory_space<vmem>>) target(%dma_start3A_412 : memref<64x512xf32, #tpu.memory_space<hbm>>) target_semaphore(%arg9 : memref<!tpu.dma_semaphore, #tpu.memory_space<semaphore_mem>>)
    %dma_wait3A_413 = arith.constant 0 : i32
    %dma_wait3A_414 = tpu.memref_slice %arg4[%add3A_408, %dma_wait3A_413] : memref<32768x512xf32, #tpu.memory_space<hbm>> -> memref<64x512xf32, #tpu.memory_space<hbm>>
    %dma_wait3A_415 = arith.constant 0 : i32
    %dma_wait3A_416 = tpu.memref_slice %arg4[%add3A_408, %dma_wait3A_415] : memref<32768x512xf32, #tpu.memory_space<hbm>> -> memref<64x512xf32, #tpu.memory_space<hbm>>
    tpu.wait_dma2 semaphore(%arg9 : memref<!tpu.dma_semaphore, #tpu.memory_space<semaphore_mem>>) src(%arg7 : memref<64x512xf32, #tpu.memory_space<vmem>>) dst(%dma_wait3A_416 : memref<64x512xf32, #tpu.memory_space<hbm>>)
    return
  }
}

#map = affine_map<(d0, d1) -> (0, 0)>
module attributes {stable_mosaic.version = 14 : i64} {
  func.func @_row_gather(%arg0: i32, %arg1: i32, %arg2: memref<1024x512xf32, #tpu.memory_space<hbm>>, %arg3: memref<512x64xi32, #tpu.memory_space<hbm>>, %arg4: memref<32768x512xf32, #tpu.memory_space<hbm>>, %arg5: memref<16x64xi32, #tpu.memory_space<vmem>>, %arg6: memref<64x512xf32, #tpu.memory_space<vmem>>, %arg7: memref<64x512xf32, #tpu.memory_space<vmem>>, %arg8: memref<!tpu.dma_semaphore, #tpu.memory_space<semaphore_mem>>, %arg9: memref<!tpu.dma_semaphore, #tpu.memory_space<semaphore_mem>>) attributes {dimension_semantics = [#tpu.dimension_semantics<core_parallel>, #tpu.dimension_semantics<subcore_parallel>], iteration_bounds = array<i64: 2, 16>, scalar_prefetch = 0 : i64, scratch_operands = 5 : i64, tpu.core_type = #tpu.core_type<sc_vector_subcore>, window_params = [{transform_indices = #map}, {transform_indices = #map}, {transform_indices = #map}]} {
    %mul3A = arith.constant 16 : i32
    %mul3A_0 = arith.muli %arg0, %mul3A : i32
    %add3A = arith.addi %mul3A_0, %arg1 : i32
    %mul3A_1 = arith.constant 16 : i32
    %mul3A_2 = arith.muli %add3A, %mul3A_1 : i32
    "tpu.region"() ({
      %run_scoped3A = tpu.sem_alloc : memref<!tpu.dma_semaphore, #tpu.memory_space<semaphore_mem>>
      %dma_start3A_417 = arith.constant 0 : i32
      %dma_start3A_418 = tpu.memref_slice %arg3[%mul3A_2, %dma_start3A_417] : memref<512x64xi32, #tpu.memory_space<hbm>> -> memref<16x64xi32, #tpu.memory_space<hbm>>
      %dma_start3A_419 = arith.constant 0 : i32
      %dma_start3A_420 = tpu.memref_slice %arg3[%mul3A_2, %dma_start3A_419] : memref<512x64xi32, #tpu.memory_space<hbm>> -> memref<16x64xi32, #tpu.memory_space<hbm>>
      tpu.enqueue_dma source(%dma_start3A_420 : memref<16x64xi32, #tpu.memory_space<hbm>>) target(%arg5 : memref<16x64xi32, #tpu.memory_space<vmem>>) target_semaphore(%run_scoped3A : memref<!tpu.dma_semaphore, #tpu.memory_space<semaphore_mem>>)
      %dma_wait3A_421 = arith.constant 0 : i32
      %dma_wait3A_422 = tpu.memref_slice %arg3[%mul3A_2, %dma_wait3A_421] : memref<512x64xi32, #tpu.memory_space<hbm>> -> memref<16x64xi32, #tpu.memory_space<hbm>>
      %dma_wait3A_423 = arith.constant 0 : i32
      %dma_wait3A_424 = tpu.memref_slice %arg3[%mul3A_2, %dma_wait3A_423] : memref<512x64xi32, #tpu.memory_space<hbm>> -> memref<16x64xi32, #tpu.memory_space<hbm>>
      tpu.wait_dma2 semaphore(%run_scoped3A : memref<!tpu.dma_semaphore, #tpu.memory_space<semaphore_mem>>) src(%dma_wait3A_424 : memref<16x64xi32, #tpu.memory_space<hbm>>) dst(%arg5 : memref<16x64xi32, #tpu.memory_space<vmem>>)
      tpu.yield
    }) : () -> ()
    %dma_start3A = arith.constant 0 : i32
    %dma_start3A_3 = arith.constant 0 : i32
    %dma_start3A_4 = tpu.memref_slice %arg5[%dma_start3A, %dma_start3A_3] : memref<16x64xi32, #tpu.memory_space<vmem>> -> memref<1x64xi32, #tpu.memory_space<vmem>>
    %dma_start3A_5 = tpu.memref_squeeze %dma_start3A_4 : memref<1x64xi32, #tpu.memory_space<vmem>> -> memref<64xi32, #tpu.memory_space<vmem>>
    %dma_start3A_6 = arith.constant 0 : i32
    %dma_start3A_7 = arith.constant 0 : i32
    %dma_start3A_8 = tpu.memref_slice %arg2[%dma_start3A_6, %dma_start3A_7] : memref<1024x512xf32, #tpu.memory_space<hbm>> -> memref<1024x512xf32, #tpu.memory_space<hbm>>
    tpu.enqueue_indirect_dma source(%dma_start3A_8 : memref<1024x512xf32, #tpu.memory_space<hbm>>) target(%arg6 : memref<64x512xf32, #tpu.memory_space<vmem>>) offsets(%dma_start3A_5 : memref<64xi32, #tpu.memory_space<vmem>>) semaphore(%arg8 : memref<!tpu.dma_semaphore, #tpu.memory_space<semaphore_mem>>)
    %dma_wait3A = arith.constant 0 : i32
    %dma_wait3A_9 = arith.constant 0 : i32
    %dma_wait3A_10 = tpu.memref_slice %arg5[%dma_wait3A, %dma_wait3A_9] : memref<16x64xi32, #tpu.memory_space<vmem>> -> memref<1x64xi32, #tpu.memory_space<vmem>>
    %dma_wait3A_11 = tpu.memref_squeeze %dma_wait3A_10 : memref<1x64xi32, #tpu.memory_space<vmem>> -> memref<64xi32, #tpu.memory_space<vmem>>
    %dma_wait3A_12 = arith.constant 0 : i32
    %dma_wait3A_13 = arith.constant 0 : i32
    %dma_wait3A_14 = tpu.memref_slice %arg2[%dma_wait3A_12, %dma_wait3A_13] : memref<1024x512xf32, #tpu.memory_space<hbm>> -> memref<1024x512xf32, #tpu.memory_space<hbm>>
    tpu.wait_indirect_dma semaphore(%arg8 : memref<!tpu.dma_semaphore, #tpu.memory_space<semaphore_mem>>) src(%dma_wait3A_14 : memref<1024x512xf32, #tpu.memory_space<hbm>>) dst(%arg6 : memref<64x512xf32, #tpu.memory_space<vmem>>)
    %dma_start3A_15 = arith.constant 1 : i32
    %dma_start3A_16 = arith.constant 0 : i32
    %dma_start3A_17 = tpu.memref_slice %arg5[%dma_start3A_15, %dma_start3A_16] : memref<16x64xi32, #tpu.memory_space<vmem>> -> memref<1x64xi32, #tpu.memory_space<vmem>>
    %dma_start3A_18 = tpu.memref_squeeze %dma_start3A_17 : memref<1x64xi32, #tpu.memory_space<vmem>> -> memref<64xi32, #tpu.memory_space<vmem>>
    %dma_start3A_19 = arith.constant 0 : i32
    %dma_start3A_20 = arith.constant 0 : i32
    %dma_start3A_21 = tpu.memref_slice %arg2[%dma_start3A_19, %dma_start3A_20] : memref<1024x512xf32, #tpu.memory_space<hbm>> -> memref<1024x512xf32, #tpu.memory_space<hbm>>
    tpu.enqueue_indirect_dma source(%dma_start3A_21 : memref<1024x512xf32, #tpu.memory_space<hbm>>) target(%arg7 : memref<64x512xf32, #tpu.memory_space<vmem>>) offsets(%dma_start3A_18 : memref<64xi32, #tpu.memory_space<vmem>>) semaphore(%arg8 : memref<!tpu.dma_semaphore, #tpu.memory_space<semaphore_mem>>)
    %mul3A_22 = arith.constant 1024 : i32
    %mul3A_23 = arith.muli %add3A, %mul3A_22 : i32
    %add3A_24 = arith.constant 0 : i32
    %add3A_25 = arith.addi %mul3A_23, %add3A_24 : i32
    %dma_start3A_26 = arith.constant 0 : i32
    %dma_start3A_27 = tpu.memref_slice %arg4[%add3A_25, %dma_start3A_26] : memref<32768x512xf32, #tpu.memory_space<hbm>> -> memref<64x512xf32, #tpu.memory_space<hbm>>
    %dma_start3A_28 = arith.constant 0 : i32
    %dma_start3A_29 = tpu.memref_slice %arg4[%add3A_25, %dma_start3A_28] : memref<32768x512xf32, #tpu.memory_space<hbm>> -> memref<64x512xf32, #tpu.memory_space<hbm>>
    tpu.enqueue_dma source(%arg6 : memref<64x512xf32, #tpu.memory_space<vmem>>) target(%dma_start3A_29 : memref<64x512xf32, #tpu.memory_space<hbm>>) target_semaphore(%arg9 : memref<!tpu.dma_semaphore, #tpu.memory_space<semaphore_mem>>)
    %dma_wait3A_30 = arith.constant 1 : i32
    %dma_wait3A_31 = arith.constant 0 : i32
    %dma_wait3A_32 = tpu.memref_slice %arg5[%dma_wait3A_30, %dma_wait3A_31] : memref<16x64xi32, #tpu.memory_space<vmem>> -> memref<1x64xi32, #tpu.memory_space<vmem>>
    %dma_wait3A_33 = tpu.memref_squeeze %dma_wait3A_32 : memref<1x64xi32, #tpu.memory_space<vmem>> -> memref<64xi32, #tpu.memory_space<vmem>>
    %dma_wait3A_34 = arith.constant 0 : i32
    %dma_wait3A_35 = arith.constant 0 : i32
    %dma_wait3A_36 = tpu.memref_slice %arg2[%dma_wait3A_34, %dma_wait3A_35] : memref<1024x512xf32, #tpu.memory_space<hbm>> -> memref<1024x512xf32, #tpu.memory_space<hbm>>
    tpu.wait_indirect_dma semaphore(%arg8 : memref<!tpu.dma_semaphore, #tpu.memory_space<semaphore_mem>>) src(%dma_wait3A_36 : memref<1024x512xf32, #tpu.memory_space<hbm>>) dst(%arg7 : memref<64x512xf32, #tpu.memory_space<vmem>>)
    %dma_wait3A_37 = arith.constant 0 : i32
    %dma_wait3A_38 = tpu.memref_slice %arg4[%add3A_25, %dma_wait3A_37] : memref<32768x512xf32, #tpu.memory_space<hbm>> -> memref<64x512xf32, #tpu.memory_space<hbm>>
    %dma_wait3A_39 = arith.constant 0 : i32
    %dma_wait3A_40 = tpu.memref_slice %arg4[%add3A_25, %dma_wait3A_39] : memref<32768x512xf32, #tpu.memory_space<hbm>> -> memref<64x512xf32, #tpu.memory_space<hbm>>
    tpu.wait_dma2 semaphore(%arg9 : memref<!tpu.dma_semaphore, #tpu.memory_space<semaphore_mem>>) src(%arg6 : memref<64x512xf32, #tpu.memory_space<vmem>>) dst(%dma_wait3A_40 : memref<64x512xf32, #tpu.memory_space<hbm>>)
    %dma_start3A_41 = arith.constant 2 : i32
    %dma_start3A_42 = arith.constant 0 : i32
    %dma_start3A_43 = tpu.memref_slice %arg5[%dma_start3A_41, %dma_start3A_42] : memref<16x64xi32, #tpu.memory_space<vmem>> -> memref<1x64xi32, #tpu.memory_space<vmem>>
    %dma_start3A_44 = tpu.memref_squeeze %dma_start3A_43 : memref<1x64xi32, #tpu.memory_space<vmem>> -> memref<64xi32, #tpu.memory_space<vmem>>
    %dma_start3A_45 = arith.constant 0 : i32
    %dma_start3A_46 = arith.constant 0 : i32
    %dma_start3A_47 = tpu.memref_slice %arg2[%dma_start3A_45, %dma_start3A_46] : memref<1024x512xf32, #tpu.memory_space<hbm>> -> memref<1024x512xf32, #tpu.memory_space<hbm>>
    tpu.enqueue_indirect_dma source(%dma_start3A_47 : memref<1024x512xf32, #tpu.memory_space<hbm>>) target(%arg6 : memref<64x512xf32, #tpu.memory_space<vmem>>) offsets(%dma_start3A_44 : memref<64xi32, #tpu.memory_space<vmem>>) semaphore(%arg8 : memref<!tpu.dma_semaphore, #tpu.memory_space<semaphore_mem>>)
    %mul3A_48 = arith.constant 1024 : i32
    %mul3A_49 = arith.muli %add3A, %mul3A_48 : i32
    %add3A_50 = arith.constant 64 : i32
    %add3A_51 = arith.addi %mul3A_49, %add3A_50 : i32
    %dma_start3A_52 = arith.constant 0 : i32
    %dma_start3A_53 = tpu.memref_slice %arg4[%add3A_51, %dma_start3A_52] : memref<32768x512xf32, #tpu.memory_space<hbm>> -> memref<64x512xf32, #tpu.memory_space<hbm>>
    %dma_start3A_54 = arith.constant 0 : i32
    %dma_start3A_55 = tpu.memref_slice %arg4[%add3A_51, %dma_start3A_54] : memref<32768x512xf32, #tpu.memory_space<hbm>> -> memref<64x512xf32, #tpu.memory_space<hbm>>
    tpu.enqueue_dma source(%arg7 : memref<64x512xf32, #tpu.memory_space<vmem>>) target(%dma_start3A_55 : memref<64x512xf32, #tpu.memory_space<hbm>>) target_semaphore(%arg9 : memref<!tpu.dma_semaphore, #tpu.memory_space<semaphore_mem>>)
    %dma_wait3A_56 = arith.constant 2 : i32
    %dma_wait3A_57 = arith.constant 0 : i32
    %dma_wait3A_58 = tpu.memref_slice %arg5[%dma_wait3A_56, %dma_wait3A_57] : memref<16x64xi32, #tpu.memory_space<vmem>> -> memref<1x64xi32, #tpu.memory_space<vmem>>
    %dma_wait3A_59 = tpu.memref_squeeze %dma_wait3A_58 : memref<1x64xi32, #tpu.memory_space<vmem>> -> memref<64xi32, #tpu.memory_space<vmem>>
    %dma_wait3A_60 = arith.constant 0 : i32
    %dma_wait3A_61 = arith.constant 0 : i32
    %dma_wait3A_62 = tpu.memref_slice %arg2[%dma_wait3A_60, %dma_wait3A_61] : memref<1024x512xf32, #tpu.memory_space<hbm>> -> memref<1024x512xf32, #tpu.memory_space<hbm>>
    tpu.wait_indirect_dma semaphore(%arg8 : memref<!tpu.dma_semaphore, #tpu.memory_space<semaphore_mem>>) src(%dma_wait3A_62 : memref<1024x512xf32, #tpu.memory_space<hbm>>) dst(%arg6 : memref<64x512xf32, #tpu.memory_space<vmem>>)
    %dma_wait3A_63 = arith.constant 0 : i32
    %dma_wait3A_64 = tpu.memref_slice %arg4[%add3A_51, %dma_wait3A_63] : memref<32768x512xf32, #tpu.memory_space<hbm>> -> memref<64x512xf32, #tpu.memory_space<hbm>>
    %dma_wait3A_65 = arith.constant 0 : i32
    %dma_wait3A_66 = tpu.memref_slice %arg4[%add3A_51, %dma_wait3A_65] : memref<32768x512xf32, #tpu.memory_space<hbm>> -> memref<64x512xf32, #tpu.memory_space<hbm>>
    tpu.wait_dma2 semaphore(%arg9 : memref<!tpu.dma_semaphore, #tpu.memory_space<semaphore_mem>>) src(%arg7 : memref<64x512xf32, #tpu.memory_space<vmem>>) dst(%dma_wait3A_66 : memref<64x512xf32, #tpu.memory_space<hbm>>)
    %dma_start3A_67 = arith.constant 3 : i32
    %dma_start3A_68 = arith.constant 0 : i32
    %dma_start3A_69 = tpu.memref_slice %arg5[%dma_start3A_67, %dma_start3A_68] : memref<16x64xi32, #tpu.memory_space<vmem>> -> memref<1x64xi32, #tpu.memory_space<vmem>>
    %dma_start3A_70 = tpu.memref_squeeze %dma_start3A_69 : memref<1x64xi32, #tpu.memory_space<vmem>> -> memref<64xi32, #tpu.memory_space<vmem>>
    %dma_start3A_71 = arith.constant 0 : i32
    %dma_start3A_72 = arith.constant 0 : i32
    %dma_start3A_73 = tpu.memref_slice %arg2[%dma_start3A_71, %dma_start3A_72] : memref<1024x512xf32, #tpu.memory_space<hbm>> -> memref<1024x512xf32, #tpu.memory_space<hbm>>
    tpu.enqueue_indirect_dma source(%dma_start3A_73 : memref<1024x512xf32, #tpu.memory_space<hbm>>) target(%arg7 : memref<64x512xf32, #tpu.memory_space<vmem>>) offsets(%dma_start3A_70 : memref<64xi32, #tpu.memory_space<vmem>>) semaphore(%arg8 : memref<!tpu.dma_semaphore, #tpu.memory_space<semaphore_mem>>)
    %mul3A_74 = arith.constant 1024 : i32
    %mul3A_75 = arith.muli %add3A, %mul3A_74 : i32
    %add3A_76 = arith.constant 128 : i32
    %add3A_77 = arith.addi %mul3A_75, %add3A_76 : i32
    %dma_start3A_78 = arith.constant 0 : i32
    %dma_start3A_79 = tpu.memref_slice %arg4[%add3A_77, %dma_start3A_78] : memref<32768x512xf32, #tpu.memory_space<hbm>> -> memref<64x512xf32, #tpu.memory_space<hbm>>
    %dma_start3A_80 = arith.constant 0 : i32
    %dma_start3A_81 = tpu.memref_slice %arg4[%add3A_77, %dma_start3A_80] : memref<32768x512xf32, #tpu.memory_space<hbm>> -> memref<64x512xf32, #tpu.memory_space<hbm>>
    tpu.enqueue_dma source(%arg6 : memref<64x512xf32, #tpu.memory_space<vmem>>) target(%dma_start3A_81 : memref<64x512xf32, #tpu.memory_space<hbm>>) target_semaphore(%arg9 : memref<!tpu.dma_semaphore, #tpu.memory_space<semaphore_mem>>)
    %dma_wait3A_82 = arith.constant 3 : i32
    %dma_wait3A_83 = arith.constant 0 : i32
    %dma_wait3A_84 = tpu.memref_slice %arg5[%dma_wait3A_82, %dma_wait3A_83] : memref<16x64xi32, #tpu.memory_space<vmem>> -> memref<1x64xi32, #tpu.memory_space<vmem>>
    %dma_wait3A_85 = tpu.memref_squeeze %dma_wait3A_84 : memref<1x64xi32, #tpu.memory_space<vmem>> -> memref<64xi32, #tpu.memory_space<vmem>>
    %dma_wait3A_86 = arith.constant 0 : i32
    %dma_wait3A_87 = arith.constant 0 : i32
    %dma_wait3A_88 = tpu.memref_slice %arg2[%dma_wait3A_86, %dma_wait3A_87] : memref<1024x512xf32, #tpu.memory_space<hbm>> -> memref<1024x512xf32, #tpu.memory_space<hbm>>
    tpu.wait_indirect_dma semaphore(%arg8 : memref<!tpu.dma_semaphore, #tpu.memory_space<semaphore_mem>>) src(%dma_wait3A_88 : memref<1024x512xf32, #tpu.memory_space<hbm>>) dst(%arg7 : memref<64x512xf32, #tpu.memory_space<vmem>>)
    %dma_wait3A_89 = arith.constant 0 : i32
    %dma_wait3A_90 = tpu.memref_slice %arg4[%add3A_77, %dma_wait3A_89] : memref<32768x512xf32, #tpu.memory_space<hbm>> -> memref<64x512xf32, #tpu.memory_space<hbm>>
    %dma_wait3A_91 = arith.constant 0 : i32
    %dma_wait3A_92 = tpu.memref_slice %arg4[%add3A_77, %dma_wait3A_91] : memref<32768x512xf32, #tpu.memory_space<hbm>> -> memref<64x512xf32, #tpu.memory_space<hbm>>
    tpu.wait_dma2 semaphore(%arg9 : memref<!tpu.dma_semaphore, #tpu.memory_space<semaphore_mem>>) src(%arg6 : memref<64x512xf32, #tpu.memory_space<vmem>>) dst(%dma_wait3A_92 : memref<64x512xf32, #tpu.memory_space<hbm>>)
    %dma_start3A_93 = arith.constant 4 : i32
    %dma_start3A_94 = arith.constant 0 : i32
    %dma_start3A_95 = tpu.memref_slice %arg5[%dma_start3A_93, %dma_start3A_94] : memref<16x64xi32, #tpu.memory_space<vmem>> -> memref<1x64xi32, #tpu.memory_space<vmem>>
    %dma_start3A_96 = tpu.memref_squeeze %dma_start3A_95 : memref<1x64xi32, #tpu.memory_space<vmem>> -> memref<64xi32, #tpu.memory_space<vmem>>
    %dma_start3A_97 = arith.constant 0 : i32
    %dma_start3A_98 = arith.constant 0 : i32
    %dma_start3A_99 = tpu.memref_slice %arg2[%dma_start3A_97, %dma_start3A_98] : memref<1024x512xf32, #tpu.memory_space<hbm>> -> memref<1024x512xf32, #tpu.memory_space<hbm>>
    tpu.enqueue_indirect_dma source(%dma_start3A_99 : memref<1024x512xf32, #tpu.memory_space<hbm>>) target(%arg6 : memref<64x512xf32, #tpu.memory_space<vmem>>) offsets(%dma_start3A_96 : memref<64xi32, #tpu.memory_space<vmem>>) semaphore(%arg8 : memref<!tpu.dma_semaphore, #tpu.memory_space<semaphore_mem>>)
    %mul3A_100 = arith.constant 1024 : i32
    %mul3A_101 = arith.muli %add3A, %mul3A_100 : i32
    %add3A_102 = arith.constant 192 : i32
    %add3A_103 = arith.addi %mul3A_101, %add3A_102 : i32
    %dma_start3A_104 = arith.constant 0 : i32
    %dma_start3A_105 = tpu.memref_slice %arg4[%add3A_103, %dma_start3A_104] : memref<32768x512xf32, #tpu.memory_space<hbm>> -> memref<64x512xf32, #tpu.memory_space<hbm>>
    %dma_start3A_106 = arith.constant 0 : i32
    %dma_start3A_107 = tpu.memref_slice %arg4[%add3A_103, %dma_start3A_106] : memref<32768x512xf32, #tpu.memory_space<hbm>> -> memref<64x512xf32, #tpu.memory_space<hbm>>
    tpu.enqueue_dma source(%arg7 : memref<64x512xf32, #tpu.memory_space<vmem>>) target(%dma_start3A_107 : memref<64x512xf32, #tpu.memory_space<hbm>>) target_semaphore(%arg9 : memref<!tpu.dma_semaphore, #tpu.memory_space<semaphore_mem>>)
    %dma_wait3A_108 = arith.constant 4 : i32
    %dma_wait3A_109 = arith.constant 0 : i32
    %dma_wait3A_110 = tpu.memref_slice %arg5[%dma_wait3A_108, %dma_wait3A_109] : memref<16x64xi32, #tpu.memory_space<vmem>> -> memref<1x64xi32, #tpu.memory_space<vmem>>
    %dma_wait3A_111 = tpu.memref_squeeze %dma_wait3A_110 : memref<1x64xi32, #tpu.memory_space<vmem>> -> memref<64xi32, #tpu.memory_space<vmem>>
    %dma_wait3A_112 = arith.constant 0 : i32
    %dma_wait3A_113 = arith.constant 0 : i32
    %dma_wait3A_114 = tpu.memref_slice %arg2[%dma_wait3A_112, %dma_wait3A_113] : memref<1024x512xf32, #tpu.memory_space<hbm>> -> memref<1024x512xf32, #tpu.memory_space<hbm>>
    tpu.wait_indirect_dma semaphore(%arg8 : memref<!tpu.dma_semaphore, #tpu.memory_space<semaphore_mem>>) src(%dma_wait3A_114 : memref<1024x512xf32, #tpu.memory_space<hbm>>) dst(%arg6 : memref<64x512xf32, #tpu.memory_space<vmem>>)
    %dma_wait3A_115 = arith.constant 0 : i32
    %dma_wait3A_116 = tpu.memref_slice %arg4[%add3A_103, %dma_wait3A_115] : memref<32768x512xf32, #tpu.memory_space<hbm>> -> memref<64x512xf32, #tpu.memory_space<hbm>>
    %dma_wait3A_117 = arith.constant 0 : i32
    %dma_wait3A_118 = tpu.memref_slice %arg4[%add3A_103, %dma_wait3A_117] : memref<32768x512xf32, #tpu.memory_space<hbm>> -> memref<64x512xf32, #tpu.memory_space<hbm>>
    tpu.wait_dma2 semaphore(%arg9 : memref<!tpu.dma_semaphore, #tpu.memory_space<semaphore_mem>>) src(%arg7 : memref<64x512xf32, #tpu.memory_space<vmem>>) dst(%dma_wait3A_118 : memref<64x512xf32, #tpu.memory_space<hbm>>)
    %dma_start3A_119 = arith.constant 5 : i32
    %dma_start3A_120 = arith.constant 0 : i32
    %dma_start3A_121 = tpu.memref_slice %arg5[%dma_start3A_119, %dma_start3A_120] : memref<16x64xi32, #tpu.memory_space<vmem>> -> memref<1x64xi32, #tpu.memory_space<vmem>>
    %dma_start3A_122 = tpu.memref_squeeze %dma_start3A_121 : memref<1x64xi32, #tpu.memory_space<vmem>> -> memref<64xi32, #tpu.memory_space<vmem>>
    %dma_start3A_123 = arith.constant 0 : i32
    %dma_start3A_124 = arith.constant 0 : i32
    %dma_start3A_125 = tpu.memref_slice %arg2[%dma_start3A_123, %dma_start3A_124] : memref<1024x512xf32, #tpu.memory_space<hbm>> -> memref<1024x512xf32, #tpu.memory_space<hbm>>
    tpu.enqueue_indirect_dma source(%dma_start3A_125 : memref<1024x512xf32, #tpu.memory_space<hbm>>) target(%arg7 : memref<64x512xf32, #tpu.memory_space<vmem>>) offsets(%dma_start3A_122 : memref<64xi32, #tpu.memory_space<vmem>>) semaphore(%arg8 : memref<!tpu.dma_semaphore, #tpu.memory_space<semaphore_mem>>)
    %mul3A_126 = arith.constant 1024 : i32
    %mul3A_127 = arith.muli %add3A, %mul3A_126 : i32
    %add3A_128 = arith.constant 256 : i32
    %add3A_129 = arith.addi %mul3A_127, %add3A_128 : i32
    %dma_start3A_130 = arith.constant 0 : i32
    %dma_start3A_131 = tpu.memref_slice %arg4[%add3A_129, %dma_start3A_130] : memref<32768x512xf32, #tpu.memory_space<hbm>> -> memref<64x512xf32, #tpu.memory_space<hbm>>
    %dma_start3A_132 = arith.constant 0 : i32
    %dma_start3A_133 = tpu.memref_slice %arg4[%add3A_129, %dma_start3A_132] : memref<32768x512xf32, #tpu.memory_space<hbm>> -> memref<64x512xf32, #tpu.memory_space<hbm>>
    tpu.enqueue_dma source(%arg6 : memref<64x512xf32, #tpu.memory_space<vmem>>) target(%dma_start3A_133 : memref<64x512xf32, #tpu.memory_space<hbm>>) target_semaphore(%arg9 : memref<!tpu.dma_semaphore, #tpu.memory_space<semaphore_mem>>)
    %dma_wait3A_134 = arith.constant 5 : i32
    %dma_wait3A_135 = arith.constant 0 : i32
    %dma_wait3A_136 = tpu.memref_slice %arg5[%dma_wait3A_134, %dma_wait3A_135] : memref<16x64xi32, #tpu.memory_space<vmem>> -> memref<1x64xi32, #tpu.memory_space<vmem>>
    %dma_wait3A_137 = tpu.memref_squeeze %dma_wait3A_136 : memref<1x64xi32, #tpu.memory_space<vmem>> -> memref<64xi32, #tpu.memory_space<vmem>>
    %dma_wait3A_138 = arith.constant 0 : i32
    %dma_wait3A_139 = arith.constant 0 : i32
    %dma_wait3A_140 = tpu.memref_slice %arg2[%dma_wait3A_138, %dma_wait3A_139] : memref<1024x512xf32, #tpu.memory_space<hbm>> -> memref<1024x512xf32, #tpu.memory_space<hbm>>
    tpu.wait_indirect_dma semaphore(%arg8 : memref<!tpu.dma_semaphore, #tpu.memory_space<semaphore_mem>>) src(%dma_wait3A_140 : memref<1024x512xf32, #tpu.memory_space<hbm>>) dst(%arg7 : memref<64x512xf32, #tpu.memory_space<vmem>>)
    %dma_wait3A_141 = arith.constant 0 : i32
    %dma_wait3A_142 = tpu.memref_slice %arg4[%add3A_129, %dma_wait3A_141] : memref<32768x512xf32, #tpu.memory_space<hbm>> -> memref<64x512xf32, #tpu.memory_space<hbm>>
    %dma_wait3A_143 = arith.constant 0 : i32
    %dma_wait3A_144 = tpu.memref_slice %arg4[%add3A_129, %dma_wait3A_143] : memref<32768x512xf32, #tpu.memory_space<hbm>> -> memref<64x512xf32, #tpu.memory_space<hbm>>
    tpu.wait_dma2 semaphore(%arg9 : memref<!tpu.dma_semaphore, #tpu.memory_space<semaphore_mem>>) src(%arg6 : memref<64x512xf32, #tpu.memory_space<vmem>>) dst(%dma_wait3A_144 : memref<64x512xf32, #tpu.memory_space<hbm>>)
    %dma_start3A_145 = arith.constant 6 : i32
    %dma_start3A_146 = arith.constant 0 : i32
    %dma_start3A_147 = tpu.memref_slice %arg5[%dma_start3A_145, %dma_start3A_146] : memref<16x64xi32, #tpu.memory_space<vmem>> -> memref<1x64xi32, #tpu.memory_space<vmem>>
    %dma_start3A_148 = tpu.memref_squeeze %dma_start3A_147 : memref<1x64xi32, #tpu.memory_space<vmem>> -> memref<64xi32, #tpu.memory_space<vmem>>
    %dma_start3A_149 = arith.constant 0 : i32
    %dma_start3A_150 = arith.constant 0 : i32
    %dma_start3A_151 = tpu.memref_slice %arg2[%dma_start3A_149, %dma_start3A_150] : memref<1024x512xf32, #tpu.memory_space<hbm>> -> memref<1024x512xf32, #tpu.memory_space<hbm>>
    tpu.enqueue_indirect_dma source(%dma_start3A_151 : memref<1024x512xf32, #tpu.memory_space<hbm>>) target(%arg6 : memref<64x512xf32, #tpu.memory_space<vmem>>) offsets(%dma_start3A_148 : memref<64xi32, #tpu.memory_space<vmem>>) semaphore(%arg8 : memref<!tpu.dma_semaphore, #tpu.memory_space<semaphore_mem>>)
    %mul3A_152 = arith.constant 1024 : i32
    %mul3A_153 = arith.muli %add3A, %mul3A_152 : i32
    %add3A_154 = arith.constant 320 : i32
    %add3A_155 = arith.addi %mul3A_153, %add3A_154 : i32
    %dma_start3A_156 = arith.constant 0 : i32
    %dma_start3A_157 = tpu.memref_slice %arg4[%add3A_155, %dma_start3A_156] : memref<32768x512xf32, #tpu.memory_space<hbm>> -> memref<64x512xf32, #tpu.memory_space<hbm>>
    %dma_start3A_158 = arith.constant 0 : i32
    %dma_start3A_159 = tpu.memref_slice %arg4[%add3A_155, %dma_start3A_158] : memref<32768x512xf32, #tpu.memory_space<hbm>> -> memref<64x512xf32, #tpu.memory_space<hbm>>
    tpu.enqueue_dma source(%arg7 : memref<64x512xf32, #tpu.memory_space<vmem>>) target(%dma_start3A_159 : memref<64x512xf32, #tpu.memory_space<hbm>>) target_semaphore(%arg9 : memref<!tpu.dma_semaphore, #tpu.memory_space<semaphore_mem>>)
    %dma_wait3A_160 = arith.constant 6 : i32
    %dma_wait3A_161 = arith.constant 0 : i32
    %dma_wait3A_162 = tpu.memref_slice %arg5[%dma_wait3A_160, %dma_wait3A_161] : memref<16x64xi32, #tpu.memory_space<vmem>> -> memref<1x64xi32, #tpu.memory_space<vmem>>
    %dma_wait3A_163 = tpu.memref_squeeze %dma_wait3A_162 : memref<1x64xi32, #tpu.memory_space<vmem>> -> memref<64xi32, #tpu.memory_space<vmem>>
    %dma_wait3A_164 = arith.constant 0 : i32
    %dma_wait3A_165 = arith.constant 0 : i32
    %dma_wait3A_166 = tpu.memref_slice %arg2[%dma_wait3A_164, %dma_wait3A_165] : memref<1024x512xf32, #tpu.memory_space<hbm>> -> memref<1024x512xf32, #tpu.memory_space<hbm>>
    tpu.wait_indirect_dma semaphore(%arg8 : memref<!tpu.dma_semaphore, #tpu.memory_space<semaphore_mem>>) src(%dma_wait3A_166 : memref<1024x512xf32, #tpu.memory_space<hbm>>) dst(%arg6 : memref<64x512xf32, #tpu.memory_space<vmem>>)
    %dma_wait3A_167 = arith.constant 0 : i32
    %dma_wait3A_168 = tpu.memref_slice %arg4[%add3A_155, %dma_wait3A_167] : memref<32768x512xf32, #tpu.memory_space<hbm>> -> memref<64x512xf32, #tpu.memory_space<hbm>>
    %dma_wait3A_169 = arith.constant 0 : i32
    %dma_wait3A_170 = tpu.memref_slice %arg4[%add3A_155, %dma_wait3A_169] : memref<32768x512xf32, #tpu.memory_space<hbm>> -> memref<64x512xf32, #tpu.memory_space<hbm>>
    tpu.wait_dma2 semaphore(%arg9 : memref<!tpu.dma_semaphore, #tpu.memory_space<semaphore_mem>>) src(%arg7 : memref<64x512xf32, #tpu.memory_space<vmem>>) dst(%dma_wait3A_170 : memref<64x512xf32, #tpu.memory_space<hbm>>)
    %dma_start3A_171 = arith.constant 7 : i32
    %dma_start3A_172 = arith.constant 0 : i32
    %dma_start3A_173 = tpu.memref_slice %arg5[%dma_start3A_171, %dma_start3A_172] : memref<16x64xi32, #tpu.memory_space<vmem>> -> memref<1x64xi32, #tpu.memory_space<vmem>>
    %dma_start3A_174 = tpu.memref_squeeze %dma_start3A_173 : memref<1x64xi32, #tpu.memory_space<vmem>> -> memref<64xi32, #tpu.memory_space<vmem>>
    %dma_start3A_175 = arith.constant 0 : i32
    %dma_start3A_176 = arith.constant 0 : i32
    %dma_start3A_177 = tpu.memref_slice %arg2[%dma_start3A_175, %dma_start3A_176] : memref<1024x512xf32, #tpu.memory_space<hbm>> -> memref<1024x512xf32, #tpu.memory_space<hbm>>
    tpu.enqueue_indirect_dma source(%dma_start3A_177 : memref<1024x512xf32, #tpu.memory_space<hbm>>) target(%arg7 : memref<64x512xf32, #tpu.memory_space<vmem>>) offsets(%dma_start3A_174 : memref<64xi32, #tpu.memory_space<vmem>>) semaphore(%arg8 : memref<!tpu.dma_semaphore, #tpu.memory_space<semaphore_mem>>)
    %mul3A_178 = arith.constant 1024 : i32
    %mul3A_179 = arith.muli %add3A, %mul3A_178 : i32
    %add3A_180 = arith.constant 384 : i32
    %add3A_181 = arith.addi %mul3A_179, %add3A_180 : i32
    %dma_start3A_182 = arith.constant 0 : i32
    %dma_start3A_183 = tpu.memref_slice %arg4[%add3A_181, %dma_start3A_182] : memref<32768x512xf32, #tpu.memory_space<hbm>> -> memref<64x512xf32, #tpu.memory_space<hbm>>
    %dma_start3A_184 = arith.constant 0 : i32
    %dma_start3A_185 = tpu.memref_slice %arg4[%add3A_181, %dma_start3A_184] : memref<32768x512xf32, #tpu.memory_space<hbm>> -> memref<64x512xf32, #tpu.memory_space<hbm>>
    tpu.enqueue_dma source(%arg6 : memref<64x512xf32, #tpu.memory_space<vmem>>) target(%dma_start3A_185 : memref<64x512xf32, #tpu.memory_space<hbm>>) target_semaphore(%arg9 : memref<!tpu.dma_semaphore, #tpu.memory_space<semaphore_mem>>)
    %dma_wait3A_186 = arith.constant 7 : i32
    %dma_wait3A_187 = arith.constant 0 : i32
    %dma_wait3A_188 = tpu.memref_slice %arg5[%dma_wait3A_186, %dma_wait3A_187] : memref<16x64xi32, #tpu.memory_space<vmem>> -> memref<1x64xi32, #tpu.memory_space<vmem>>
    %dma_wait3A_189 = tpu.memref_squeeze %dma_wait3A_188 : memref<1x64xi32, #tpu.memory_space<vmem>> -> memref<64xi32, #tpu.memory_space<vmem>>
    %dma_wait3A_190 = arith.constant 0 : i32
    %dma_wait3A_191 = arith.constant 0 : i32
    %dma_wait3A_192 = tpu.memref_slice %arg2[%dma_wait3A_190, %dma_wait3A_191] : memref<1024x512xf32, #tpu.memory_space<hbm>> -> memref<1024x512xf32, #tpu.memory_space<hbm>>
    tpu.wait_indirect_dma semaphore(%arg8 : memref<!tpu.dma_semaphore, #tpu.memory_space<semaphore_mem>>) src(%dma_wait3A_192 : memref<1024x512xf32, #tpu.memory_space<hbm>>) dst(%arg7 : memref<64x512xf32, #tpu.memory_space<vmem>>)
    %dma_wait3A_193 = arith.constant 0 : i32
    %dma_wait3A_194 = tpu.memref_slice %arg4[%add3A_181, %dma_wait3A_193] : memref<32768x512xf32, #tpu.memory_space<hbm>> -> memref<64x512xf32, #tpu.memory_space<hbm>>
    %dma_wait3A_195 = arith.constant 0 : i32
    %dma_wait3A_196 = tpu.memref_slice %arg4[%add3A_181, %dma_wait3A_195] : memref<32768x512xf32, #tpu.memory_space<hbm>> -> memref<64x512xf32, #tpu.memory_space<hbm>>
    tpu.wait_dma2 semaphore(%arg9 : memref<!tpu.dma_semaphore, #tpu.memory_space<semaphore_mem>>) src(%arg6 : memref<64x512xf32, #tpu.memory_space<vmem>>) dst(%dma_wait3A_196 : memref<64x512xf32, #tpu.memory_space<hbm>>)
    %dma_start3A_197 = arith.constant 8 : i32
    %dma_start3A_198 = arith.constant 0 : i32
    %dma_start3A_199 = tpu.memref_slice %arg5[%dma_start3A_197, %dma_start3A_198] : memref<16x64xi32, #tpu.memory_space<vmem>> -> memref<1x64xi32, #tpu.memory_space<vmem>>
    %dma_start3A_200 = tpu.memref_squeeze %dma_start3A_199 : memref<1x64xi32, #tpu.memory_space<vmem>> -> memref<64xi32, #tpu.memory_space<vmem>>
    %dma_start3A_201 = arith.constant 0 : i32
    %dma_start3A_202 = arith.constant 0 : i32
    %dma_start3A_203 = tpu.memref_slice %arg2[%dma_start3A_201, %dma_start3A_202] : memref<1024x512xf32, #tpu.memory_space<hbm>> -> memref<1024x512xf32, #tpu.memory_space<hbm>>
    tpu.enqueue_indirect_dma source(%dma_start3A_203 : memref<1024x512xf32, #tpu.memory_space<hbm>>) target(%arg6 : memref<64x512xf32, #tpu.memory_space<vmem>>) offsets(%dma_start3A_200 : memref<64xi32, #tpu.memory_space<vmem>>) semaphore(%arg8 : memref<!tpu.dma_semaphore, #tpu.memory_space<semaphore_mem>>)
    %mul3A_204 = arith.constant 1024 : i32
    %mul3A_205 = arith.muli %add3A, %mul3A_204 : i32
    %add3A_206 = arith.constant 448 : i32
    %add3A_207 = arith.addi %mul3A_205, %add3A_206 : i32
    %dma_start3A_208 = arith.constant 0 : i32
    %dma_start3A_209 = tpu.memref_slice %arg4[%add3A_207, %dma_start3A_208] : memref<32768x512xf32, #tpu.memory_space<hbm>> -> memref<64x512xf32, #tpu.memory_space<hbm>>
    %dma_start3A_210 = arith.constant 0 : i32
    %dma_start3A_211 = tpu.memref_slice %arg4[%add3A_207, %dma_start3A_210] : memref<32768x512xf32, #tpu.memory_space<hbm>> -> memref<64x512xf32, #tpu.memory_space<hbm>>
    tpu.enqueue_dma source(%arg7 : memref<64x512xf32, #tpu.memory_space<vmem>>) target(%dma_start3A_211 : memref<64x512xf32, #tpu.memory_space<hbm>>) target_semaphore(%arg9 : memref<!tpu.dma_semaphore, #tpu.memory_space<semaphore_mem>>)
    %dma_wait3A_212 = arith.constant 8 : i32
    %dma_wait3A_213 = arith.constant 0 : i32
    %dma_wait3A_214 = tpu.memref_slice %arg5[%dma_wait3A_212, %dma_wait3A_213] : memref<16x64xi32, #tpu.memory_space<vmem>> -> memref<1x64xi32, #tpu.memory_space<vmem>>
    %dma_wait3A_215 = tpu.memref_squeeze %dma_wait3A_214 : memref<1x64xi32, #tpu.memory_space<vmem>> -> memref<64xi32, #tpu.memory_space<vmem>>
    %dma_wait3A_216 = arith.constant 0 : i32
    %dma_wait3A_217 = arith.constant 0 : i32
    %dma_wait3A_218 = tpu.memref_slice %arg2[%dma_wait3A_216, %dma_wait3A_217] : memref<1024x512xf32, #tpu.memory_space<hbm>> -> memref<1024x512xf32, #tpu.memory_space<hbm>>
    tpu.wait_indirect_dma semaphore(%arg8 : memref<!tpu.dma_semaphore, #tpu.memory_space<semaphore_mem>>) src(%dma_wait3A_218 : memref<1024x512xf32, #tpu.memory_space<hbm>>) dst(%arg6 : memref<64x512xf32, #tpu.memory_space<vmem>>)
    %dma_wait3A_219 = arith.constant 0 : i32
    %dma_wait3A_220 = tpu.memref_slice %arg4[%add3A_207, %dma_wait3A_219] : memref<32768x512xf32, #tpu.memory_space<hbm>> -> memref<64x512xf32, #tpu.memory_space<hbm>>
    %dma_wait3A_221 = arith.constant 0 : i32
    %dma_wait3A_222 = tpu.memref_slice %arg4[%add3A_207, %dma_wait3A_221] : memref<32768x512xf32, #tpu.memory_space<hbm>> -> memref<64x512xf32, #tpu.memory_space<hbm>>
    tpu.wait_dma2 semaphore(%arg9 : memref<!tpu.dma_semaphore, #tpu.memory_space<semaphore_mem>>) src(%arg7 : memref<64x512xf32, #tpu.memory_space<vmem>>) dst(%dma_wait3A_222 : memref<64x512xf32, #tpu.memory_space<hbm>>)
    %dma_start3A_223 = arith.constant 9 : i32
    %dma_start3A_224 = arith.constant 0 : i32
    %dma_start3A_225 = tpu.memref_slice %arg5[%dma_start3A_223, %dma_start3A_224] : memref<16x64xi32, #tpu.memory_space<vmem>> -> memref<1x64xi32, #tpu.memory_space<vmem>>
    %dma_start3A_226 = tpu.memref_squeeze %dma_start3A_225 : memref<1x64xi32, #tpu.memory_space<vmem>> -> memref<64xi32, #tpu.memory_space<vmem>>
    %dma_start3A_227 = arith.constant 0 : i32
    %dma_start3A_228 = arith.constant 0 : i32
    %dma_start3A_229 = tpu.memref_slice %arg2[%dma_start3A_227, %dma_start3A_228] : memref<1024x512xf32, #tpu.memory_space<hbm>> -> memref<1024x512xf32, #tpu.memory_space<hbm>>
    tpu.enqueue_indirect_dma source(%dma_start3A_229 : memref<1024x512xf32, #tpu.memory_space<hbm>>) target(%arg7 : memref<64x512xf32, #tpu.memory_space<vmem>>) offsets(%dma_start3A_226 : memref<64xi32, #tpu.memory_space<vmem>>) semaphore(%arg8 : memref<!tpu.dma_semaphore, #tpu.memory_space<semaphore_mem>>)
    %mul3A_230 = arith.constant 1024 : i32
    %mul3A_231 = arith.muli %add3A, %mul3A_230 : i32
    %add3A_232 = arith.constant 512 : i32
    %add3A_233 = arith.addi %mul3A_231, %add3A_232 : i32
    %dma_start3A_234 = arith.constant 0 : i32
    %dma_start3A_235 = tpu.memref_slice %arg4[%add3A_233, %dma_start3A_234] : memref<32768x512xf32, #tpu.memory_space<hbm>> -> memref<64x512xf32, #tpu.memory_space<hbm>>
    %dma_start3A_236 = arith.constant 0 : i32
    %dma_start3A_237 = tpu.memref_slice %arg4[%add3A_233, %dma_start3A_236] : memref<32768x512xf32, #tpu.memory_space<hbm>> -> memref<64x512xf32, #tpu.memory_space<hbm>>
    tpu.enqueue_dma source(%arg6 : memref<64x512xf32, #tpu.memory_space<vmem>>) target(%dma_start3A_237 : memref<64x512xf32, #tpu.memory_space<hbm>>) target_semaphore(%arg9 : memref<!tpu.dma_semaphore, #tpu.memory_space<semaphore_mem>>)
    %dma_wait3A_238 = arith.constant 9 : i32
    %dma_wait3A_239 = arith.constant 0 : i32
    %dma_wait3A_240 = tpu.memref_slice %arg5[%dma_wait3A_238, %dma_wait3A_239] : memref<16x64xi32, #tpu.memory_space<vmem>> -> memref<1x64xi32, #tpu.memory_space<vmem>>
    %dma_wait3A_241 = tpu.memref_squeeze %dma_wait3A_240 : memref<1x64xi32, #tpu.memory_space<vmem>> -> memref<64xi32, #tpu.memory_space<vmem>>
    %dma_wait3A_242 = arith.constant 0 : i32
    %dma_wait3A_243 = arith.constant 0 : i32
    %dma_wait3A_244 = tpu.memref_slice %arg2[%dma_wait3A_242, %dma_wait3A_243] : memref<1024x512xf32, #tpu.memory_space<hbm>> -> memref<1024x512xf32, #tpu.memory_space<hbm>>
    tpu.wait_indirect_dma semaphore(%arg8 : memref<!tpu.dma_semaphore, #tpu.memory_space<semaphore_mem>>) src(%dma_wait3A_244 : memref<1024x512xf32, #tpu.memory_space<hbm>>) dst(%arg7 : memref<64x512xf32, #tpu.memory_space<vmem>>)
    %dma_wait3A_245 = arith.constant 0 : i32
    %dma_wait3A_246 = tpu.memref_slice %arg4[%add3A_233, %dma_wait3A_245] : memref<32768x512xf32, #tpu.memory_space<hbm>> -> memref<64x512xf32, #tpu.memory_space<hbm>>
    %dma_wait3A_247 = arith.constant 0 : i32
    %dma_wait3A_248 = tpu.memref_slice %arg4[%add3A_233, %dma_wait3A_247] : memref<32768x512xf32, #tpu.memory_space<hbm>> -> memref<64x512xf32, #tpu.memory_space<hbm>>
    tpu.wait_dma2 semaphore(%arg9 : memref<!tpu.dma_semaphore, #tpu.memory_space<semaphore_mem>>) src(%arg6 : memref<64x512xf32, #tpu.memory_space<vmem>>) dst(%dma_wait3A_248 : memref<64x512xf32, #tpu.memory_space<hbm>>)
    %dma_start3A_249 = arith.constant 10 : i32
    %dma_start3A_250 = arith.constant 0 : i32
    %dma_start3A_251 = tpu.memref_slice %arg5[%dma_start3A_249, %dma_start3A_250] : memref<16x64xi32, #tpu.memory_space<vmem>> -> memref<1x64xi32, #tpu.memory_space<vmem>>
    %dma_start3A_252 = tpu.memref_squeeze %dma_start3A_251 : memref<1x64xi32, #tpu.memory_space<vmem>> -> memref<64xi32, #tpu.memory_space<vmem>>
    %dma_start3A_253 = arith.constant 0 : i32
    %dma_start3A_254 = arith.constant 0 : i32
    %dma_start3A_255 = tpu.memref_slice %arg2[%dma_start3A_253, %dma_start3A_254] : memref<1024x512xf32, #tpu.memory_space<hbm>> -> memref<1024x512xf32, #tpu.memory_space<hbm>>
    tpu.enqueue_indirect_dma source(%dma_start3A_255 : memref<1024x512xf32, #tpu.memory_space<hbm>>) target(%arg6 : memref<64x512xf32, #tpu.memory_space<vmem>>) offsets(%dma_start3A_252 : memref<64xi32, #tpu.memory_space<vmem>>) semaphore(%arg8 : memref<!tpu.dma_semaphore, #tpu.memory_space<semaphore_mem>>)
    %mul3A_256 = arith.constant 1024 : i32
    %mul3A_257 = arith.muli %add3A, %mul3A_256 : i32
    %add3A_258 = arith.constant 576 : i32
    %add3A_259 = arith.addi %mul3A_257, %add3A_258 : i32
    %dma_start3A_260 = arith.constant 0 : i32
    %dma_start3A_261 = tpu.memref_slice %arg4[%add3A_259, %dma_start3A_260] : memref<32768x512xf32, #tpu.memory_space<hbm>> -> memref<64x512xf32, #tpu.memory_space<hbm>>
    %dma_start3A_262 = arith.constant 0 : i32
    %dma_start3A_263 = tpu.memref_slice %arg4[%add3A_259, %dma_start3A_262] : memref<32768x512xf32, #tpu.memory_space<hbm>> -> memref<64x512xf32, #tpu.memory_space<hbm>>
    tpu.enqueue_dma source(%arg7 : memref<64x512xf32, #tpu.memory_space<vmem>>) target(%dma_start3A_263 : memref<64x512xf32, #tpu.memory_space<hbm>>) target_semaphore(%arg9 : memref<!tpu.dma_semaphore, #tpu.memory_space<semaphore_mem>>)
    %dma_wait3A_264 = arith.constant 10 : i32
    %dma_wait3A_265 = arith.constant 0 : i32
    %dma_wait3A_266 = tpu.memref_slice %arg5[%dma_wait3A_264, %dma_wait3A_265] : memref<16x64xi32, #tpu.memory_space<vmem>> -> memref<1x64xi32, #tpu.memory_space<vmem>>
    %dma_wait3A_267 = tpu.memref_squeeze %dma_wait3A_266 : memref<1x64xi32, #tpu.memory_space<vmem>> -> memref<64xi32, #tpu.memory_space<vmem>>
    %dma_wait3A_268 = arith.constant 0 : i32
    %dma_wait3A_269 = arith.constant 0 : i32
    %dma_wait3A_270 = tpu.memref_slice %arg2[%dma_wait3A_268, %dma_wait3A_269] : memref<1024x512xf32, #tpu.memory_space<hbm>> -> memref<1024x512xf32, #tpu.memory_space<hbm>>
    tpu.wait_indirect_dma semaphore(%arg8 : memref<!tpu.dma_semaphore, #tpu.memory_space<semaphore_mem>>) src(%dma_wait3A_270 : memref<1024x512xf32, #tpu.memory_space<hbm>>) dst(%arg6 : memref<64x512xf32, #tpu.memory_space<vmem>>)
    %dma_wait3A_271 = arith.constant 0 : i32
    %dma_wait3A_272 = tpu.memref_slice %arg4[%add3A_259, %dma_wait3A_271] : memref<32768x512xf32, #tpu.memory_space<hbm>> -> memref<64x512xf32, #tpu.memory_space<hbm>>
    %dma_wait3A_273 = arith.constant 0 : i32
    %dma_wait3A_274 = tpu.memref_slice %arg4[%add3A_259, %dma_wait3A_273] : memref<32768x512xf32, #tpu.memory_space<hbm>> -> memref<64x512xf32, #tpu.memory_space<hbm>>
    tpu.wait_dma2 semaphore(%arg9 : memref<!tpu.dma_semaphore, #tpu.memory_space<semaphore_mem>>) src(%arg7 : memref<64x512xf32, #tpu.memory_space<vmem>>) dst(%dma_wait3A_274 : memref<64x512xf32, #tpu.memory_space<hbm>>)
    %dma_start3A_275 = arith.constant 11 : i32
    %dma_start3A_276 = arith.constant 0 : i32
    %dma_start3A_277 = tpu.memref_slice %arg5[%dma_start3A_275, %dma_start3A_276] : memref<16x64xi32, #tpu.memory_space<vmem>> -> memref<1x64xi32, #tpu.memory_space<vmem>>
    %dma_start3A_278 = tpu.memref_squeeze %dma_start3A_277 : memref<1x64xi32, #tpu.memory_space<vmem>> -> memref<64xi32, #tpu.memory_space<vmem>>
    %dma_start3A_279 = arith.constant 0 : i32
    %dma_start3A_280 = arith.constant 0 : i32
    %dma_start3A_281 = tpu.memref_slice %arg2[%dma_start3A_279, %dma_start3A_280] : memref<1024x512xf32, #tpu.memory_space<hbm>> -> memref<1024x512xf32, #tpu.memory_space<hbm>>
    tpu.enqueue_indirect_dma source(%dma_start3A_281 : memref<1024x512xf32, #tpu.memory_space<hbm>>) target(%arg7 : memref<64x512xf32, #tpu.memory_space<vmem>>) offsets(%dma_start3A_278 : memref<64xi32, #tpu.memory_space<vmem>>) semaphore(%arg8 : memref<!tpu.dma_semaphore, #tpu.memory_space<semaphore_mem>>)
    %mul3A_282 = arith.constant 1024 : i32
    %mul3A_283 = arith.muli %add3A, %mul3A_282 : i32
    %add3A_284 = arith.constant 640 : i32
    %add3A_285 = arith.addi %mul3A_283, %add3A_284 : i32
    %dma_start3A_286 = arith.constant 0 : i32
    %dma_start3A_287 = tpu.memref_slice %arg4[%add3A_285, %dma_start3A_286] : memref<32768x512xf32, #tpu.memory_space<hbm>> -> memref<64x512xf32, #tpu.memory_space<hbm>>
    %dma_start3A_288 = arith.constant 0 : i32
    %dma_start3A_289 = tpu.memref_slice %arg4[%add3A_285, %dma_start3A_288] : memref<32768x512xf32, #tpu.memory_space<hbm>> -> memref<64x512xf32, #tpu.memory_space<hbm>>
    tpu.enqueue_dma source(%arg6 : memref<64x512xf32, #tpu.memory_space<vmem>>) target(%dma_start3A_289 : memref<64x512xf32, #tpu.memory_space<hbm>>) target_semaphore(%arg9 : memref<!tpu.dma_semaphore, #tpu.memory_space<semaphore_mem>>)
    %dma_wait3A_290 = arith.constant 11 : i32
    %dma_wait3A_291 = arith.constant 0 : i32
    %dma_wait3A_292 = tpu.memref_slice %arg5[%dma_wait3A_290, %dma_wait3A_291] : memref<16x64xi32, #tpu.memory_space<vmem>> -> memref<1x64xi32, #tpu.memory_space<vmem>>
    %dma_wait3A_293 = tpu.memref_squeeze %dma_wait3A_292 : memref<1x64xi32, #tpu.memory_space<vmem>> -> memref<64xi32, #tpu.memory_space<vmem>>
    %dma_wait3A_294 = arith.constant 0 : i32
    %dma_wait3A_295 = arith.constant 0 : i32
    %dma_wait3A_296 = tpu.memref_slice %arg2[%dma_wait3A_294, %dma_wait3A_295] : memref<1024x512xf32, #tpu.memory_space<hbm>> -> memref<1024x512xf32, #tpu.memory_space<hbm>>
    tpu.wait_indirect_dma semaphore(%arg8 : memref<!tpu.dma_semaphore, #tpu.memory_space<semaphore_mem>>) src(%dma_wait3A_296 : memref<1024x512xf32, #tpu.memory_space<hbm>>) dst(%arg7 : memref<64x512xf32, #tpu.memory_space<vmem>>)
    %dma_wait3A_297 = arith.constant 0 : i32
    %dma_wait3A_298 = tpu.memref_slice %arg4[%add3A_285, %dma_wait3A_297] : memref<32768x512xf32, #tpu.memory_space<hbm>> -> memref<64x512xf32, #tpu.memory_space<hbm>>
    %dma_wait3A_299 = arith.constant 0 : i32
    %dma_wait3A_300 = tpu.memref_slice %arg4[%add3A_285, %dma_wait3A_299] : memref<32768x512xf32, #tpu.memory_space<hbm>> -> memref<64x512xf32, #tpu.memory_space<hbm>>
    tpu.wait_dma2 semaphore(%arg9 : memref<!tpu.dma_semaphore, #tpu.memory_space<semaphore_mem>>) src(%arg6 : memref<64x512xf32, #tpu.memory_space<vmem>>) dst(%dma_wait3A_300 : memref<64x512xf32, #tpu.memory_space<hbm>>)
    %dma_start3A_301 = arith.constant 12 : i32
    %dma_start3A_302 = arith.constant 0 : i32
    %dma_start3A_303 = tpu.memref_slice %arg5[%dma_start3A_301, %dma_start3A_302] : memref<16x64xi32, #tpu.memory_space<vmem>> -> memref<1x64xi32, #tpu.memory_space<vmem>>
    %dma_start3A_304 = tpu.memref_squeeze %dma_start3A_303 : memref<1x64xi32, #tpu.memory_space<vmem>> -> memref<64xi32, #tpu.memory_space<vmem>>
    %dma_start3A_305 = arith.constant 0 : i32
    %dma_start3A_306 = arith.constant 0 : i32
    %dma_start3A_307 = tpu.memref_slice %arg2[%dma_start3A_305, %dma_start3A_306] : memref<1024x512xf32, #tpu.memory_space<hbm>> -> memref<1024x512xf32, #tpu.memory_space<hbm>>
    tpu.enqueue_indirect_dma source(%dma_start3A_307 : memref<1024x512xf32, #tpu.memory_space<hbm>>) target(%arg6 : memref<64x512xf32, #tpu.memory_space<vmem>>) offsets(%dma_start3A_304 : memref<64xi32, #tpu.memory_space<vmem>>) semaphore(%arg8 : memref<!tpu.dma_semaphore, #tpu.memory_space<semaphore_mem>>)
    %mul3A_308 = arith.constant 1024 : i32
    %mul3A_309 = arith.muli %add3A, %mul3A_308 : i32
    %add3A_310 = arith.constant 704 : i32
    %add3A_311 = arith.addi %mul3A_309, %add3A_310 : i32
    %dma_start3A_312 = arith.constant 0 : i32
    %dma_start3A_313 = tpu.memref_slice %arg4[%add3A_311, %dma_start3A_312] : memref<32768x512xf32, #tpu.memory_space<hbm>> -> memref<64x512xf32, #tpu.memory_space<hbm>>
    %dma_start3A_314 = arith.constant 0 : i32
    %dma_start3A_315 = tpu.memref_slice %arg4[%add3A_311, %dma_start3A_314] : memref<32768x512xf32, #tpu.memory_space<hbm>> -> memref<64x512xf32, #tpu.memory_space<hbm>>
    tpu.enqueue_dma source(%arg7 : memref<64x512xf32, #tpu.memory_space<vmem>>) target(%dma_start3A_315 : memref<64x512xf32, #tpu.memory_space<hbm>>) target_semaphore(%arg9 : memref<!tpu.dma_semaphore, #tpu.memory_space<semaphore_mem>>)
    %dma_wait3A_316 = arith.constant 12 : i32
    %dma_wait3A_317 = arith.constant 0 : i32
    %dma_wait3A_318 = tpu.memref_slice %arg5[%dma_wait3A_316, %dma_wait3A_317] : memref<16x64xi32, #tpu.memory_space<vmem>> -> memref<1x64xi32, #tpu.memory_space<vmem>>
    %dma_wait3A_319 = tpu.memref_squeeze %dma_wait3A_318 : memref<1x64xi32, #tpu.memory_space<vmem>> -> memref<64xi32, #tpu.memory_space<vmem>>
    %dma_wait3A_320 = arith.constant 0 : i32
    %dma_wait3A_321 = arith.constant 0 : i32
    %dma_wait3A_322 = tpu.memref_slice %arg2[%dma_wait3A_320, %dma_wait3A_321] : memref<1024x512xf32, #tpu.memory_space<hbm>> -> memref<1024x512xf32, #tpu.memory_space<hbm>>
    tpu.wait_indirect_dma semaphore(%arg8 : memref<!tpu.dma_semaphore, #tpu.memory_space<semaphore_mem>>) src(%dma_wait3A_322 : memref<1024x512xf32, #tpu.memory_space<hbm>>) dst(%arg6 : memref<64x512xf32, #tpu.memory_space<vmem>>)
    %dma_wait3A_323 = arith.constant 0 : i32
    %dma_wait3A_324 = tpu.memref_slice %arg4[%add3A_311, %dma_wait3A_323] : memref<32768x512xf32, #tpu.memory_space<hbm>> -> memref<64x512xf32, #tpu.memory_space<hbm>>
    %dma_wait3A_325 = arith.constant 0 : i32
    %dma_wait3A_326 = tpu.memref_slice %arg4[%add3A_311, %dma_wait3A_325] : memref<32768x512xf32, #tpu.memory_space<hbm>> -> memref<64x512xf32, #tpu.memory_space<hbm>>
    tpu.wait_dma2 semaphore(%arg9 : memref<!tpu.dma_semaphore, #tpu.memory_space<semaphore_mem>>) src(%arg7 : memref<64x512xf32, #tpu.memory_space<vmem>>) dst(%dma_wait3A_326 : memref<64x512xf32, #tpu.memory_space<hbm>>)
    %dma_start3A_327 = arith.constant 13 : i32
    %dma_start3A_328 = arith.constant 0 : i32
    %dma_start3A_329 = tpu.memref_slice %arg5[%dma_start3A_327, %dma_start3A_328] : memref<16x64xi32, #tpu.memory_space<vmem>> -> memref<1x64xi32, #tpu.memory_space<vmem>>
    %dma_start3A_330 = tpu.memref_squeeze %dma_start3A_329 : memref<1x64xi32, #tpu.memory_space<vmem>> -> memref<64xi32, #tpu.memory_space<vmem>>
    %dma_start3A_331 = arith.constant 0 : i32
    %dma_start3A_332 = arith.constant 0 : i32
    %dma_start3A_333 = tpu.memref_slice %arg2[%dma_start3A_331, %dma_start3A_332] : memref<1024x512xf32, #tpu.memory_space<hbm>> -> memref<1024x512xf32, #tpu.memory_space<hbm>>
    tpu.enqueue_indirect_dma source(%dma_start3A_333 : memref<1024x512xf32, #tpu.memory_space<hbm>>) target(%arg7 : memref<64x512xf32, #tpu.memory_space<vmem>>) offsets(%dma_start3A_330 : memref<64xi32, #tpu.memory_space<vmem>>) semaphore(%arg8 : memref<!tpu.dma_semaphore, #tpu.memory_space<semaphore_mem>>)
    %mul3A_334 = arith.constant 1024 : i32
    %mul3A_335 = arith.muli %add3A, %mul3A_334 : i32
    %add3A_336 = arith.constant 768 : i32
    %add3A_337 = arith.addi %mul3A_335, %add3A_336 : i32
    %dma_start3A_338 = arith.constant 0 : i32
    %dma_start3A_339 = tpu.memref_slice %arg4[%add3A_337, %dma_start3A_338] : memref<32768x512xf32, #tpu.memory_space<hbm>> -> memref<64x512xf32, #tpu.memory_space<hbm>>
    %dma_start3A_340 = arith.constant 0 : i32
    %dma_start3A_341 = tpu.memref_slice %arg4[%add3A_337, %dma_start3A_340] : memref<32768x512xf32, #tpu.memory_space<hbm>> -> memref<64x512xf32, #tpu.memory_space<hbm>>
    tpu.enqueue_dma source(%arg6 : memref<64x512xf32, #tpu.memory_space<vmem>>) target(%dma_start3A_341 : memref<64x512xf32, #tpu.memory_space<hbm>>) target_semaphore(%arg9 : memref<!tpu.dma_semaphore, #tpu.memory_space<semaphore_mem>>)
    %dma_wait3A_342 = arith.constant 13 : i32
    %dma_wait3A_343 = arith.constant 0 : i32
    %dma_wait3A_344 = tpu.memref_slice %arg5[%dma_wait3A_342, %dma_wait3A_343] : memref<16x64xi32, #tpu.memory_space<vmem>> -> memref<1x64xi32, #tpu.memory_space<vmem>>
    %dma_wait3A_345 = tpu.memref_squeeze %dma_wait3A_344 : memref<1x64xi32, #tpu.memory_space<vmem>> -> memref<64xi32, #tpu.memory_space<vmem>>
    %dma_wait3A_346 = arith.constant 0 : i32
    %dma_wait3A_347 = arith.constant 0 : i32
    %dma_wait3A_348 = tpu.memref_slice %arg2[%dma_wait3A_346, %dma_wait3A_347] : memref<1024x512xf32, #tpu.memory_space<hbm>> -> memref<1024x512xf32, #tpu.memory_space<hbm>>
    tpu.wait_indirect_dma semaphore(%arg8 : memref<!tpu.dma_semaphore, #tpu.memory_space<semaphore_mem>>) src(%dma_wait3A_348 : memref<1024x512xf32, #tpu.memory_space<hbm>>) dst(%arg7 : memref<64x512xf32, #tpu.memory_space<vmem>>)
    %dma_wait3A_349 = arith.constant 0 : i32
    %dma_wait3A_350 = tpu.memref_slice %arg4[%add3A_337, %dma_wait3A_349] : memref<32768x512xf32, #tpu.memory_space<hbm>> -> memref<64x512xf32, #tpu.memory_space<hbm>>
    %dma_wait3A_351 = arith.constant 0 : i32
    %dma_wait3A_352 = tpu.memref_slice %arg4[%add3A_337, %dma_wait3A_351] : memref<32768x512xf32, #tpu.memory_space<hbm>> -> memref<64x512xf32, #tpu.memory_space<hbm>>
    tpu.wait_dma2 semaphore(%arg9 : memref<!tpu.dma_semaphore, #tpu.memory_space<semaphore_mem>>) src(%arg6 : memref<64x512xf32, #tpu.memory_space<vmem>>) dst(%dma_wait3A_352 : memref<64x512xf32, #tpu.memory_space<hbm>>)
    %dma_start3A_353 = arith.constant 14 : i32
    %dma_start3A_354 = arith.constant 0 : i32
    %dma_start3A_355 = tpu.memref_slice %arg5[%dma_start3A_353, %dma_start3A_354] : memref<16x64xi32, #tpu.memory_space<vmem>> -> memref<1x64xi32, #tpu.memory_space<vmem>>
    %dma_start3A_356 = tpu.memref_squeeze %dma_start3A_355 : memref<1x64xi32, #tpu.memory_space<vmem>> -> memref<64xi32, #tpu.memory_space<vmem>>
    %dma_start3A_357 = arith.constant 0 : i32
    %dma_start3A_358 = arith.constant 0 : i32
    %dma_start3A_359 = tpu.memref_slice %arg2[%dma_start3A_357, %dma_start3A_358] : memref<1024x512xf32, #tpu.memory_space<hbm>> -> memref<1024x512xf32, #tpu.memory_space<hbm>>
    tpu.enqueue_indirect_dma source(%dma_start3A_359 : memref<1024x512xf32, #tpu.memory_space<hbm>>) target(%arg6 : memref<64x512xf32, #tpu.memory_space<vmem>>) offsets(%dma_start3A_356 : memref<64xi32, #tpu.memory_space<vmem>>) semaphore(%arg8 : memref<!tpu.dma_semaphore, #tpu.memory_space<semaphore_mem>>)
    %mul3A_360 = arith.constant 1024 : i32
    %mul3A_361 = arith.muli %add3A, %mul3A_360 : i32
    %add3A_362 = arith.constant 832 : i32
    %add3A_363 = arith.addi %mul3A_361, %add3A_362 : i32
    %dma_start3A_364 = arith.constant 0 : i32
    %dma_start3A_365 = tpu.memref_slice %arg4[%add3A_363, %dma_start3A_364] : memref<32768x512xf32, #tpu.memory_space<hbm>> -> memref<64x512xf32, #tpu.memory_space<hbm>>
    %dma_start3A_366 = arith.constant 0 : i32
    %dma_start3A_367 = tpu.memref_slice %arg4[%add3A_363, %dma_start3A_366] : memref<32768x512xf32, #tpu.memory_space<hbm>> -> memref<64x512xf32, #tpu.memory_space<hbm>>
    tpu.enqueue_dma source(%arg7 : memref<64x512xf32, #tpu.memory_space<vmem>>) target(%dma_start3A_367 : memref<64x512xf32, #tpu.memory_space<hbm>>) target_semaphore(%arg9 : memref<!tpu.dma_semaphore, #tpu.memory_space<semaphore_mem>>)
    %dma_wait3A_368 = arith.constant 14 : i32
    %dma_wait3A_369 = arith.constant 0 : i32
    %dma_wait3A_370 = tpu.memref_slice %arg5[%dma_wait3A_368, %dma_wait3A_369] : memref<16x64xi32, #tpu.memory_space<vmem>> -> memref<1x64xi32, #tpu.memory_space<vmem>>
    %dma_wait3A_371 = tpu.memref_squeeze %dma_wait3A_370 : memref<1x64xi32, #tpu.memory_space<vmem>> -> memref<64xi32, #tpu.memory_space<vmem>>
    %dma_wait3A_372 = arith.constant 0 : i32
    %dma_wait3A_373 = arith.constant 0 : i32
    %dma_wait3A_374 = tpu.memref_slice %arg2[%dma_wait3A_372, %dma_wait3A_373] : memref<1024x512xf32, #tpu.memory_space<hbm>> -> memref<1024x512xf32, #tpu.memory_space<hbm>>
    tpu.wait_indirect_dma semaphore(%arg8 : memref<!tpu.dma_semaphore, #tpu.memory_space<semaphore_mem>>) src(%dma_wait3A_374 : memref<1024x512xf32, #tpu.memory_space<hbm>>) dst(%arg6 : memref<64x512xf32, #tpu.memory_space<vmem>>)
    %dma_wait3A_375 = arith.constant 0 : i32
    %dma_wait3A_376 = tpu.memref_slice %arg4[%add3A_363, %dma_wait3A_375] : memref<32768x512xf32, #tpu.memory_space<hbm>> -> memref<64x512xf32, #tpu.memory_space<hbm>>
    %dma_wait3A_377 = arith.constant 0 : i32
    %dma_wait3A_378 = tpu.memref_slice %arg4[%add3A_363, %dma_wait3A_377] : memref<32768x512xf32, #tpu.memory_space<hbm>> -> memref<64x512xf32, #tpu.memory_space<hbm>>
    tpu.wait_dma2 semaphore(%arg9 : memref<!tpu.dma_semaphore, #tpu.memory_space<semaphore_mem>>) src(%arg7 : memref<64x512xf32, #tpu.memory_space<vmem>>) dst(%dma_wait3A_378 : memref<64x512xf32, #tpu.memory_space<hbm>>)
    %dma_start3A_379 = arith.constant 15 : i32
    %dma_start3A_380 = arith.constant 0 : i32
    %dma_start3A_381 = tpu.memref_slice %arg5[%dma_start3A_379, %dma_start3A_380] : memref<16x64xi32, #tpu.memory_space<vmem>> -> memref<1x64xi32, #tpu.memory_space<vmem>>
    %dma_start3A_382 = tpu.memref_squeeze %dma_start3A_381 : memref<1x64xi32, #tpu.memory_space<vmem>> -> memref<64xi32, #tpu.memory_space<vmem>>
    %dma_start3A_383 = arith.constant 0 : i32
    %dma_start3A_384 = arith.constant 0 : i32
    %dma_start3A_385 = tpu.memref_slice %arg2[%dma_start3A_383, %dma_start3A_384] : memref<1024x512xf32, #tpu.memory_space<hbm>> -> memref<1024x512xf32, #tpu.memory_space<hbm>>
    tpu.enqueue_indirect_dma source(%dma_start3A_385 : memref<1024x512xf32, #tpu.memory_space<hbm>>) target(%arg7 : memref<64x512xf32, #tpu.memory_space<vmem>>) offsets(%dma_start3A_382 : memref<64xi32, #tpu.memory_space<vmem>>) semaphore(%arg8 : memref<!tpu.dma_semaphore, #tpu.memory_space<semaphore_mem>>)
    %mul3A_386 = arith.constant 1024 : i32
    %mul3A_387 = arith.muli %add3A, %mul3A_386 : i32
    %add3A_388 = arith.constant 896 : i32
    %add3A_389 = arith.addi %mul3A_387, %add3A_388 : i32
    %dma_start3A_390 = arith.constant 0 : i32
    %dma_start3A_391 = tpu.memref_slice %arg4[%add3A_389, %dma_start3A_390] : memref<32768x512xf32, #tpu.memory_space<hbm>> -> memref<64x512xf32, #tpu.memory_space<hbm>>
    %dma_start3A_392 = arith.constant 0 : i32
    %dma_start3A_393 = tpu.memref_slice %arg4[%add3A_389, %dma_start3A_392] : memref<32768x512xf32, #tpu.memory_space<hbm>> -> memref<64x512xf32, #tpu.memory_space<hbm>>
    tpu.enqueue_dma source(%arg6 : memref<64x512xf32, #tpu.memory_space<vmem>>) target(%dma_start3A_393 : memref<64x512xf32, #tpu.memory_space<hbm>>) target_semaphore(%arg9 : memref<!tpu.dma_semaphore, #tpu.memory_space<semaphore_mem>>)
    %dma_wait3A_394 = arith.constant 15 : i32
    %dma_wait3A_395 = arith.constant 0 : i32
    %dma_wait3A_396 = tpu.memref_slice %arg5[%dma_wait3A_394, %dma_wait3A_395] : memref<16x64xi32, #tpu.memory_space<vmem>> -> memref<1x64xi32, #tpu.memory_space<vmem>>
    %dma_wait3A_397 = tpu.memref_squeeze %dma_wait3A_396 : memref<1x64xi32, #tpu.memory_space<vmem>> -> memref<64xi32, #tpu.memory_space<vmem>>
    %dma_wait3A_398 = arith.constant 0 : i32
    %dma_wait3A_399 = arith.constant 0 : i32
    %dma_wait3A_400 = tpu.memref_slice %arg2[%dma_wait3A_398, %dma_wait3A_399] : memref<1024x512xf32, #tpu.memory_space<hbm>> -> memref<1024x512xf32, #tpu.memory_space<hbm>>
    tpu.wait_indirect_dma semaphore(%arg8 : memref<!tpu.dma_semaphore, #tpu.memory_space<semaphore_mem>>) src(%dma_wait3A_400 : memref<1024x512xf32, #tpu.memory_space<hbm>>) dst(%arg7 : memref<64x512xf32, #tpu.memory_space<vmem>>)
    %dma_wait3A_401 = arith.constant 0 : i32
    %dma_wait3A_402 = tpu.memref_slice %arg4[%add3A_389, %dma_wait3A_401] : memref<32768x512xf32, #tpu.memory_space<hbm>> -> memref<64x512xf32, #tpu.memory_space<hbm>>
    %dma_wait3A_403 = arith.constant 0 : i32
    %dma_wait3A_404 = tpu.memref_slice %arg4[%add3A_389, %dma_wait3A_403] : memref<32768x512xf32, #tpu.memory_space<hbm>> -> memref<64x512xf32, #tpu.memory_space<hbm>>
    tpu.wait_dma2 semaphore(%arg9 : memref<!tpu.dma_semaphore, #tpu.memory_space<semaphore_mem>>) src(%arg6 : memref<64x512xf32, #tpu.memory_space<vmem>>) dst(%dma_wait3A_404 : memref<64x512xf32, #tpu.memory_space<hbm>>)
    %mul3A_405 = arith.constant 1024 : i32
    %mul3A_406 = arith.muli %add3A, %mul3A_405 : i32
    %add3A_407 = arith.constant 960 : i32
    %add3A_408 = arith.addi %mul3A_406, %add3A_407 : i32
    %dma_start3A_409 = arith.constant 0 : i32
    %dma_start3A_410 = tpu.memref_slice %arg4[%add3A_408, %dma_start3A_409] : memref<32768x512xf32, #tpu.memory_space<hbm>> -> memref<64x512xf32, #tpu.memory_space<hbm>>
    %dma_start3A_411 = arith.constant 0 : i32
    %dma_start3A_412 = tpu.memref_slice %arg4[%add3A_408, %dma_start3A_411] : memref<32768x512xf32, #tpu.memory_space<hbm>> -> memref<64x512xf32, #tpu.memory_space<hbm>>
    tpu.enqueue_dma source(%arg7 : memref<64x512xf32, #tpu.memory_space<vmem>>) target(%dma_start3A_412 : memref<64x512xf32, #tpu.memory_space<hbm>>) target_semaphore(%arg9 : memref<!tpu.dma_semaphore, #tpu.memory_space<semaphore_mem>>)
    %dma_wait3A_413 = arith.constant 0 : i32
    %dma_wait3A_414 = tpu.memref_slice %arg4[%add3A_408, %dma_wait3A_413] : memref<32768x512xf32, #tpu.memory_space<hbm>> -> memref<64x512xf32, #tpu.memory_space<hbm>>
    %dma_wait3A_415 = arith.constant 0 : i32
    %dma_wait3A_416 = tpu.memref_slice %arg4[%add3A_408, %dma_wait3A_415] : memref<32768x512xf32, #tpu.memory_space<hbm>> -> memref<64x512xf32, #tpu.memory_space<hbm>>
    tpu.wait_dma2 semaphore(%arg9 : memref<!tpu.dma_semaphore, #tpu.memory_space<semaphore_mem>>) src(%arg7 : memref<64x512xf32, #tpu.memory_space<vmem>>) dst(%dma_wait3A_416 : memref<64x512xf32, #tpu.memory_space<hbm>>)
    return
  }
}

module attributes {stable_mosaic.version = 14 : i64} {
  func.func @_tc_segsum_body(%arg0: i32, %arg1: memref<1x1x4096xi32, #tpu.memory_space<vmem>>, %arg2: memref<4096x512xf32, #tpu.memory_space<vmem>>, %arg3: memref<1024x512xf32, #tpu.memory_space<vmem>>, %arg4: memref<1024x512xf32, #tpu.memory_space<vmem>>) attributes {dimension_semantics = [#tpu.dimension_semantics<arbitrary>], iteration_bounds = array<i64: 8>, scalar_prefetch = 0 : i64, scratch_operands = 0 : i64, tpu.core_type = #tpu.core_type<tc>, window_params = [{transform_indices = @transform_0, window_bounds = array<i64: 1, 1, 4096>}, {transform_indices = @transform_1, window_bounds = array<i64: 4096, 512>}, {pipeline_mode = #tpu.pipeline_mode<synchronous>, transform_indices = @transform_2, window_bounds = array<i64: 1024, 512>}, {pipeline_mode = #tpu.pipeline_mode<synchronous>, transform_indices = @transform_3, window_bounds = array<i64: 1024, 512>}]} {
    %eq3A = arith.constant 0 : i32
    %eq3A_0 = arith.cmpi eq, %arg0, %eq3A : i32
    %convert_element_type3A = arith.extui %eq3A_0 : i1 to i32
    %cond3A = arith.constant 0 : i32
    %cond3A_1 = arith.cmpi ne, %convert_element_type3A, %cond3A : i32
    scf.if %cond3A_1 {
      %get3A_21 = arith.constant 0 : index
      %get3A_22 = arith.constant 0 : index
      %get3A_23 = vector.load %arg3[%get3A_21, %get3A_22] : memref<1024x512xf32, #tpu.memory_space<vmem>>, vector<1024x512xf32>
      %swap3A_24 = arith.constant 0 : index
      %swap3A_25 = arith.constant 0 : index
      %swap3A_26 = vector.load %arg4[%swap3A_24, %swap3A_25] : memref<1024x512xf32, #tpu.memory_space<vmem>>, vector<1024x512xf32>
      tpu.vector_store %arg4[%swap3A_24, %swap3A_25], %get3A_23 {strides = array<i32>} : memref<1024x512xf32, #tpu.memory_space<vmem>>, vector<1024x512xf32>,
    } else {
    }
    %get3A = arith.constant 0 : index
    %get3A_2 = arith.constant 0 : index
    %get3A_3 = arith.constant 0 : index
    %get3A_4 = vector.load %arg1[%get3A, %get3A_2, %get3A_3] : memref<1x1x4096xi32, #tpu.memory_space<vmem>>, vector<1x1x4096xi32>
    %get3A_5 = vector.shape_cast %get3A_4 : vector<1x1x4096xi32> to vector<4096xi32>
    %iota3A = tpu.iota {dimensions = array<i32: 0>} : vector<1024x4096xi32>
    %broadcast_in_dim3A = vector.shape_cast %get3A_5 : vector<4096xi32> to vector<1x4096xi32>
    %eq3A_6 = vector.broadcast %broadcast_in_dim3A : vector<1x4096xi32> to vector<1024x4096xi32>
    %eq3A_7 = arith.cmpi eq, %iota3A, %eq3A_6 : vector<1024x4096xi32>
    %convert_element_type3A_8 = arith.extui %eq3A_7 : vector<1024x4096xi1> to vector<1024x4096xi32>
    %convert_element_type3A_9 = arith.sitofp %convert_element_type3A_8 : vector<1024x4096xi32> to vector<1024x4096xf32>
    %convert_element_type3A_10 = arith.truncf %convert_element_type3A_9 : vector<1024x4096xf32> to vector<1024x4096xbf16>
    %get3A_11 = arith.constant 0 : index
    %get3A_12 = arith.constant 0 : index
    %get3A_13 = vector.load %arg2[%get3A_11, %get3A_12] : memref<4096x512xf32, #tpu.memory_space<vmem>>, vector<4096x512xf32>
    %convert_element_type3A_14 = arith.truncf %get3A_13 : vector<4096x512xf32> to vector<4096x512xbf16>
    %get3A_15 = arith.constant 0 : index
    %get3A_16 = arith.constant 0 : index
    %get3A_17 = vector.load %arg4[%get3A_15, %get3A_16] : memref<1024x512xf32, #tpu.memory_space<vmem>>, vector<1024x512xf32>
    %dot_general3A = arith.constant dense<0.000000e+00> : vector<1024x512xf32>
    %dot_general3A_18 = tpu.matmul %convert_element_type3A_10, %convert_element_type3A_14, %dot_general3A {dimension_numbers = #tpu.dot_dimension_numbers<[1], [0], [0], [1], [0, 0, 1, 1], [], []>, transpose_lhs_hint = false} : vector<1024x4096xbf16>, vector<4096x512xbf16>, vector<1024x512xf32> -> vector<1024x512xf32>
    %add3A = arith.addf %get3A_17, %dot_general3A_18 : vector<1024x512xf32>
    %swap3A = arith.constant 0 : index
    %swap3A_19 = arith.constant 0 : index
    %swap3A_20 = vector.load %arg4[%swap3A, %swap3A_19] : memref<1024x512xf32, #tpu.memory_space<vmem>>, vector<1024x512xf32>
    tpu.vector_store %arg4[%swap3A, %swap3A_19], %add3A {strides = array<i32>} : memref<1024x512xf32, #tpu.memory_space<vmem>>, vector<1024x512xf32>,
    return
  }
  func.func @transform_0(%arg0: i32) -> (i32, i32, i32) {
    %c0_i32 = arith.constant 0 : i32
    %c0_i32_0 = arith.constant 0 : i32
    %c0_i32_1 = arith.constant 0 : i32
    return %arg0, %c0_i32, %c0_i32_0 : i32, i32, i32
  }
  func.func @transform_1(%arg0: i32) -> (i32, i32) {
    %c0_i32 = arith.constant 0 : i32
    %c0_i32_0 = arith.constant 0 : i32
    return %arg0, %c0_i32 : i32, i32
  }
  func.func @transform_2(%arg0: i32) -> (i32, i32) {
    %c0_i32 = arith.constant 0 : i32
    %c0_i32_0 = arith.constant 0 : i32
    %c0_i32_1 = arith.constant 0 : i32
    return %c0_i32, %c0_i32_0 : i32, i32
  }
  func.func @transform_3(%arg0: i32) -> (i32, i32) {
    %c0_i32 = arith.constant 0 : i32
    %c0_i32_0 = arith.constant 0 : i32
    %c0_i32_1 = arith.constant 0 : i32
    return %c0_i32, %c0_i32_0 : i32, i32
  }
}

</mosaic_0001>

<sc_bundles>
// kernel: kernel.5.cloned.1.call-start
scs
__scs_entry_jumppad:
0x0: {  	(pc) =	sbr.rel $0x88, $3  }
0x1: {  	(tag) =	ssettag $0x0;
	lr =	simm.s32 $0x1  }
0x2: {  	[smem:$0x3F9C] =	sst lr;
	_ =	strace $0xD0000000  }
0x3: {  	_ = 	snop  }
0x4: {  	_ = 	snop  }
0x5: {  	_ = 	snop  }
0x6: {  	_ = 	snop  }
0x7: {  	_ = 	snop  }
__scs_overlays_trampoline_lowered:
0x8: {  	[smem:$0x3FAB] =	sst s0  }
0x9: {  	[smem:$0x3FAC] =	sst s1  }
0xa: {  	[smem:$0x3FAD] =	sst s2  }
0xb: {  	[smem:$0x3FAE] =	sst s3  }
0xc: {  	[smem:$0x3FAF] =	sst s4  }
0xd: {  	[smem:$0x3FB0] =	sst s5  }
0xe: {  	[smem:$0x3FB1] =	sst s6  }
0xf: {  	[smem:$0x3FB2] =	sst s7  }
0x10: {  	[smem:$0x3FB3] =	sst s8  }
0x11: {  	[smem:$0x3FB4] =	sst s9;
	s0 =	simm.s32 @!p0 $0x0  }
0x12: {  	s1 =	sld [smem:$0x3F9A];
	s0 =	simm.s32 @p0 $0x1  }
0x13: {  	[smem:$0x3FB5] =	sst s0;
	s0 =	simm.s32 @!p1 $0x0  }
0x14: {  	s2 =	sld [smem:$0x3F99];
	s0 =	simm.s32 @p1 $0x1  }
0x15: {  	[smem:$0x3FB6] =	sst s0;
	s0 =	simm.s32 @!p2 $0x0  }
0x16: {  	s3 =	sld [smem:$0x3FDB];
	s0 =	simm.s32 @p2 $0x1  }
0x17: {  	s4 =	simm.s32 $0x1BF5;
	[smem:$0x3FB8] =	sst s0  }
0x18: {  	s0 =	sld [smem:$0x3F9B];
	_ =	swait.ge [sflag:s4], $0x0  }
0x19: {  	s7 =	sld [smem:$0x3F9C]  }
0x1a: {  	s8 =	sadd.s32 $0xFFFFE003, lr  }
0x1b: {  	s9 =	sadd.s32 $0xFFFFFEF7, lr;
	s5 =	simm.s32 $0xFFFFFFFF;
	p2 =	slt.u32 s8, $0xFFFFF086  }
0x1c: {  	p1 =	slt.u32 s9, $0xF7A;
	s5 =	simm.s32 @!p2 $0x0  }
0x1d: {  	s5 =	simm.s32 @p1 $0x1;
	p0 =	seq.s32 s7, s2  }
0x1e: {  	s7 =	smul.u32 @!p0 $0xF7A, s2;
	p2 =	seq.s32 @!p0 s5, $0x0  }
0x1f: {  	s9 =	smul.u32 $0xF7A, s1;
	s8 =	simm.s32 @!p0 $0x1BF5;
	p2 =	por !p2, p0  }
0x20: {  	[sflag:s8] =	ssyncset.s32 @!p0 $0xFFFFF086;
	s6 =	sadd.s32 @!p0 s3, s7;
	s7 =	simm.s32 @!p0 $0x108  }
0x21: {  	s3 =	sadd.s32 s3, s9;
	s6 =	sadd.s32 @!p0 $0x88, s6;
	s7 =	simm.s32 @p2 $0x1082  }
0x22: {  	[simem:s7], [sflag:s8] =	dma.local @!p0 [hbm:s6], $0xF7A  }
0x23: {  	s9 =	sor.u32 $0xD0000000, s2;
	s6 =	simm.s32 $0x108;
	_ =	swait.ge @!p0 [sflag:s8], $0x0  }
0x24: {  	s3 =	sadd.s32 $0x88, s3;
	s6 =	simm.s32 @!p1 $0x1082;
	[sflag:s4] =	ssyncset.s32 $0xFFFFF086  }
0x25: {  	[simem:s6], [sflag:s4] =	dma.local [hbm:s3], $0xF7A  }
0x26: {  	[smem:$0x3F9C] =	sst s1;
	(tag) =	ssettag s2;
	_ =	strace s9  }
0x27: {  	s1 =	sld [smem:$0x3FAC]  }
0x28: {  	s2 =	sld [smem:$0x3FAD]  }
0x29: {  	s4 =	sld [smem:$0x3FAF]  }
0x2a: {  	p0 =	seq.s32 s5, $0x0;
	s5 =	sld [smem:$0x3FB0]  }
0x2b: {  	s6 =	sld [smem:$0x3FB1]  }
0x2c: {  	s7 =	sld [smem:$0x3FB2]  }
0x2d: {  	s3 =	simm.s32 $0x108;
	s8 =	sld [smem:$0x3FB3]  }
0x2e: {  	s3 =	simm.s32 @!p0 $0x1082;
	s9 =	sld [smem:$0x3FB4]  }
0x2f: {  	lr =	sadd.s32 s0, s3;
	s0 =	sld [smem:$0x3FAB]  }
0x30: {  	s3 =	sld [smem:$0x3FAE]  }
0x31: {  	[smem:$0x3FB7] =	sst s10  }
0x32: {  	s10 =	sld [smem:$0x3FB5];
	_ =	sdelay $0x3  }
0x33: {  	p0 =	seq.s32 s10, $0x1;
	s10 =	sld [smem:$0x3FB7];
	_ =	sdelay $0x3  }
0x34: {  	[smem:$0x3FB7] =	sst s10  }
0x35: {  	s10 =	sld [smem:$0x3FB6];
	_ =	sdelay $0x3  }
0x36: {  	p1 =	seq.s32 s10, $0x1;
	s10 =	sld [smem:$0x3FB7];
	_ =	sdelay $0x3  }
0x37: {  	[smem:$0x3FB7] =	sst s10  }
0x38: {  	s10 =	sld [smem:$0x3FB8]  }
0x39: {  	_ = 	snop;
	(pc) =	sbr.ind lr, $3  }
0x3a: {  	_ = 	snop  }
0x3b: {  	_ = 	snop  }
0x3c: {  	p2 =	seq.s32 s10, $0x1;
	s10 =	sld [smem:$0x3FB7]  }
0x3d: {  	_ =	shalt  }
0x3e: {  	_ =	shalt  }
0x3f: {  	_ =	shalt  }
0x40: {  	_ =	shalt  }
0x41: {  	_ =	shalt  }
0x42: {  	_ =	shalt  }
0x43: {  	_ =	shalt  }
0x44: {  	_ =	shalt  }
0x45: {  	_ =	shalt  }
0x46: {  	_ =	shalt  }
0x47: {  	_ =	shalt  }
0x48: {  	_ =	shalt  }
0x49: {  	_ =	shalt  }
0x4a: {  	_ =	shalt  }
0x4b: {  	_ =	shalt  }
0x4c: {  	_ =	shalt  }
0x4d: {  	_ =	shalt  }
0x4e: {  	_ =	shalt  }
0x4f: {  	_ =	shalt  }
0x50: {  	_ =	shalt  }
0x51: {  	_ =	shalt  }
0x52: {  	_ =	shalt  }
0x53: {  	_ =	shalt  }
0x54: {  	_ =	shalt  }
0x55: {  	_ =	shalt  }
0x56: {  	_ =	shalt  }
0x57: {  	_ =	shalt  }
0x58: {  	_ =	shalt  }
0x59: {  	_ =	shalt  }
0x5a: {  	_ =	shalt  }
0x5b: {  	_ =	shalt  }
0x5c: {  	_ =	shalt  }
0x5d: {  	_ =	shalt  }
0x5e: {  	_ =	shalt  }
0x5f: {  	_ =	shalt  }
0x60: {  	_ =	shalt  }
0x61: {  	_ =	shalt  }
0x62: {  	_ =	shalt  }
0x63: {  	_ =	shalt  }
0x64: {  	_ =	shalt  }
0x65: {  	_ =	shalt  }
0x66: {  	_ =	shalt  }
0x67: {  	_ =	shalt  }
0x68: {  	_ =	shalt  }
0x69: {  	_ =	shalt  }
0x6a: {  	_ =	shalt  }
0x6b: {  	_ =	shalt  }
0x6c: {  	_ =	shalt  }
0x6d: {  	_ =	shalt  }
0x6e: {  	_ =	shalt  }
0x6f: {  	_ =	shalt  }
0x70: {  	_ =	shalt  }
0x71: {  	_ =	shalt  }
0x72: {  	_ =	shalt  }
0x73: {  	_ =	shalt  }
0x74: {  	_ =	shalt  }
0x75: {  	_ =	shalt  }
0x76: {  	_ =	shalt  }
0x77: {  	_ =	shalt  }
0x78: {  	_ =	shalt  }
0x79: {  	_ =	shalt  }
0x7a: {  	_ =	shalt  }
0x7b: {  	_ =	shalt  }
0x7c: {  	_ =	shalt  }
0x7d: {  	_ =	shalt  }
0x7e: {  	_ =	shalt  }
0x7f: {  	_ =	shalt  }
0x80: {  	_ =	shalt  }
0x81: {  	_ =	shalt  }
0x82: {  	_ =	shalt  }
0x83: {  	_ =	shalt  }
0x84: {  	_ =	shalt  }
0x85: {  	_ =	shalt  }
0x86: {  	_ =	shalt  }
0x87: {  	_ =	shalt  }
.Lfunc_end0:
.L_simem_size_0:
called_computation_lowered:
.L_overlay_start_0:
0x88: {  	s2 =	sld [smem:$0x3FD9]  }
0x89: {  	s3 =	sld [smem:$0x3FFE];
	_ =	sdelay $0x1  }
0x8a: {  	s1 =	srdreg.scid  }
0x8b: {  	s0 =	sand.u32 $0x1, s1  }
0x8c: {  	s17 =	sshll.u32 s0, $0xA;
	s2 =	sadd.s32 s3, s2  }
0x8d: {  	s2 =	sadd.s32 s2, s17  }
0x8e: {  	[smem:$0x3FC3] =	sst s2  }
0x8f: {  	_ = 	snop  }
0x90: {  	s2 =	sld [smem:$0x3FC6]  }
0x91: {  	s18 =	sld [smem:$0x3FD0];
	(tm) =	ssettm $0x1  }
0x92: {  	s4 =	sld [smem:$0x3FFB];
	_ =	sdelay $0x3  }
0x93: {  	_ =	strace s4  }
0x94: {  	s4 =	sld [smem:$0x3FFC];
	_ =	sdelay $0x3  }
0x95: {  	_ =	strace s4  }
0x96: {  	s4 =	sld [smem:$0x3FFD];
	_ =	sdelay $0x3  }
0x97: {  	_ =	strace s4  }
0x98: {  	_ =	strace $0x8FFFFFFF  }
0x99: {  	s19 =	sld [smem:$0x3FDB];
	_ =	sdelay $0x1  }
0x9a: {  	s5 =	simm.s32 $_scs_section_size  }
0x9b: {  	s6 =	simm.s32 $_size__tile_overlayer_lowered;
	s7 =	simm.s32 $_tile_overlayer_lowered  }
0x9c: {  	s22 =	simm.s32 $0x1BFF;
	s21 =	sshll.u32 s7, $0x1;
	s4 =	sadd.s32 s5, s19  }
0x9d: {  	s8 =	simm.s32 $0x0;
	s20 =	sshll.u32 s6, $0x1;
	s6 =	sadd.s32 s21, s4  }
0x9e: {  	[timem:s8], [sflag:s22] =	dma.local [hbm:s6], s20  }
0x9f: {  	_ =	swait.ge [sflag:s22], s20  }
0xa0: {  	s5 =	ssub.s32 $0x0, s20;
	[sflag:s22] =	ssyncset.done $0x0  }
0xa1: {  	[sflag:s22] =	ssyncadd.s32 s5;
	_ =	sdelay $0x1  }
0xa2: {  	s23 =	simm.s32 $0x1B8B  }
0xa3: {  	_ =	swait.ge [sflag:s23], $0x1  }
0xa4: {  	[sflag:s23] =	ssyncset.done $0x0  }
0xa5: {  	s25 =	simm.s32 $0x1B8E;
	s24 =	sld [smem:$0x3FFE];
	[sflag:s23] =	ssyncadd.s32 $0xFFFFFFFF  }
0xa6: {  	s26 =	simm.s32 $execute0_lowered;
	[smem:$0x3FD2] =	sst s25  }
0xa7: {  	s6 =	sshll.u32 s26, $0x1;
	_ =	strace $0x80000046;
	[dreg:$0x1] =	wrdreg $0xFFFFFFFF  }
0xa8: {  	s28 =	simm.s32 $_size_execute0_lowered;
	s4 =	sadd.s32 s4, s6;
	[dreg:$0x0] =	wrdreg $0x0  }
0xa9: {  	s6 =	sshll.u32 s28, $0x1;
	[dreg:$0x2] =	wrdreg s4  }
0xaa: {  	[dreg:$0x3] =	wrdreg s6  }
0xab: {  	[dreg:$0x4] =	wrdreg $0xC0  }
0xac: {  	_ =	task [dreg:s8], $0x5FFFF  }
0xad: {  	[dreg:$0x1] =	wrdreg $0xFFFFFFFF  }
0xae: {  	[dreg:$0x0] =	wrdreg $0x60  }
0xaf: {  	[dreg:$0x2] =	wrdreg s2  }
0xb0: {  	[dreg:$0x3] =	wrdreg s24  }
0xb1: {  	[dreg:$0x4] =	wrdreg s18  }
0xb2: {  	[dreg:$0x5] =	wrdreg $0x9  }
0xb3: {  	_ =	task.clear_ibuf [dreg:s8], $0x6FFFF;
	_ =	strace $0x90000046  }
0xb4: {  	s29 =	simm.s32 $0x9;
	_ =	strace $0x80000048  }
0xb5: {  	_ =	swait.ge [sflag:s29], $0x1  }
0xb6: {  	[sflag:s29] =	ssyncadd.s32 $0xFFFFFFFF  }
0xb7: {  	_ =	strace $0x90000048  }
0xb8: {  	_ =	sfence  }
0xb9: {  	s30 =	sld [smem:$0x0];
	_ =	sdelay $0x2  }
0xba: {  	s31 =	sshll.u32 s1, $0xD;
	s1 =	sshrl.u32 s1, $0x2  }
0xbb: {  	s3 =	sand.u32 $0x4000, s31;
	s1 =	sadd.s32 s1, s30  }
0xbc: {  	s0 =	sor.u32 s3, s0;
	s1 =	sshll.u32 s1, $0x11  }
0xbd: {  	s0 =	sor.u32 s1, s0  }
0xbe: {  	s0 =	sadd.s32 $0x8F2B, s0  }
0xbf: {  	[sflag:s0] =	ssyncadd.remote.s32 $0x1  }
0xc0: {  	_ =	sfence.sel $0xFFFF  }
0xc1: {  	[dreg:$0x0] =	wrdreg $0xFFFFFFFF;
	(pc) =	sbr.abs _section_cstart, $3  }
0xc2: {  	[dreg:$0x1] =	wrdreg $0xFFFFFFFF  }
0xc3: {  	_ =	task.clear_ibuf [dreg:s8], $0x2FFFF;
	_ =	strace $0x9FFFFFFF  }
0xc4: {  	(tm) =	ssettm $0x7FFFFFFF  }
0xc5: {  	_ =	shalt  }
tec
execute0_lowered:
.L_overlay_start_1:
0x0: {  	(tag) =	ssettag $0x1  }
0x1: {  	s0 =	srdreg.scid  }
0x2: {  	s1 =	rddreg [dreg:$0x0];
	s0 =	sand.u32 $0x1, s0  }
0x3: {  	s2 =	rddreg [dreg:$0x1];
	s5 =	stileid.u32;
	s3 =	sshll.u32 s0, $0x4  }
0x4: {  	s4 =	rddreg [dreg:$0x2];
	s5 =	sor.u32 s5, s3  }
0x5: {  	s3 =	simm.s32 $0x0;
	s6 =	sshll.u32 s5, $0x8;
	s5 =	sshll.u32 s5, $0x10  }
0x6: {  	[smem:$0x7FF] =	sst s3;
	s2 =	sadd.s32 s6, s2;
	s5 =	sadd.s32 s4, s5  }
0x7: {  	_ =	strace $0x80000047;
	s2 =	sadd.s32 $0x1000, s2;
	[dreg:$0x14] =	wrdreg s5  }
0x8: {  	s15 =	sadd.s32 $0x1000, s5;
	[dreg:$0x4] =	wrdreg s2  }
0x9: {  	s16 =	sadd.s32 $0x2000, s5;
	[dreg:$0x5] =	wrdreg s15  }
0xa: {  	s17 =	sadd.s32 $0x3000, s5;
	[dreg:$0x6] =	wrdreg s16  }
0xb: {  	s18 =	sadd.s32 $0x4000, s5;
	[dreg:$0x7] =	wrdreg s17  }
0xc: {  	s19 =	sadd.s32 $0x5000, s5;
	[dreg:$0x8] =	wrdreg s18  }
0xd: {  	s20 =	sadd.s32 $0x6000, s5;
	[dreg:$0x9] =	wrdreg s19  }
0xe: {  	s21 =	sadd.s32 $0x7000, s5;
	[dreg:$0xa] =	wrdreg s20  }
0xf: {  	s22 =	sadd.s32 $0x8000, s5;
	[dreg:$0xb] =	wrdreg s21  }
0x10: {  	s23 =	sadd.s32 $0x9000, s5;
	[dreg:$0xc] =	wrdreg s22  }
0x11: {  	s24 =	sadd.s32 $0xA000, s5;
	[dreg:$0xd] =	wrdreg s23  }
0x12: {  	s25 =	sadd.s32 $0xB000, s5;
	[dreg:$0xe] =	wrdreg s24  }
0x13: {  	s8 =	simm.s32 $0x800;
	s26 =	sadd.s32 $0xC000, s5;
	[dreg:$0xf] =	wrdreg s25  }
0x14: {  	s0 =	ssub.s32 $0x2, s0;
	s28 =	sadd.s32 $0xD000, s5;
	[dreg:$0x10] =	wrdreg s26  }
0x15: {  	s30 =	sshrl.u32 s0, $0x1;
	s29 =	sadd.s32 $0xE000, s5;
	[dreg:$0x11] =	wrdreg s28  }
0x16: {  	v2 =	vlaneseq.u32;
	s0 =	ssub.s32 s0, s30;
	s31 =	sadd.s32 $0xF000, s5;
	[dreg:$0x12] =	wrdreg s29  }
0x17: {  	vm0 =	vmmov $0xffff;
	v1 =	vshrl.u32 v2, $0x3;
	s0 =	smax.u32 s0, $0x1;
	s5 =	sadd.s32 $0x100, s1;
	[dreg:$0x13] =	wrdreg s31  }
0x18: {  	v0 =	vand.u32 $0x7, v2;
	v2 =	vor.u32 $0x8, v2;
	v1 =	vmul.u32 $0x8, v1;
	s24 =	simm.s32 $0x1;
	s25 =	simm.s32 $0x8800;
	s15 =	simm.s32 $0x2  }
.LBB2_1:
0x19: {  	[dreg:$0x15] =	wrdreg s0  }
0x1a: {  	s16 =	rddreg [dreg:$0x4];
	s18 =	simm.s32 $0x3  }
0x1b: {  	[tilespmem:s3], [sflag:$0x3] =	stream.linear.gather [hbm4b:s16+s3], $0x800, $0x38;
	[tilespmem:$0x10800] =	vst v63  }
0x1c: {  	_ =	swait.ge [sflag:s18], $0x800  }
0x1d: {  	[sflag:s18] =	ssyncset.done $0x0  }
0x1e: {  	[sflag:s18] =	ssyncadd.s32 $0xFFFFF800  }
0x1f: {  	v3 =	vld [tilespmem:$0x0];
	_ =	sdelay $0x4  }
0x20: {  	v4 =	vshll.u32 v3, $0x2  }
0x21: {  	v3 =	vand.u32 $0x7, v3;
	v4 =	vand.u32 $0xFFFFFFE0, v4  }
0x22: {  	v3 =	vor.u32 v3, v4  }
0x23: {  	v4 =	vperm.xlane v3, v0;
	_ =	sdelay $0x1  }
0x24: {  	v4 =	vadd.s32 v1, v4;
	_ =	sdelay $0x1  }
0x25: {  	v3 =	vperm.xlane v3, v2;
	_ =	sdelay $0x1  }
0x26: {  	v3 =	vadd.s32 v1, v3  }
0x27: {  	[tilespmem:s8], [sflag:$0x1] =	stream.indirect_vreg.gather [hbm4b:s1+s3], $0x80, v4, vm0, $0xb8;
	[tilespmem:$0x10800] =	vst v63  }
0x28: {  	s19 =	simm.s32 $0x1000  }
0x29: {  	[tilespmem:s19], [sflag:$0x1] =	stream.indirect_vreg.gather [hbm4b:s5+s3], $0x80, v4, vm0, $0xb8;
	[tilespmem:$0x10800] =	vst v63  }
0x2a: {  	s20 =	simm.s32 $0x1800  }
0x2b: {  	[tilespmem:s20], [sflag:$0x1] =	stream.indirect_vreg.gather [hbm4b:s1+s3], $0x80, v3, vm0, $0xb8;
	[tilespmem:$0x10800] =	vst v63  }
0x2c: {  	s21 =	simm.s32 $0x2000  }
0x2d: {  	[tilespmem:s21], [sflag:$0x1] =	stream.indirect_vreg.gather [hbm4b:s5+s3], $0x80, v3, vm0, $0xb8;
	[tilespmem:$0x10800] =	vst v63  }
0x2e: {  	v3 =	vld [tilespmem:$0x10];
	_ =	sdelay $0x4  }
0x2f: {  	v57 =	vshll.u32 v3, $0x2  }
0x30: {  	v3 =	vand.u32 $0x7, v3;
	v4 =	vand.u32 $0xFFFFFFE0, v57  }
0x31: {  	v3 =	vor.u32 v3, v4  }
0x32: {  	v4 =	vperm.xlane v3, v0;
	_ =	sdelay $0x1  }
0x33: {  	v4 =	vadd.s32 v1, v4;
	_ =	sdelay $0x1  }
0x34: {  	v3 =	vperm.xlane v3, v2;
	_ =	sdelay $0x1  }
0x35: {  	s22 =	simm.s32 $0x2800;
	v3 =	vadd.s32 v1, v3  }
0x36: {  	[tilespmem:s22], [sflag:$0x1] =	stream.indirect_vreg.gather [hbm4b:s1+s3], $0x80, v4, vm0, $0xb8;
	[tilespmem:$0x10800] =	vst v63  }
0x37: {  	s23 =	simm.s32 $0x3000  }
0x38: {  	[tilespmem:s23], [sflag:$0x1] =	stream.indirect_vreg.gather [hbm4b:s5+s3], $0x80, v4, vm0, $0xb8;
	[tilespmem:$0x10800] =	vst v63  }
0x39: {  	s26 =	simm.s32 $0x3800  }
0x3a: {  	[tilespmem:s26], [sflag:$0x1] =	stream.indirect_vreg.gather [hbm4b:s1+s3], $0x80, v3, vm0, $0xb8;
	[tilespmem:$0x10800] =	vst v63  }
0x3b: {  	s28 =	simm.s32 $0x4000  }
0x3c: {  	[tilespmem:s28], [sflag:$0x1] =	stream.indirect_vreg.gather [hbm4b:s5+s3], $0x80, v3, vm0, $0xb8;
	[tilespmem:$0x10800] =	vst v63  }
0x3d: {  	v3 =	vld [tilespmem:$0x20];
	_ =	sdelay $0x4  }
0x3e: {  	v58 =	vshll.u32 v3, $0x2  }
0x3f: {  	v3 =	vand.u32 $0x7, v3;
	v4 =	vand.u32 $0xFFFFFFE0, v58  }
0x40: {  	v3 =	vor.u32 v3, v4  }
0x41: {  	v4 =	vperm.xlane v3, v0;
	_ =	sdelay $0x1  }
0x42: {  	v4 =	vadd.s32 v1, v4;
	_ =	sdelay $0x1  }
0x43: {  	v3 =	vperm.xlane v3, v2;
	_ =	sdelay $0x1  }
0x44: {  	s29 =	simm.s32 $0x4800;
	v3 =	vadd.s32 v1, v3  }
0x45: {  	[tilespmem:s29], [sflag:$0x1] =	stream.indirect_vreg.gather [hbm4b:s1+s3], $0x80, v4, vm0, $0xb8;
	[tilespmem:$0x10800] =	vst v63  }
0x46: {  	s30 =	simm.s32 $0x5000  }
0x47: {  	[tilespmem:s30], [sflag:$0x1] =	stream.indirect_vreg.gather [hbm4b:s5+s3], $0x80, v4, vm0, $0xb8;
	[tilespmem:$0x10800] =	vst v63  }
0x48: {  	s31 =	simm.s32 $0x5800  }
0x49: {  	[tilespmem:s31], [sflag:$0x1] =	stream.indirect_vreg.gather [hbm4b:s1+s3], $0x80, v3, vm0, $0xb8;
	[tilespmem:$0x10800] =	vst v63  }
0x4a: {  	s2 =	simm.s32 $0x6000  }
0x4b: {  	[tilespmem:s2], [sflag:$0x1] =	stream.indirect_vreg.gather [hbm4b:s5+s3], $0x80, v3, vm0, $0xb8;
	[tilespmem:$0x10800] =	vst v63  }
0x4c: {  	v3 =	vld [tilespmem:$0x30];
	_ =	sdelay $0x4  }
0x4d: {  	v59 =	vshll.u32 v3, $0x2  }
0x4e: {  	v3 =	vand.u32 $0x7, v3;
	v4 =	vand.u32 $0xFFFFFFE0, v59  }
0x4f: {  	v3 =	vor.u32 v3, v4  }
0x50: {  	v4 =	vperm.xlane v3, v0;
	_ =	sdelay $0x1  }
0x51: {  	v4 =	vadd.s32 v1, v4;
	_ =	sdelay $0x1  }
0x52: {  	v3 =	vperm.xlane v3, v2;
	_ =	sdelay $0x1  }
0x53: {  	s6 =	simm.s32 $0x6800;
	v3 =	vadd.s32 v1, v3  }
0x54: {  	[tilespmem:s6], [sflag:$0x1] =	stream.indirect_vreg.gather [hbm4b:s1+s3], $0x80, v4, vm0, $0xb8;
	[tilespmem:$0x10800] =	vst v63  }
0x55: {  	s7 =	simm.s32 $0x7000  }
0x56: {  	[tilespmem:s7], [sflag:$0x1] =	stream.indirect_vreg.gather [hbm4b:s5+s3], $0x80, v4, vm0, $0xb8;
	[tilespmem:$0x10800] =	vst v63  }
0x57: {  	s9 =	simm.s32 $0x7800  }
0x58: {  	[tilespmem:s9], [sflag:$0x1] =	stream.indirect_vreg.gather [hbm4b:s1+s3], $0x80, v3, vm0, $0xb8;
	[tilespmem:$0x10800] =	vst v63  }
0x59: {  	s10 =	simm.s32 $0x8000  }
0x5a: {  	[tilespmem:s10], [sflag:$0x1] =	stream.indirect_vreg.gather [hbm4b:s5+s3], $0x80, v3, vm0, $0xb8;
	[tilespmem:$0x10800] =	vst v63  }
0x5b: {  	_ =	swait.ge [sflag:s24], $0x8000  }
0x5c: {  	[sflag:s24] =	ssyncset.done $0x0  }
0x5d: {  	[sflag:s24] =	ssyncadd.s32 $0xFFFF8000  }
0x5e: {  	v3 =	vld [tilespmem:$0x80];
	_ =	sdelay $0x4  }
0x5f: {  	v60 =	vshll.u32 v3, $0x2  }
0x60: {  	v3 =	vand.u32 $0x7, v3;
	v4 =	vand.u32 $0xFFFFFFE0, v60  }
0x61: {  	v3 =	vor.u32 v3, v4  }
0x62: {  	v4 =	vperm.xlane v3, v0;
	_ =	sdelay $0x1  }
0x63: {  	v4 =	vadd.s32 v1, v4;
	_ =	sdelay $0x1  }
0x64: {  	v3 =	vperm.xlane v3, v2;
	_ =	sdelay $0x1  }
0x65: {  	v3 =	vadd.s32 v1, v3  }
0x66: {  	[tilespmem:s25], [sflag:$0x1] =	stream.indirect_vreg.gather [hbm4b:s1+s3], $0x80, v4, vm0, $0xb8;
	[tilespmem:$0x10800] =	vst v63  }
0x67: {  	s11 =	simm.s32 $0x9000  }
0x68: {  	[tilespmem:s11], [sflag:$0x1] =	stream.indirect_vreg.gather [hbm4b:s5+s3], $0x80, v4, vm0, $0xb8;
	[tilespmem:$0x10800] =	vst v63  }
0x69: {  	s12 =	simm.s32 $0x9800  }
0x6a: {  	[tilespmem:s12], [sflag:$0x1] =	stream.indirect_vreg.gather [hbm4b:s1+s3], $0x80, v3, vm0, $0xb8;
	[tilespmem:$0x10800] =	vst v63  }
0x6b: {  	s13 =	simm.s32 $0xA000  }
0x6c: {  	[tilespmem:s13], [sflag:$0x1] =	stream.indirect_vreg.gather [hbm4b:s5+s3], $0x80, v3, vm0, $0xb8;
	[tilespmem:$0x10800] =	vst v63  }
0x6d: {  	v3 =	vld [tilespmem:$0x90];
	_ =	sdelay $0x4  }
0x6e: {  	v61 =	vshll.u32 v3, $0x2  }
0x6f: {  	v3 =	vand.u32 $0x7, v3;
	v4 =	vand.u32 $0xFFFFFFE0, v61  }
0x70: {  	v3 =	vor.u32 v3, v4  }
0x71: {  	v4 =	vperm.xlane v3, v0;
	_ =	sdelay $0x1  }
0x72: {  	v4 =	vadd.s32 v1, v4;
	_ =	sdelay $0x1  }
0x73: {  	v3 =	vperm.xlane v3, v2;
	_ =	sdelay $0x1  }
0x74: {  	s14 =	simm.s32 $0xA800;
	v3 =	vadd.s32 v1, v3  }
0x75: {  	[tilespmem:s14], [sflag:$0x1] =	stream.indirect_vreg.gather [hbm4b:s1+s3], $0x80, v4, vm0, $0xb8;
	[tilespmem:$0x10800] =	vst v63  }
0x76: {  	s16 =	simm.s32 $0xB000  }
0x77: {  	[tilespmem:s16], [sflag:$0x1] =	stream.indirect_vreg.gather [hbm4b:s5+s3], $0x80, v4, vm0, $0xb8;
	[tilespmem:$0x10800] =	vst v63  }
0x78: {  	s28 =	simm.s32 $0xB800  }
0x79: {  	[tilespmem:s28], [sflag:$0x1] =	stream.indirect_vreg.gather [hbm4b:s1+s3], $0x80, v3, vm0, $0xb8;
	[tilespmem:$0x10800] =	vst v63  }
0x7a: {  	s29 =	simm.s32 $0xC000  }
0x7b: {  	[tilespmem:s29], [sflag:$0x1] =	stream.indirect_vreg.gather [hbm4b:s5+s3], $0x80, v3, vm0, $0xb8;
	[tilespmem:$0x10800] =	vst v63  }
0x7c: {  	v3 =	vld [tilespmem:$0xA0];
	_ =	sdelay $0x4  }
0x7d: {  	v62 =	vshll.u32 v3, $0x2  }
0x7e: {  	v3 =	vand.u32 $0x7, v3;
	v4 =	vand.u32 $0xFFFFFFE0, v62  }
0x7f: {  	v3 =	vor.u32 v3, v4  }
0x80: {  	v4 =	vperm.xlane v3, v0;
	_ =	sdelay $0x1  }
0x81: {  	v4 =	vadd.s32 v1, v4;
	_ =	sdelay $0x1  }
0x82: {  	v3 =	vperm.xlane v3, v2;
	_ =	sdelay $0x1  }
0x83: {  	s30 =	simm.s32 $0xC800;
	v3 =	vadd.s32 v1, v3  }
0x84: {  	[tilespmem:s30], [sflag:$0x1] =	stream.indirect_vreg.gather [hbm4b:s1+s3], $0x80, v4, vm0, $0xb8;
	[tilespmem:$0x10800] =	vst v63  }
0x85: {  	s31 =	simm.s32 $0xD000  }
0x86: {  	[tilespmem:s31], [sflag:$0x1] =	stream.indirect_vreg.gather [hbm4b:s5+s3], $0x80, v4, vm0, $0xb8;
	[tilespmem:$0x10800] =	vst v63  }
0x87: {  	s13 =	simm.s32 $0xD800  }
0x88: {  	[tilespmem:s13], [sflag:$0x1] =	stream.indirect_vreg.gather [hbm4b:s1+s3], $0x80, v3, vm0, $0xb8;
	[tilespmem:$0x10800] =	vst v63  }
0x89: {  	s14 =	simm.s32 $0xE000  }
0x8a: {  	[tilespmem:s14], [sflag:$0x1] =	stream.indirect_vreg.gather [hbm4b:s5+s3], $0x80, v3, vm0, $0xb8;
	[tilespmem:$0x10800] =	vst v63  }
0x8b: {  	v3 =	vld [tilespmem:$0xB0];
	_ =	sdelay $0x4  }
0x8c: {  	v63 =	vshll.u32 v3, $0x2  }
0x8d: {  	v3 =	vand.u32 $0x7, v3;
	v4 =	vand.u32 $0xFFFFFFE0, v63  }
0x8e: {  	v3 =	vor.u32 v3, v4  }
0x8f: {  	v4 =	vperm.xlane v3, v0;
	_ =	sdelay $0x1  }
0x90: {  	v4 =	vadd.s32 v1, v4;
	_ =	sdelay $0x1  }
0x91: {  	v3 =	vperm.xlane v3, v2;
	_ =	sdelay $0x1  }
0x92: {  	s16 =	simm.s32 $0xE800;
	v3 =	vadd.s32 v1, v3  }
0x93: {  	[tilespmem:s16], [sflag:$0x1] =	stream.indirect_vreg.gather [hbm4b:s1+s3], $0x80, v4, vm0, $0xb8;
	[tilespmem:$0x10800] =	vst v63  }
0x94: {  	s28 =	simm.s32 $0xF000  }
0x95: {  	[tilespmem:s28], [sflag:$0x1] =	stream.indirect_vreg.gather [hbm4b:s5+s3], $0x80, v4, vm0, $0xb8;
	[tilespmem:$0x10800] =	vst v63  }
0x96: {  	s29 =	simm.s32 $0xF800  }
0x97: {  	[tilespmem:s29], [sflag:$0x1] =	stream.indirect_vreg.gather [hbm4b:s1+s3], $0x80, v3, vm0, $0xb8;
	[tilespmem:$0x10800] =	vst v63  }
0x98: {  	s30 =	simm.s32 $0x10000  }
0x99: {  	[tilespmem:s30], [sflag:$0x1] =	stream.indirect_vreg.gather [hbm4b:s5+s3], $0x80, v3, vm0, $0xb8;
	[tilespmem:$0x10800] =	vst v63  }
0x9a: {  	s31 =	rddreg [dreg:$0x14]  }
0x9b: {  	[hbm4b:s31+s3] =	stream.linear.scatter [tilespmem:s8], [sflag:$0x2], $0x8000, $0x38;
	[tilespmem:$0x10800] =	vst v63  }
0x9c: {  	_ =	swait.ge [sflag:s24], $0x8000  }
0x9d: {  	[sflag:s24] =	ssyncset.done $0x0  }
0x9e: {  	[sflag:s24] =	ssyncadd.s32 $0xFFFF8000  }
0x9f: {  	_ =	swait.ge [sflag:s15], $0x8000  }
0xa0: {  	[sflag:s15] =	ssyncset.done $0x0  }
0xa1: {  	[sflag:s15] =	ssyncadd.s32 $0xFFFF8000  }
0xa2: {  	v3 =	vld [tilespmem:$0x100];
	_ =	sdelay $0x4  }
0xa3: {  	v8 =	vshll.u32 v3, $0x2  }
0xa4: {  	v3 =	vand.u32 $0x7, v3;
	v4 =	vand.u32 $0xFFFFFFE0, v8  }
0xa5: {  	v3 =	vor.u32 v3, v4  }
0xa6: {  	v4 =	vperm.xlane v3, v0;
	_ =	sdelay $0x1  }
0xa7: {  	v4 =	vadd.s32 v1, v4;
	_ =	sdelay $0x1  }
0xa8: {  	v3 =	vperm.xlane v3, v2;
	_ =	sdelay $0x1  }
0xa9: {  	v3 =	vadd.s32 v1, v3  }
0xaa: {  	[tilespmem:s8], [sflag:$0x1] =	stream.indirect_vreg.gather [hbm4b:s1+s3], $0x80, v4, vm0, $0xb8;
	[tilespmem:$0x10800] =	vst v63  }
0xab: {  	s4 =	simm.s32 $0x1000  }
0xac: {  	[tilespmem:s4], [sflag:$0x1] =	stream.indirect_vreg.gather [hbm4b:s5+s3], $0x80, v4, vm0, $0xb8;
	[tilespmem:$0x10800] =	vst v63  }
0xad: {  	s17 =	simm.s32 $0x1800  }
0xae: {  	[tilespmem:s17], [sflag:$0x1] =	stream.indirect_vreg.gather [hbm4b:s1+s3], $0x80, v3, vm0, $0xb8;
	[tilespmem:$0x10800] =	vst v63  }
0xaf: {  	s18 =	simm.s32 $0x2000  }
0xb0: {  	[tilespmem:s18], [sflag:$0x1] =	stream.indirect_vreg.gather [hbm4b:s5+s3], $0x80, v3, vm0, $0xb8;
	[tilespmem:$0x10800] =	vst v63  }
0xb1: {  	v3 =	vld [tilespmem:$0x110];
	_ =	sdelay $0x4  }
0xb2: {  	v9 =	vshll.u32 v3, $0x2  }
0xb3: {  	v3 =	vand.u32 $0x7, v3;
	v4 =	vand.u32 $0xFFFFFFE0, v9  }
0xb4: {  	v3 =	vor.u32 v3, v4  }
0xb5: {  	v4 =	vperm.xlane v3, v0;
	_ =	sdelay $0x1  }
0xb6: {  	v4 =	vadd.s32 v1, v4;
	_ =	sdelay $0x1  }
0xb7: {  	v3 =	vperm.xlane v3, v2;
	_ =	sdelay $0x1  }
0xb8: {  	s19 =	simm.s32 $0x2800;
	v3 =	vadd.s32 v1, v3  }
0xb9: {  	[tilespmem:s19], [sflag:$0x1] =	stream.indirect_vreg.gather [hbm4b:s1+s3], $0x80, v4, vm0, $0xb8;
	[tilespmem:$0x10800] =	vst v63  }
0xba: {  	s20 =	simm.s32 $0x3000  }
0xbb: {  	[tilespmem:s20], [sflag:$0x1] =	stream.indirect_vreg.gather [hbm4b:s5+s3], $0x80, v4, vm0, $0xb8;
	[tilespmem:$0x10800] =	vst v63  }
0xbc: {  	s21 =	simm.s32 $0x3800  }
0xbd: {  	[tilespmem:s21], [sflag:$0x1] =	stream.indirect_vreg.gather [hbm4b:s1+s3], $0x80, v3, vm0, $0xb8;
	[tilespmem:$0x10800] =	vst v63  }
0xbe: {  	s22 =	simm.s32 $0x4000  }
0xbf: {  	[tilespmem:s22], [sflag:$0x1] =	stream.indirect_vreg.gather [hbm4b:s5+s3], $0x80, v3, vm0, $0xb8;
	[tilespmem:$0x10800] =	vst v63  }
0xc0: {  	v3 =	vld [tilespmem:$0x120];
	_ =	sdelay $0x4  }
0xc1: {  	v10 =	vshll.u32 v3, $0x2  }
0xc2: {  	v3 =	vand.u32 $0x7, v3;
	v4 =	vand.u32 $0xFFFFFFE0, v10  }
0xc3: {  	v3 =	vor.u32 v3, v4  }
0xc4: {  	v4 =	vperm.xlane v3, v0;
	_ =	sdelay $0x1  }
0xc5: {  	v4 =	vadd.s32 v1, v4;
	_ =	sdelay $0x1  }
0xc6: {  	v3 =	vperm.xlane v3, v2;
	_ =	sdelay $0x1  }
0xc7: {  	s23 =	simm.s32 $0x4800;
	v3 =	vadd.s32 v1, v3  }
0xc8: {  	[tilespmem:s23], [sflag:$0x1] =	stream.indirect_vreg.gather [hbm4b:s1+s3], $0x80, v4, vm0, $0xb8;
	[tilespmem:$0x10800] =	vst v63  }
0xc9: {  	s26 =	simm.s32 $0x5000  }
0xca: {  	[tilespmem:s26], [sflag:$0x1] =	stream.indirect_vreg.gather [hbm4b:s5+s3], $0x80, v4, vm0, $0xb8;
	[tilespmem:$0x10800] =	vst v63  }
0xcb: {  	s29 =	simm.s32 $0x5800  }
0xcc: {  	[tilespmem:s29], [sflag:$0x1] =	stream.indirect_vreg.gather [hbm4b:s1+s3], $0x80, v3, vm0, $0xb8;
	[tilespmem:$0x10800] =	vst v63  }
0xcd: {  	s30 =	simm.s32 $0x6000  }
0xce: {  	[tilespmem:s30], [sflag:$0x1] =	stream.indirect_vreg.gather [hbm4b:s5+s3], $0x80, v3, vm0, $0xb8;
	[tilespmem:$0x10800] =	vst v63  }
0xcf: {  	v3 =	vld [tilespmem:$0x130];
	_ =	sdelay $0x4  }
0xd0: {  	v11 =	vshll.u32 v3, $0x2  }
0xd1: {  	v3 =	vand.u32 $0x7, v3;
	v4 =	vand.u32 $0xFFFFFFE0, v11  }
0xd2: {  	v3 =	vor.u32 v3, v4  }
0xd3: {  	v4 =	vperm.xlane v3, v0;
	_ =	sdelay $0x1  }
0xd4: {  	v4 =	vadd.s32 v1, v4;
	_ =	sdelay $0x1  }
0xd5: {  	v3 =	vperm.xlane v3, v2;
	_ =	sdelay $0x1  }
0xd6: {  	s31 =	simm.s32 $0x6800;
	v3 =	vadd.s32 v1, v3  }
0xd7: {  	[tilespmem:s31], [sflag:$0x1] =	stream.indirect_vreg.gather [hbm4b:s1+s3], $0x80, v4, vm0, $0xb8;
	[tilespmem:$0x10800] =	vst v63  }
0xd8: {  	s6 =	simm.s32 $0x7000  }
0xd9: {  	[tilespmem:s6], [sflag:$0x1] =	stream.indirect_vreg.gather [hbm4b:s5+s3], $0x80, v4, vm0, $0xb8;
	[tilespmem:$0x10800] =	vst v63  }
0xda: {  	s7 =	simm.s32 $0x7800  }
0xdb: {  	[tilespmem:s7], [sflag:$0x1] =	stream.indirect_vreg.gather [hbm4b:s1+s3], $0x80, v3, vm0, $0xb8;
	[tilespmem:$0x10800] =	vst v63  }
0xdc: {  	s2 =	simm.s32 $0x8000  }
0xdd: {  	[tilespmem:s2], [sflag:$0x1] =	stream.indirect_vreg.gather [hbm4b:s5+s3], $0x80, v3, vm0, $0xb8;
	[tilespmem:$0x10800] =	vst v63  }
0xde: {  	s7 =	rddreg [dreg:$0x5]  }
0xdf: {  	[hbm4b:s7+s3] =	stream.linear.scatter [tilespmem:s25], [sflag:$0x2], $0x8000, $0x38;
	[tilespmem:$0x10800] =	vst v63  }
0xe0: {  	_ =	swait.ge [sflag:s24], $0x8000  }
0xe1: {  	[sflag:s24] =	ssyncset.done $0x0  }
0xe2: {  	[sflag:s24] =	ssyncadd.s32 $0xFFFF8000  }
0xe3: {  	_ =	swait.ge [sflag:s15], $0x8000  }
0xe4: {  	[sflag:s15] =	ssyncset.done $0x0  }
0xe5: {  	[sflag:s15] =	ssyncadd.s32 $0xFFFF8000  }
0xe6: {  	v3 =	vld [tilespmem:$0x180];
	_ =	sdelay $0x4  }
0xe7: {  	v12 =	vshll.u32 v3, $0x2  }
0xe8: {  	v3 =	vand.u32 $0x7, v3;
	v4 =	vand.u32 $0xFFFFFFE0, v12  }
0xe9: {  	v3 =	vor.u32 v3, v4  }
0xea: {  	v4 =	vperm.xlane v3, v0;
	_ =	sdelay $0x1  }
0xeb: {  	v4 =	vadd.s32 v1, v4;
	_ =	sdelay $0x1  }
0xec: {  	v3 =	vperm.xlane v3, v2;
	_ =	sdelay $0x1  }
0xed: {  	v3 =	vadd.s32 v1, v3  }
0xee: {  	[tilespmem:s25], [sflag:$0x1] =	stream.indirect_vreg.gather [hbm4b:s1+s3], $0x80, v4, vm0, $0xb8;
	[tilespmem:$0x10800] =	vst v63  }
0xef: {  	s6 =	simm.s32 $0x9000  }
0xf0: {  	[tilespmem:s6], [sflag:$0x1] =	stream.indirect_vreg.gather [hbm4b:s5+s3], $0x80, v4, vm0, $0xb8;
	[tilespmem:$0x10800] =	vst v63  }
0xf1: {  	s9 =	simm.s32 $0x9800  }
0xf2: {  	[tilespmem:s9], [sflag:$0x1] =	stream.indirect_vreg.gather [hbm4b:s1+s3], $0x80, v3, vm0, $0xb8;
	[tilespmem:$0x10800] =	vst v63  }
0xf3: {  	s7 =	simm.s32 $0xA000  }
0xf4: {  	[tilespmem:s7], [sflag:$0x1] =	stream.indirect_vreg.gather [hbm4b:s5+s3], $0x80, v3, vm0, $0xb8;
	[tilespmem:$0x10800] =	vst v63  }
0xf5: {  	v3 =	vld [tilespmem:$0x190];
	_ =	sdelay $0x4  }
0xf6: {  	v13 =	vshll.u32 v3, $0x2  }
0xf7: {  	v3 =	vand.u32 $0x7, v3;
	v4 =	vand.u32 $0xFFFFFFE0, v13  }
0xf8: {  	v3 =	vor.u32 v3, v4  }
0xf9: {  	v4 =	vperm.xlane v3, v0;
	_ =	sdelay $0x1  }
0xfa: {  	v4 =	vadd.s32 v1, v4;
	_ =	sdelay $0x1  }
0xfb: {  	v3 =	vperm.xlane v3, v2;
	_ =	sdelay $0x1  }
0xfc: {  	s10 =	simm.s32 $0xA800;
	v3 =	vadd.s32 v1, v3  }
0xfd: {  	[tilespmem:s10], [sflag:$0x1] =	stream.indirect_vreg.gather [hbm4b:s1+s3], $0x80, v4, vm0, $0xb8;
	[tilespmem:$0x10800] =	vst v63  }
0xfe: {  	s11 =	simm.s32 $0xB000  }
0xff: {  	[tilespmem:s11], [sflag:$0x1] =	stream.indirect_vreg.gather [hbm4b:s5+s3], $0x80, v4, vm0, $0xb8;
	[tilespmem:$0x10800] =	vst v63  }
0x100: {  	s12 =	simm.s32 $0xB800  }
0x101: {  	[tilespmem:s12], [sflag:$0x1] =	stream.indirect_vreg.gather [hbm4b:s1+s3], $0x80, v3, vm0, $0xb8;
	[tilespmem:$0x10800] =	vst v63  }
0x102: {  	s2 =	simm.s32 $0xC000  }
0x103: {  	[tilespmem:s2], [sflag:$0x1] =	stream.indirect_vreg.gather [hbm4b:s5+s3], $0x80, v3, vm0, $0xb8;
	[tilespmem:$0x10800] =	vst v63  }
0x104: {  	v3 =	vld [tilespmem:$0x1A0];
	_ =	sdelay $0x4  }
0x105: {  	v14 =	vshll.u32 v3, $0x2  }
0x106: {  	v3 =	vand.u32 $0x7, v3;
	v4 =	vand.u32 $0xFFFFFFE0, v14  }
0x107: {  	v3 =	vor.u32 v3, v4  }
0x108: {  	v4 =	vperm.xlane v3, v0;
	_ =	sdelay $0x1  }
0x109: {  	v4 =	vadd.s32 v1, v4;
	_ =	sdelay $0x1  }
0x10a: {  	v3 =	vperm.xlane v3, v2;
	_ =	sdelay $0x1  }
0x10b: {  	s9 =	simm.s32 $0xC800;
	v3 =	vadd.s32 v1, v3  }
0x10c: {  	[tilespmem:s9], [sflag:$0x1] =	stream.indirect_vreg.gather [hbm4b:s1+s3], $0x80, v4, vm0, $0xb8;
	[tilespmem:$0x10800] =	vst v63  }
0x10d: {  	s10 =	simm.s32 $0xD000  }
0x10e: {  	[tilespmem:s10], [sflag:$0x1] =	stream.indirect_vreg.gather [hbm4b:s5+s3], $0x80, v4, vm0, $0xb8;
	[tilespmem:$0x10800] =	vst v63  }
0x10f: {  	s11 =	simm.s32 $0xD800  }
0x110: {  	[tilespmem:s11], [sflag:$0x1] =	stream.indirect_vreg.gather [hbm4b:s1+s3], $0x80, v3, vm0, $0xb8;
	[tilespmem:$0x10800] =	vst v63  }
0x111: {  	s13 =	simm.s32 $0xE000  }
0x112: {  	[tilespmem:s13], [sflag:$0x1] =	stream.indirect_vreg.gather [hbm4b:s5+s3], $0x80, v3, vm0, $0xb8;
	[tilespmem:$0x10800] =	vst v63  }
0x113: {  	v3 =	vld [tilespmem:$0x1B0];
	_ =	sdelay $0x4  }
0x114: {  	v15 =	vshll.u32 v3, $0x2  }
0x115: {  	v3 =	vand.u32 $0x7, v3;
	v4 =	vand.u32 $0xFFFFFFE0, v15  }
0x116: {  	v3 =	vor.u32 v3, v4  }
0x117: {  	v4 =	vperm.xlane v3, v0;
	_ =	sdelay $0x1  }
0x118: {  	v4 =	vadd.s32 v1, v4;
	_ =	sdelay $0x1  }
0x119: {  	v3 =	vperm.xlane v3, v2;
	_ =	sdelay $0x1  }
0x11a: {  	s12 =	simm.s32 $0xE800;
	v3 =	vadd.s32 v1, v3  }
0x11b: {  	[tilespmem:s12], [sflag:$0x1] =	stream.indirect_vreg.gather [hbm4b:s1+s3], $0x80, v4, vm0, $0xb8;
	[tilespmem:$0x10800] =	vst v63  }
0x11c: {  	s13 =	simm.s32 $0xF000  }
0x11d: {  	[tilespmem:s13], [sflag:$0x1] =	stream.indirect_vreg.gather [hbm4b:s5+s3], $0x80, v4, vm0, $0xb8;
	[tilespmem:$0x10800] =	vst v63  }
0x11e: {  	s14 =	simm.s32 $0xF800  }
0x11f: {  	[tilespmem:s14], [sflag:$0x1] =	stream.indirect_vreg.gather [hbm4b:s1+s3], $0x80, v3, vm0, $0xb8;
	[tilespmem:$0x10800] =	vst v63  }
0x120: {  	s0 =	simm.s32 $0x10000  }
0x121: {  	[tilespmem:s0], [sflag:$0x1] =	stream.indirect_vreg.gather [hbm4b:s5+s3], $0x80, v3, vm0, $0xb8;
	[tilespmem:$0x10800] =	vst v63  }
0x122: {  	s14 =	rddreg [dreg:$0x6]  }
0x123: {  	[hbm4b:s14+s3] =	stream.linear.scatter [tilespmem:s8], [sflag:$0x2], $0x8000, $0x38;
	[tilespmem:$0x10800] =	vst v63  }
0x124: {  	_ =	swait.ge [sflag:s24], $0x8000  }
0x125: {  	[sflag:s24] =	ssyncset.done $0x0  }
0x126: {  	[sflag:s24] =	ssyncadd.s32 $0xFFFF8000  }
0x127: {  	_ =	swait.ge [sflag:s15], $0x8000  }
0x128: {  	[sflag:s15] =	ssyncset.done $0x0  }
0x129: {  	[sflag:s15] =	ssyncadd.s32 $0xFFFF8000  }
0x12a: {  	v3 =	vld [tilespmem:$0x200];
	_ =	sdelay $0x4  }
0x12b: {  	v16 =	vshll.u32 v3, $0x2  }
0x12c: {  	v3 =	vand.u32 $0x7, v3;
	v4 =	vand.u32 $0xFFFFFFE0, v16  }
0x12d: {  	v3 =	vor.u32 v3, v4  }
0x12e: {  	v4 =	vperm.xlane v3, v0;
	_ =	sdelay $0x1  }
0x12f: {  	v4 =	vadd.s32 v1, v4;
	_ =	sdelay $0x1  }
0x130: {  	v3 =	vperm.xlane v3, v2;
	_ =	sdelay $0x1  }
0x131: {  	v3 =	vadd.s32 v1, v3  }
0x132: {  	[tilespmem:s8], [sflag:$0x1] =	stream.indirect_vreg.gather [hbm4b:s1+s3], $0x80, v4, vm0, $0xb8;
	[tilespmem:$0x10800] =	vst v63  }
0x133: {  	s28 =	simm.s32 $0x1000  }
0x134: {  	[tilespmem:s28], [sflag:$0x1] =	stream.indirect_vreg.gather [hbm4b:s5+s3], $0x80, v4, vm0, $0xb8;
	[tilespmem:$0x10800] =	vst v63  }
0x135: {  	s16 =	simm.s32 $0x1800  }
0x136: {  	[tilespmem:s16], [sflag:$0x1] =	stream.indirect_vreg.gather [hbm4b:s1+s3], $0x80, v3, vm0, $0xb8;
	[tilespmem:$0x10800] =	vst v63  }
0x137: {  	s16 =	simm.s32 $0x2000  }
0x138: {  	[tilespmem:s16], [sflag:$0x1] =	stream.indirect_vreg.gather [hbm4b:s5+s3], $0x80, v3, vm0, $0xb8;
	[tilespmem:$0x10800] =	vst v63  }
0x139: {  	v3 =	vld [tilespmem:$0x210];
	_ =	sdelay $0x4  }
0x13a: {  	v17 =	vshll.u32 v3, $0x2  }
0x13b: {  	v3 =	vand.u32 $0x7, v3;
	v4 =	vand.u32 $0xFFFFFFE0, v17  }
0x13c: {  	v3 =	vor.u32 v3, v4  }
0x13d: {  	v4 =	vperm.xlane v3, v0;
	_ =	sdelay $0x1  }
0x13e: {  	v4 =	vadd.s32 v1, v4;
	_ =	sdelay $0x1  }
0x13f: {  	v3 =	vperm.xlane v3, v2;
	_ =	sdelay $0x1  }
0x140: {  	s16 =	simm.s32 $0x2800;
	v3 =	vadd.s32 v1, v3  }
0x141: {  	[tilespmem:s16], [sflag:$0x1] =	stream.indirect_vreg.gather [hbm4b:s1+s3], $0x80, v4, vm0, $0xb8;
	[tilespmem:$0x10800] =	vst v63  }
0x142: {  	s16 =	simm.s32 $0x3000  }
0x143: {  	[tilespmem:s16], [sflag:$0x1] =	stream.indirect_vreg.gather [hbm4b:s5+s3], $0x80, v4, vm0, $0xb8;
	[tilespmem:$0x10800] =	vst v63  }
0x144: {  	s16 =	simm.s32 $0x3800  }
0x145: {  	[tilespmem:s16], [sflag:$0x1] =	stream.indirect_vreg.gather [hbm4b:s1+s3], $0x80, v3, vm0, $0xb8;
	[tilespmem:$0x10800] =	vst v63  }
0x146: {  	s16 =	simm.s32 $0x4000  }
0x147: {  	[tilespmem:s16], [sflag:$0x1] =	stream.indirect_vreg.gather [hbm4b:s5+s3], $0x80, v3, vm0, $0xb8;
	[tilespmem:$0x10800] =	vst v63  }
0x148: {  	v3 =	vld [tilespmem:$0x220];
	_ =	sdelay $0x4  }
0x149: {  	v18 =	vshll.u32 v3, $0x2  }
0x14a: {  	v3 =	vand.u32 $0x7, v3;
	v4 =	vand.u32 $0xFFFFFFE0, v18  }
0x14b: {  	v3 =	vor.u32 v3, v4  }
0x14c: {  	v4 =	vperm.xlane v3, v0;
	_ =	sdelay $0x1  }
0x14d: {  	v4 =	vadd.s32 v1, v4;
	_ =	sdelay $0x1  }
0x14e: {  	v3 =	vperm.xlane v3, v2;
	_ =	sdelay $0x1  }
0x14f: {  	s16 =	simm.s32 $0x4800;
	v3 =	vadd.s32 v1, v3  }
0x150: {  	[tilespmem:s16], [sflag:$0x1] =	stream.indirect_vreg.gather [hbm4b:s1+s3], $0x80, v4, vm0, $0xb8;
	[tilespmem:$0x10800] =	vst v63  }
0x151: {  	s16 =	simm.s32 $0x5000  }
0x152: {  	[tilespmem:s16], [sflag:$0x1] =	stream.indirect_vreg.gather [hbm4b:s5+s3], $0x80, v4, vm0, $0xb8;
	[tilespmem:$0x10800] =	vst v63  }
0x153: {  	_ = 	snop  }
0x154: {  	[tilespmem:s29], [sflag:$0x1] =	stream.indirect_vreg.gather [hbm4b:s1+s3], $0x80, v3, vm0, $0xb8;
	[tilespmem:$0x10800] =	vst v63  }
0x155: {  	_ = 	snop  }
0x156: {  	[tilespmem:s30], [sflag:$0x1] =	stream.indirect_vreg.gather [hbm4b:s5+s3], $0x80, v3, vm0, $0xb8;
	[tilespmem:$0x10800] =	vst v63  }
0x157: {  	v3 =	vld [tilespmem:$0x230];
	_ =	sdelay $0x4  }
0x158: {  	v19 =	vshll.u32 v3, $0x2  }
0x159: {  	v3 =	vand.u32 $0x7, v3;
	v4 =	vand.u32 $0xFFFFFFE0, v19  }
0x15a: {  	v3 =	vor.u32 v3, v4  }
0x15b: {  	v4 =	vperm.xlane v3, v0;
	_ =	sdelay $0x1  }
0x15c: {  	v4 =	vadd.s32 v1, v4;
	_ =	sdelay $0x1  }
0x15d: {  	v3 =	vperm.xlane v3, v2;
	_ =	sdelay $0x1  }
0x15e: {  	v3 =	vadd.s32 v1, v3  }
0x15f: {  	[tilespmem:s31], [sflag:$0x1] =	stream.indirect_vreg.gather [hbm4b:s1+s3], $0x80, v4, vm0, $0xb8;
	[tilespmem:$0x10800] =	vst v63  }
0x160: {  	s23 =	simm.s32 $0x7000  }
0x161: {  	[tilespmem:s23], [sflag:$0x1] =	stream.indirect_vreg.gather [hbm4b:s5+s3], $0x80, v4, vm0, $0xb8;
	[tilespmem:$0x10800] =	vst v63  }
0x162: {  	s26 =	simm.s32 $0x7800  }
0x163: {  	[tilespmem:s26], [sflag:$0x1] =	stream.indirect_vreg.gather [hbm4b:s1+s3], $0x80, v3, vm0, $0xb8;
	[tilespmem:$0x10800] =	vst v63  }
0x164: {  	s22 =	simm.s32 $0x8000  }
0x165: {  	[tilespmem:s22], [sflag:$0x1] =	stream.indirect_vreg.gather [hbm4b:s5+s3], $0x80, v3, vm0, $0xb8;
	[tilespmem:$0x10800] =	vst v63  }
0x166: {  	s29 =	rddreg [dreg:$0x7]  }
0x167: {  	[hbm4b:s29+s3] =	stream.linear.scatter [tilespmem:s25], [sflag:$0x2], $0x8000, $0x38;
	[tilespmem:$0x10800] =	vst v63  }
0x168: {  	_ =	swait.ge [sflag:s24], $0x8000  }
0x169: {  	[sflag:s24] =	ssyncset.done $0x0  }
0x16a: {  	[sflag:s24] =	ssyncadd.s32 $0xFFFF8000  }
0x16b: {  	_ =	swait.ge [sflag:s15], $0x8000  }
0x16c: {  	[sflag:s15] =	ssyncset.done $0x0  }
0x16d: {  	[sflag:s15] =	ssyncadd.s32 $0xFFFF8000  }
0x16e: {  	v3 =	vld [tilespmem:$0x280];
	_ =	sdelay $0x4  }
0x16f: {  	v20 =	vshll.u32 v3, $0x2  }
0x170: {  	v3 =	vand.u32 $0x7, v3;
	v4 =	vand.u32 $0xFFFFFFE0, v20  }
0x171: {  	v3 =	vor.u32 v3, v4  }
0x172: {  	v4 =	vperm.xlane v3, v0;
	_ =	sdelay $0x1  }
0x173: {  	v4 =	vadd.s32 v1, v4;
	_ =	sdelay $0x1  }
0x174: {  	v3 =	vperm.xlane v3, v2;
	_ =	sdelay $0x1  }
0x175: {  	v3 =	vadd.s32 v1, v3  }
0x176: {  	[tilespmem:s25], [sflag:$0x1] =	stream.indirect_vreg.gather [hbm4b:s1+s3], $0x80, v4, vm0, $0xb8;
	[tilespmem:$0x10800] =	vst v63  }
0x177: {  	_ = 	snop  }
0x178: {  	[tilespmem:s6], [sflag:$0x1] =	stream.indirect_vreg.gather [hbm4b:s5+s3], $0x80, v4, vm0, $0xb8;
	[tilespmem:$0x10800] =	vst v63  }
0x179: {  	s17 =	simm.s32 $0x9800  }
0x17a: {  	[tilespmem:s17], [sflag:$0x1] =	stream.indirect_vreg.gather [hbm4b:s1+s3], $0x80, v3, vm0, $0xb8;
	[tilespmem:$0x10800] =	vst v63  }
0x17b: {  	_ = 	snop  }
0x17c: {  	[tilespmem:s7], [sflag:$0x1] =	stream.indirect_vreg.gather [hbm4b:s5+s3], $0x80, v3, vm0, $0xb8;
	[tilespmem:$0x10800] =	vst v63  }
0x17d: {  	v3 =	vld [tilespmem:$0x290];
	_ =	sdelay $0x4  }
0x17e: {  	v21 =	vshll.u32 v3, $0x2  }
0x17f: {  	v3 =	vand.u32 $0x7, v3;
	v4 =	vand.u32 $0xFFFFFFE0, v21  }
0x180: {  	v3 =	vor.u32 v3, v4  }
0x181: {  	v4 =	vperm.xlane v3, v0;
	_ =	sdelay $0x1  }
0x182: {  	v4 =	vadd.s32 v1, v4;
	_ =	sdelay $0x1  }
0x183: {  	v3 =	vperm.xlane v3, v2;
	_ =	sdelay $0x1  }
0x184: {  	s18 =	simm.s32 $0xA800;
	v3 =	vadd.s32 v1, v3  }
0x185: {  	[tilespmem:s18], [sflag:$0x1] =	stream.indirect_vreg.gather [hbm4b:s1+s3], $0x80, v4, vm0, $0xb8;
	[tilespmem:$0x10800] =	vst v63  }
0x186: {  	s19 =	simm.s32 $0xB000  }
0x187: {  	[tilespmem:s19], [sflag:$0x1] =	stream.indirect_vreg.gather [hbm4b:s5+s3], $0x80, v4, vm0, $0xb8;
	[tilespmem:$0x10800] =	vst v63  }
0x188: {  	s20 =	simm.s32 $0xB800  }
0x189: {  	[tilespmem:s20], [sflag:$0x1] =	stream.indirect_vreg.gather [hbm4b:s1+s3], $0x80, v3, vm0, $0xb8;
	[tilespmem:$0x10800] =	vst v63  }
0x18a: {  	_ = 	snop  }
0x18b: {  	[tilespmem:s2], [sflag:$0x1] =	stream.indirect_vreg.gather [hbm4b:s5+s3], $0x80, v3, vm0, $0xb8;
	[tilespmem:$0x10800] =	vst v63  }
0x18c: {  	v3 =	vld [tilespmem:$0x2A0];
	_ =	sdelay $0x4  }
0x18d: {  	v22 =	vshll.u32 v3, $0x2  }
0x18e: {  	v3 =	vand.u32 $0x7, v3;
	v4 =	vand.u32 $0xFFFFFFE0, v22  }
0x18f: {  	v3 =	vor.u32 v3, v4  }
0x190: {  	v4 =	vperm.xlane v3, v0;
	_ =	sdelay $0x1  }
0x191: {  	v4 =	vadd.s32 v1, v4;
	_ =	sdelay $0x1  }
0x192: {  	v3 =	vperm.xlane v3, v2;
	_ =	sdelay $0x1  }
0x193: {  	v3 =	vadd.s32 v1, v3  }
0x194: {  	[tilespmem:s9], [sflag:$0x1] =	stream.indirect_vreg.gather [hbm4b:s1+s3], $0x80, v4, vm0, $0xb8;
	[tilespmem:$0x10800] =	vst v63  }
0x195: {  	_ = 	snop  }
0x196: {  	[tilespmem:s10], [sflag:$0x1] =	stream.indirect_vreg.gather [hbm4b:s5+s3], $0x80, v4, vm0, $0xb8;
	[tilespmem:$0x10800] =	vst v63  }
0x197: {  	_ = 	snop  }
0x198: {  	[tilespmem:s11], [sflag:$0x1] =	stream.indirect_vreg.gather [hbm4b:s1+s3], $0x80, v3, vm0, $0xb8;
	[tilespmem:$0x10800] =	vst v63  }
0x199: {  	s21 =	simm.s32 $0xE000  }
0x19a: {  	[tilespmem:s21], [sflag:$0x1] =	stream.indirect_vreg.gather [hbm4b:s5+s3], $0x80, v3, vm0, $0xb8;
	[tilespmem:$0x10800] =	vst v63  }
0x19b: {  	v3 =	vld [tilespmem:$0x2B0];
	_ =	sdelay $0x4  }
0x19c: {  	v23 =	vshll.u32 v3, $0x2  }
0x19d: {  	v3 =	vand.u32 $0x7, v3;
	v4 =	vand.u32 $0xFFFFFFE0, v23  }
0x19e: {  	v3 =	vor.u32 v3, v4  }
0x19f: {  	v4 =	vperm.xlane v3, v0;
	_ =	sdelay $0x1  }
0x1a0: {  	v4 =	vadd.s32 v1, v4;
	_ =	sdelay $0x1  }
0x1a1: {  	v3 =	vperm.xlane v3, v2;
	_ =	sdelay $0x1  }
0x1a2: {  	v3 =	vadd.s32 v1, v3  }
0x1a3: {  	[tilespmem:s12], [sflag:$0x1] =	stream.indirect_vreg.gather [hbm4b:s1+s3], $0x80, v4, vm0, $0xb8;
	[tilespmem:$0x10800] =	vst v63  }
0x1a4: {  	_ = 	snop  }
0x1a5: {  	[tilespmem:s13], [sflag:$0x1] =	stream.indirect_vreg.gather [hbm4b:s5+s3], $0x80, v4, vm0, $0xb8;
	[tilespmem:$0x10800] =	vst v63  }
0x1a6: {  	s4 =	simm.s32 $0xF800  }
0x1a7: {  	[tilespmem:s4], [sflag:$0x1] =	stream.indirect_vreg.gather [hbm4b:s1+s3], $0x80, v3, vm0, $0xb8;
	[tilespmem:$0x10800] =	vst v63  }
0x1a8: {  	s0 =	simm.s32 $0x10000  }
0x1a9: {  	[tilespmem:s0], [sflag:$0x1] =	stream.indirect_vreg.gather [hbm4b:s5+s3], $0x80, v3, vm0, $0xb8;
	[tilespmem:$0x10800] =	vst v63  }
0x1aa: {  	s17 =	rddreg [dreg:$0x8]  }
0x1ab: {  	[hbm4b:s17+s3] =	stream.linear.scatter [tilespmem:s8], [sflag:$0x2], $0x8000, $0x38;
	[tilespmem:$0x10800] =	vst v63  }
0x1ac: {  	s0 =	rddreg [dreg:$0x15];
	_ =	swait.ge [sflag:s24], $0x8000  }
0x1ad: {  	[sflag:s24] =	ssyncset.done $0x0  }
0x1ae: {  	[sflag:s24] =	ssyncadd.s32 $0xFFFF8000  }
0x1af: {  	_ =	swait.ge [sflag:s15], $0x8000  }
0x1b0: {  	[sflag:s15] =	ssyncset.done $0x0  }
0x1b1: {  	[sflag:s15] =	ssyncadd.s32 $0xFFFF8000  }
0x1b2: {  	v3 =	vld [tilespmem:$0x300];
	_ =	sdelay $0x4  }
0x1b3: {  	v24 =	vshll.u32 v3, $0x2  }
0x1b4: {  	v3 =	vand.u32 $0x7, v3;
	v4 =	vand.u32 $0xFFFFFFE0, v24  }
0x1b5: {  	v3 =	vor.u32 v3, v4  }
0x1b6: {  	v4 =	vperm.xlane v3, v0;
	_ =	sdelay $0x1  }
0x1b7: {  	v4 =	vadd.s32 v1, v4;
	_ =	sdelay $0x1  }
0x1b8: {  	v3 =	vperm.xlane v3, v2;
	_ =	sdelay $0x1  }
0x1b9: {  	v3 =	vadd.s32 v1, v3  }
0x1ba: {  	[tilespmem:s8], [sflag:$0x1] =	stream.indirect_vreg.gather [hbm4b:s1+s3], $0x80, v4, vm0, $0xb8;
	[tilespmem:$0x10800] =	vst v63  }
0x1bb: {  	s28 =	simm.s32 $0x1000  }
0x1bc: {  	[tilespmem:s28], [sflag:$0x1] =	stream.indirect_vreg.gather [hbm4b:s5+s3], $0x80, v4, vm0, $0xb8;
	[tilespmem:$0x10800] =	vst v63  }
0x1bd: {  	s28 =	simm.s32 $0x1800  }
0x1be: {  	[tilespmem:s28], [sflag:$0x1] =	stream.indirect_vreg.gather [hbm4b:s1+s3], $0x80, v3, vm0, $0xb8;
	[tilespmem:$0x10800] =	vst v63  }
0x1bf: {  	s28 =	simm.s32 $0x2000  }
0x1c0: {  	[tilespmem:s28], [sflag:$0x1] =	stream.indirect_vreg.gather [hbm4b:s5+s3], $0x80, v3, vm0, $0xb8;
	[tilespmem:$0x10800] =	vst v63  }
0x1c1: {  	v3 =	vld [tilespmem:$0x310];
	_ =	sdelay $0x4  }
0x1c2: {  	v25 =	vshll.u32 v3, $0x2  }
0x1c3: {  	v3 =	vand.u32 $0x7, v3;
	v4 =	vand.u32 $0xFFFFFFE0, v25  }
0x1c4: {  	v3 =	vor.u32 v3, v4  }
0x1c5: {  	v4 =	vperm.xlane v3, v0;
	_ =	sdelay $0x1  }
0x1c6: {  	v4 =	vadd.s32 v1, v4;
	_ =	sdelay $0x1  }
0x1c7: {  	v3 =	vperm.xlane v3, v2;
	_ =	sdelay $0x1  }
0x1c8: {  	s28 =	simm.s32 $0x2800;
	v3 =	vadd.s32 v1, v3  }
0x1c9: {  	[tilespmem:s28], [sflag:$0x1] =	stream.indirect_vreg.gather [hbm4b:s1+s3], $0x80, v4, vm0, $0xb8;
	[tilespmem:$0x10800] =	vst v63  }
0x1ca: {  	s28 =	simm.s32 $0x3000  }
0x1cb: {  	[tilespmem:s28], [sflag:$0x1] =	stream.indirect_vreg.gather [hbm4b:s5+s3], $0x80, v4, vm0, $0xb8;
	[tilespmem:$0x10800] =	vst v63  }
0x1cc: {  	s28 =	simm.s32 $0x3800  }
0x1cd: {  	[tilespmem:s28], [sflag:$0x1] =	stream.indirect_vreg.gather [hbm4b:s1+s3], $0x80, v3, vm0, $0xb8;
	[tilespmem:$0x10800] =	vst v63  }
0x1ce: {  	s28 =	simm.s32 $0x4000  }
0x1cf: {  	[tilespmem:s28], [sflag:$0x1] =	stream.indirect_vreg.gather [hbm4b:s5+s3], $0x80, v3, vm0, $0xb8;
	[tilespmem:$0x10800] =	vst v63  }
0x1d0: {  	v3 =	vld [tilespmem:$0x320];
	_ =	sdelay $0x4  }
0x1d1: {  	v26 =	vshll.u32 v3, $0x2  }
0x1d2: {  	v3 =	vand.u32 $0x7, v3;
	v4 =	vand.u32 $0xFFFFFFE0, v26  }
0x1d3: {  	v3 =	vor.u32 v3, v4  }
0x1d4: {  	v4 =	vperm.xlane v3, v0;
	_ =	sdelay $0x1  }
0x1d5: {  	v4 =	vadd.s32 v1, v4;
	_ =	sdelay $0x1  }
0x1d6: {  	v3 =	vperm.xlane v3, v2;
	_ =	sdelay $0x1  }
0x1d7: {  	s28 =	simm.s32 $0x4800;
	v3 =	vadd.s32 v1, v3  }
0x1d8: {  	[tilespmem:s28], [sflag:$0x1] =	stream.indirect_vreg.gather [hbm4b:s1+s3], $0x80, v4, vm0, $0xb8;
	[tilespmem:$0x10800] =	vst v63  }
0x1d9: {  	s28 =	simm.s32 $0x5000  }
0x1da: {  	[tilespmem:s28], [sflag:$0x1] =	stream.indirect_vreg.gather [hbm4b:s5+s3], $0x80, v4, vm0, $0xb8;
	[tilespmem:$0x10800] =	vst v63  }
0x1db: {  	s28 =	simm.s32 $0x5800  }
0x1dc: {  	[tilespmem:s28], [sflag:$0x1] =	stream.indirect_vreg.gather [hbm4b:s1+s3], $0x80, v3, vm0, $0xb8;
	[tilespmem:$0x10800] =	vst v63  }
0x1dd: {  	s30 =	simm.s32 $0x6000  }
0x1de: {  	[tilespmem:s30], [sflag:$0x1] =	stream.indirect_vreg.gather [hbm4b:s5+s3], $0x80, v3, vm0, $0xb8;
	[tilespmem:$0x10800] =	vst v63  }
0x1df: {  	v3 =	vld [tilespmem:$0x330];
	_ =	sdelay $0x4  }
0x1e0: {  	v27 =	vshll.u32 v3, $0x2  }
0x1e1: {  	v3 =	vand.u32 $0x7, v3;
	v4 =	vand.u32 $0xFFFFFFE0, v27  }
0x1e2: {  	v3 =	vor.u32 v3, v4  }
0x1e3: {  	v4 =	vperm.xlane v3, v0;
	_ =	sdelay $0x1  }
0x1e4: {  	v4 =	vadd.s32 v1, v4;
	_ =	sdelay $0x1  }
0x1e5: {  	v3 =	vperm.xlane v3, v2;
	_ =	sdelay $0x1  }
0x1e6: {  	s31 =	simm.s32 $0x6800;
	v3 =	vadd.s32 v1, v3  }
0x1e7: {  	[tilespmem:s31], [sflag:$0x1] =	stream.indirect_vreg.gather [hbm4b:s1+s3], $0x80, v4, vm0, $0xb8;
	[tilespmem:$0x10800] =	vst v63  }
0x1e8: {  	s14 =	simm.s32 $0x7000  }
0x1e9: {  	[tilespmem:s14], [sflag:$0x1] =	stream.indirect_vreg.gather [hbm4b:s5+s3], $0x80, v4, vm0, $0xb8;
	[tilespmem:$0x10800] =	vst v63  }
0x1ea: {  	s26 =	simm.s32 $0x7800  }
0x1eb: {  	[tilespmem:s26], [sflag:$0x1] =	stream.indirect_vreg.gather [hbm4b:s1+s3], $0x80, v3, vm0, $0xb8;
	[tilespmem:$0x10800] =	vst v63  }
0x1ec: {  	s22 =	simm.s32 $0x8000  }
0x1ed: {  	[tilespmem:s22], [sflag:$0x1] =	stream.indirect_vreg.gather [hbm4b:s5+s3], $0x80, v3, vm0, $0xb8;
	[tilespmem:$0x10800] =	vst v63  }
0x1ee: {  	s26 =	rddreg [dreg:$0x9]  }
0x1ef: {  	[hbm4b:s26+s3] =	stream.linear.scatter [tilespmem:s25], [sflag:$0x2], $0x8000, $0x38;
	[tilespmem:$0x10800] =	vst v63  }
0x1f0: {  	_ =	swait.ge [sflag:s24], $0x8000  }
0x1f1: {  	[sflag:s24] =	ssyncset.done $0x0  }
0x1f2: {  	[sflag:s24] =	ssyncadd.s32 $0xFFFF8000  }
0x1f3: {  	_ =	swait.ge [sflag:s15], $0x8000  }
0x1f4: {  	[sflag:s15] =	ssyncset.done $0x0  }
0x1f5: {  	[sflag:s15] =	ssyncadd.s32 $0xFFFF8000  }
0x1f6: {  	v3 =	vld [tilespmem:$0x380];
	_ =	sdelay $0x4  }
0x1f7: {  	v28 =	vshll.u32 v3, $0x2  }
0x1f8: {  	v3 =	vand.u32 $0x7, v3;
	v4 =	vand.u32 $0xFFFFFFE0, v28  }
0x1f9: {  	v3 =	vor.u32 v3, v4  }
0x1fa: {  	v4 =	vperm.xlane v3, v0;
	_ =	sdelay $0x1  }
0x1fb: {  	v4 =	vadd.s32 v1, v4;
	_ =	sdelay $0x1  }
0x1fc: {  	v3 =	vperm.xlane v3, v2;
	_ =	sdelay $0x1  }
0x1fd: {  	v3 =	vadd.s32 v1, v3  }
0x1fe: {  	[tilespmem:s25], [sflag:$0x1] =	stream.indirect_vreg.gather [hbm4b:s1+s3], $0x80, v4, vm0, $0xb8;
	[tilespmem:$0x10800] =	vst v63  }
0x1ff: {  	s23 =	simm.s32 $0x9000  }
0x200: {  	[tilespmem:s23], [sflag:$0x1] =	stream.indirect_vreg.gather [hbm4b:s5+s3], $0x80, v4, vm0, $0xb8;
	[tilespmem:$0x10800] =	vst v63  }
0x201: {  	s29 =	simm.s32 $0x9800  }
0x202: {  	[tilespmem:s29], [sflag:$0x1] =	stream.indirect_vreg.gather [hbm4b:s1+s3], $0x80, v3, vm0, $0xb8;
	[tilespmem:$0x10800] =	vst v63  }
0x203: {  	s6 =	simm.s32 $0xA000  }
0x204: {  	[tilespmem:s6], [sflag:$0x1] =	stream.indirect_vreg.gather [hbm4b:s5+s3], $0x80, v3, vm0, $0xb8;
	[tilespmem:$0x10800] =	vst v63  }
0x205: {  	v3 =	vld [tilespmem:$0x390];
	_ =	sdelay $0x4  }
0x206: {  	v29 =	vshll.u32 v3, $0x2  }
0x207: {  	v3 =	vand.u32 $0x7, v3;
	v4 =	vand.u32 $0xFFFFFFE0, v29  }
0x208: {  	v3 =	vor.u32 v3, v4  }
0x209: {  	v4 =	vperm.xlane v3, v0;
	_ =	sdelay $0x1  }
0x20a: {  	v4 =	vadd.s32 v1, v4;
	_ =	sdelay $0x1  }
0x20b: {  	v3 =	vperm.xlane v3, v2;
	_ =	sdelay $0x1  }
0x20c: {  	s18 =	simm.s32 $0xA800;
	v3 =	vadd.s32 v1, v3  }
0x20d: {  	[tilespmem:s18], [sflag:$0x1] =	stream.indirect_vreg.gather [hbm4b:s1+s3], $0x80, v4, vm0, $0xb8;
	[tilespmem:$0x10800] =	vst v63  }
0x20e: {  	s19 =	simm.s32 $0xB000  }
0x20f: {  	[tilespmem:s19], [sflag:$0x1] =	stream.indirect_vreg.gather [hbm4b:s5+s3], $0x80, v4, vm0, $0xb8;
	[tilespmem:$0x10800] =	vst v63  }
0x210: {  	s20 =	simm.s32 $0xB800  }
0x211: {  	[tilespmem:s20], [sflag:$0x1] =	stream.indirect_vreg.gather [hbm4b:s1+s3], $0x80, v3, vm0, $0xb8;
	[tilespmem:$0x10800] =	vst v63  }
0x212: {  	s7 =	simm.s32 $0xC000  }
0x213: {  	[tilespmem:s7], [sflag:$0x1] =	stream.indirect_vreg.gather [hbm4b:s5+s3], $0x80, v3, vm0, $0xb8;
	[tilespmem:$0x10800] =	vst v63  }
0x214: {  	v3 =	vld [tilespmem:$0x3A0];
	_ =	sdelay $0x4  }
0x215: {  	v30 =	vshll.u32 v3, $0x2  }
0x216: {  	v3 =	vand.u32 $0x7, v3;
	v4 =	vand.u32 $0xFFFFFFE0, v30  }
0x217: {  	v3 =	vor.u32 v3, v4  }
0x218: {  	v4 =	vperm.xlane v3, v0;
	_ =	sdelay $0x1  }
0x219: {  	v4 =	vadd.s32 v1, v4;
	_ =	sdelay $0x1  }
0x21a: {  	v3 =	vperm.xlane v3, v2;
	_ =	sdelay $0x1  }
0x21b: {  	s2 =	simm.s32 $0xC800;
	v3 =	vadd.s32 v1, v3  }
0x21c: {  	[tilespmem:s2], [sflag:$0x1] =	stream.indirect_vreg.gather [hbm4b:s1+s3], $0x80, v4, vm0, $0xb8;
	[tilespmem:$0x10800] =	vst v63  }
0x21d: {  	s9 =	simm.s32 $0xD000  }
0x21e: {  	[tilespmem:s9], [sflag:$0x1] =	stream.indirect_vreg.gather [hbm4b:s5+s3], $0x80, v4, vm0, $0xb8;
	[tilespmem:$0x10800] =	vst v63  }
0x21f: {  	s10 =	simm.s32 $0xD800  }
0x220: {  	[tilespmem:s10], [sflag:$0x1] =	stream.indirect_vreg.gather [hbm4b:s1+s3], $0x80, v3, vm0, $0xb8;
	[tilespmem:$0x10800] =	vst v63  }
0x221: {  	s21 =	simm.s32 $0xE000  }
0x222: {  	[tilespmem:s21], [sflag:$0x1] =	stream.indirect_vreg.gather [hbm4b:s5+s3], $0x80, v3, vm0, $0xb8;
	[tilespmem:$0x10800] =	vst v63  }
0x223: {  	v3 =	vld [tilespmem:$0x3B0];
	_ =	sdelay $0x4  }
0x224: {  	v31 =	vshll.u32 v3, $0x2  }
0x225: {  	v3 =	vand.u32 $0x7, v3;
	v4 =	vand.u32 $0xFFFFFFE0, v31  }
0x226: {  	v3 =	vor.u32 v3, v4  }
0x227: {  	v4 =	vperm.xlane v3, v0;
	_ =	sdelay $0x1  }
0x228: {  	v4 =	vadd.s32 v1, v4;
	_ =	sdelay $0x1  }
0x229: {  	v3 =	vperm.xlane v3, v2;
	_ =	sdelay $0x1  }
0x22a: {  	s11 =	simm.s32 $0xE800;
	v3 =	vadd.s32 v1, v3  }
0x22b: {  	[tilespmem:s11], [sflag:$0x1] =	stream.indirect_vreg.gather [hbm4b:s1+s3], $0x80, v4, vm0, $0xb8;
	[tilespmem:$0x10800] =	vst v63  }
0x22c: {  	s12 =	simm.s32 $0xF000  }
0x22d: {  	[tilespmem:s12], [sflag:$0x1] =	stream.indirect_vreg.gather [hbm4b:s5+s3], $0x80, v4, vm0, $0xb8;
	[tilespmem:$0x10800] =	vst v63  }
0x22e: {  	s4 =	simm.s32 $0xF800  }
0x22f: {  	[tilespmem:s4], [sflag:$0x1] =	stream.indirect_vreg.gather [hbm4b:s1+s3], $0x80, v3, vm0, $0xb8;
	[tilespmem:$0x10800] =	vst v63  }
0x230: {  	s13 =	simm.s32 $0x10000  }
0x231: {  	[tilespmem:s13], [sflag:$0x1] =	stream.indirect_vreg.gather [hbm4b:s5+s3], $0x80, v3, vm0, $0xb8;
	[tilespmem:$0x10800] =	vst v63  }
0x232: {  	s29 =	rddreg [dreg:$0xa]  }
0x233: {  	[hbm4b:s29+s3] =	stream.linear.scatter [tilespmem:s8], [sflag:$0x2], $0x8000, $0x38;
	[tilespmem:$0x10800] =	vst v63  }
0x234: {  	_ =	swait.ge [sflag:s24], $0x8000  }
0x235: {  	[sflag:s24] =	ssyncset.done $0x0  }
0x236: {  	[sflag:s24] =	ssyncadd.s32 $0xFFFF8000  }
0x237: {  	_ =	swait.ge [sflag:s15], $0x8000  }
0x238: {  	[sflag:s15] =	ssyncset.done $0x0  }
0x239: {  	[sflag:s15] =	ssyncadd.s32 $0xFFFF8000  }
0x23a: {  	v3 =	vld [tilespmem:$0x400];
	_ =	sdelay $0x4  }
0x23b: {  	v32 =	vshll.u32 v3, $0x2  }
0x23c: {  	v3 =	vand.u32 $0x7, v3;
	v4 =	vand.u32 $0xFFFFFFE0, v32  }
0x23d: {  	v3 =	vor.u32 v3, v4  }
0x23e: {  	v4 =	vperm.xlane v3, v0;
	_ =	sdelay $0x1  }
0x23f: {  	v4 =	vadd.s32 v1, v4;
	_ =	sdelay $0x1  }
0x240: {  	v3 =	vperm.xlane v3, v2;
	_ =	sdelay $0x1  }
0x241: {  	v3 =	vadd.s32 v1, v3  }
0x242: {  	[tilespmem:s8], [sflag:$0x1] =	stream.indirect_vreg.gather [hbm4b:s1+s3], $0x80, v4, vm0, $0xb8;
	[tilespmem:$0x10800] =	vst v63  }
0x243: {  	s17 =	simm.s32 $0x1000  }
0x244: {  	[tilespmem:s17], [sflag:$0x1] =	stream.indirect_vreg.gather [hbm4b:s5+s3], $0x80, v4, vm0, $0xb8;
	[tilespmem:$0x10800] =	vst v63  }
0x245: {  	s29 =	simm.s32 $0x1800  }
0x246: {  	[tilespmem:s29], [sflag:$0x1] =	stream.indirect_vreg.gather [hbm4b:s1+s3], $0x80, v3, vm0, $0xb8;
	[tilespmem:$0x10800] =	vst v63  }
0x247: {  	s17 =	simm.s32 $0x2000  }
0x248: {  	[tilespmem:s17], [sflag:$0x1] =	stream.indirect_vreg.gather [hbm4b:s5+s3], $0x80, v3, vm0, $0xb8;
	[tilespmem:$0x10800] =	vst v63  }
0x249: {  	v3 =	vld [tilespmem:$0x410];
	_ =	sdelay $0x4  }
0x24a: {  	v33 =	vshll.u32 v3, $0x2  }
0x24b: {  	v3 =	vand.u32 $0x7, v3;
	v4 =	vand.u32 $0xFFFFFFE0, v33  }
0x24c: {  	v3 =	vor.u32 v3, v4  }
0x24d: {  	v4 =	vperm.xlane v3, v0;
	_ =	sdelay $0x1  }
0x24e: {  	v4 =	vadd.s32 v1, v4;
	_ =	sdelay $0x1  }
0x24f: {  	v3 =	vperm.xlane v3, v2;
	_ =	sdelay $0x1  }
0x250: {  	s29 =	simm.s32 $0x2800;
	v3 =	vadd.s32 v1, v3  }
0x251: {  	[tilespmem:s29], [sflag:$0x1] =	stream.indirect_vreg.gather [hbm4b:s1+s3], $0x80, v4, vm0, $0xb8;
	[tilespmem:$0x10800] =	vst v63  }
0x252: {  	s17 =	simm.s32 $0x3000  }
0x253: {  	[tilespmem:s17], [sflag:$0x1] =	stream.indirect_vreg.gather [hbm4b:s5+s3], $0x80, v4, vm0, $0xb8;
	[tilespmem:$0x10800] =	vst v63  }
0x254: {  	s29 =	simm.s32 $0x3800  }
0x255: {  	[tilespmem:s29], [sflag:$0x1] =	stream.indirect_vreg.gather [hbm4b:s1+s3], $0x80, v3, vm0, $0xb8;
	[tilespmem:$0x10800] =	vst v63  }
0x256: {  	s17 =	simm.s32 $0x4000  }
0x257: {  	[tilespmem:s17], [sflag:$0x1] =	stream.indirect_vreg.gather [hbm4b:s5+s3], $0x80, v3, vm0, $0xb8;
	[tilespmem:$0x10800] =	vst v63  }
0x258: {  	v3 =	vld [tilespmem:$0x420];
	_ =	sdelay $0x4  }
0x259: {  	v34 =	vshll.u32 v3, $0x2  }
0x25a: {  	v3 =	vand.u32 $0x7, v3;
	v4 =	vand.u32 $0xFFFFFFE0, v34  }
0x25b: {  	v3 =	vor.u32 v3, v4  }
0x25c: {  	v4 =	vperm.xlane v3, v0;
	_ =	sdelay $0x1  }
0x25d: {  	v4 =	vadd.s32 v1, v4;
	_ =	sdelay $0x1  }
0x25e: {  	v3 =	vperm.xlane v3, v2;
	_ =	sdelay $0x1  }
0x25f: {  	s29 =	simm.s32 $0x4800;
	v3 =	vadd.s32 v1, v3  }
0x260: {  	[tilespmem:s29], [sflag:$0x1] =	stream.indirect_vreg.gather [hbm4b:s1+s3], $0x80, v4, vm0, $0xb8;
	[tilespmem:$0x10800] =	vst v63  }
0x261: {  	s17 =	simm.s32 $0x5000  }
0x262: {  	[tilespmem:s17], [sflag:$0x1] =	stream.indirect_vreg.gather [hbm4b:s5+s3], $0x80, v4, vm0, $0xb8;
	[tilespmem:$0x10800] =	vst v63  }
0x263: {  	s28 =	simm.s32 $0x5800  }
0x264: {  	[tilespmem:s28], [sflag:$0x1] =	stream.indirect_vreg.gather [hbm4b:s1+s3], $0x80, v3, vm0, $0xb8;
	[tilespmem:$0x10800] =	vst v63  }
0x265: {  	s30 =	simm.s32 $0x6000  }
0x266: {  	[tilespmem:s30], [sflag:$0x1] =	stream.indirect_vreg.gather [hbm4b:s5+s3], $0x80, v3, vm0, $0xb8;
	[tilespmem:$0x10800] =	vst v63  }
0x267: {  	v3 =	vld [tilespmem:$0x430];
	_ =	sdelay $0x4  }
0x268: {  	v35 =	vshll.u32 v3, $0x2  }
0x269: {  	v3 =	vand.u32 $0x7, v3;
	v4 =	vand.u32 $0xFFFFFFE0, v35  }
0x26a: {  	v3 =	vor.u32 v3, v4  }
0x26b: {  	v4 =	vperm.xlane v3, v0;
	_ =	sdelay $0x1  }
0x26c: {  	v4 =	vadd.s32 v1, v4;
	_ =	sdelay $0x1  }
0x26d: {  	v3 =	vperm.xlane v3, v2;
	_ =	sdelay $0x1  }
0x26e: {  	s29 =	simm.s32 $0x6800;
	v3 =	vadd.s32 v1, v3  }
0x26f: {  	[tilespmem:s29], [sflag:$0x1] =	stream.indirect_vreg.gather [hbm4b:s1+s3], $0x80, v4, vm0, $0xb8;
	[tilespmem:$0x10800] =	vst v63  }
0x270: {  	s30 =	simm.s32 $0x7000  }
0x271: {  	[tilespmem:s30], [sflag:$0x1] =	stream.indirect_vreg.gather [hbm4b:s5+s3], $0x80, v4, vm0, $0xb8;
	[tilespmem:$0x10800] =	vst v63  }
0x272: {  	s31 =	simm.s32 $0x7800  }
0x273: {  	[tilespmem:s31], [sflag:$0x1] =	stream.indirect_vreg.gather [hbm4b:s1+s3], $0x80, v3, vm0, $0xb8;
	[tilespmem:$0x10800] =	vst v63  }
0x274: {  	s14 =	simm.s32 $0x8000  }
0x275: {  	[tilespmem:s14], [sflag:$0x1] =	stream.indirect_vreg.gather [hbm4b:s5+s3], $0x80, v3, vm0, $0xb8;
	[tilespmem:$0x10800] =	vst v63  }
0x276: {  	s31 =	rddreg [dreg:$0xb]  }
0x277: {  	[hbm4b:s31+s3] =	stream.linear.scatter [tilespmem:s25], [sflag:$0x2], $0x8000, $0x38;
	[tilespmem:$0x10800] =	vst v63  }
0x278: {  	_ =	swait.ge [sflag:s24], $0x8000  }
0x279: {  	[sflag:s24] =	ssyncset.done $0x0  }
0x27a: {  	[sflag:s24] =	ssyncadd.s32 $0xFFFF8000  }
0x27b: {  	_ =	swait.ge [sflag:s15], $0x8000  }
0x27c: {  	[sflag:s15] =	ssyncset.done $0x0  }
0x27d: {  	[sflag:s15] =	ssyncadd.s32 $0xFFFF8000  }
0x27e: {  	v3 =	vld [tilespmem:$0x480];
	_ =	sdelay $0x4  }
0x27f: {  	v36 =	vshll.u32 v3, $0x2  }
0x280: {  	v3 =	vand.u32 $0x7, v3;
	v4 =	vand.u32 $0xFFFFFFE0, v36  }
0x281: {  	v3 =	vor.u32 v3, v4  }
0x282: {  	v4 =	vperm.xlane v3, v0;
	_ =	sdelay $0x1  }
0x283: {  	v4 =	vadd.s32 v1, v4;
	_ =	sdelay $0x1  }
0x284: {  	v3 =	vperm.xlane v3, v2;
	_ =	sdelay $0x1  }
0x285: {  	v3 =	vadd.s32 v1, v3  }
0x286: {  	[tilespmem:s25], [sflag:$0x1] =	stream.indirect_vreg.gather [hbm4b:s1+s3], $0x80, v4, vm0, $0xb8;
	[tilespmem:$0x10800] =	vst v63  }
0x287: {  	s26 =	simm.s32 $0x9000  }
0x288: {  	[tilespmem:s26], [sflag:$0x1] =	stream.indirect_vreg.gather [hbm4b:s5+s3], $0x80, v4, vm0, $0xb8;
	[tilespmem:$0x10800] =	vst v63  }
0x289: {  	s22 =	simm.s32 $0x9800  }
0x28a: {  	[tilespmem:s22], [sflag:$0x1] =	stream.indirect_vreg.gather [hbm4b:s1+s3], $0x80, v3, vm0, $0xb8;
	[tilespmem:$0x10800] =	vst v63  }
0x28b: {  	s6 =	simm.s32 $0xA000  }
0x28c: {  	[tilespmem:s6], [sflag:$0x1] =	stream.indirect_vreg.gather [hbm4b:s5+s3], $0x80, v3, vm0, $0xb8;
	[tilespmem:$0x10800] =	vst v63  }
0x28d: {  	v3 =	vld [tilespmem:$0x490];
	_ =	sdelay $0x4  }
0x28e: {  	v37 =	vshll.u32 v3, $0x2  }
0x28f: {  	v3 =	vand.u32 $0x7, v3;
	v4 =	vand.u32 $0xFFFFFFE0, v37  }
0x290: {  	v3 =	vor.u32 v3, v4  }
0x291: {  	v4 =	vperm.xlane v3, v0;
	_ =	sdelay $0x1  }
0x292: {  	v4 =	vadd.s32 v1, v4;
	_ =	sdelay $0x1  }
0x293: {  	v3 =	vperm.xlane v3, v2;
	_ =	sdelay $0x1  }
0x294: {  	s18 =	simm.s32 $0xA800;
	v3 =	vadd.s32 v1, v3  }
0x295: {  	[tilespmem:s18], [sflag:$0x1] =	stream.indirect_vreg.gather [hbm4b:s1+s3], $0x80, v4, vm0, $0xb8;
	[tilespmem:$0x10800] =	vst v63  }
0x296: {  	s19 =	simm.s32 $0xB000  }
0x297: {  	[tilespmem:s19], [sflag:$0x1] =	stream.indirect_vreg.gather [hbm4b:s5+s3], $0x80, v4, vm0, $0xb8;
	[tilespmem:$0x10800] =	vst v63  }
0x298: {  	s20 =	simm.s32 $0xB800  }
0x299: {  	[tilespmem:s20], [sflag:$0x1] =	stream.indirect_vreg.gather [hbm4b:s1+s3], $0x80, v3, vm0, $0xb8;
	[tilespmem:$0x10800] =	vst v63  }
0x29a: {  	s23 =	simm.s32 $0xC000  }
0x29b: {  	[tilespmem:s23], [sflag:$0x1] =	stream.indirect_vreg.gather [hbm4b:s5+s3], $0x80, v3, vm0, $0xb8;
	[tilespmem:$0x10800] =	vst v63  }
0x29c: {  	v3 =	vld [tilespmem:$0x4A0];
	_ =	sdelay $0x4  }
0x29d: {  	v38 =	vshll.u32 v3, $0x2  }
0x29e: {  	v3 =	vand.u32 $0x7, v3;
	v4 =	vand.u32 $0xFFFFFFE0, v38  }
0x29f: {  	v3 =	vor.u32 v3, v4  }
0x2a0: {  	v4 =	vperm.xlane v3, v0;
	_ =	sdelay $0x1  }
0x2a1: {  	v4 =	vadd.s32 v1, v4;
	_ =	sdelay $0x1  }
0x2a2: {  	v3 =	vperm.xlane v3, v2;
	_ =	sdelay $0x1  }
0x2a3: {  	s2 =	simm.s32 $0xC800;
	v3 =	vadd.s32 v1, v3  }
0x2a4: {  	[tilespmem:s2], [sflag:$0x1] =	stream.indirect_vreg.gather [hbm4b:s1+s3], $0x80, v4, vm0, $0xb8;
	[tilespmem:$0x10800] =	vst v63  }
0x2a5: {  	s7 =	simm.s32 $0xD000  }
0x2a6: {  	[tilespmem:s7], [sflag:$0x1] =	stream.indirect_vreg.gather [hbm4b:s5+s3], $0x80, v4, vm0, $0xb8;
	[tilespmem:$0x10800] =	vst v63  }
0x2a7: {  	s9 =	simm.s32 $0xD800  }
0x2a8: {  	[tilespmem:s9], [sflag:$0x1] =	stream.indirect_vreg.gather [hbm4b:s1+s3], $0x80, v3, vm0, $0xb8;
	[tilespmem:$0x10800] =	vst v63  }
0x2a9: {  	s21 =	simm.s32 $0xE000  }
0x2aa: {  	[tilespmem:s21], [sflag:$0x1] =	stream.indirect_vreg.gather [hbm4b:s5+s3], $0x80, v3, vm0, $0xb8;
	[tilespmem:$0x10800] =	vst v63  }
0x2ab: {  	v3 =	vld [tilespmem:$0x4B0];
	_ =	sdelay $0x4  }
0x2ac: {  	v39 =	vshll.u32 v3, $0x2  }
0x2ad: {  	v3 =	vand.u32 $0x7, v3;
	v4 =	vand.u32 $0xFFFFFFE0, v39  }
0x2ae: {  	v3 =	vor.u32 v3, v4  }
0x2af: {  	v4 =	vperm.xlane v3, v0;
	_ =	sdelay $0x1  }
0x2b0: {  	v4 =	vadd.s32 v1, v4;
	_ =	sdelay $0x1  }
0x2b1: {  	v3 =	vperm.xlane v3, v2;
	_ =	sdelay $0x1  }
0x2b2: {  	s10 =	simm.s32 $0xE800;
	v3 =	vadd.s32 v1, v3  }
0x2b3: {  	[tilespmem:s10], [sflag:$0x1] =	stream.indirect_vreg.gather [hbm4b:s1+s3], $0x80, v4, vm0, $0xb8;
	[tilespmem:$0x10800] =	vst v63  }
0x2b4: {  	s11 =	simm.s32 $0xF000  }
0x2b5: {  	[tilespmem:s11], [sflag:$0x1] =	stream.indirect_vreg.gather [hbm4b:s5+s3], $0x80, v4, vm0, $0xb8;
	[tilespmem:$0x10800] =	vst v63  }
0x2b6: {  	s4 =	simm.s32 $0xF800  }
0x2b7: {  	[tilespmem:s4], [sflag:$0x1] =	stream.indirect_vreg.gather [hbm4b:s1+s3], $0x80, v3, vm0, $0xb8;
	[tilespmem:$0x10800] =	vst v63  }
0x2b8: {  	s12 =	simm.s32 $0x10000  }
0x2b9: {  	[tilespmem:s12], [sflag:$0x1] =	stream.indirect_vreg.gather [hbm4b:s5+s3], $0x80, v3, vm0, $0xb8;
	[tilespmem:$0x10800] =	vst v63  }
0x2ba: {  	s21 =	rddreg [dreg:$0xc]  }
0x2bb: {  	[hbm4b:s21+s3] =	stream.linear.scatter [tilespmem:s8], [sflag:$0x2], $0x8000, $0x38;
	[tilespmem:$0x10800] =	vst v63  }
0x2bc: {  	_ =	swait.ge [sflag:s24], $0x8000  }
0x2bd: {  	[sflag:s24] =	ssyncset.done $0x0  }
0x2be: {  	[sflag:s24] =	ssyncadd.s32 $0xFFFF8000  }
0x2bf: {  	_ =	swait.ge [sflag:s15], $0x8000  }
0x2c0: {  	[sflag:s15] =	ssyncset.done $0x0  }
0x2c1: {  	[sflag:s15] =	ssyncadd.s32 $0xFFFF8000  }
0x2c2: {  	v3 =	vld [tilespmem:$0x500];
	_ =	sdelay $0x4  }
0x2c3: {  	v40 =	vshll.u32 v3, $0x2  }
0x2c4: {  	v3 =	vand.u32 $0x7, v3;
	v4 =	vand.u32 $0xFFFFFFE0, v40  }
0x2c5: {  	v3 =	vor.u32 v3, v4  }
0x2c6: {  	v4 =	vperm.xlane v3, v0;
	_ =	sdelay $0x1  }
0x2c7: {  	v4 =	vadd.s32 v1, v4;
	_ =	sdelay $0x1  }
0x2c8: {  	v3 =	vperm.xlane v3, v2;
	_ =	sdelay $0x1  }
0x2c9: {  	v3 =	vadd.s32 v1, v3  }
0x2ca: {  	[tilespmem:s8], [sflag:$0x1] =	stream.indirect_vreg.gather [hbm4b:s1+s3], $0x80, v4, vm0, $0xb8;
	[tilespmem:$0x10800] =	vst v63  }
0x2cb: {  	s13 =	simm.s32 $0x1000  }
0x2cc: {  	[tilespmem:s13], [sflag:$0x1] =	stream.indirect_vreg.gather [hbm4b:s5+s3], $0x80, v4, vm0, $0xb8;
	[tilespmem:$0x10800] =	vst v63  }
0x2cd: {  	s21 =	simm.s32 $0x1800  }
0x2ce: {  	[tilespmem:s21], [sflag:$0x1] =	stream.indirect_vreg.gather [hbm4b:s1+s3], $0x80, v3, vm0, $0xb8;
	[tilespmem:$0x10800] =	vst v63  }
0x2cf: {  	s21 =	simm.s32 $0x2000  }
0x2d0: {  	[tilespmem:s21], [sflag:$0x1] =	stream.indirect_vreg.gather [hbm4b:s5+s3], $0x80, v3, vm0, $0xb8;
	[tilespmem:$0x10800] =	vst v63  }
0x2d1: {  	v3 =	vld [tilespmem:$0x510];
	_ =	sdelay $0x4  }
0x2d2: {  	v41 =	vshll.u32 v3, $0x2  }
0x2d3: {  	v3 =	vand.u32 $0x7, v3;
	v4 =	vand.u32 $0xFFFFFFE0, v41  }
0x2d4: {  	v3 =	vor.u32 v3, v4  }
0x2d5: {  	v4 =	vperm.xlane v3, v0;
	_ =	sdelay $0x1  }
0x2d6: {  	v4 =	vadd.s32 v1, v4;
	_ =	sdelay $0x1  }
0x2d7: {  	v3 =	vperm.xlane v3, v2;
	_ =	sdelay $0x1  }
0x2d8: {  	s21 =	simm.s32 $0x2800;
	v3 =	vadd.s32 v1, v3  }
0x2d9: {  	[tilespmem:s21], [sflag:$0x1] =	stream.indirect_vreg.gather [hbm4b:s1+s3], $0x80, v4, vm0, $0xb8;
	[tilespmem:$0x10800] =	vst v63  }
0x2da: {  	s21 =	simm.s32 $0x3000  }
0x2db: {  	[tilespmem:s21], [sflag:$0x1] =	stream.indirect_vreg.gather [hbm4b:s5+s3], $0x80, v4, vm0, $0xb8;
	[tilespmem:$0x10800] =	vst v63  }
0x2dc: {  	s21 =	simm.s32 $0x3800  }
0x2dd: {  	[tilespmem:s21], [sflag:$0x1] =	stream.indirect_vreg.gather [hbm4b:s1+s3], $0x80, v3, vm0, $0xb8;
	[tilespmem:$0x10800] =	vst v63  }
0x2de: {  	s21 =	simm.s32 $0x4000  }
0x2df: {  	[tilespmem:s21], [sflag:$0x1] =	stream.indirect_vreg.gather [hbm4b:s5+s3], $0x80, v3, vm0, $0xb8;
	[tilespmem:$0x10800] =	vst v63  }
0x2e0: {  	v3 =	vld [tilespmem:$0x520];
	_ =	sdelay $0x4  }
0x2e1: {  	v42 =	vshll.u32 v3, $0x2  }
0x2e2: {  	v3 =	vand.u32 $0x7, v3;
	v4 =	vand.u32 $0xFFFFFFE0, v42  }
0x2e3: {  	v3 =	vor.u32 v3, v4  }
0x2e4: {  	v4 =	vperm.xlane v3, v0;
	_ =	sdelay $0x1  }
0x2e5: {  	v4 =	vadd.s32 v1, v4;
	_ =	sdelay $0x1  }
0x2e6: {  	v3 =	vperm.xlane v3, v2;
	_ =	sdelay $0x1  }
0x2e7: {  	s21 =	simm.s32 $0x4800;
	v3 =	vadd.s32 v1, v3  }
0x2e8: {  	[tilespmem:s21], [sflag:$0x1] =	stream.indirect_vreg.gather [hbm4b:s1+s3], $0x80, v4, vm0, $0xb8;
	[tilespmem:$0x10800] =	vst v63  }
0x2e9: {  	s21 =	simm.s32 $0x5000  }
0x2ea: {  	[tilespmem:s21], [sflag:$0x1] =	stream.indirect_vreg.gather [hbm4b:s5+s3], $0x80, v4, vm0, $0xb8;
	[tilespmem:$0x10800] =	vst v63  }
0x2eb: {  	s17 =	simm.s32 $0x5800  }
0x2ec: {  	[tilespmem:s17], [sflag:$0x1] =	stream.indirect_vreg.gather [hbm4b:s1+s3], $0x80, v3, vm0, $0xb8;
	[tilespmem:$0x10800] =	vst v63  }
0x2ed: {  	s28 =	simm.s32 $0x6000  }
0x2ee: {  	[tilespmem:s28], [sflag:$0x1] =	stream.indirect_vreg.gather [hbm4b:s5+s3], $0x80, v3, vm0, $0xb8;
	[tilespmem:$0x10800] =	vst v63  }
0x2ef: {  	v3 =	vld [tilespmem:$0x530];
	_ =	sdelay $0x4  }
0x2f0: {  	v43 =	vshll.u32 v3, $0x2  }
0x2f1: {  	v3 =	vand.u32 $0x7, v3;
	v4 =	vand.u32 $0xFFFFFFE0, v43  }
0x2f2: {  	v3 =	vor.u32 v3, v4  }
0x2f3: {  	v4 =	vperm.xlane v3, v0;
	_ =	sdelay $0x1  }
0x2f4: {  	v4 =	vadd.s32 v1, v4;
	_ =	sdelay $0x1  }
0x2f5: {  	v3 =	vperm.xlane v3, v2;
	_ =	sdelay $0x1  }
0x2f6: {  	s28 =	simm.s32 $0x6800;
	v3 =	vadd.s32 v1, v3  }
0x2f7: {  	[tilespmem:s28], [sflag:$0x1] =	stream.indirect_vreg.gather [hbm4b:s1+s3], $0x80, v4, vm0, $0xb8;
	[tilespmem:$0x10800] =	vst v63  }
0x2f8: {  	s29 =	simm.s32 $0x7000  }
0x2f9: {  	[tilespmem:s29], [sflag:$0x1] =	stream.indirect_vreg.gather [hbm4b:s5+s3], $0x80, v4, vm0, $0xb8;
	[tilespmem:$0x10800] =	vst v63  }
0x2fa: {  	s30 =	simm.s32 $0x7800  }
0x2fb: {  	[tilespmem:s30], [sflag:$0x1] =	stream.indirect_vreg.gather [hbm4b:s1+s3], $0x80, v3, vm0, $0xb8;
	[tilespmem:$0x10800] =	vst v63  }
0x2fc: {  	s14 =	simm.s32 $0x8000  }
0x2fd: {  	[tilespmem:s14], [sflag:$0x1] =	stream.indirect_vreg.gather [hbm4b:s5+s3], $0x80, v3, vm0, $0xb8;
	[tilespmem:$0x10800] =	vst v63  }
0x2fe: {  	s28 =	rddreg [dreg:$0xd]  }
0x2ff: {  	[hbm4b:s28+s3] =	stream.linear.scatter [tilespmem:s25], [sflag:$0x2], $0x8000, $0x38;
	[tilespmem:$0x10800] =	vst v63  }
0x300: {  	_ =	swait.ge [sflag:s24], $0x8000  }
0x301: {  	[sflag:s24] =	ssyncset.done $0x0  }
0x302: {  	[sflag:s24] =	ssyncadd.s32 $0xFFFF8000  }
0x303: {  	_ =	swait.ge [sflag:s15], $0x8000  }
0x304: {  	[sflag:s15] =	ssyncset.done $0x0  }
0x305: {  	[sflag:s15] =	ssyncadd.s32 $0xFFFF8000  }
0x306: {  	v3 =	vld [tilespmem:$0x580];
	_ =	sdelay $0x4  }
0x307: {  	v44 =	vshll.u32 v3, $0x2  }
0x308: {  	v3 =	vand.u32 $0x7, v3;
	v4 =	vand.u32 $0xFFFFFFE0, v44  }
0x309: {  	v3 =	vor.u32 v3, v4  }
0x30a: {  	v4 =	vperm.xlane v3, v0;
	_ =	sdelay $0x1  }
0x30b: {  	v4 =	vadd.s32 v1, v4;
	_ =	sdelay $0x1  }
0x30c: {  	v3 =	vperm.xlane v3, v2;
	_ =	sdelay $0x1  }
0x30d: {  	v3 =	vadd.s32 v1, v3  }
0x30e: {  	[tilespmem:s25], [sflag:$0x1] =	stream.indirect_vreg.gather [hbm4b:s1+s3], $0x80, v4, vm0, $0xb8;
	[tilespmem:$0x10800] =	vst v63  }
0x30f: {  	s31 =	simm.s32 $0x9000  }
0x310: {  	[tilespmem:s31], [sflag:$0x1] =	stream.indirect_vreg.gather [hbm4b:s5+s3], $0x80, v4, vm0, $0xb8;
	[tilespmem:$0x10800] =	vst v63  }
0x311: {  	s26 =	simm.s32 $0x9800  }
0x312: {  	[tilespmem:s26], [sflag:$0x1] =	stream.indirect_vreg.gather [hbm4b:s1+s3], $0x80, v3, vm0, $0xb8;
	[tilespmem:$0x10800] =	vst v63  }
0x313: {  	s22 =	simm.s32 $0xA000  }
0x314: {  	[tilespmem:s22], [sflag:$0x1] =	stream.indirect_vreg.gather [hbm4b:s5+s3], $0x80, v3, vm0, $0xb8;
	[tilespmem:$0x10800] =	vst v63  }
0x315: {  	v3 =	vld [tilespmem:$0x590];
	_ =	sdelay $0x4  }
0x316: {  	v45 =	vshll.u32 v3, $0x2  }
0x317: {  	v3 =	vand.u32 $0x7, v3;
	v4 =	vand.u32 $0xFFFFFFE0, v45  }
0x318: {  	v3 =	vor.u32 v3, v4  }
0x319: {  	v4 =	vperm.xlane v3, v0;
	_ =	sdelay $0x1  }
0x31a: {  	v4 =	vadd.s32 v1, v4;
	_ =	sdelay $0x1  }
0x31b: {  	v3 =	vperm.xlane v3, v2;
	_ =	sdelay $0x1  }
0x31c: {  	s6 =	simm.s32 $0xA800;
	v3 =	vadd.s32 v1, v3  }
0x31d: {  	[tilespmem:s6], [sflag:$0x1] =	stream.indirect_vreg.gather [hbm4b:s1+s3], $0x80, v4, vm0, $0xb8;
	[tilespmem:$0x10800] =	vst v63  }
0x31e: {  	s18 =	simm.s32 $0xB000  }
0x31f: {  	[tilespmem:s18], [sflag:$0x1] =	stream.indirect_vreg.gather [hbm4b:s5+s3], $0x80, v4, vm0, $0xb8;
	[tilespmem:$0x10800] =	vst v63  }
0x320: {  	s19 =	simm.s32 $0xB800  }
0x321: {  	[tilespmem:s19], [sflag:$0x1] =	stream.indirect_vreg.gather [hbm4b:s1+s3], $0x80, v3, vm0, $0xb8;
	[tilespmem:$0x10800] =	vst v63  }
0x322: {  	s23 =	simm.s32 $0xC000  }
0x323: {  	[tilespmem:s23], [sflag:$0x1] =	stream.indirect_vreg.gather [hbm4b:s5+s3], $0x80, v3, vm0, $0xb8;
	[tilespmem:$0x10800] =	vst v63  }
0x324: {  	v3 =	vld [tilespmem:$0x5A0];
	_ =	sdelay $0x4  }
0x325: {  	v46 =	vshll.u32 v3, $0x2  }
0x326: {  	v3 =	vand.u32 $0x7, v3;
	v4 =	vand.u32 $0xFFFFFFE0, v46  }
0x327: {  	v3 =	vor.u32 v3, v4  }
0x328: {  	v4 =	vperm.xlane v3, v0;
	_ =	sdelay $0x1  }
0x329: {  	v4 =	vadd.s32 v1, v4;
	_ =	sdelay $0x1  }
0x32a: {  	v3 =	vperm.xlane v3, v2;
	_ =	sdelay $0x1  }
0x32b: {  	s2 =	simm.s32 $0xC800;
	v3 =	vadd.s32 v1, v3  }
0x32c: {  	[tilespmem:s2], [sflag:$0x1] =	stream.indirect_vreg.gather [hbm4b:s1+s3], $0x80, v4, vm0, $0xb8;
	[tilespmem:$0x10800] =	vst v63  }
0x32d: {  	s7 =	simm.s32 $0xD000  }
0x32e: {  	[tilespmem:s7], [sflag:$0x1] =	stream.indirect_vreg.gather [hbm4b:s5+s3], $0x80, v4, vm0, $0xb8;
	[tilespmem:$0x10800] =	vst v63  }
0x32f: {  	s9 =	simm.s32 $0xD800  }
0x330: {  	[tilespmem:s9], [sflag:$0x1] =	stream.indirect_vreg.gather [hbm4b:s1+s3], $0x80, v3, vm0, $0xb8;
	[tilespmem:$0x10800] =	vst v63  }
0x331: {  	s20 =	simm.s32 $0xE000  }
0x332: {  	[tilespmem:s20], [sflag:$0x1] =	stream.indirect_vreg.gather [hbm4b:s5+s3], $0x80, v3, vm0, $0xb8;
	[tilespmem:$0x10800] =	vst v63  }
0x333: {  	v3 =	vld [tilespmem:$0x5B0];
	_ =	sdelay $0x4  }
0x334: {  	v47 =	vshll.u32 v3, $0x2  }
0x335: {  	v3 =	vand.u32 $0x7, v3;
	v4 =	vand.u32 $0xFFFFFFE0, v47  }
0x336: {  	v3 =	vor.u32 v3, v4  }
0x337: {  	v4 =	vperm.xlane v3, v0;
	_ =	sdelay $0x1  }
0x338: {  	v4 =	vadd.s32 v1, v4;
	_ =	sdelay $0x1  }
0x339: {  	v3 =	vperm.xlane v3, v2;
	_ =	sdelay $0x1  }
0x33a: {  	s10 =	simm.s32 $0xE800;
	v3 =	vadd.s32 v1, v3  }
0x33b: {  	[tilespmem:s10], [sflag:$0x1] =	stream.indirect_vreg.gather [hbm4b:s1+s3], $0x80, v4, vm0, $0xb8;
	[tilespmem:$0x10800] =	vst v63  }
0x33c: {  	s11 =	simm.s32 $0xF000  }
0x33d: {  	[tilespmem:s11], [sflag:$0x1] =	stream.indirect_vreg.gather [hbm4b:s5+s3], $0x80, v4, vm0, $0xb8;
	[tilespmem:$0x10800] =	vst v63  }
0x33e: {  	s4 =	simm.s32 $0xF800  }
0x33f: {  	[tilespmem:s4], [sflag:$0x1] =	stream.indirect_vreg.gather [hbm4b:s1+s3], $0x80, v3, vm0, $0xb8;
	[tilespmem:$0x10800] =	vst v63  }
0x340: {  	s12 =	simm.s32 $0x10000  }
0x341: {  	[tilespmem:s12], [sflag:$0x1] =	stream.indirect_vreg.gather [hbm4b:s5+s3], $0x80, v3, vm0, $0xb8;
	[tilespmem:$0x10800] =	vst v63  }
0x342: {  	s23 =	rddreg [dreg:$0xe]  }
0x343: {  	[hbm4b:s23+s3] =	stream.linear.scatter [tilespmem:s8], [sflag:$0x2], $0x8000, $0x38;
	[tilespmem:$0x10800] =	vst v63  }
0x344: {  	_ =	swait.ge [sflag:s24], $0x8000  }
0x345: {  	[sflag:s24] =	ssyncset.done $0x0  }
0x346: {  	[sflag:s24] =	ssyncadd.s32 $0xFFFF8000  }
0x347: {  	_ =	swait.ge [sflag:s15], $0x8000  }
0x348: {  	[sflag:s15] =	ssyncset.done $0x0  }
0x349: {  	[sflag:s15] =	ssyncadd.s32 $0xFFFF8000  }
0x34a: {  	v3 =	vld [tilespmem:$0x600];
	_ =	sdelay $0x4  }
0x34b: {  	v48 =	vshll.u32 v3, $0x2  }
0x34c: {  	v3 =	vand.u32 $0x7, v3;
	v4 =	vand.u32 $0xFFFFFFE0, v48  }
0x34d: {  	v3 =	vor.u32 v3, v4  }
0x34e: {  	v4 =	vperm.xlane v3, v0;
	_ =	sdelay $0x1  }
0x34f: {  	v4 =	vadd.s32 v1, v4;
	_ =	sdelay $0x1  }
0x350: {  	v3 =	vperm.xlane v3, v2;
	_ =	sdelay $0x1  }
0x351: {  	v3 =	vadd.s32 v1, v3  }
0x352: {  	[tilespmem:s8], [sflag:$0x1] =	stream.indirect_vreg.gather [hbm4b:s1+s3], $0x80, v4, vm0, $0xb8;
	[tilespmem:$0x10800] =	vst v63  }
0x353: {  	s13 =	simm.s32 $0x1000  }
0x354: {  	[tilespmem:s13], [sflag:$0x1] =	stream.indirect_vreg.gather [hbm4b:s5+s3], $0x80, v4, vm0, $0xb8;
	[tilespmem:$0x10800] =	vst v63  }
0x355: {  	s16 =	simm.s32 $0x1800  }
0x356: {  	[tilespmem:s16], [sflag:$0x1] =	stream.indirect_vreg.gather [hbm4b:s1+s3], $0x80, v3, vm0, $0xb8;
	[tilespmem:$0x10800] =	vst v63  }
0x357: {  	s20 =	simm.s32 $0x2000  }
0x358: {  	[tilespmem:s20], [sflag:$0x1] =	stream.indirect_vreg.gather [hbm4b:s5+s3], $0x80, v3, vm0, $0xb8;
	[tilespmem:$0x10800] =	vst v63  }
0x359: {  	v3 =	vld [tilespmem:$0x610];
	_ =	sdelay $0x4  }
0x35a: {  	v49 =	vshll.u32 v3, $0x2  }
0x35b: {  	v3 =	vand.u32 $0x7, v3;
	v4 =	vand.u32 $0xFFFFFFE0, v49  }
0x35c: {  	v3 =	vor.u32 v3, v4  }
0x35d: {  	v4 =	vperm.xlane v3, v0;
	_ =	sdelay $0x1  }
0x35e: {  	v4 =	vadd.s32 v1, v4;
	_ =	sdelay $0x1  }
0x35f: {  	v3 =	vperm.xlane v3, v2;
	_ =	sdelay $0x1  }
0x360: {  	s23 =	simm.s32 $0x2800;
	v3 =	vadd.s32 v1, v3  }
0x361: {  	[tilespmem:s23], [sflag:$0x1] =	stream.indirect_vreg.gather [hbm4b:s1+s3], $0x80, v4, vm0, $0xb8;
	[tilespmem:$0x10800] =	vst v63  }
0x362: {  	s16 =	simm.s32 $0x3000  }
0x363: {  	[tilespmem:s16], [sflag:$0x1] =	stream.indirect_vreg.gather [hbm4b:s5+s3], $0x80, v4, vm0, $0xb8;
	[tilespmem:$0x10800] =	vst v63  }
0x364: {  	s20 =	simm.s32 $0x3800  }
0x365: {  	[tilespmem:s20], [sflag:$0x1] =	stream.indirect_vreg.gather [hbm4b:s1+s3], $0x80, v3, vm0, $0xb8;
	[tilespmem:$0x10800] =	vst v63  }
0x366: {  	s23 =	simm.s32 $0x4000  }
0x367: {  	[tilespmem:s23], [sflag:$0x1] =	stream.indirect_vreg.gather [hbm4b:s5+s3], $0x80, v3, vm0, $0xb8;
	[tilespmem:$0x10800] =	vst v63  }
0x368: {  	v3 =	vld [tilespmem:$0x620];
	_ =	sdelay $0x4  }
0x369: {  	v50 =	vshll.u32 v3, $0x2  }
0x36a: {  	v3 =	vand.u32 $0x7, v3;
	v4 =	vand.u32 $0xFFFFFFE0, v50  }
0x36b: {  	v3 =	vor.u32 v3, v4  }
0x36c: {  	v4 =	vperm.xlane v3, v0;
	_ =	sdelay $0x1  }
0x36d: {  	v4 =	vadd.s32 v1, v4;
	_ =	sdelay $0x1  }
0x36e: {  	v3 =	vperm.xlane v3, v2;
	_ =	sdelay $0x1  }
0x36f: {  	s16 =	simm.s32 $0x4800;
	v3 =	vadd.s32 v1, v3  }
0x370: {  	[tilespmem:s16], [sflag:$0x1] =	stream.indirect_vreg.gather [hbm4b:s1+s3], $0x80, v4, vm0, $0xb8;
	[tilespmem:$0x10800] =	vst v63  }
0x371: {  	s20 =	simm.s32 $0x5000  }
0x372: {  	[tilespmem:s20], [sflag:$0x1] =	stream.indirect_vreg.gather [hbm4b:s5+s3], $0x80, v4, vm0, $0xb8;
	[tilespmem:$0x10800] =	vst v63  }
0x373: {  	s17 =	simm.s32 $0x5800  }
0x374: {  	[tilespmem:s17], [sflag:$0x1] =	stream.indirect_vreg.gather [hbm4b:s1+s3], $0x80, v3, vm0, $0xb8;
	[tilespmem:$0x10800] =	vst v63  }
0x375: {  	s21 =	simm.s32 $0x6000  }
0x376: {  	[tilespmem:s21], [sflag:$0x1] =	stream.indirect_vreg.gather [hbm4b:s5+s3], $0x80, v3, vm0, $0xb8;
	[tilespmem:$0x10800] =	vst v63  }
0x377: {  	v3 =	vld [tilespmem:$0x630];
	_ =	sdelay $0x4  }
0x378: {  	v51 =	vshll.u32 v3, $0x2  }
0x379: {  	v3 =	vand.u32 $0x7, v3;
	v4 =	vand.u32 $0xFFFFFFE0, v51  }
0x37a: {  	v3 =	vor.u32 v3, v4  }
0x37b: {  	v4 =	vperm.xlane v3, v0;
	_ =	sdelay $0x1  }
0x37c: {  	v4 =	vadd.s32 v1, v4;
	_ =	sdelay $0x1  }
0x37d: {  	v3 =	vperm.xlane v3, v2;
	_ =	sdelay $0x1  }
0x37e: {  	s23 =	simm.s32 $0x6800;
	v3 =	vadd.s32 v1, v3  }
0x37f: {  	[tilespmem:s23], [sflag:$0x1] =	stream.indirect_vreg.gather [hbm4b:s1+s3], $0x80, v4, vm0, $0xb8;
	[tilespmem:$0x10800] =	vst v63  }
0x380: {  	s29 =	simm.s32 $0x7000  }
0x381: {  	[tilespmem:s29], [sflag:$0x1] =	stream.indirect_vreg.gather [hbm4b:s5+s3], $0x80, v4, vm0, $0xb8;
	[tilespmem:$0x10800] =	vst v63  }
0x382: {  	s30 =	simm.s32 $0x7800  }
0x383: {  	[tilespmem:s30], [sflag:$0x1] =	stream.indirect_vreg.gather [hbm4b:s1+s3], $0x80, v3, vm0, $0xb8;
	[tilespmem:$0x10800] =	vst v63  }
0x384: {  	s14 =	simm.s32 $0x8000  }
0x385: {  	[tilespmem:s14], [sflag:$0x1] =	stream.indirect_vreg.gather [hbm4b:s5+s3], $0x80, v3, vm0, $0xb8;
	[tilespmem:$0x10800] =	vst v63  }
0x386: {  	s30 =	rddreg [dreg:$0xf]  }
0x387: {  	[hbm4b:s30+s3] =	stream.linear.scatter [tilespmem:s25], [sflag:$0x2], $0x8000, $0x38;
	[tilespmem:$0x10800] =	vst v63  }
0x388: {  	_ =	swait.ge [sflag:s24], $0x8000  }
0x389: {  	[sflag:s24] =	ssyncset.done $0x0  }
0x38a: {  	[sflag:s24] =	ssyncadd.s32 $0xFFFF8000  }
0x38b: {  	_ =	swait.ge [sflag:s15], $0x8000  }
0x38c: {  	[sflag:s15] =	ssyncset.done $0x0  }
0x38d: {  	[sflag:s15] =	ssyncadd.s32 $0xFFFF8000  }
0x38e: {  	v3 =	vld [tilespmem:$0x680];
	_ =	sdelay $0x4  }
0x38f: {  	v52 =	vshll.u32 v3, $0x2  }
0x390: {  	v3 =	vand.u32 $0x7, v3;
	v4 =	vand.u32 $0xFFFFFFE0, v52  }
0x391: {  	v3 =	vor.u32 v3, v4  }
0x392: {  	v4 =	vperm.xlane v3, v0;
	_ =	sdelay $0x1  }
0x393: {  	v4 =	vadd.s32 v1, v4;
	_ =	sdelay $0x1  }
0x394: {  	v3 =	vperm.xlane v3, v2;
	_ =	sdelay $0x1  }
0x395: {  	v3 =	vadd.s32 v1, v3  }
0x396: {  	[tilespmem:s25], [sflag:$0x1] =	stream.indirect_vreg.gather [hbm4b:s1+s3], $0x80, v4, vm0, $0xb8;
	[tilespmem:$0x10800] =	vst v63  }
0x397: {  	s28 =	simm.s32 $0x9000  }
0x398: {  	[tilespmem:s28], [sflag:$0x1] =	stream.indirect_vreg.gather [hbm4b:s5+s3], $0x80, v4, vm0, $0xb8;
	[tilespmem:$0x10800] =	vst v63  }
0x399: {  	s29 =	simm.s32 $0x9800  }
0x39a: {  	[tilespmem:s29], [sflag:$0x1] =	stream.indirect_vreg.gather [hbm4b:s1+s3], $0x80, v3, vm0, $0xb8;
	[tilespmem:$0x10800] =	vst v63  }
0x39b: {  	s30 =	simm.s32 $0xA000  }
0x39c: {  	[tilespmem:s30], [sflag:$0x1] =	stream.indirect_vreg.gather [hbm4b:s5+s3], $0x80, v3, vm0, $0xb8;
	[tilespmem:$0x10800] =	vst v63  }
0x39d: {  	v3 =	vld [tilespmem:$0x690];
	_ =	sdelay $0x4  }
0x39e: {  	v53 =	vshll.u32 v3, $0x2  }
0x39f: {  	v3 =	vand.u32 $0x7, v3;
	v4 =	vand.u32 $0xFFFFFFE0, v53  }
0x3a0: {  	v3 =	vor.u32 v3, v4  }
0x3a1: {  	v4 =	vperm.xlane v3, v0;
	_ =	sdelay $0x1  }
0x3a2: {  	v4 =	vadd.s32 v1, v4;
	_ =	sdelay $0x1  }
0x3a3: {  	v3 =	vperm.xlane v3, v2;
	_ =	sdelay $0x1  }
0x3a4: {  	s31 =	simm.s32 $0xA800;
	v3 =	vadd.s32 v1, v3  }
0x3a5: {  	[tilespmem:s31], [sflag:$0x1] =	stream.indirect_vreg.gather [hbm4b:s1+s3], $0x80, v4, vm0, $0xb8;
	[tilespmem:$0x10800] =	vst v63  }
0x3a6: {  	s6 =	simm.s32 $0xB000  }
0x3a7: {  	[tilespmem:s6], [sflag:$0x1] =	stream.indirect_vreg.gather [hbm4b:s5+s3], $0x80, v4, vm0, $0xb8;
	[tilespmem:$0x10800] =	vst v63  }
0x3a8: {  	s19 =	simm.s32 $0xB800  }
0x3a9: {  	[tilespmem:s19], [sflag:$0x1] =	stream.indirect_vreg.gather [hbm4b:s1+s3], $0x80, v3, vm0, $0xb8;
	[tilespmem:$0x10800] =	vst v63  }
0x3aa: {  	s26 =	simm.s32 $0xC000  }
0x3ab: {  	[tilespmem:s26], [sflag:$0x1] =	stream.indirect_vreg.gather [hbm4b:s5+s3], $0x80, v3, vm0, $0xb8;
	[tilespmem:$0x10800] =	vst v63  }
0x3ac: {  	v3 =	vld [tilespmem:$0x6A0];
	_ =	sdelay $0x4  }
0x3ad: {  	v54 =	vshll.u32 v3, $0x2  }
0x3ae: {  	v3 =	vand.u32 $0x7, v3;
	v4 =	vand.u32 $0xFFFFFFE0, v54  }
0x3af: {  	v3 =	vor.u32 v3, v4  }
0x3b0: {  	v4 =	vperm.xlane v3, v0;
	_ =	sdelay $0x1  }
0x3b1: {  	v4 =	vadd.s32 v1, v4;
	_ =	sdelay $0x1  }
0x3b2: {  	v3 =	vperm.xlane v3, v2;
	_ =	sdelay $0x1  }
0x3b3: {  	s2 =	simm.s32 $0xC800;
	v3 =	vadd.s32 v1, v3  }
0x3b4: {  	[tilespmem:s2], [sflag:$0x1] =	stream.indirect_vreg.gather [hbm4b:s1+s3], $0x80, v4, vm0, $0xb8;
	[tilespmem:$0x10800] =	vst v63  }
0x3b5: {  	s7 =	simm.s32 $0xD000  }
0x3b6: {  	[tilespmem:s7], [sflag:$0x1] =	stream.indirect_vreg.gather [hbm4b:s5+s3], $0x80, v4, vm0, $0xb8;
	[tilespmem:$0x10800] =	vst v63  }
0x3b7: {  	s9 =	simm.s32 $0xD800  }
0x3b8: {  	[tilespmem:s9], [sflag:$0x1] =	stream.indirect_vreg.gather [hbm4b:s1+s3], $0x80, v3, vm0, $0xb8;
	[tilespmem:$0x10800] =	vst v63  }
0x3b9: {  	s22 =	simm.s32 $0xE000  }
0x3ba: {  	[tilespmem:s22], [sflag:$0x1] =	stream.indirect_vreg.gather [hbm4b:s5+s3], $0x80, v3, vm0, $0xb8;
	[tilespmem:$0x10800] =	vst v63  }
0x3bb: {  	v3 =	vld [tilespmem:$0x6B0];
	_ =	sdelay $0x4  }
0x3bc: {  	v55 =	vshll.u32 v3, $0x2  }
0x3bd: {  	v3 =	vand.u32 $0x7, v3;
	v4 =	vand.u32 $0xFFFFFFE0, v55  }
0x3be: {  	v3 =	vor.u32 v3, v4  }
0x3bf: {  	v4 =	vperm.xlane v3, v0;
	_ =	sdelay $0x1  }
0x3c0: {  	v4 =	vadd.s32 v1, v4;
	_ =	sdelay $0x1  }
0x3c1: {  	v3 =	vperm.xlane v3, v2;
	_ =	sdelay $0x1  }
0x3c2: {  	s10 =	simm.s32 $0xE800;
	v3 =	vadd.s32 v1, v3  }
0x3c3: {  	[tilespmem:s10], [sflag:$0x1] =	stream.indirect_vreg.gather [hbm4b:s1+s3], $0x80, v4, vm0, $0xb8;
	[tilespmem:$0x10800] =	vst v63  }
0x3c4: {  	s11 =	simm.s32 $0xF000  }
0x3c5: {  	[tilespmem:s11], [sflag:$0x1] =	stream.indirect_vreg.gather [hbm4b:s5+s3], $0x80, v4, vm0, $0xb8;
	[tilespmem:$0x10800] =	vst v63  }
0x3c6: {  	s4 =	simm.s32 $0xF800  }
0x3c7: {  	[tilespmem:s4], [sflag:$0x1] =	stream.indirect_vreg.gather [hbm4b:s1+s3], $0x80, v3, vm0, $0xb8;
	[tilespmem:$0x10800] =	vst v63  }
0x3c8: {  	s18 =	simm.s32 $0x10000  }
0x3c9: {  	[tilespmem:s18], [sflag:$0x1] =	stream.indirect_vreg.gather [hbm4b:s5+s3], $0x80, v3, vm0, $0xb8;
	[tilespmem:$0x10800] =	vst v63  }
0x3ca: {  	s26 =	rddreg [dreg:$0x10]  }
0x3cb: {  	[hbm4b:s26+s3] =	stream.linear.scatter [tilespmem:s8], [sflag:$0x2], $0x8000, $0x38;
	[tilespmem:$0x10800] =	vst v63  }
0x3cc: {  	_ =	swait.ge [sflag:s24], $0x8000  }
0x3cd: {  	[sflag:s24] =	ssyncset.done $0x0  }
0x3ce: {  	[sflag:s24] =	ssyncadd.s32 $0xFFFF8000  }
0x3cf: {  	_ =	swait.ge [sflag:s15], $0x8000  }
0x3d0: {  	[sflag:s15] =	ssyncset.done $0x0  }
0x3d1: {  	[sflag:s15] =	ssyncadd.s32 $0xFFFF8000  }
0x3d2: {  	v3 =	vld [tilespmem:$0x700];
	_ =	sdelay $0x4  }
0x3d3: {  	v56 =	vshll.u32 v3, $0x2  }
0x3d4: {  	v3 =	vand.u32 $0x7, v3;
	v4 =	vand.u32 $0xFFFFFFE0, v56  }
0x3d5: {  	v3 =	vor.u32 v3, v4  }
0x3d6: {  	v4 =	vperm.xlane v3, v0;
	_ =	sdelay $0x1  }
0x3d7: {  	v4 =	vadd.s32 v1, v4;
	_ =	sdelay $0x1  }
0x3d8: {  	v3 =	vperm.xlane v3, v2;
	_ =	sdelay $0x1  }
0x3d9: {  	v3 =	vadd.s32 v1, v3  }
0x3da: {  	[tilespmem:s8], [sflag:$0x1] =	stream.indirect_vreg.gather [hbm4b:s1+s3], $0x80, v4, vm0, $0xb8;
	[tilespmem:$0x10800] =	vst v63  }
0x3db: {  	s12 =	simm.s32 $0x1000  }
0x3dc: {  	[tilespmem:s12], [sflag:$0x1] =	stream.indirect_vreg.gather [hbm4b:s5+s3], $0x80, v4, vm0, $0xb8;
	[tilespmem:$0x10800] =	vst v63  }
0x3dd: {  	s18 =	simm.s32 $0x1800  }
0x3de: {  	[tilespmem:s18], [sflag:$0x1] =	stream.indirect_vreg.gather [hbm4b:s1+s3], $0x80, v3, vm0, $0xb8;
	[tilespmem:$0x10800] =	vst v63  }
0x3df: {  	s22 =	simm.s32 $0x2000  }
0x3e0: {  	[tilespmem:s22], [sflag:$0x1] =	stream.indirect_vreg.gather [hbm4b:s5+s3], $0x80, v3, vm0, $0xb8;
	[tilespmem:$0x10800] =	vst v63  }
0x3e1: {  	v3 =	vld [tilespmem:$0x710];
	_ =	sdelay $0x4  }
0x3e2: {  	v57 =	vshll.u32 v3, $0x2  }
0x3e3: {  	v3 =	vand.u32 $0x7, v3;
	v4 =	vand.u32 $0xFFFFFFE0, v57  }
0x3e4: {  	v3 =	vor.u32 v3, v4  }
0x3e5: {  	v4 =	vperm.xlane v3, v0;
	_ =	sdelay $0x1  }
0x3e6: {  	v4 =	vadd.s32 v1, v4;
	_ =	sdelay $0x1  }
0x3e7: {  	v3 =	vperm.xlane v3, v2;
	_ =	sdelay $0x1  }
0x3e8: {  	s26 =	simm.s32 $0x2800;
	v3 =	vadd.s32 v1, v3  }
0x3e9: {  	[tilespmem:s26], [sflag:$0x1] =	stream.indirect_vreg.gather [hbm4b:s1+s3], $0x80, v4, vm0, $0xb8;
	[tilespmem:$0x10800] =	vst v63  }
0x3ea: {  	s16 =	simm.s32 $0x3000  }
0x3eb: {  	[tilespmem:s16], [sflag:$0x1] =	stream.indirect_vreg.gather [hbm4b:s5+s3], $0x80, v4, vm0, $0xb8;
	[tilespmem:$0x10800] =	vst v63  }
0x3ec: {  	s18 =	simm.s32 $0x3800  }
0x3ed: {  	[tilespmem:s18], [sflag:$0x1] =	stream.indirect_vreg.gather [hbm4b:s1+s3], $0x80, v3, vm0, $0xb8;
	[tilespmem:$0x10800] =	vst v63  }
0x3ee: {  	s22 =	simm.s32 $0x4000  }
0x3ef: {  	[tilespmem:s22], [sflag:$0x1] =	stream.indirect_vreg.gather [hbm4b:s5+s3], $0x80, v3, vm0, $0xb8;
	[tilespmem:$0x10800] =	vst v63  }
0x3f0: {  	v3 =	vld [tilespmem:$0x720];
	_ =	sdelay $0x4  }
0x3f1: {  	v58 =	vshll.u32 v3, $0x2  }
0x3f2: {  	v3 =	vand.u32 $0x7, v3;
	v4 =	vand.u32 $0xFFFFFFE0, v58  }
0x3f3: {  	v3 =	vor.u32 v3, v4  }
0x3f4: {  	v4 =	vperm.xlane v3, v0;
	_ =	sdelay $0x1  }
0x3f5: {  	v4 =	vadd.s32 v1, v4;
	_ =	sdelay $0x1  }
0x3f6: {  	v3 =	vperm.xlane v3, v2;
	_ =	sdelay $0x1  }
0x3f7: {  	s26 =	simm.s32 $0x4800;
	v3 =	vadd.s32 v1, v3  }
0x3f8: {  	[tilespmem:s26], [sflag:$0x1] =	stream.indirect_vreg.gather [hbm4b:s1+s3], $0x80, v4, vm0, $0xb8;
	[tilespmem:$0x10800] =	vst v63  }
0x3f9: {  	s16 =	simm.s32 $0x5000  }
0x3fa: {  	[tilespmem:s16], [sflag:$0x1] =	stream.indirect_vreg.gather [hbm4b:s5+s3], $0x80, v4, vm0, $0xb8;
	[tilespmem:$0x10800] =	vst v63  }
0x3fb: {  	s13 =	simm.s32 $0x5800  }
0x3fc: {  	[tilespmem:s13], [sflag:$0x1] =	stream.indirect_vreg.gather [hbm4b:s1+s3], $0x80, v3, vm0, $0xb8;
	[tilespmem:$0x10800] =	vst v63  }
0x3fd: {  	s17 =	simm.s32 $0x6000  }
0x3fe: {  	[tilespmem:s17], [sflag:$0x1] =	stream.indirect_vreg.gather [hbm4b:s5+s3], $0x80, v3, vm0, $0xb8;
	[tilespmem:$0x10800] =	vst v63  }
0x3ff: {  	v3 =	vld [tilespmem:$0x730];
	_ =	sdelay $0x4  }
0x400: {  	v59 =	vshll.u32 v3, $0x2  }
0x401: {  	v3 =	vand.u32 $0x7, v3;
	v4 =	vand.u32 $0xFFFFFFE0, v59  }
0x402: {  	v3 =	vor.u32 v3, v4  }
0x403: {  	v4 =	vperm.xlane v3, v0;
	_ =	sdelay $0x1  }
0x404: {  	v4 =	vadd.s32 v1, v4;
	_ =	sdelay $0x1  }
0x405: {  	v3 =	vperm.xlane v3, v2;
	_ =	sdelay $0x1  }
0x406: {  	s18 =	simm.s32 $0x6800;
	v3 =	vadd.s32 v1, v3  }
0x407: {  	[tilespmem:s18], [sflag:$0x1] =	stream.indirect_vreg.gather [hbm4b:s1+s3], $0x80, v4, vm0, $0xb8;
	[tilespmem:$0x10800] =	vst v63  }
0x408: {  	s21 =	simm.s32 $0x7000  }
0x409: {  	[tilespmem:s21], [sflag:$0x1] =	stream.indirect_vreg.gather [hbm4b:s5+s3], $0x80, v4, vm0, $0xb8;
	[tilespmem:$0x10800] =	vst v63  }
0x40a: {  	s23 =	simm.s32 $0x7800  }
0x40b: {  	[tilespmem:s23], [sflag:$0x1] =	stream.indirect_vreg.gather [hbm4b:s1+s3], $0x80, v3, vm0, $0xb8;
	[tilespmem:$0x10800] =	vst v63  }
0x40c: {  	s20 =	simm.s32 $0x8000  }
0x40d: {  	[tilespmem:s20], [sflag:$0x1] =	stream.indirect_vreg.gather [hbm4b:s5+s3], $0x80, v3, vm0, $0xb8;
	[tilespmem:$0x10800] =	vst v63  }
0x40e: {  	s22 =	rddreg [dreg:$0x11]  }
0x40f: {  	[hbm4b:s22+s3] =	stream.linear.scatter [tilespmem:s25], [sflag:$0x2], $0x8000, $0x38;
	[tilespmem:$0x10800] =	vst v63  }
0x410: {  	_ =	swait.ge [sflag:s24], $0x8000  }
0x411: {  	[sflag:s24] =	ssyncset.done $0x0  }
0x412: {  	[sflag:s24] =	ssyncadd.s32 $0xFFFF8000  }
0x413: {  	_ =	swait.ge [sflag:s15], $0x8000  }
0x414: {  	[sflag:s15] =	ssyncset.done $0x0  }
0x415: {  	[sflag:s15] =	ssyncadd.s32 $0xFFFF8000  }
0x416: {  	v3 =	vld [tilespmem:$0x780];
	_ =	sdelay $0x4  }
0x417: {  	v60 =	vshll.u32 v3, $0x2  }
0x418: {  	v3 =	vand.u32 $0x7, v3;
	v4 =	vand.u32 $0xFFFFFFE0, v60  }
0x419: {  	v3 =	vor.u32 v3, v4  }
0x41a: {  	v4 =	vperm.xlane v3, v0;
	_ =	sdelay $0x1  }
0x41b: {  	v4 =	vadd.s32 v1, v4;
	_ =	sdelay $0x1  }
0x41c: {  	v3 =	vperm.xlane v3, v2;
	_ =	sdelay $0x1  }
0x41d: {  	v3 =	vadd.s32 v1, v3  }
0x41e: {  	[tilespmem:s25], [sflag:$0x1] =	stream.indirect_vreg.gather [hbm4b:s1+s3], $0x80, v4, vm0, $0xb8;
	[tilespmem:$0x10800] =	vst v63  }
0x41f: {  	s14 =	simm.s32 $0x9000  }
0x420: {  	[tilespmem:s14], [sflag:$0x1] =	stream.indirect_vreg.gather [hbm4b:s5+s3], $0x80, v4, vm0, $0xb8;
	[tilespmem:$0x10800] =	vst v63  }
0x421: {  	s23 =	simm.s32 $0x9800  }
0x422: {  	[tilespmem:s23], [sflag:$0x1] =	stream.indirect_vreg.gather [hbm4b:s1+s3], $0x80, v3, vm0, $0xb8;
	[tilespmem:$0x10800] =	vst v63  }
0x423: {  	s26 =	simm.s32 $0xA000  }
0x424: {  	[tilespmem:s26], [sflag:$0x1] =	stream.indirect_vreg.gather [hbm4b:s5+s3], $0x80, v3, vm0, $0xb8;
	[tilespmem:$0x10800] =	vst v63  }
0x425: {  	v3 =	vld [tilespmem:$0x790];
	_ =	sdelay $0x4  }
0x426: {  	v61 =	vshll.u32 v3, $0x2  }
0x427: {  	v3 =	vand.u32 $0x7, v3;
	v4 =	vand.u32 $0xFFFFFFE0, v61  }
0x428: {  	v3 =	vor.u32 v3, v4  }
0x429: {  	v4 =	vperm.xlane v3, v0;
	_ =	sdelay $0x1  }
0x42a: {  	v4 =	vadd.s32 v1, v4;
	_ =	sdelay $0x1  }
0x42b: {  	v3 =	vperm.xlane v3, v2;
	_ =	sdelay $0x1  }
0x42c: {  	s31 =	simm.s32 $0xA800;
	v3 =	vadd.s32 v1, v3  }
0x42d: {  	[tilespmem:s31], [sflag:$0x1] =	stream.indirect_vreg.gather [hbm4b:s1+s3], $0x80, v4, vm0, $0xb8;
	[tilespmem:$0x10800] =	vst v63  }
0x42e: {  	s28 =	simm.s32 $0xB000  }
0x42f: {  	[tilespmem:s28], [sflag:$0x1] =	stream.indirect_vreg.gather [hbm4b:s5+s3], $0x80, v4, vm0, $0xb8;
	[tilespmem:$0x10800] =	vst v63  }
0x430: {  	s29 =	simm.s32 $0xB800  }
0x431: {  	[tilespmem:s29], [sflag:$0x1] =	stream.indirect_vreg.gather [hbm4b:s1+s3], $0x80, v3, vm0, $0xb8;
	[tilespmem:$0x10800] =	vst v63  }
0x432: {  	s30 =	simm.s32 $0xC000  }
0x433: {  	[tilespmem:s30], [sflag:$0x1] =	stream.indirect_vreg.gather [hbm4b:s5+s3], $0x80, v3, vm0, $0xb8;
	[tilespmem:$0x10800] =	vst v63  }
0x434: {  	v3 =	vld [tilespmem:$0x7A0];
	_ =	sdelay $0x4  }
0x435: {  	v62 =	vshll.u32 v3, $0x2  }
0x436: {  	v3 =	vand.u32 $0x7, v3;
	v4 =	vand.u32 $0xFFFFFFE0, v62  }
0x437: {  	v3 =	vor.u32 v3, v4  }
0x438: {  	v4 =	vperm.xlane v3, v0;
	_ =	sdelay $0x1  }
0x439: {  	v4 =	vadd.s32 v1, v4;
	_ =	sdelay $0x1  }
0x43a: {  	v3 =	vperm.xlane v3, v2;
	_ =	sdelay $0x1  }
0x43b: {  	s6 =	simm.s32 $0xC800;
	v3 =	vadd.s32 v1, v3  }
0x43c: {  	[tilespmem:s6], [sflag:$0x1] =	stream.indirect_vreg.gather [hbm4b:s1+s3], $0x80, v4, vm0, $0xb8;
	[tilespmem:$0x10800] =	vst v63  }
0x43d: {  	s2 =	simm.s32 $0xD000  }
0x43e: {  	[tilespmem:s2], [sflag:$0x1] =	stream.indirect_vreg.gather [hbm4b:s5+s3], $0x80, v4, vm0, $0xb8;
	[tilespmem:$0x10800] =	vst v63  }
0x43f: {  	s7 =	simm.s32 $0xD800  }
0x440: {  	[tilespmem:s7], [sflag:$0x1] =	stream.indirect_vreg.gather [hbm4b:s1+s3], $0x80, v3, vm0, $0xb8;
	[tilespmem:$0x10800] =	vst v63  }
0x441: {  	s19 =	simm.s32 $0xE000  }
0x442: {  	[tilespmem:s19], [sflag:$0x1] =	stream.indirect_vreg.gather [hbm4b:s5+s3], $0x80, v3, vm0, $0xb8;
	[tilespmem:$0x10800] =	vst v63  }
0x443: {  	v3 =	vld [tilespmem:$0x7B0];
	_ =	sdelay $0x4  }
0x444: {  	v63 =	vshll.u32 v3, $0x2  }
0x445: {  	v3 =	vand.u32 $0x7, v3;
	v4 =	vand.u32 $0xFFFFFFE0, v63  }
0x446: {  	v3 =	vor.u32 v3, v4  }
0x447: {  	v4 =	vperm.xlane v3, v0;
	_ =	sdelay $0x1  }
0x448: {  	v4 =	vadd.s32 v1, v4;
	_ =	sdelay $0x1  }
0x449: {  	v3 =	vperm.xlane v3, v2;
	_ =	sdelay $0x1  }
0x44a: {  	s9 =	simm.s32 $0xE800;
	v3 =	vadd.s32 v1, v3  }
0x44b: {  	[tilespmem:s9], [sflag:$0x1] =	stream.indirect_vreg.gather [hbm4b:s1+s3], $0x80, v4, vm0, $0xb8;
	[tilespmem:$0x10800] =	vst v63  }
0x44c: {  	s10 =	simm.s32 $0xF000  }
0x44d: {  	[tilespmem:s10], [sflag:$0x1] =	stream.indirect_vreg.gather [hbm4b:s5+s3], $0x80, v4, vm0, $0xb8;
	[tilespmem:$0x10800] =	vst v63  }
0x44e: {  	s11 =	simm.s32 $0xF800  }
0x44f: {  	[tilespmem:s11], [sflag:$0x1] =	stream.indirect_vreg.gather [hbm4b:s1+s3], $0x80, v3, vm0, $0xb8;
	[tilespmem:$0x10800] =	vst v63  }
0x450: {  	s4 =	simm.s32 $0x10000  }
0x451: {  	[tilespmem:s4], [sflag:$0x1] =	stream.indirect_vreg.gather [hbm4b:s5+s3], $0x80, v3, vm0, $0xb8;
	[tilespmem:$0x10800] =	vst v63  }
0x452: {  	s30 =	rddreg [dreg:$0x12]  }
0x453: {  	[hbm4b:s30+s3] =	stream.linear.scatter [tilespmem:s8], [sflag:$0x2], $0x8000, $0x38;
	[tilespmem:$0x10800] =	vst v63  }
0x454: {  	_ =	swait.ge [sflag:s24], $0x8000  }
0x455: {  	[sflag:s24] =	ssyncset.done $0x0  }
0x456: {  	[sflag:s24] =	ssyncadd.s32 $0xFFFF8000  }
0x457: {  	_ =	swait.ge [sflag:s15], $0x8000  }
0x458: {  	p0 =	sne.s32 s0, $0x1;
	[sflag:s15] =	ssyncset.done $0x0  }
.Ltmp0:
0x459: {  	s31 =	rddreg [dreg:$0x13];
	[sflag:s15] =	ssyncadd.s32 $0xFFFF8000;
	(pc) =	sbr.rel @p0 .LBB2_1-.Ltmp0, $4  }
0x45a: {  	[hbm4b:s31+s3] =	stream.linear.scatter [tilespmem:s25], [sflag:$0x2], $0x8000, $0x38;
	[tilespmem:$0x10800] =	vst v63  }
0x45b: {  	_ =	swait.ge [sflag:s15], $0x8000  }
0x45c: {  	[sflag:s15] =	ssyncset.done $0x0  }
0x45d: {  	s0 =	sadd.s32 $0xFFFFFFFF, s0;
	[sflag:s15] =	ssyncadd.s32 $0xFFFF8000  }
0x45e: {  	_ =	sfence.sel $0x180000  }
0x45f: {  	[bflag:$0x0] =	sbarrier.arrive $0xFFFF  }
0x460: {  	_ =	strace $0x90000047  }
0x461: {  	s0 =	stileid.u32;
	[bflag:$0x2] =	sbarrier.arrive $0xFFFF  }
0x462: {  	p0 =	sne.s32 s0, $0x0;
	s0 =	rddreg [dreg:$0x3]  }
0x463: {  	s0 =	sadd.s32 @!p0 $0x100000, s0  }
0x464: {  	[sflag:s0] =	ssyncadd.tile.s32 @!p0 $0x1;
	_ =	shalt  }
.Lfunc_end2:
_tile_overlayer_lowered:
.L_overlay_start_2:
0x465: {  	(tag) =	ssettag $0x2  }
0x466: {  	s0 =	rddreg [dreg:$0x0];
	s2 =	stileid.u32  }
0x467: {  	s1 =	rddreg [dreg:$0x1];
	p0 =	sne.s32 s2, $0x0  }
0x468: {  	s3 =	rddreg [dreg:$0x2];
	[bflag:$0x3] =	sbarrier.arrive $0xFFFF;
	s2 =	simm.s32 @!p0 $0x1C03  }
0x469: {  	[timem:s3], [sflag:s2] =	dma.local @!p0 [hbm:s0], s1  }
0x46a: {  	s0 =	simm.s32 @!p0 $0x3  }
0x46b: {  	_ =	swait.ge @!p0 [sflag:s0], s1  }
0x46c: {  	s1 =	ssub.s32 @!p0 $0x0, s1;
	[sflag:s0] =	ssyncset.done @!p0 $0x0  }
0x46d: {  	[sflag:s0] =	ssyncadd.s32 @!p0 s1  }
0x46e: {  	[bflag:$0x3] =	sbarrier.arrive $0xFFFF  }
0x46f: {  	_ =	shalt  }

// kernel: kernel.8.cloned.1.call-start
scs
__scs_entry_jumppad:
0x0: {  	(pc) =	sbr.rel $0x88, $3  }
0x1: {  	(tag) =	ssettag $0x0;
	lr =	simm.s32 $0x1  }
0x2: {  	[smem:$0x3F9C] =	sst lr;
	_ =	strace $0xD0000000  }
0x3: {  	_ = 	snop  }
0x4: {  	_ = 	snop  }
0x5: {  	_ = 	snop  }
0x6: {  	_ = 	snop  }
0x7: {  	_ = 	snop  }
__scs_overlays_trampoline_lowered:
0x8: {  	[smem:$0x3FAB] =	sst s0  }
0x9: {  	[smem:$0x3FAC] =	sst s1  }
0xa: {  	[smem:$0x3FAD] =	sst s2  }
0xb: {  	[smem:$0x3FAE] =	sst s3  }
0xc: {  	[smem:$0x3FAF] =	sst s4  }
0xd: {  	[smem:$0x3FB0] =	sst s5  }
0xe: {  	[smem:$0x3FB1] =	sst s6  }
0xf: {  	[smem:$0x3FB2] =	sst s7  }
0x10: {  	[smem:$0x3FB3] =	sst s8  }
0x11: {  	[smem:$0x3FB4] =	sst s9;
	s0 =	simm.s32 @!p0 $0x0  }
0x12: {  	s1 =	sld [smem:$0x3F9A];
	s0 =	simm.s32 @p0 $0x1  }
0x13: {  	[smem:$0x3FB5] =	sst s0;
	s0 =	simm.s32 @!p1 $0x0  }
0x14: {  	s2 =	sld [smem:$0x3F99];
	s0 =	simm.s32 @p1 $0x1  }
0x15: {  	[smem:$0x3FB6] =	sst s0;
	s0 =	simm.s32 @!p2 $0x0  }
0x16: {  	s3 =	sld [smem:$0x3FDB];
	s0 =	simm.s32 @p2 $0x1  }
0x17: {  	s4 =	simm.s32 $0x1BF5;
	[smem:$0x3FB8] =	sst s0  }
0x18: {  	s0 =	sld [smem:$0x3F9B];
	_ =	swait.ge [sflag:s4], $0x0  }
0x19: {  	s7 =	sld [smem:$0x3F9C]  }
0x1a: {  	s8 =	sadd.s32 $0xFFFFE003, lr  }
0x1b: {  	s9 =	sadd.s32 $0xFFFFFEF7, lr;
	s5 =	simm.s32 $0xFFFFFFFF;
	p2 =	slt.u32 s8, $0xFFFFF086  }
0x1c: {  	p1 =	slt.u32 s9, $0xF7A;
	s5 =	simm.s32 @!p2 $0x0  }
0x1d: {  	s5 =	simm.s32 @p1 $0x1;
	p0 =	seq.s32 s7, s2  }
0x1e: {  	s7 =	smul.u32 @!p0 $0xF7A, s2;
	p2 =	seq.s32 @!p0 s5, $0x0  }
0x1f: {  	s9 =	smul.u32 $0xF7A, s1;
	s8 =	simm.s32 @!p0 $0x1BF5;
	p2 =	por !p2, p0  }
0x20: {  	[sflag:s8] =	ssyncset.s32 @!p0 $0xFFFFF086;
	s6 =	sadd.s32 @!p0 s3, s7;
	s7 =	simm.s32 @!p0 $0x108  }
0x21: {  	s3 =	sadd.s32 s3, s9;
	s6 =	sadd.s32 @!p0 $0x88, s6;
	s7 =	simm.s32 @p2 $0x1082  }
0x22: {  	[simem:s7], [sflag:s8] =	dma.local @!p0 [hbm:s6], $0xF7A  }
0x23: {  	s9 =	sor.u32 $0xD0000000, s2;
	s6 =	simm.s32 $0x108;
	_ =	swait.ge @!p0 [sflag:s8], $0x0  }
0x24: {  	s3 =	sadd.s32 $0x88, s3;
	s6 =	simm.s32 @!p1 $0x1082;
	[sflag:s4] =	ssyncset.s32 $0xFFFFF086  }
0x25: {  	[simem:s6], [sflag:s4] =	dma.local [hbm:s3], $0xF7A  }
0x26: {  	[smem:$0x3F9C] =	sst s1;
	(tag) =	ssettag s2;
	_ =	strace s9  }
0x27: {  	s1 =	sld [smem:$0x3FAC]  }
0x28: {  	s2 =	sld [smem:$0x3FAD]  }
0x29: {  	s4 =	sld [smem:$0x3FAF]  }
0x2a: {  	p0 =	seq.s32 s5, $0x0;
	s5 =	sld [smem:$0x3FB0]  }
0x2b: {  	s6 =	sld [smem:$0x3FB1]  }
0x2c: {  	s7 =	sld [smem:$0x3FB2]  }
0x2d: {  	s3 =	simm.s32 $0x108;
	s8 =	sld [smem:$0x3FB3]  }
0x2e: {  	s3 =	simm.s32 @!p0 $0x1082;
	s9 =	sld [smem:$0x3FB4]  }
0x2f: {  	lr =	sadd.s32 s0, s3;
	s0 =	sld [smem:$0x3FAB]  }
0x30: {  	s3 =	sld [smem:$0x3FAE]  }
0x31: {  	[smem:$0x3FB7] =	sst s10  }
0x32: {  	s10 =	sld [smem:$0x3FB5];
	_ =	sdelay $0x3  }
0x33: {  	p0 =	seq.s32 s10, $0x1;
	s10 =	sld [smem:$0x3FB7];
	_ =	sdelay $0x3  }
0x34: {  	[smem:$0x3FB7] =	sst s10  }
0x35: {  	s10 =	sld [smem:$0x3FB6];
	_ =	sdelay $0x3  }
0x36: {  	p1 =	seq.s32 s10, $0x1;
	s10 =	sld [smem:$0x3FB7];
	_ =	sdelay $0x3  }
0x37: {  	[smem:$0x3FB7] =	sst s10  }
0x38: {  	s10 =	sld [smem:$0x3FB8]  }
0x39: {  	_ = 	snop;
	(pc) =	sbr.ind lr, $3  }
0x3a: {  	_ = 	snop  }
0x3b: {  	_ = 	snop  }
0x3c: {  	p2 =	seq.s32 s10, $0x1;
	s10 =	sld [smem:$0x3FB7]  }
0x3d: {  	_ =	shalt  }
0x3e: {  	_ =	shalt  }
0x3f: {  	_ =	shalt  }
0x40: {  	_ =	shalt  }
0x41: {  	_ =	shalt  }
0x42: {  	_ =	shalt  }
0x43: {  	_ =	shalt  }
0x44: {  	_ =	shalt  }
0x45: {  	_ =	shalt  }
0x46: {  	_ =	shalt  }
0x47: {  	_ =	shalt  }
0x48: {  	_ =	shalt  }
0x49: {  	_ =	shalt  }
0x4a: {  	_ =	shalt  }
0x4b: {  	_ =	shalt  }
0x4c: {  	_ =	shalt  }
0x4d: {  	_ =	shalt  }
0x4e: {  	_ =	shalt  }
0x4f: {  	_ =	shalt  }
0x50: {  	_ =	shalt  }
0x51: {  	_ =	shalt  }
0x52: {  	_ =	shalt  }
0x53: {  	_ =	shalt  }
0x54: {  	_ =	shalt  }
0x55: {  	_ =	shalt  }
0x56: {  	_ =	shalt  }
0x57: {  	_ =	shalt  }
0x58: {  	_ =	shalt  }
0x59: {  	_ =	shalt  }
0x5a: {  	_ =	shalt  }
0x5b: {  	_ =	shalt  }
0x5c: {  	_ =	shalt  }
0x5d: {  	_ =	shalt  }
0x5e: {  	_ =	shalt  }
0x5f: {  	_ =	shalt  }
0x60: {  	_ =	shalt  }
0x61: {  	_ =	shalt  }
0x62: {  	_ =	shalt  }
0x63: {  	_ =	shalt  }
0x64: {  	_ =	shalt  }
0x65: {  	_ =	shalt  }
0x66: {  	_ =	shalt  }
0x67: {  	_ =	shalt  }
0x68: {  	_ =	shalt  }
0x69: {  	_ =	shalt  }
0x6a: {  	_ =	shalt  }
0x6b: {  	_ =	shalt  }
0x6c: {  	_ =	shalt  }
0x6d: {  	_ =	shalt  }
0x6e: {  	_ =	shalt  }
0x6f: {  	_ =	shalt  }
0x70: {  	_ =	shalt  }
0x71: {  	_ =	shalt  }
0x72: {  	_ =	shalt  }
0x73: {  	_ =	shalt  }
0x74: {  	_ =	shalt  }
0x75: {  	_ =	shalt  }
0x76: {  	_ =	shalt  }
0x77: {  	_ =	shalt  }
0x78: {  	_ =	shalt  }
0x79: {  	_ =	shalt  }
0x7a: {  	_ =	shalt  }
0x7b: {  	_ =	shalt  }
0x7c: {  	_ =	shalt  }
0x7d: {  	_ =	shalt  }
0x7e: {  	_ =	shalt  }
0x7f: {  	_ =	shalt  }
0x80: {  	_ =	shalt  }
0x81: {  	_ =	shalt  }
0x82: {  	_ =	shalt  }
0x83: {  	_ =	shalt  }
0x84: {  	_ =	shalt  }
0x85: {  	_ =	shalt  }
0x86: {  	_ =	shalt  }
0x87: {  	_ =	shalt  }
.Lfunc_end0:
.L_simem_size_0:
called_computation.1_lowered:
.L_overlay_start_0:
0x88: {  	s2 =	sld [smem:$0x3FD9]  }
0x89: {  	s3 =	sld [smem:$0x3FFE];
	_ =	sdelay $0x1  }
0x8a: {  	s1 =	srdreg.scid  }
0x8b: {  	s0 =	sand.u32 $0x1, s1  }
0x8c: {  	s17 =	sshll.u32 s0, $0xA;
	s2 =	sadd.s32 s3, s2  }
0x8d: {  	s2 =	sadd.s32 s2, s17  }
0x8e: {  	[smem:$0x3FC3] =	sst s2  }
0x8f: {  	_ = 	snop  }
0x90: {  	s2 =	sld [smem:$0x3FD0];
	(tm) =	ssettm $0x1  }
0x91: {  	s18 =	sld [smem:$0x3FFB];
	_ =	sdelay $0x3  }
0x92: {  	_ =	strace s18  }
0x93: {  	s3 =	sld [smem:$0x3FFC];
	_ =	sdelay $0x3  }
0x94: {  	_ =	strace s3  }
0x95: {  	s3 =	sld [smem:$0x3FFD];
	_ =	sdelay $0x3  }
0x96: {  	_ =	strace s3  }
0x97: {  	_ =	strace $0x8FFFFFFF  }
0x98: {  	s19 =	sld [smem:$0x3FDB];
	_ =	sdelay $0x1  }
0x99: {  	s4 =	simm.s32 $_scs_section_size  }
0x9a: {  	s5 =	simm.s32 $_size__tile_overlayer_lowered;
	s6 =	simm.s32 $_tile_overlayer_lowered  }
0x9b: {  	s22 =	simm.s32 $0x1BFF;
	s21 =	sshll.u32 s6, $0x1;
	s3 =	sadd.s32 s4, s19  }
0x9c: {  	s7 =	simm.s32 $0x0;
	s20 =	sshll.u32 s5, $0x1;
	s5 =	sadd.s32 s21, s3  }
0x9d: {  	[timem:s7], [sflag:s22] =	dma.local [hbm:s5], s20  }
0x9e: {  	_ =	swait.ge [sflag:s22], s20  }
0x9f: {  	s4 =	ssub.s32 $0x0, s20;
	[sflag:s22] =	ssyncset.done $0x0  }
0xa0: {  	[sflag:s22] =	ssyncadd.s32 s4;
	_ =	sdelay $0x1  }
0xa1: {  	s23 =	simm.s32 $0x1B8B  }
0xa2: {  	_ =	swait.ge [sflag:s23], $0x1  }
0xa3: {  	[sflag:s23] =	ssyncset.done $0x0  }
0xa4: {  	s25 =	simm.s32 $0x1B8E;
	s24 =	sld [smem:$0x3FFE];
	[sflag:s23] =	ssyncadd.s32 $0xFFFFFFFF  }
0xa5: {  	s26 =	simm.s32 $execute0_lowered;
	[smem:$0x3FD2] =	sst s25  }
0xa6: {  	s5 =	sshll.u32 s26, $0x1;
	_ =	strace $0x80000049;
	[dreg:$0x1] =	wrdreg $0xFFFFFFFF  }
0xa7: {  	s28 =	simm.s32 $_size_execute0_lowered;
	s3 =	sadd.s32 s3, s5;
	[dreg:$0x0] =	wrdreg $0x0  }
0xa8: {  	s5 =	sshll.u32 s28, $0x1;
	[dreg:$0x2] =	wrdreg s3  }
0xa9: {  	[dreg:$0x3] =	wrdreg s5  }
0xaa: {  	[dreg:$0x4] =	wrdreg $0xC0  }
0xab: {  	_ =	task [dreg:s7], $0x5FFFF  }
0xac: {  	[dreg:$0x1] =	wrdreg $0xFFFFFFFF  }
0xad: {  	[dreg:$0x0] =	wrdreg $0x60  }
0xae: {  	[dreg:$0x2] =	wrdreg s24  }
0xaf: {  	[dreg:$0x3] =	wrdreg s2  }
0xb0: {  	[dreg:$0x4] =	wrdreg $0x9  }
0xb1: {  	_ =	task.clear_ibuf [dreg:s7], $0x5FFFF;
	_ =	strace $0x90000049  }
0xb2: {  	s29 =	simm.s32 $0x9;
	_ =	strace $0x8000004B  }
0xb3: {  	_ =	swait.ge [sflag:s29], $0x1  }
0xb4: {  	[sflag:s29] =	ssyncadd.s32 $0xFFFFFFFF  }
0xb5: {  	_ =	strace $0x9000004B  }
0xb6: {  	_ =	sfence  }
0xb7: {  	s30 =	sld [smem:$0x0];
	_ =	sdelay $0x2  }
0xb8: {  	s31 =	sshll.u32 s1, $0xD;
	s1 =	sshrl.u32 s1, $0x2  }
0xb9: {  	s3 =	sand.u32 $0x4000, s31;
	s1 =	sadd.s32 s1, s30  }
0xba: {  	s0 =	sor.u32 s3, s0;
	s1 =	sshll.u32 s1, $0x11  }
0xbb: {  	s0 =	sor.u32 s1, s0  }
0xbc: {  	s0 =	sadd.s32 $0x8F2B, s0  }
0xbd: {  	[sflag:s0] =	ssyncadd.remote.s32 $0x1  }
0xbe: {  	_ =	sfence.sel $0xFFFF  }
0xbf: {  	[dreg:$0x0] =	wrdreg $0xFFFFFFFF;
	(pc) =	sbr.abs _section_cstart, $3  }
0xc0: {  	[dreg:$0x1] =	wrdreg $0xFFFFFFFF  }
0xc1: {  	_ =	task.clear_ibuf [dreg:s7], $0x2FFFF;
	_ =	strace $0x9FFFFFFF  }
0xc2: {  	(tm) =	ssettm $0x7FFFFFFF  }
0xc3: {  	_ =	shalt  }
tec
execute0_lowered:
.L_overlay_start_1:
0x0: {  	(tag) =	ssettag $0x1  }
0x1: {  	s0 =	srdreg.scid  }
0x2: {  	s0 =	sand.u32 $0x1, s0  }
0x3: {  	s1 =	rddreg [dreg:$0x0];
	s4 =	stileid.u32;
	s2 =	sshll.u32 s0, $0x4  }
0x4: {  	s3 =	rddreg [dreg:$0x1];
	s4 =	sor.u32 s4, s2  }
0x5: {  	s2 =	simm.s32 $0x0;
	s5 =	sshll.u32 s4, $0x8;
	s4 =	sshll.u32 s4, $0x10  }
0x6: {  	[smem:$0x7FF] =	sst s2;
	s5 =	sadd.s32 s5, s1;
	s6 =	sadd.s32 s3, s4  }
0x7: {  	_ =	strace $0x8000004A;
	s5 =	sadd.s32 $0x3000, s5;
	[dreg:$0x13] =	wrdreg s6  }
0x8: {  	s3 =	sadd.s32 $0x1000, s6;
	[dreg:$0x3] =	wrdreg s5  }
0x9: {  	s16 =	sadd.s32 $0x2000, s6;
	[dreg:$0x4] =	wrdreg s3  }
0xa: {  	s17 =	sadd.s32 $0x3000, s6;
	[dreg:$0x5] =	wrdreg s16  }
0xb: {  	s18 =	sadd.s32 $0x4000, s6;
	[dreg:$0x6] =	wrdreg s17  }
0xc: {  	s19 =	sadd.s32 $0x5000, s6;
	[dreg:$0x7] =	wrdreg s18  }
0xd: {  	s20 =	sadd.s32 $0x6000, s6;
	[dreg:$0x8] =	wrdreg s19  }
0xe: {  	s21 =	sadd.s32 $0x7000, s6;
	[dreg:$0x9] =	wrdreg s20  }
0xf: {  	s8 =	simm.s32 $0x800;
	s22 =	sadd.s32 $0x8000, s6;
	[dreg:$0xa] =	wrdreg s21  }
0x10: {  	s15 =	simm.s32 $0x2;
	s23 =	sadd.s32 $0x9000, s6;
	[dreg:$0xb] =	wrdreg s22  }
0x11: {  	s0 =	ssub.s32 $0x2, s0;
	s24 =	sadd.s32 $0xA000, s6;
	[dreg:$0xc] =	wrdreg s23  }
0x12: {  	s30 =	sshrl.u32 s0, $0x1;
	s25 =	sadd.s32 $0xB000, s6;
	[dreg:$0xd] =	wrdreg s24  }
0x13: {  	s0 =	ssub.s32 s0, s30;
	s26 =	sadd.s32 $0xC000, s6;
	[dreg:$0xe] =	wrdreg s25  }
0x14: {  	s4 =	sadd.s32 $0x5000, s1;
	s28 =	sadd.s32 $0xD000, s6;
	[dreg:$0xf] =	wrdreg s26  }
0x15: {  	v2 =	vlaneseq.u32;
	s0 =	smax.u32 s0, $0x1;
	s29 =	sadd.s32 $0xE000, s6;
	[dreg:$0x10] =	wrdreg s28  }
0x16: {  	vm0 =	vmmov $0xffff;
	v1 =	vshrl.u32 v2, $0x3;
	s31 =	sadd.s32 $0xF000, s6;
	[dreg:$0x11] =	wrdreg s29;
	s5 =	sadd.s32 $0x5100, s1  }
0x17: {  	v0 =	vand.u32 $0x7, v2;
	v2 =	vor.u32 $0x8, v2;
	v1 =	vmul.u32 $0x8, v1;
	[dreg:$0x12] =	wrdreg s31;
	s24 =	simm.s32 $0x1;
	s25 =	simm.s32 $0x8800  }
.LBB2_1:
0x18: {  	[dreg:$0x14] =	wrdreg s0  }
0x19: {  	s16 =	rddreg [dreg:$0x3];
	s18 =	simm.s32 $0x3  }
0x1a: {  	[tilespmem:s2], [sflag:$0x3] =	stream.linear.gather [hbm4b:s16+s2], $0x800, $0x38;
	[tilespmem:$0x10800] =	vst v63  }
0x1b: {  	_ =	swait.ge [sflag:s18], $0x800  }
0x1c: {  	[sflag:s18] =	ssyncset.done $0x0  }
0x1d: {  	[sflag:s18] =	ssyncadd.s32 $0xFFFFF800  }
0x1e: {  	v3 =	vld [tilespmem:$0x0];
	_ =	sdelay $0x4  }
0x1f: {  	v4 =	vshll.u32 v3, $0x2  }
0x20: {  	v3 =	vand.u32 $0x7, v3;
	v4 =	vand.u32 $0xFFFFFFE0, v4  }
0x21: {  	v3 =	vor.u32 v3, v4  }
0x22: {  	v4 =	vperm.xlane v3, v0;
	_ =	sdelay $0x1  }
0x23: {  	v4 =	vadd.s32 v1, v4;
	_ =	sdelay $0x1  }
0x24: {  	v3 =	vperm.xlane v3, v2;
	_ =	sdelay $0x1  }
0x25: {  	v3 =	vadd.s32 v1, v3  }
0x26: {  	[tilespmem:s8], [sflag:$0x1] =	stream.indirect_vreg.gather [hbm4b:s4+s2], $0x80, v4, vm0, $0xb8;
	[tilespmem:$0x10800] =	vst v63  }
0x27: {  	s19 =	simm.s32 $0x1000  }
0x28: {  	[tilespmem:s19], [sflag:$0x1] =	stream.indirect_vreg.gather [hbm4b:s5+s2], $0x80, v4, vm0, $0xb8;
	[tilespmem:$0x10800] =	vst v63  }
0x29: {  	s20 =	simm.s32 $0x1800  }
0x2a: {  	[tilespmem:s20], [sflag:$0x1] =	stream.indirect_vreg.gather [hbm4b:s4+s2], $0x80, v3, vm0, $0xb8;
	[tilespmem:$0x10800] =	vst v63  }
0x2b: {  	s21 =	simm.s32 $0x2000  }
0x2c: {  	[tilespmem:s21], [sflag:$0x1] =	stream.indirect_vreg.gather [hbm4b:s5+s2], $0x80, v3, vm0, $0xb8;
	[tilespmem:$0x10800] =	vst v63  }
0x2d: {  	v3 =	vld [tilespmem:$0x10];
	_ =	sdelay $0x4  }
0x2e: {  	v57 =	vshll.u32 v3, $0x2  }
0x2f: {  	v3 =	vand.u32 $0x7, v3;
	v4 =	vand.u32 $0xFFFFFFE0, v57  }
0x30: {  	v3 =	vor.u32 v3, v4  }
0x31: {  	v4 =	vperm.xlane v3, v0;
	_ =	sdelay $0x1  }
0x32: {  	v4 =	vadd.s32 v1, v4;
	_ =	sdelay $0x1  }
0x33: {  	v3 =	vperm.xlane v3, v2;
	_ =	sdelay $0x1  }
0x34: {  	s22 =	simm.s32 $0x2800;
	v3 =	vadd.s32 v1, v3  }
0x35: {  	[tilespmem:s22], [sflag:$0x1] =	stream.indirect_vreg.gather [hbm4b:s4+s2], $0x80, v4, vm0, $0xb8;
	[tilespmem:$0x10800] =	vst v63  }
0x36: {  	s23 =	simm.s32 $0x3000  }
0x37: {  	[tilespmem:s23], [sflag:$0x1] =	stream.indirect_vreg.gather [hbm4b:s5+s2], $0x80, v4, vm0, $0xb8;
	[tilespmem:$0x10800] =	vst v63  }
0x38: {  	s26 =	simm.s32 $0x3800  }
0x39: {  	[tilespmem:s26], [sflag:$0x1] =	stream.indirect_vreg.gather [hbm4b:s4+s2], $0x80, v3, vm0, $0xb8;
	[tilespmem:$0x10800] =	vst v63  }
0x3a: {  	s28 =	simm.s32 $0x4000  }
0x3b: {  	[tilespmem:s28], [sflag:$0x1] =	stream.indirect_vreg.gather [hbm4b:s5+s2], $0x80, v3, vm0, $0xb8;
	[tilespmem:$0x10800] =	vst v63  }
0x3c: {  	v3 =	vld [tilespmem:$0x20];
	_ =	sdelay $0x4  }
0x3d: {  	v58 =	vshll.u32 v3, $0x2  }
0x3e: {  	v3 =	vand.u32 $0x7, v3;
	v4 =	vand.u32 $0xFFFFFFE0, v58  }
0x3f: {  	v3 =	vor.u32 v3, v4  }
0x40: {  	v4 =	vperm.xlane v3, v0;
	_ =	sdelay $0x1  }
0x41: {  	v4 =	vadd.s32 v1, v4;
	_ =	sdelay $0x1  }
0x42: {  	v3 =	vperm.xlane v3, v2;
	_ =	sdelay $0x1  }
0x43: {  	s29 =	simm.s32 $0x4800;
	v3 =	vadd.s32 v1, v3  }
0x44: {  	[tilespmem:s29], [sflag:$0x1] =	stream.indirect_vreg.gather [hbm4b:s4+s2], $0x80, v4, vm0, $0xb8;
	[tilespmem:$0x10800] =	vst v63  }
0x45: {  	s30 =	simm.s32 $0x5000  }
0x46: {  	[tilespmem:s30], [sflag:$0x1] =	stream.indirect_vreg.gather [hbm4b:s5+s2], $0x80, v4, vm0, $0xb8;
	[tilespmem:$0x10800] =	vst v63  }
0x47: {  	s31 =	simm.s32 $0x5800  }
0x48: {  	[tilespmem:s31], [sflag:$0x1] =	stream.indirect_vreg.gather [hbm4b:s4+s2], $0x80, v3, vm0, $0xb8;
	[tilespmem:$0x10800] =	vst v63  }
0x49: {  	s1 =	simm.s32 $0x6000  }
0x4a: {  	[tilespmem:s1], [sflag:$0x1] =	stream.indirect_vreg.gather [hbm4b:s5+s2], $0x80, v3, vm0, $0xb8;
	[tilespmem:$0x10800] =	vst v63  }
0x4b: {  	v3 =	vld [tilespmem:$0x30];
	_ =	sdelay $0x4  }
0x4c: {  	v59 =	vshll.u32 v3, $0x2  }
0x4d: {  	v3 =	vand.u32 $0x7, v3;
	v4 =	vand.u32 $0xFFFFFFE0, v59  }
0x4e: {  	v3 =	vor.u32 v3, v4  }
0x4f: {  	v4 =	vperm.xlane v3, v0;
	_ =	sdelay $0x1  }
0x50: {  	v4 =	vadd.s32 v1, v4;
	_ =	sdelay $0x1  }
0x51: {  	v3 =	vperm.xlane v3, v2;
	_ =	sdelay $0x1  }
0x52: {  	s6 =	simm.s32 $0x6800;
	v3 =	vadd.s32 v1, v3  }
0x53: {  	[tilespmem:s6], [sflag:$0x1] =	stream.indirect_vreg.gather [hbm4b:s4+s2], $0x80, v4, vm0, $0xb8;
	[tilespmem:$0x10800] =	vst v63  }
0x54: {  	s7 =	simm.s32 $0x7000  }
0x55: {  	[tilespmem:s7], [sflag:$0x1] =	stream.indirect_vreg.gather [hbm4b:s5+s2], $0x80, v4, vm0, $0xb8;
	[tilespmem:$0x10800] =	vst v63  }
0x56: {  	s9 =	simm.s32 $0x7800  }
0x57: {  	[tilespmem:s9], [sflag:$0x1] =	stream.indirect_vreg.gather [hbm4b:s4+s2], $0x80, v3, vm0, $0xb8;
	[tilespmem:$0x10800] =	vst v63  }
0x58: {  	s10 =	simm.s32 $0x8000  }
0x59: {  	[tilespmem:s10], [sflag:$0x1] =	stream.indirect_vreg.gather [hbm4b:s5+s2], $0x80, v3, vm0, $0xb8;
	[tilespmem:$0x10800] =	vst v63  }
0x5a: {  	_ =	swait.ge [sflag:s24], $0x8000  }
0x5b: {  	[sflag:s24] =	ssyncset.done $0x0  }
0x5c: {  	[sflag:s24] =	ssyncadd.s32 $0xFFFF8000  }
0x5d: {  	v3 =	vld [tilespmem:$0x80];
	_ =	sdelay $0x4  }
0x5e: {  	v60 =	vshll.u32 v3, $0x2  }
0x5f: {  	v3 =	vand.u32 $0x7, v3;
	v4 =	vand.u32 $0xFFFFFFE0, v60  }
0x60: {  	v3 =	vor.u32 v3, v4  }
0x61: {  	v4 =	vperm.xlane v3, v0;
	_ =	sdelay $0x1  }
0x62: {  	v4 =	vadd.s32 v1, v4;
	_ =	sdelay $0x1  }
0x63: {  	v3 =	vperm.xlane v3, v2;
	_ =	sdelay $0x1  }
0x64: {  	v3 =	vadd.s32 v1, v3  }
0x65: {  	[tilespmem:s25], [sflag:$0x1] =	stream.indirect_vreg.gather [hbm4b:s4+s2], $0x80, v4, vm0, $0xb8;
	[tilespmem:$0x10800] =	vst v63  }
0x66: {  	s11 =	simm.s32 $0x9000  }
0x67: {  	[tilespmem:s11], [sflag:$0x1] =	stream.indirect_vreg.gather [hbm4b:s5+s2], $0x80, v4, vm0, $0xb8;
	[tilespmem:$0x10800] =	vst v63  }
0x68: {  	s12 =	simm.s32 $0x9800  }
0x69: {  	[tilespmem:s12], [sflag:$0x1] =	stream.indirect_vreg.gather [hbm4b:s4+s2], $0x80, v3, vm0, $0xb8;
	[tilespmem:$0x10800] =	vst v63  }
0x6a: {  	s13 =	simm.s32 $0xA000  }
0x6b: {  	[tilespmem:s13], [sflag:$0x1] =	stream.indirect_vreg.gather [hbm4b:s5+s2], $0x80, v3, vm0, $0xb8;
	[tilespmem:$0x10800] =	vst v63  }
0x6c: {  	v3 =	vld [tilespmem:$0x90];
	_ =	sdelay $0x4  }
0x6d: {  	v61 =	vshll.u32 v3, $0x2  }
0x6e: {  	v3 =	vand.u32 $0x7, v3;
	v4 =	vand.u32 $0xFFFFFFE0, v61  }
0x6f: {  	v3 =	vor.u32 v3, v4  }
0x70: {  	v4 =	vperm.xlane v3, v0;
	_ =	sdelay $0x1  }
0x71: {  	v4 =	vadd.s32 v1, v4;
	_ =	sdelay $0x1  }
0x72: {  	v3 =	vperm.xlane v3, v2;
	_ =	sdelay $0x1  }
0x73: {  	s14 =	simm.s32 $0xA800;
	v3 =	vadd.s32 v1, v3  }
0x74: {  	[tilespmem:s14], [sflag:$0x1] =	stream.indirect_vreg.gather [hbm4b:s4+s2], $0x80, v4, vm0, $0xb8;
	[tilespmem:$0x10800] =	vst v63  }
0x75: {  	s16 =	simm.s32 $0xB000  }
0x76: {  	[tilespmem:s16], [sflag:$0x1] =	stream.indirect_vreg.gather [hbm4b:s5+s2], $0x80, v4, vm0, $0xb8;
	[tilespmem:$0x10800] =	vst v63  }
0x77: {  	s28 =	simm.s32 $0xB800  }
0x78: {  	[tilespmem:s28], [sflag:$0x1] =	stream.indirect_vreg.gather [hbm4b:s4+s2], $0x80, v3, vm0, $0xb8;
	[tilespmem:$0x10800] =	vst v63  }
0x79: {  	s29 =	simm.s32 $0xC000  }
0x7a: {  	[tilespmem:s29], [sflag:$0x1] =	stream.indirect_vreg.gather [hbm4b:s5+s2], $0x80, v3, vm0, $0xb8;
	[tilespmem:$0x10800] =	vst v63  }
0x7b: {  	v3 =	vld [tilespmem:$0xA0];
	_ =	sdelay $0x4  }
0x7c: {  	v62 =	vshll.u32 v3, $0x2  }
0x7d: {  	v3 =	vand.u32 $0x7, v3;
	v4 =	vand.u32 $0xFFFFFFE0, v62  }
0x7e: {  	v3 =	vor.u32 v3, v4  }
0x7f: {  	v4 =	vperm.xlane v3, v0;
	_ =	sdelay $0x1  }
0x80: {  	v4 =	vadd.s32 v1, v4;
	_ =	sdelay $0x1  }
0x81: {  	v3 =	vperm.xlane v3, v2;
	_ =	sdelay $0x1  }
0x82: {  	s30 =	simm.s32 $0xC800;
	v3 =	vadd.s32 v1, v3  }
0x83: {  	[tilespmem:s30], [sflag:$0x1] =	stream.indirect_vreg.gather [hbm4b:s4+s2], $0x80, v4, vm0, $0xb8;
	[tilespmem:$0x10800] =	vst v63  }
0x84: {  	s31 =	simm.s32 $0xD000  }
0x85: {  	[tilespmem:s31], [sflag:$0x1] =	stream.indirect_vreg.gather [hbm4b:s5+s2], $0x80, v4, vm0, $0xb8;
	[tilespmem:$0x10800] =	vst v63  }
0x86: {  	s13 =	simm.s32 $0xD800  }
0x87: {  	[tilespmem:s13], [sflag:$0x1] =	stream.indirect_vreg.gather [hbm4b:s4+s2], $0x80, v3, vm0, $0xb8;
	[tilespmem:$0x10800] =	vst v63  }
0x88: {  	s14 =	simm.s32 $0xE000  }
0x89: {  	[tilespmem:s14], [sflag:$0x1] =	stream.indirect_vreg.gather [hbm4b:s5+s2], $0x80, v3, vm0, $0xb8;
	[tilespmem:$0x10800] =	vst v63  }
0x8a: {  	v3 =	vld [tilespmem:$0xB0];
	_ =	sdelay $0x4  }
0x8b: {  	v63 =	vshll.u32 v3, $0x2  }
0x8c: {  	v3 =	vand.u32 $0x7, v3;
	v4 =	vand.u32 $0xFFFFFFE0, v63  }
0x8d: {  	v3 =	vor.u32 v3, v4  }
0x8e: {  	v4 =	vperm.xlane v3, v0;
	_ =	sdelay $0x1  }
0x8f: {  	v4 =	vadd.s32 v1, v4;
	_ =	sdelay $0x1  }
0x90: {  	v3 =	vperm.xlane v3, v2;
	_ =	sdelay $0x1  }
0x91: {  	s16 =	simm.s32 $0xE800;
	v3 =	vadd.s32 v1, v3  }
0x92: {  	[tilespmem:s16], [sflag:$0x1] =	stream.indirect_vreg.gather [hbm4b:s4+s2], $0x80, v4, vm0, $0xb8;
	[tilespmem:$0x10800] =	vst v63  }
0x93: {  	s28 =	simm.s32 $0xF000  }
0x94: {  	[tilespmem:s28], [sflag:$0x1] =	stream.indirect_vreg.gather [hbm4b:s5+s2], $0x80, v4, vm0, $0xb8;
	[tilespmem:$0x10800] =	vst v63  }
0x95: {  	s29 =	simm.s32 $0xF800  }
0x96: {  	[tilespmem:s29], [sflag:$0x1] =	stream.indirect_vreg.gather [hbm4b:s4+s2], $0x80, v3, vm0, $0xb8;
	[tilespmem:$0x10800] =	vst v63  }
0x97: {  	s30 =	simm.s32 $0x10000  }
0x98: {  	[tilespmem:s30], [sflag:$0x1] =	stream.indirect_vreg.gather [hbm4b:s5+s2], $0x80, v3, vm0, $0xb8;
	[tilespmem:$0x10800] =	vst v63  }
0x99: {  	s31 =	rddreg [dreg:$0x13]  }
0x9a: {  	[hbm4b:s31+s2] =	stream.linear.scatter [tilespmem:s8], [sflag:$0x2], $0x8000, $0x38;
	[tilespmem:$0x10800] =	vst v63  }
0x9b: {  	_ =	swait.ge [sflag:s24], $0x8000  }
0x9c: {  	[sflag:s24] =	ssyncset.done $0x0  }
0x9d: {  	[sflag:s24] =	ssyncadd.s32 $0xFFFF8000  }
0x9e: {  	_ =	swait.ge [sflag:s15], $0x8000  }
0x9f: {  	[sflag:s15] =	ssyncset.done $0x0  }
0xa0: {  	[sflag:s15] =	ssyncadd.s32 $0xFFFF8000  }
0xa1: {  	v3 =	vld [tilespmem:$0x100];
	_ =	sdelay $0x4  }
0xa2: {  	v8 =	vshll.u32 v3, $0x2  }
0xa3: {  	v3 =	vand.u32 $0x7, v3;
	v4 =	vand.u32 $0xFFFFFFE0, v8  }
0xa4: {  	v3 =	vor.u32 v3, v4  }
0xa5: {  	v4 =	vperm.xlane v3, v0;
	_ =	sdelay $0x1  }
0xa6: {  	v4 =	vadd.s32 v1, v4;
	_ =	sdelay $0x1  }
0xa7: {  	v3 =	vperm.xlane v3, v2;
	_ =	sdelay $0x1  }
0xa8: {  	v3 =	vadd.s32 v1, v3  }
0xa9: {  	[tilespmem:s8], [sflag:$0x1] =	stream.indirect_vreg.gather [hbm4b:s4+s2], $0x80, v4, vm0, $0xb8;
	[tilespmem:$0x10800] =	vst v63  }
0xaa: {  	s3 =	simm.s32 $0x1000  }
0xab: {  	[tilespmem:s3], [sflag:$0x1] =	stream.indirect_vreg.gather [hbm4b:s5+s2], $0x80, v4, vm0, $0xb8;
	[tilespmem:$0x10800] =	vst v63  }
0xac: {  	s17 =	simm.s32 $0x1800  }
0xad: {  	[tilespmem:s17], [sflag:$0x1] =	stream.indirect_vreg.gather [hbm4b:s4+s2], $0x80, v3, vm0, $0xb8;
	[tilespmem:$0x10800] =	vst v63  }
0xae: {  	s18 =	simm.s32 $0x2000  }
0xaf: {  	[tilespmem:s18], [sflag:$0x1] =	stream.indirect_vreg.gather [hbm4b:s5+s2], $0x80, v3, vm0, $0xb8;
	[tilespmem:$0x10800] =	vst v63  }
0xb0: {  	v3 =	vld [tilespmem:$0x110];
	_ =	sdelay $0x4  }
0xb1: {  	v9 =	vshll.u32 v3, $0x2  }
0xb2: {  	v3 =	vand.u32 $0x7, v3;
	v4 =	vand.u32 $0xFFFFFFE0, v9  }
0xb3: {  	v3 =	vor.u32 v3, v4  }
0xb4: {  	v4 =	vperm.xlane v3, v0;
	_ =	sdelay $0x1  }
0xb5: {  	v4 =	vadd.s32 v1, v4;
	_ =	sdelay $0x1  }
0xb6: {  	v3 =	vperm.xlane v3, v2;
	_ =	sdelay $0x1  }
0xb7: {  	s19 =	simm.s32 $0x2800;
	v3 =	vadd.s32 v1, v3  }
0xb8: {  	[tilespmem:s19], [sflag:$0x1] =	stream.indirect_vreg.gather [hbm4b:s4+s2], $0x80, v4, vm0, $0xb8;
	[tilespmem:$0x10800] =	vst v63  }
0xb9: {  	s20 =	simm.s32 $0x3000  }
0xba: {  	[tilespmem:s20], [sflag:$0x1] =	stream.indirect_vreg.gather [hbm4b:s5+s2], $0x80, v4, vm0, $0xb8;
	[tilespmem:$0x10800] =	vst v63  }
0xbb: {  	s21 =	simm.s32 $0x3800  }
0xbc: {  	[tilespmem:s21], [sflag:$0x1] =	stream.indirect_vreg.gather [hbm4b:s4+s2], $0x80, v3, vm0, $0xb8;
	[tilespmem:$0x10800] =	vst v63  }
0xbd: {  	s22 =	simm.s32 $0x4000  }
0xbe: {  	[tilespmem:s22], [sflag:$0x1] =	stream.indirect_vreg.gather [hbm4b:s5+s2], $0x80, v3, vm0, $0xb8;
	[tilespmem:$0x10800] =	vst v63  }
0xbf: {  	v3 =	vld [tilespmem:$0x120];
	_ =	sdelay $0x4  }
0xc0: {  	v10 =	vshll.u32 v3, $0x2  }
0xc1: {  	v3 =	vand.u32 $0x7, v3;
	v4 =	vand.u32 $0xFFFFFFE0, v10  }
0xc2: {  	v3 =	vor.u32 v3, v4  }
0xc3: {  	v4 =	vperm.xlane v3, v0;
	_ =	sdelay $0x1  }
0xc4: {  	v4 =	vadd.s32 v1, v4;
	_ =	sdelay $0x1  }
0xc5: {  	v3 =	vperm.xlane v3, v2;
	_ =	sdelay $0x1  }
0xc6: {  	s23 =	simm.s32 $0x4800;
	v3 =	vadd.s32 v1, v3  }
0xc7: {  	[tilespmem:s23], [sflag:$0x1] =	stream.indirect_vreg.gather [hbm4b:s4+s2], $0x80, v4, vm0, $0xb8;
	[tilespmem:$0x10800] =	vst v63  }
0xc8: {  	s26 =	simm.s32 $0x5000  }
0xc9: {  	[tilespmem:s26], [sflag:$0x1] =	stream.indirect_vreg.gather [hbm4b:s5+s2], $0x80, v4, vm0, $0xb8;
	[tilespmem:$0x10800] =	vst v63  }
0xca: {  	s29 =	simm.s32 $0x5800  }
0xcb: {  	[tilespmem:s29], [sflag:$0x1] =	stream.indirect_vreg.gather [hbm4b:s4+s2], $0x80, v3, vm0, $0xb8;
	[tilespmem:$0x10800] =	vst v63  }
0xcc: {  	s30 =	simm.s32 $0x6000  }
0xcd: {  	[tilespmem:s30], [sflag:$0x1] =	stream.indirect_vreg.gather [hbm4b:s5+s2], $0x80, v3, vm0, $0xb8;
	[tilespmem:$0x10800] =	vst v63  }
0xce: {  	v3 =	vld [tilespmem:$0x130];
	_ =	sdelay $0x4  }
0xcf: {  	v11 =	vshll.u32 v3, $0x2  }
0xd0: {  	v3 =	vand.u32 $0x7, v3;
	v4 =	vand.u32 $0xFFFFFFE0, v11  }
0xd1: {  	v3 =	vor.u32 v3, v4  }
0xd2: {  	v4 =	vperm.xlane v3, v0;
	_ =	sdelay $0x1  }
0xd3: {  	v4 =	vadd.s32 v1, v4;
	_ =	sdelay $0x1  }
0xd4: {  	v3 =	vperm.xlane v3, v2;
	_ =	sdelay $0x1  }
0xd5: {  	s31 =	simm.s32 $0x6800;
	v3 =	vadd.s32 v1, v3  }
0xd6: {  	[tilespmem:s31], [sflag:$0x1] =	stream.indirect_vreg.gather [hbm4b:s4+s2], $0x80, v4, vm0, $0xb8;
	[tilespmem:$0x10800] =	vst v63  }
0xd7: {  	s6 =	simm.s32 $0x7000  }
0xd8: {  	[tilespmem:s6], [sflag:$0x1] =	stream.indirect_vreg.gather [hbm4b:s5+s2], $0x80, v4, vm0, $0xb8;
	[tilespmem:$0x10800] =	vst v63  }
0xd9: {  	s7 =	simm.s32 $0x7800  }
0xda: {  	[tilespmem:s7], [sflag:$0x1] =	stream.indirect_vreg.gather [hbm4b:s4+s2], $0x80, v3, vm0, $0xb8;
	[tilespmem:$0x10800] =	vst v63  }
0xdb: {  	s1 =	simm.s32 $0x8000  }
0xdc: {  	[tilespmem:s1], [sflag:$0x1] =	stream.indirect_vreg.gather [hbm4b:s5+s2], $0x80, v3, vm0, $0xb8;
	[tilespmem:$0x10800] =	vst v63  }
0xdd: {  	s7 =	rddreg [dreg:$0x4]  }
0xde: {  	[hbm4b:s7+s2] =	stream.linear.scatter [tilespmem:s25], [sflag:$0x2], $0x8000, $0x38;
	[tilespmem:$0x10800] =	vst v63  }
0xdf: {  	_ =	swait.ge [sflag:s24], $0x8000  }
0xe0: {  	[sflag:s24] =	ssyncset.done $0x0  }
0xe1: {  	[sflag:s24] =	ssyncadd.s32 $0xFFFF8000  }
0xe2: {  	_ =	swait.ge [sflag:s15], $0x8000  }
0xe3: {  	[sflag:s15] =	ssyncset.done $0x0  }
0xe4: {  	[sflag:s15] =	ssyncadd.s32 $0xFFFF8000  }
0xe5: {  	v3 =	vld [tilespmem:$0x180];
	_ =	sdelay $0x4  }
0xe6: {  	v12 =	vshll.u32 v3, $0x2  }
0xe7: {  	v3 =	vand.u32 $0x7, v3;
	v4 =	vand.u32 $0xFFFFFFE0, v12  }
0xe8: {  	v3 =	vor.u32 v3, v4  }
0xe9: {  	v4 =	vperm.xlane v3, v0;
	_ =	sdelay $0x1  }
0xea: {  	v4 =	vadd.s32 v1, v4;
	_ =	sdelay $0x1  }
0xeb: {  	v3 =	vperm.xlane v3, v2;
	_ =	sdelay $0x1  }
0xec: {  	v3 =	vadd.s32 v1, v3  }
0xed: {  	[tilespmem:s25], [sflag:$0x1] =	stream.indirect_vreg.gather [hbm4b:s4+s2], $0x80, v4, vm0, $0xb8;
	[tilespmem:$0x10800] =	vst v63  }
0xee: {  	s6 =	simm.s32 $0x9000  }
0xef: {  	[tilespmem:s6], [sflag:$0x1] =	stream.indirect_vreg.gather [hbm4b:s5+s2], $0x80, v4, vm0, $0xb8;
	[tilespmem:$0x10800] =	vst v63  }
0xf0: {  	s9 =	simm.s32 $0x9800  }
0xf1: {  	[tilespmem:s9], [sflag:$0x1] =	stream.indirect_vreg.gather [hbm4b:s4+s2], $0x80, v3, vm0, $0xb8;
	[tilespmem:$0x10800] =	vst v63  }
0xf2: {  	s7 =	simm.s32 $0xA000  }
0xf3: {  	[tilespmem:s7], [sflag:$0x1] =	stream.indirect_vreg.gather [hbm4b:s5+s2], $0x80, v3, vm0, $0xb8;
	[tilespmem:$0x10800] =	vst v63  }
0xf4: {  	v3 =	vld [tilespmem:$0x190];
	_ =	sdelay $0x4  }
0xf5: {  	v13 =	vshll.u32 v3, $0x2  }
0xf6: {  	v3 =	vand.u32 $0x7, v3;
	v4 =	vand.u32 $0xFFFFFFE0, v13  }
0xf7: {  	v3 =	vor.u32 v3, v4  }
0xf8: {  	v4 =	vperm.xlane v3, v0;
	_ =	sdelay $0x1  }
0xf9: {  	v4 =	vadd.s32 v1, v4;
	_ =	sdelay $0x1  }
0xfa: {  	v3 =	vperm.xlane v3, v2;
	_ =	sdelay $0x1  }
0xfb: {  	s10 =	simm.s32 $0xA800;
	v3 =	vadd.s32 v1, v3  }
0xfc: {  	[tilespmem:s10], [sflag:$0x1] =	stream.indirect_vreg.gather [hbm4b:s4+s2], $0x80, v4, vm0, $0xb8;
	[tilespmem:$0x10800] =	vst v63  }
0xfd: {  	s11 =	simm.s32 $0xB000  }
0xfe: {  	[tilespmem:s11], [sflag:$0x1] =	stream.indirect_vreg.gather [hbm4b:s5+s2], $0x80, v4, vm0, $0xb8;
	[tilespmem:$0x10800] =	vst v63  }
0xff: {  	s12 =	simm.s32 $0xB800  }
0x100: {  	[tilespmem:s12], [sflag:$0x1] =	stream.indirect_vreg.gather [hbm4b:s4+s2], $0x80, v3, vm0, $0xb8;
	[tilespmem:$0x10800] =	vst v63  }
0x101: {  	s1 =	simm.s32 $0xC000  }
0x102: {  	[tilespmem:s1], [sflag:$0x1] =	stream.indirect_vreg.gather [hbm4b:s5+s2], $0x80, v3, vm0, $0xb8;
	[tilespmem:$0x10800] =	vst v63  }
0x103: {  	v3 =	vld [tilespmem:$0x1A0];
	_ =	sdelay $0x4  }
0x104: {  	v14 =	vshll.u32 v3, $0x2  }
0x105: {  	v3 =	vand.u32 $0x7, v3;
	v4 =	vand.u32 $0xFFFFFFE0, v14  }
0x106: {  	v3 =	vor.u32 v3, v4  }
0x107: {  	v4 =	vperm.xlane v3, v0;
	_ =	sdelay $0x1  }
0x108: {  	v4 =	vadd.s32 v1, v4;
	_ =	sdelay $0x1  }
0x109: {  	v3 =	vperm.xlane v3, v2;
	_ =	sdelay $0x1  }
0x10a: {  	s9 =	simm.s32 $0xC800;
	v3 =	vadd.s32 v1, v3  }
0x10b: {  	[tilespmem:s9], [sflag:$0x1] =	stream.indirect_vreg.gather [hbm4b:s4+s2], $0x80, v4, vm0, $0xb8;
	[tilespmem:$0x10800] =	vst v63  }
0x10c: {  	s10 =	simm.s32 $0xD000  }
0x10d: {  	[tilespmem:s10], [sflag:$0x1] =	stream.indirect_vreg.gather [hbm4b:s5+s2], $0x80, v4, vm0, $0xb8;
	[tilespmem:$0x10800] =	vst v63  }
0x10e: {  	s11 =	simm.s32 $0xD800  }
0x10f: {  	[tilespmem:s11], [sflag:$0x1] =	stream.indirect_vreg.gather [hbm4b:s4+s2], $0x80, v3, vm0, $0xb8;
	[tilespmem:$0x10800] =	vst v63  }
0x110: {  	s13 =	simm.s32 $0xE000  }
0x111: {  	[tilespmem:s13], [sflag:$0x1] =	stream.indirect_vreg.gather [hbm4b:s5+s2], $0x80, v3, vm0, $0xb8;
	[tilespmem:$0x10800] =	vst v63  }
0x112: {  	v3 =	vld [tilespmem:$0x1B0];
	_ =	sdelay $0x4  }
0x113: {  	v15 =	vshll.u32 v3, $0x2  }
0x114: {  	v3 =	vand.u32 $0x7, v3;
	v4 =	vand.u32 $0xFFFFFFE0, v15  }
0x115: {  	v3 =	vor.u32 v3, v4  }
0x116: {  	v4 =	vperm.xlane v3, v0;
	_ =	sdelay $0x1  }
0x117: {  	v4 =	vadd.s32 v1, v4;
	_ =	sdelay $0x1  }
0x118: {  	v3 =	vperm.xlane v3, v2;
	_ =	sdelay $0x1  }
0x119: {  	s12 =	simm.s32 $0xE800;
	v3 =	vadd.s32 v1, v3  }
0x11a: {  	[tilespmem:s12], [sflag:$0x1] =	stream.indirect_vreg.gather [hbm4b:s4+s2], $0x80, v4, vm0, $0xb8;
	[tilespmem:$0x10800] =	vst v63  }
0x11b: {  	s13 =	simm.s32 $0xF000  }
0x11c: {  	[tilespmem:s13], [sflag:$0x1] =	stream.indirect_vreg.gather [hbm4b:s5+s2], $0x80, v4, vm0, $0xb8;
	[tilespmem:$0x10800] =	vst v63  }
0x11d: {  	s14 =	simm.s32 $0xF800  }
0x11e: {  	[tilespmem:s14], [sflag:$0x1] =	stream.indirect_vreg.gather [hbm4b:s4+s2], $0x80, v3, vm0, $0xb8;
	[tilespmem:$0x10800] =	vst v63  }
0x11f: {  	s0 =	simm.s32 $0x10000  }
0x120: {  	[tilespmem:s0], [sflag:$0x1] =	stream.indirect_vreg.gather [hbm4b:s5+s2], $0x80, v3, vm0, $0xb8;
	[tilespmem:$0x10800] =	vst v63  }
0x121: {  	s14 =	rddreg [dreg:$0x5]  }
0x122: {  	[hbm4b:s14+s2] =	stream.linear.scatter [tilespmem:s8], [sflag:$0x2], $0x8000, $0x38;
	[tilespmem:$0x10800] =	vst v63  }
0x123: {  	_ =	swait.ge [sflag:s24], $0x8000  }
0x124: {  	[sflag:s24] =	ssyncset.done $0x0  }
0x125: {  	[sflag:s24] =	ssyncadd.s32 $0xFFFF8000  }
0x126: {  	_ =	swait.ge [sflag:s15], $0x8000  }
0x127: {  	[sflag:s15] =	ssyncset.done $0x0  }
0x128: {  	[sflag:s15] =	ssyncadd.s32 $0xFFFF8000  }
0x129: {  	v3 =	vld [tilespmem:$0x200];
	_ =	sdelay $0x4  }
0x12a: {  	v16 =	vshll.u32 v3, $0x2  }
0x12b: {  	v3 =	vand.u32 $0x7, v3;
	v4 =	vand.u32 $0xFFFFFFE0, v16  }
0x12c: {  	v3 =	vor.u32 v3, v4  }
0x12d: {  	v4 =	vperm.xlane v3, v0;
	_ =	sdelay $0x1  }
0x12e: {  	v4 =	vadd.s32 v1, v4;
	_ =	sdelay $0x1  }
0x12f: {  	v3 =	vperm.xlane v3, v2;
	_ =	sdelay $0x1  }
0x130: {  	v3 =	vadd.s32 v1, v3  }
0x131: {  	[tilespmem:s8], [sflag:$0x1] =	stream.indirect_vreg.gather [hbm4b:s4+s2], $0x80, v4, vm0, $0xb8;
	[tilespmem:$0x10800] =	vst v63  }
0x132: {  	s28 =	simm.s32 $0x1000  }
0x133: {  	[tilespmem:s28], [sflag:$0x1] =	stream.indirect_vreg.gather [hbm4b:s5+s2], $0x80, v4, vm0, $0xb8;
	[tilespmem:$0x10800] =	vst v63  }
0x134: {  	s16 =	simm.s32 $0x1800  }
0x135: {  	[tilespmem:s16], [sflag:$0x1] =	stream.indirect_vreg.gather [hbm4b:s4+s2], $0x80, v3, vm0, $0xb8;
	[tilespmem:$0x10800] =	vst v63  }
0x136: {  	s16 =	simm.s32 $0x2000  }
0x137: {  	[tilespmem:s16], [sflag:$0x1] =	stream.indirect_vreg.gather [hbm4b:s5+s2], $0x80, v3, vm0, $0xb8;
	[tilespmem:$0x10800] =	vst v63  }
0x138: {  	v3 =	vld [tilespmem:$0x210];
	_ =	sdelay $0x4  }
0x139: {  	v17 =	vshll.u32 v3, $0x2  }
0x13a: {  	v3 =	vand.u32 $0x7, v3;
	v4 =	vand.u32 $0xFFFFFFE0, v17  }
0x13b: {  	v3 =	vor.u32 v3, v4  }
0x13c: {  	v4 =	vperm.xlane v3, v0;
	_ =	sdelay $0x1  }
0x13d: {  	v4 =	vadd.s32 v1, v4;
	_ =	sdelay $0x1  }
0x13e: {  	v3 =	vperm.xlane v3, v2;
	_ =	sdelay $0x1  }
0x13f: {  	s16 =	simm.s32 $0x2800;
	v3 =	vadd.s32 v1, v3  }
0x140: {  	[tilespmem:s16], [sflag:$0x1] =	stream.indirect_vreg.gather [hbm4b:s4+s2], $0x80, v4, vm0, $0xb8;
	[tilespmem:$0x10800] =	vst v63  }
0x141: {  	s16 =	simm.s32 $0x3000  }
0x142: {  	[tilespmem:s16], [sflag:$0x1] =	stream.indirect_vreg.gather [hbm4b:s5+s2], $0x80, v4, vm0, $0xb8;
	[tilespmem:$0x10800] =	vst v63  }
0x143: {  	s16 =	simm.s32 $0x3800  }
0x144: {  	[tilespmem:s16], [sflag:$0x1] =	stream.indirect_vreg.gather [hbm4b:s4+s2], $0x80, v3, vm0, $0xb8;
	[tilespmem:$0x10800] =	vst v63  }
0x145: {  	s16 =	simm.s32 $0x4000  }
0x146: {  	[tilespmem:s16], [sflag:$0x1] =	stream.indirect_vreg.gather [hbm4b:s5+s2], $0x80, v3, vm0, $0xb8;
	[tilespmem:$0x10800] =	vst v63  }
0x147: {  	v3 =	vld [tilespmem:$0x220];
	_ =	sdelay $0x4  }
0x148: {  	v18 =	vshll.u32 v3, $0x2  }
0x149: {  	v3 =	vand.u32 $0x7, v3;
	v4 =	vand.u32 $0xFFFFFFE0, v18  }
0x14a: {  	v3 =	vor.u32 v3, v4  }
0x14b: {  	v4 =	vperm.xlane v3, v0;
	_ =	sdelay $0x1  }
0x14c: {  	v4 =	vadd.s32 v1, v4;
	_ =	sdelay $0x1  }
0x14d: {  	v3 =	vperm.xlane v3, v2;
	_ =	sdelay $0x1  }
0x14e: {  	s16 =	simm.s32 $0x4800;
	v3 =	vadd.s32 v1, v3  }
0x14f: {  	[tilespmem:s16], [sflag:$0x1] =	stream.indirect_vreg.gather [hbm4b:s4+s2], $0x80, v4, vm0, $0xb8;
	[tilespmem:$0x10800] =	vst v63  }
0x150: {  	s16 =	simm.s32 $0x5000  }
0x151: {  	[tilespmem:s16], [sflag:$0x1] =	stream.indirect_vreg.gather [hbm4b:s5+s2], $0x80, v4, vm0, $0xb8;
	[tilespmem:$0x10800] =	vst v63  }
0x152: {  	_ = 	snop  }
0x153: {  	[tilespmem:s29], [sflag:$0x1] =	stream.indirect_vreg.gather [hbm4b:s4+s2], $0x80, v3, vm0, $0xb8;
	[tilespmem:$0x10800] =	vst v63  }
0x154: {  	_ = 	snop  }
0x155: {  	[tilespmem:s30], [sflag:$0x1] =	stream.indirect_vreg.gather [hbm4b:s5+s2], $0x80, v3, vm0, $0xb8;
	[tilespmem:$0x10800] =	vst v63  }
0x156: {  	v3 =	vld [tilespmem:$0x230];
	_ =	sdelay $0x4  }
0x157: {  	v19 =	vshll.u32 v3, $0x2  }
0x158: {  	v3 =	vand.u32 $0x7, v3;
	v4 =	vand.u32 $0xFFFFFFE0, v19  }
0x159: {  	v3 =	vor.u32 v3, v4  }
0x15a: {  	v4 =	vperm.xlane v3, v0;
	_ =	sdelay $0x1  }
0x15b: {  	v4 =	vadd.s32 v1, v4;
	_ =	sdelay $0x1  }
0x15c: {  	v3 =	vperm.xlane v3, v2;
	_ =	sdelay $0x1  }
0x15d: {  	v3 =	vadd.s32 v1, v3  }
0x15e: {  	[tilespmem:s31], [sflag:$0x1] =	stream.indirect_vreg.gather [hbm4b:s4+s2], $0x80, v4, vm0, $0xb8;
	[tilespmem:$0x10800] =	vst v63  }
0x15f: {  	s23 =	simm.s32 $0x7000  }
0x160: {  	[tilespmem:s23], [sflag:$0x1] =	stream.indirect_vreg.gather [hbm4b:s5+s2], $0x80, v4, vm0, $0xb8;
	[tilespmem:$0x10800] =	vst v63  }
0x161: {  	s26 =	simm.s32 $0x7800  }
0x162: {  	[tilespmem:s26], [sflag:$0x1] =	stream.indirect_vreg.gather [hbm4b:s4+s2], $0x80, v3, vm0, $0xb8;
	[tilespmem:$0x10800] =	vst v63  }
0x163: {  	s22 =	simm.s32 $0x8000  }
0x164: {  	[tilespmem:s22], [sflag:$0x1] =	stream.indirect_vreg.gather [hbm4b:s5+s2], $0x80, v3, vm0, $0xb8;
	[tilespmem:$0x10800] =	vst v63  }
0x165: {  	s29 =	rddreg [dreg:$0x6]  }
0x166: {  	[hbm4b:s29+s2] =	stream.linear.scatter [tilespmem:s25], [sflag:$0x2], $0x8000, $0x38;
	[tilespmem:$0x10800] =	vst v63  }
0x167: {  	_ =	swait.ge [sflag:s24], $0x8000  }
0x168: {  	[sflag:s24] =	ssyncset.done $0x0  }
0x169: {  	[sflag:s24] =	ssyncadd.s32 $0xFFFF8000  }
0x16a: {  	_ =	swait.ge [sflag:s15], $0x8000  }
0x16b: {  	[sflag:s15] =	ssyncset.done $0x0  }
0x16c: {  	[sflag:s15] =	ssyncadd.s32 $0xFFFF8000  }
0x16d: {  	v3 =	vld [tilespmem:$0x280];
	_ =	sdelay $0x4  }
0x16e: {  	v20 =	vshll.u32 v3, $0x2  }
0x16f: {  	v3 =	vand.u32 $0x7, v3;
	v4 =	vand.u32 $0xFFFFFFE0, v20  }
0x170: {  	v3 =	vor.u32 v3, v4  }
0x171: {  	v4 =	vperm.xlane v3, v0;
	_ =	sdelay $0x1  }
0x172: {  	v4 =	vadd.s32 v1, v4;
	_ =	sdelay $0x1  }
0x173: {  	v3 =	vperm.xlane v3, v2;
	_ =	sdelay $0x1  }
0x174: {  	v3 =	vadd.s32 v1, v3  }
0x175: {  	[tilespmem:s25], [sflag:$0x1] =	stream.indirect_vreg.gather [hbm4b:s4+s2], $0x80, v4, vm0, $0xb8;
	[tilespmem:$0x10800] =	vst v63  }
0x176: {  	_ = 	snop  }
0x177: {  	[tilespmem:s6], [sflag:$0x1] =	stream.indirect_vreg.gather [hbm4b:s5+s2], $0x80, v4, vm0, $0xb8;
	[tilespmem:$0x10800] =	vst v63  }
0x178: {  	s17 =	simm.s32 $0x9800  }
0x179: {  	[tilespmem:s17], [sflag:$0x1] =	stream.indirect_vreg.gather [hbm4b:s4+s2], $0x80, v3, vm0, $0xb8;
	[tilespmem:$0x10800] =	vst v63  }
0x17a: {  	_ = 	snop  }
0x17b: {  	[tilespmem:s7], [sflag:$0x1] =	stream.indirect_vreg.gather [hbm4b:s5+s2], $0x80, v3, vm0, $0xb8;
	[tilespmem:$0x10800] =	vst v63  }
0x17c: {  	v3 =	vld [tilespmem:$0x290];
	_ =	sdelay $0x4  }
0x17d: {  	v21 =	vshll.u32 v3, $0x2  }
0x17e: {  	v3 =	vand.u32 $0x7, v3;
	v4 =	vand.u32 $0xFFFFFFE0, v21  }
0x17f: {  	v3 =	vor.u32 v3, v4  }
0x180: {  	v4 =	vperm.xlane v3, v0;
	_ =	sdelay $0x1  }
0x181: {  	v4 =	vadd.s32 v1, v4;
	_ =	sdelay $0x1  }
0x182: {  	v3 =	vperm.xlane v3, v2;
	_ =	sdelay $0x1  }
0x183: {  	s18 =	simm.s32 $0xA800;
	v3 =	vadd.s32 v1, v3  }
0x184: {  	[tilespmem:s18], [sflag:$0x1] =	stream.indirect_vreg.gather [hbm4b:s4+s2], $0x80, v4, vm0, $0xb8;
	[tilespmem:$0x10800] =	vst v63  }
0x185: {  	s19 =	simm.s32 $0xB000  }
0x186: {  	[tilespmem:s19], [sflag:$0x1] =	stream.indirect_vreg.gather [hbm4b:s5+s2], $0x80, v4, vm0, $0xb8;
	[tilespmem:$0x10800] =	vst v63  }
0x187: {  	s20 =	simm.s32 $0xB800  }
0x188: {  	[tilespmem:s20], [sflag:$0x1] =	stream.indirect_vreg.gather [hbm4b:s4+s2], $0x80, v3, vm0, $0xb8;
	[tilespmem:$0x10800] =	vst v63  }
0x189: {  	_ = 	snop  }
0x18a: {  	[tilespmem:s1], [sflag:$0x1] =	stream.indirect_vreg.gather [hbm4b:s5+s2], $0x80, v3, vm0, $0xb8;
	[tilespmem:$0x10800] =	vst v63  }
0x18b: {  	v3 =	vld [tilespmem:$0x2A0];
	_ =	sdelay $0x4  }
0x18c: {  	v22 =	vshll.u32 v3, $0x2  }
0x18d: {  	v3 =	vand.u32 $0x7, v3;
	v4 =	vand.u32 $0xFFFFFFE0, v22  }
0x18e: {  	v3 =	vor.u32 v3, v4  }
0x18f: {  	v4 =	vperm.xlane v3, v0;
	_ =	sdelay $0x1  }
0x190: {  	v4 =	vadd.s32 v1, v4;
	_ =	sdelay $0x1  }
0x191: {  	v3 =	vperm.xlane v3, v2;
	_ =	sdelay $0x1  }
0x192: {  	v3 =	vadd.s32 v1, v3  }
0x193: {  	[tilespmem:s9], [sflag:$0x1] =	stream.indirect_vreg.gather [hbm4b:s4+s2], $0x80, v4, vm0, $0xb8;
	[tilespmem:$0x10800] =	vst v63  }
0x194: {  	_ = 	snop  }
0x195: {  	[tilespmem:s10], [sflag:$0x1] =	stream.indirect_vreg.gather [hbm4b:s5+s2], $0x80, v4, vm0, $0xb8;
	[tilespmem:$0x10800] =	vst v63  }
0x196: {  	_ = 	snop  }
0x197: {  	[tilespmem:s11], [sflag:$0x1] =	stream.indirect_vreg.gather [hbm4b:s4+s2], $0x80, v3, vm0, $0xb8;
	[tilespmem:$0x10800] =	vst v63  }
0x198: {  	s21 =	simm.s32 $0xE000  }
0x199: {  	[tilespmem:s21], [sflag:$0x1] =	stream.indirect_vreg.gather [hbm4b:s5+s2], $0x80, v3, vm0, $0xb8;
	[tilespmem:$0x10800] =	vst v63  }
0x19a: {  	v3 =	vld [tilespmem:$0x2B0];
	_ =	sdelay $0x4  }
0x19b: {  	v23 =	vshll.u32 v3, $0x2  }
0x19c: {  	v3 =	vand.u32 $0x7, v3;
	v4 =	vand.u32 $0xFFFFFFE0, v23  }
0x19d: {  	v3 =	vor.u32 v3, v4  }
0x19e: {  	v4 =	vperm.xlane v3, v0;
	_ =	sdelay $0x1  }
0x19f: {  	v4 =	vadd.s32 v1, v4;
	_ =	sdelay $0x1  }
0x1a0: {  	v3 =	vperm.xlane v3, v2;
	_ =	sdelay $0x1  }
0x1a1: {  	v3 =	vadd.s32 v1, v3  }
0x1a2: {  	[tilespmem:s12], [sflag:$0x1] =	stream.indirect_vreg.gather [hbm4b:s4+s2], $0x80, v4, vm0, $0xb8;
	[tilespmem:$0x10800] =	vst v63  }
0x1a3: {  	_ = 	snop  }
0x1a4: {  	[tilespmem:s13], [sflag:$0x1] =	stream.indirect_vreg.gather [hbm4b:s5+s2], $0x80, v4, vm0, $0xb8;
	[tilespmem:$0x10800] =	vst v63  }
0x1a5: {  	s3 =	simm.s32 $0xF800  }
0x1a6: {  	[tilespmem:s3], [sflag:$0x1] =	stream.indirect_vreg.gather [hbm4b:s4+s2], $0x80, v3, vm0, $0xb8;
	[tilespmem:$0x10800] =	vst v63  }
0x1a7: {  	s0 =	simm.s32 $0x10000  }
0x1a8: {  	[tilespmem:s0], [sflag:$0x1] =	stream.indirect_vreg.gather [hbm4b:s5+s2], $0x80, v3, vm0, $0xb8;
	[tilespmem:$0x10800] =	vst v63  }
0x1a9: {  	s17 =	rddreg [dreg:$0x7]  }
0x1aa: {  	[hbm4b:s17+s2] =	stream.linear.scatter [tilespmem:s8], [sflag:$0x2], $0x8000, $0x38;
	[tilespmem:$0x10800] =	vst v63  }
0x1ab: {  	s0 =	rddreg [dreg:$0x14];
	_ =	swait.ge [sflag:s24], $0x8000  }
0x1ac: {  	[sflag:s24] =	ssyncset.done $0x0  }
0x1ad: {  	[sflag:s24] =	ssyncadd.s32 $0xFFFF8000  }
0x1ae: {  	_ =	swait.ge [sflag:s15], $0x8000  }
0x1af: {  	[sflag:s15] =	ssyncset.done $0x0  }
0x1b0: {  	[sflag:s15] =	ssyncadd.s32 $0xFFFF8000  }
0x1b1: {  	v3 =	vld [tilespmem:$0x300];
	_ =	sdelay $0x4  }
0x1b2: {  	v24 =	vshll.u32 v3, $0x2  }
0x1b3: {  	v3 =	vand.u32 $0x7, v3;
	v4 =	vand.u32 $0xFFFFFFE0, v24  }
0x1b4: {  	v3 =	vor.u32 v3, v4  }
0x1b5: {  	v4 =	vperm.xlane v3, v0;
	_ =	sdelay $0x1  }
0x1b6: {  	v4 =	vadd.s32 v1, v4;
	_ =	sdelay $0x1  }
0x1b7: {  	v3 =	vperm.xlane v3, v2;
	_ =	sdelay $0x1  }
0x1b8: {  	v3 =	vadd.s32 v1, v3  }
0x1b9: {  	[tilespmem:s8], [sflag:$0x1] =	stream.indirect_vreg.gather [hbm4b:s4+s2], $0x80, v4, vm0, $0xb8;
	[tilespmem:$0x10800] =	vst v63  }
0x1ba: {  	s28 =	simm.s32 $0x1000  }
0x1bb: {  	[tilespmem:s28], [sflag:$0x1] =	stream.indirect_vreg.gather [hbm4b:s5+s2], $0x80, v4, vm0, $0xb8;
	[tilespmem:$0x10800] =	vst v63  }
0x1bc: {  	s28 =	simm.s32 $0x1800  }
0x1bd: {  	[tilespmem:s28], [sflag:$0x1] =	stream.indirect_vreg.gather [hbm4b:s4+s2], $0x80, v3, vm0, $0xb8;
	[tilespmem:$0x10800] =	vst v63  }
0x1be: {  	s28 =	simm.s32 $0x2000  }
0x1bf: {  	[tilespmem:s28], [sflag:$0x1] =	stream.indirect_vreg.gather [hbm4b:s5+s2], $0x80, v3, vm0, $0xb8;
	[tilespmem:$0x10800] =	vst v63  }
0x1c0: {  	v3 =	vld [tilespmem:$0x310];
	_ =	sdelay $0x4  }
0x1c1: {  	v25 =	vshll.u32 v3, $0x2  }
0x1c2: {  	v3 =	vand.u32 $0x7, v3;
	v4 =	vand.u32 $0xFFFFFFE0, v25  }
0x1c3: {  	v3 =	vor.u32 v3, v4  }
0x1c4: {  	v4 =	vperm.xlane v3, v0;
	_ =	sdelay $0x1  }
0x1c5: {  	v4 =	vadd.s32 v1, v4;
	_ =	sdelay $0x1  }
0x1c6: {  	v3 =	vperm.xlane v3, v2;
	_ =	sdelay $0x1  }
0x1c7: {  	s28 =	simm.s32 $0x2800;
	v3 =	vadd.s32 v1, v3  }
0x1c8: {  	[tilespmem:s28], [sflag:$0x1] =	stream.indirect_vreg.gather [hbm4b:s4+s2], $0x80, v4, vm0, $0xb8;
	[tilespmem:$0x10800] =	vst v63  }
0x1c9: {  	s28 =	simm.s32 $0x3000  }
0x1ca: {  	[tilespmem:s28], [sflag:$0x1] =	stream.indirect_vreg.gather [hbm4b:s5+s2], $0x80, v4, vm0, $0xb8;
	[tilespmem:$0x10800] =	vst v63  }
0x1cb: {  	s28 =	simm.s32 $0x3800  }
0x1cc: {  	[tilespmem:s28], [sflag:$0x1] =	stream.indirect_vreg.gather [hbm4b:s4+s2], $0x80, v3, vm0, $0xb8;
	[tilespmem:$0x10800] =	vst v63  }
0x1cd: {  	s28 =	simm.s32 $0x4000  }
0x1ce: {  	[tilespmem:s28], [sflag:$0x1] =	stream.indirect_vreg.gather [hbm4b:s5+s2], $0x80, v3, vm0, $0xb8;
	[tilespmem:$0x10800] =	vst v63  }
0x1cf: {  	v3 =	vld [tilespmem:$0x320];
	_ =	sdelay $0x4  }
0x1d0: {  	v26 =	vshll.u32 v3, $0x2  }
0x1d1: {  	v3 =	vand.u32 $0x7, v3;
	v4 =	vand.u32 $0xFFFFFFE0, v26  }
0x1d2: {  	v3 =	vor.u32 v3, v4  }
0x1d3: {  	v4 =	vperm.xlane v3, v0;
	_ =	sdelay $0x1  }
0x1d4: {  	v4 =	vadd.s32 v1, v4;
	_ =	sdelay $0x1  }
0x1d5: {  	v3 =	vperm.xlane v3, v2;
	_ =	sdelay $0x1  }
0x1d6: {  	s28 =	simm.s32 $0x4800;
	v3 =	vadd.s32 v1, v3  }
0x1d7: {  	[tilespmem:s28], [sflag:$0x1] =	stream.indirect_vreg.gather [hbm4b:s4+s2], $0x80, v4, vm0, $0xb8;
	[tilespmem:$0x10800] =	vst v63  }
0x1d8: {  	s28 =	simm.s32 $0x5000  }
0x1d9: {  	[tilespmem:s28], [sflag:$0x1] =	stream.indirect_vreg.gather [hbm4b:s5+s2], $0x80, v4, vm0, $0xb8;
	[tilespmem:$0x10800] =	vst v63  }
0x1da: {  	s28 =	simm.s32 $0x5800  }
0x1db: {  	[tilespmem:s28], [sflag:$0x1] =	stream.indirect_vreg.gather [hbm4b:s4+s2], $0x80, v3, vm0, $0xb8;
	[tilespmem:$0x10800] =	vst v63  }
0x1dc: {  	s30 =	simm.s32 $0x6000  }
0x1dd: {  	[tilespmem:s30], [sflag:$0x1] =	stream.indirect_vreg.gather [hbm4b:s5+s2], $0x80, v3, vm0, $0xb8;
	[tilespmem:$0x10800] =	vst v63  }
0x1de: {  	v3 =	vld [tilespmem:$0x330];
	_ =	sdelay $0x4  }
0x1df: {  	v27 =	vshll.u32 v3, $0x2  }
0x1e0: {  	v3 =	vand.u32 $0x7, v3;
	v4 =	vand.u32 $0xFFFFFFE0, v27  }
0x1e1: {  	v3 =	vor.u32 v3, v4  }
0x1e2: {  	v4 =	vperm.xlane v3, v0;
	_ =	sdelay $0x1  }
0x1e3: {  	v4 =	vadd.s32 v1, v4;
	_ =	sdelay $0x1  }
0x1e4: {  	v3 =	vperm.xlane v3, v2;
	_ =	sdelay $0x1  }
0x1e5: {  	s31 =	simm.s32 $0x6800;
	v3 =	vadd.s32 v1, v3  }
0x1e6: {  	[tilespmem:s31], [sflag:$0x1] =	stream.indirect_vreg.gather [hbm4b:s4+s2], $0x80, v4, vm0, $0xb8;
	[tilespmem:$0x10800] =	vst v63  }
0x1e7: {  	s14 =	simm.s32 $0x7000  }
0x1e8: {  	[tilespmem:s14], [sflag:$0x1] =	stream.indirect_vreg.gather [hbm4b:s5+s2], $0x80, v4, vm0, $0xb8;
	[tilespmem:$0x10800] =	vst v63  }
0x1e9: {  	s26 =	simm.s32 $0x7800  }
0x1ea: {  	[tilespmem:s26], [sflag:$0x1] =	stream.indirect_vreg.gather [hbm4b:s4+s2], $0x80, v3, vm0, $0xb8;
	[tilespmem:$0x10800] =	vst v63  }
0x1eb: {  	s22 =	simm.s32 $0x8000  }
0x1ec: {  	[tilespmem:s22], [sflag:$0x1] =	stream.indirect_vreg.gather [hbm4b:s5+s2], $0x80, v3, vm0, $0xb8;
	[tilespmem:$0x10800] =	vst v63  }
0x1ed: {  	s26 =	rddreg [dreg:$0x8]  }
0x1ee: {  	[hbm4b:s26+s2] =	stream.linear.scatter [tilespmem:s25], [sflag:$0x2], $0x8000, $0x38;
	[tilespmem:$0x10800] =	vst v63  }
0x1ef: {  	_ =	swait.ge [sflag:s24], $0x8000  }
0x1f0: {  	[sflag:s24] =	ssyncset.done $0x0  }
0x1f1: {  	[sflag:s24] =	ssyncadd.s32 $0xFFFF8000  }
0x1f2: {  	_ =	swait.ge [sflag:s15], $0x8000  }
0x1f3: {  	[sflag:s15] =	ssyncset.done $0x0  }
0x1f4: {  	[sflag:s15] =	ssyncadd.s32 $0xFFFF8000  }
0x1f5: {  	v3 =	vld [tilespmem:$0x380];
	_ =	sdelay $0x4  }
0x1f6: {  	v28 =	vshll.u32 v3, $0x2  }
0x1f7: {  	v3 =	vand.u32 $0x7, v3;
	v4 =	vand.u32 $0xFFFFFFE0, v28  }
0x1f8: {  	v3 =	vor.u32 v3, v4  }
0x1f9: {  	v4 =	vperm.xlane v3, v0;
	_ =	sdelay $0x1  }
0x1fa: {  	v4 =	vadd.s32 v1, v4;
	_ =	sdelay $0x1  }
0x1fb: {  	v3 =	vperm.xlane v3, v2;
	_ =	sdelay $0x1  }
0x1fc: {  	v3 =	vadd.s32 v1, v3  }
0x1fd: {  	[tilespmem:s25], [sflag:$0x1] =	stream.indirect_vreg.gather [hbm4b:s4+s2], $0x80, v4, vm0, $0xb8;
	[tilespmem:$0x10800] =	vst v63  }
0x1fe: {  	s23 =	simm.s32 $0x9000  }
0x1ff: {  	[tilespmem:s23], [sflag:$0x1] =	stream.indirect_vreg.gather [hbm4b:s5+s2], $0x80, v4, vm0, $0xb8;
	[tilespmem:$0x10800] =	vst v63  }
0x200: {  	s29 =	simm.s32 $0x9800  }
0x201: {  	[tilespmem:s29], [sflag:$0x1] =	stream.indirect_vreg.gather [hbm4b:s4+s2], $0x80, v3, vm0, $0xb8;
	[tilespmem:$0x10800] =	vst v63  }
0x202: {  	s6 =	simm.s32 $0xA000  }
0x203: {  	[tilespmem:s6], [sflag:$0x1] =	stream.indirect_vreg.gather [hbm4b:s5+s2], $0x80, v3, vm0, $0xb8;
	[tilespmem:$0x10800] =	vst v63  }
0x204: {  	v3 =	vld [tilespmem:$0x390];
	_ =	sdelay $0x4  }
0x205: {  	v29 =	vshll.u32 v3, $0x2  }
0x206: {  	v3 =	vand.u32 $0x7, v3;
	v4 =	vand.u32 $0xFFFFFFE0, v29  }
0x207: {  	v3 =	vor.u32 v3, v4  }
0x208: {  	v4 =	vperm.xlane v3, v0;
	_ =	sdelay $0x1  }
0x209: {  	v4 =	vadd.s32 v1, v4;
	_ =	sdelay $0x1  }
0x20a: {  	v3 =	vperm.xlane v3, v2;
	_ =	sdelay $0x1  }
0x20b: {  	s18 =	simm.s32 $0xA800;
	v3 =	vadd.s32 v1, v3  }
0x20c: {  	[tilespmem:s18], [sflag:$0x1] =	stream.indirect_vreg.gather [hbm4b:s4+s2], $0x80, v4, vm0, $0xb8;
	[tilespmem:$0x10800] =	vst v63  }
0x20d: {  	s19 =	simm.s32 $0xB000  }
0x20e: {  	[tilespmem:s19], [sflag:$0x1] =	stream.indirect_vreg.gather [hbm4b:s5+s2], $0x80, v4, vm0, $0xb8;
	[tilespmem:$0x10800] =	vst v63  }
0x20f: {  	s20 =	simm.s32 $0xB800  }
0x210: {  	[tilespmem:s20], [sflag:$0x1] =	stream.indirect_vreg.gather [hbm4b:s4+s2], $0x80, v3, vm0, $0xb8;
	[tilespmem:$0x10800] =	vst v63  }
0x211: {  	s7 =	simm.s32 $0xC000  }
0x212: {  	[tilespmem:s7], [sflag:$0x1] =	stream.indirect_vreg.gather [hbm4b:s5+s2], $0x80, v3, vm0, $0xb8;
	[tilespmem:$0x10800] =	vst v63  }
0x213: {  	v3 =	vld [tilespmem:$0x3A0];
	_ =	sdelay $0x4  }
0x214: {  	v30 =	vshll.u32 v3, $0x2  }
0x215: {  	v3 =	vand.u32 $0x7, v3;
	v4 =	vand.u32 $0xFFFFFFE0, v30  }
0x216: {  	v3 =	vor.u32 v3, v4  }
0x217: {  	v4 =	vperm.xlane v3, v0;
	_ =	sdelay $0x1  }
0x218: {  	v4 =	vadd.s32 v1, v4;
	_ =	sdelay $0x1  }
0x219: {  	v3 =	vperm.xlane v3, v2;
	_ =	sdelay $0x1  }
0x21a: {  	s1 =	simm.s32 $0xC800;
	v3 =	vadd.s32 v1, v3  }
0x21b: {  	[tilespmem:s1], [sflag:$0x1] =	stream.indirect_vreg.gather [hbm4b:s4+s2], $0x80, v4, vm0, $0xb8;
	[tilespmem:$0x10800] =	vst v63  }
0x21c: {  	s9 =	simm.s32 $0xD000  }
0x21d: {  	[tilespmem:s9], [sflag:$0x1] =	stream.indirect_vreg.gather [hbm4b:s5+s2], $0x80, v4, vm0, $0xb8;
	[tilespmem:$0x10800] =	vst v63  }
0x21e: {  	s10 =	simm.s32 $0xD800  }
0x21f: {  	[tilespmem:s10], [sflag:$0x1] =	stream.indirect_vreg.gather [hbm4b:s4+s2], $0x80, v3, vm0, $0xb8;
	[tilespmem:$0x10800] =	vst v63  }
0x220: {  	s21 =	simm.s32 $0xE000  }
0x221: {  	[tilespmem:s21], [sflag:$0x1] =	stream.indirect_vreg.gather [hbm4b:s5+s2], $0x80, v3, vm0, $0xb8;
	[tilespmem:$0x10800] =	vst v63  }
0x222: {  	v3 =	vld [tilespmem:$0x3B0];
	_ =	sdelay $0x4  }
0x223: {  	v31 =	vshll.u32 v3, $0x2  }
0x224: {  	v3 =	vand.u32 $0x7, v3;
	v4 =	vand.u32 $0xFFFFFFE0, v31  }
0x225: {  	v3 =	vor.u32 v3, v4  }
0x226: {  	v4 =	vperm.xlane v3, v0;
	_ =	sdelay $0x1  }
0x227: {  	v4 =	vadd.s32 v1, v4;
	_ =	sdelay $0x1  }
0x228: {  	v3 =	vperm.xlane v3, v2;
	_ =	sdelay $0x1  }
0x229: {  	s11 =	simm.s32 $0xE800;
	v3 =	vadd.s32 v1, v3  }
0x22a: {  	[tilespmem:s11], [sflag:$0x1] =	stream.indirect_vreg.gather [hbm4b:s4+s2], $0x80, v4, vm0, $0xb8;
	[tilespmem:$0x10800] =	vst v63  }
0x22b: {  	s12 =	simm.s32 $0xF000  }
0x22c: {  	[tilespmem:s12], [sflag:$0x1] =	stream.indirect_vreg.gather [hbm4b:s5+s2], $0x80, v4, vm0, $0xb8;
	[tilespmem:$0x10800] =	vst v63  }
0x22d: {  	s3 =	simm.s32 $0xF800  }
0x22e: {  	[tilespmem:s3], [sflag:$0x1] =	stream.indirect_vreg.gather [hbm4b:s4+s2], $0x80, v3, vm0, $0xb8;
	[tilespmem:$0x10800] =	vst v63  }
0x22f: {  	s13 =	simm.s32 $0x10000  }
0x230: {  	[tilespmem:s13], [sflag:$0x1] =	stream.indirect_vreg.gather [hbm4b:s5+s2], $0x80, v3, vm0, $0xb8;
	[tilespmem:$0x10800] =	vst v63  }
0x231: {  	s29 =	rddreg [dreg:$0x9]  }
0x232: {  	[hbm4b:s29+s2] =	stream.linear.scatter [tilespmem:s8], [sflag:$0x2], $0x8000, $0x38;
	[tilespmem:$0x10800] =	vst v63  }
0x233: {  	_ =	swait.ge [sflag:s24], $0x8000  }
0x234: {  	[sflag:s24] =	ssyncset.done $0x0  }
0x235: {  	[sflag:s24] =	ssyncadd.s32 $0xFFFF8000  }
0x236: {  	_ =	swait.ge [sflag:s15], $0x8000  }
0x237: {  	[sflag:s15] =	ssyncset.done $0x0  }
0x238: {  	[sflag:s15] =	ssyncadd.s32 $0xFFFF8000  }
0x239: {  	v3 =	vld [tilespmem:$0x400];
	_ =	sdelay $0x4  }
0x23a: {  	v32 =	vshll.u32 v3, $0x2  }
0x23b: {  	v3 =	vand.u32 $0x7, v3;
	v4 =	vand.u32 $0xFFFFFFE0, v32  }
0x23c: {  	v3 =	vor.u32 v3, v4  }
0x23d: {  	v4 =	vperm.xlane v3, v0;
	_ =	sdelay $0x1  }
0x23e: {  	v4 =	vadd.s32 v1, v4;
	_ =	sdelay $0x1  }
0x23f: {  	v3 =	vperm.xlane v3, v2;
	_ =	sdelay $0x1  }
0x240: {  	v3 =	vadd.s32 v1, v3  }
0x241: {  	[tilespmem:s8], [sflag:$0x1] =	stream.indirect_vreg.gather [hbm4b:s4+s2], $0x80, v4, vm0, $0xb8;
	[tilespmem:$0x10800] =	vst v63  }
0x242: {  	s17 =	simm.s32 $0x1000  }
0x243: {  	[tilespmem:s17], [sflag:$0x1] =	stream.indirect_vreg.gather [hbm4b:s5+s2], $0x80, v4, vm0, $0xb8;
	[tilespmem:$0x10800] =	vst v63  }
0x244: {  	s29 =	simm.s32 $0x1800  }
0x245: {  	[tilespmem:s29], [sflag:$0x1] =	stream.indirect_vreg.gather [hbm4b:s4+s2], $0x80, v3, vm0, $0xb8;
	[tilespmem:$0x10800] =	vst v63  }
0x246: {  	s17 =	simm.s32 $0x2000  }
0x247: {  	[tilespmem:s17], [sflag:$0x1] =	stream.indirect_vreg.gather [hbm4b:s5+s2], $0x80, v3, vm0, $0xb8;
	[tilespmem:$0x10800] =	vst v63  }
0x248: {  	v3 =	vld [tilespmem:$0x410];
	_ =	sdelay $0x4  }
0x249: {  	v33 =	vshll.u32 v3, $0x2  }
0x24a: {  	v3 =	vand.u32 $0x7, v3;
	v4 =	vand.u32 $0xFFFFFFE0, v33  }
0x24b: {  	v3 =	vor.u32 v3, v4  }
0x24c: {  	v4 =	vperm.xlane v3, v0;
	_ =	sdelay $0x1  }
0x24d: {  	v4 =	vadd.s32 v1, v4;
	_ =	sdelay $0x1  }
0x24e: {  	v3 =	vperm.xlane v3, v2;
	_ =	sdelay $0x1  }
0x24f: {  	s29 =	simm.s32 $0x2800;
	v3 =	vadd.s32 v1, v3  }
0x250: {  	[tilespmem:s29], [sflag:$0x1] =	stream.indirect_vreg.gather [hbm4b:s4+s2], $0x80, v4, vm0, $0xb8;
	[tilespmem:$0x10800] =	vst v63  }
0x251: {  	s17 =	simm.s32 $0x3000  }
0x252: {  	[tilespmem:s17], [sflag:$0x1] =	stream.indirect_vreg.gather [hbm4b:s5+s2], $0x80, v4, vm0, $0xb8;
	[tilespmem:$0x10800] =	vst v63  }
0x253: {  	s29 =	simm.s32 $0x3800  }
0x254: {  	[tilespmem:s29], [sflag:$0x1] =	stream.indirect_vreg.gather [hbm4b:s4+s2], $0x80, v3, vm0, $0xb8;
	[tilespmem:$0x10800] =	vst v63  }
0x255: {  	s17 =	simm.s32 $0x4000  }
0x256: {  	[tilespmem:s17], [sflag:$0x1] =	stream.indirect_vreg.gather [hbm4b:s5+s2], $0x80, v3, vm0, $0xb8;
	[tilespmem:$0x10800] =	vst v63  }
0x257: {  	v3 =	vld [tilespmem:$0x420];
	_ =	sdelay $0x4  }
0x258: {  	v34 =	vshll.u32 v3, $0x2  }
0x259: {  	v3 =	vand.u32 $0x7, v3;
	v4 =	vand.u32 $0xFFFFFFE0, v34  }
0x25a: {  	v3 =	vor.u32 v3, v4  }
0x25b: {  	v4 =	vperm.xlane v3, v0;
	_ =	sdelay $0x1  }
0x25c: {  	v4 =	vadd.s32 v1, v4;
	_ =	sdelay $0x1  }
0x25d: {  	v3 =	vperm.xlane v3, v2;
	_ =	sdelay $0x1  }
0x25e: {  	s29 =	simm.s32 $0x4800;
	v3 =	vadd.s32 v1, v3  }
0x25f: {  	[tilespmem:s29], [sflag:$0x1] =	stream.indirect_vreg.gather [hbm4b:s4+s2], $0x80, v4, vm0, $0xb8;
	[tilespmem:$0x10800] =	vst v63  }
0x260: {  	s17 =	simm.s32 $0x5000  }
0x261: {  	[tilespmem:s17], [sflag:$0x1] =	stream.indirect_vreg.gather [hbm4b:s5+s2], $0x80, v4, vm0, $0xb8;
	[tilespmem:$0x10800] =	vst v63  }
0x262: {  	s28 =	simm.s32 $0x5800  }
0x263: {  	[tilespmem:s28], [sflag:$0x1] =	stream.indirect_vreg.gather [hbm4b:s4+s2], $0x80, v3, vm0, $0xb8;
	[tilespmem:$0x10800] =	vst v63  }
0x264: {  	s30 =	simm.s32 $0x6000  }
0x265: {  	[tilespmem:s30], [sflag:$0x1] =	stream.indirect_vreg.gather [hbm4b:s5+s2], $0x80, v3, vm0, $0xb8;
	[tilespmem:$0x10800] =	vst v63  }
0x266: {  	v3 =	vld [tilespmem:$0x430];
	_ =	sdelay $0x4  }
0x267: {  	v35 =	vshll.u32 v3, $0x2  }
0x268: {  	v3 =	vand.u32 $0x7, v3;
	v4 =	vand.u32 $0xFFFFFFE0, v35  }
0x269: {  	v3 =	vor.u32 v3, v4  }
0x26a: {  	v4 =	vperm.xlane v3, v0;
	_ =	sdelay $0x1  }
0x26b: {  	v4 =	vadd.s32 v1, v4;
	_ =	sdelay $0x1  }
0x26c: {  	v3 =	vperm.xlane v3, v2;
	_ =	sdelay $0x1  }
0x26d: {  	s29 =	simm.s32 $0x6800;
	v3 =	vadd.s32 v1, v3  }
0x26e: {  	[tilespmem:s29], [sflag:$0x1] =	stream.indirect_vreg.gather [hbm4b:s4+s2], $0x80, v4, vm0, $0xb8;
	[tilespmem:$0x10800] =	vst v63  }
0x26f: {  	s30 =	simm.s32 $0x7000  }
0x270: {  	[tilespmem:s30], [sflag:$0x1] =	stream.indirect_vreg.gather [hbm4b:s5+s2], $0x80, v4, vm0, $0xb8;
	[tilespmem:$0x10800] =	vst v63  }
0x271: {  	s31 =	simm.s32 $0x7800  }
0x272: {  	[tilespmem:s31], [sflag:$0x1] =	stream.indirect_vreg.gather [hbm4b:s4+s2], $0x80, v3, vm0, $0xb8;
	[tilespmem:$0x10800] =	vst v63  }
0x273: {  	s14 =	simm.s32 $0x8000  }
0x274: {  	[tilespmem:s14], [sflag:$0x1] =	stream.indirect_vreg.gather [hbm4b:s5+s2], $0x80, v3, vm0, $0xb8;
	[tilespmem:$0x10800] =	vst v63  }
0x275: {  	s31 =	rddreg [dreg:$0xa]  }
0x276: {  	[hbm4b:s31+s2] =	stream.linear.scatter [tilespmem:s25], [sflag:$0x2], $0x8000, $0x38;
	[tilespmem:$0x10800] =	vst v63  }
0x277: {  	_ =	swait.ge [sflag:s24], $0x8000  }
0x278: {  	[sflag:s24] =	ssyncset.done $0x0  }
0x279: {  	[sflag:s24] =	ssyncadd.s32 $0xFFFF8000  }
0x27a: {  	_ =	swait.ge [sflag:s15], $0x8000  }
0x27b: {  	[sflag:s15] =	ssyncset.done $0x0  }
0x27c: {  	[sflag:s15] =	ssyncadd.s32 $0xFFFF8000  }
0x27d: {  	v3 =	vld [tilespmem:$0x480];
	_ =	sdelay $0x4  }
0x27e: {  	v36 =	vshll.u32 v3, $0x2  }
0x27f: {  	v3 =	vand.u32 $0x7, v3;
	v4 =	vand.u32 $0xFFFFFFE0, v36  }
0x280: {  	v3 =	vor.u32 v3, v4  }
0x281: {  	v4 =	vperm.xlane v3, v0;
	_ =	sdelay $0x1  }
0x282: {  	v4 =	vadd.s32 v1, v4;
	_ =	sdelay $0x1  }
0x283: {  	v3 =	vperm.xlane v3, v2;
	_ =	sdelay $0x1  }
0x284: {  	v3 =	vadd.s32 v1, v3  }
0x285: {  	[tilespmem:s25], [sflag:$0x1] =	stream.indirect_vreg.gather [hbm4b:s4+s2], $0x80, v4, vm0, $0xb8;
	[tilespmem:$0x10800] =	vst v63  }
0x286: {  	s26 =	simm.s32 $0x9000  }
0x287: {  	[tilespmem:s26], [sflag:$0x1] =	stream.indirect_vreg.gather [hbm4b:s5+s2], $0x80, v4, vm0, $0xb8;
	[tilespmem:$0x10800] =	vst v63  }
0x288: {  	s22 =	simm.s32 $0x9800  }
0x289: {  	[tilespmem:s22], [sflag:$0x1] =	stream.indirect_vreg.gather [hbm4b:s4+s2], $0x80, v3, vm0, $0xb8;
	[tilespmem:$0x10800] =	vst v63  }
0x28a: {  	s6 =	simm.s32 $0xA000  }
0x28b: {  	[tilespmem:s6], [sflag:$0x1] =	stream.indirect_vreg.gather [hbm4b:s5+s2], $0x80, v3, vm0, $0xb8;
	[tilespmem:$0x10800] =	vst v63  }
0x28c: {  	v3 =	vld [tilespmem:$0x490];
	_ =	sdelay $0x4  }
0x28d: {  	v37 =	vshll.u32 v3, $0x2  }
0x28e: {  	v3 =	vand.u32 $0x7, v3;
	v4 =	vand.u32 $0xFFFFFFE0, v37  }
0x28f: {  	v3 =	vor.u32 v3, v4  }
0x290: {  	v4 =	vperm.xlane v3, v0;
	_ =	sdelay $0x1  }
0x291: {  	v4 =	vadd.s32 v1, v4;
	_ =	sdelay $0x1  }
0x292: {  	v3 =	vperm.xlane v3, v2;
	_ =	sdelay $0x1  }
0x293: {  	s18 =	simm.s32 $0xA800;
	v3 =	vadd.s32 v1, v3  }
0x294: {  	[tilespmem:s18], [sflag:$0x1] =	stream.indirect_vreg.gather [hbm4b:s4+s2], $0x80, v4, vm0, $0xb8;
	[tilespmem:$0x10800] =	vst v63  }
0x295: {  	s19 =	simm.s32 $0xB000  }
0x296: {  	[tilespmem:s19], [sflag:$0x1] =	stream.indirect_vreg.gather [hbm4b:s5+s2], $0x80, v4, vm0, $0xb8;
	[tilespmem:$0x10800] =	vst v63  }
0x297: {  	s20 =	simm.s32 $0xB800  }
0x298: {  	[tilespmem:s20], [sflag:$0x1] =	stream.indirect_vreg.gather [hbm4b:s4+s2], $0x80, v3, vm0, $0xb8;
	[tilespmem:$0x10800] =	vst v63  }
0x299: {  	s23 =	simm.s32 $0xC000  }
0x29a: {  	[tilespmem:s23], [sflag:$0x1] =	stream.indirect_vreg.gather [hbm4b:s5+s2], $0x80, v3, vm0, $0xb8;
	[tilespmem:$0x10800] =	vst v63  }
0x29b: {  	v3 =	vld [tilespmem:$0x4A0];
	_ =	sdelay $0x4  }
0x29c: {  	v38 =	vshll.u32 v3, $0x2  }
0x29d: {  	v3 =	vand.u32 $0x7, v3;
	v4 =	vand.u32 $0xFFFFFFE0, v38  }
0x29e: {  	v3 =	vor.u32 v3, v4  }
0x29f: {  	v4 =	vperm.xlane v3, v0;
	_ =	sdelay $0x1  }
0x2a0: {  	v4 =	vadd.s32 v1, v4;
	_ =	sdelay $0x1  }
0x2a1: {  	v3 =	vperm.xlane v3, v2;
	_ =	sdelay $0x1  }
0x2a2: {  	s1 =	simm.s32 $0xC800;
	v3 =	vadd.s32 v1, v3  }
0x2a3: {  	[tilespmem:s1], [sflag:$0x1] =	stream.indirect_vreg.gather [hbm4b:s4+s2], $0x80, v4, vm0, $0xb8;
	[tilespmem:$0x10800] =	vst v63  }
0x2a4: {  	s7 =	simm.s32 $0xD000  }
0x2a5: {  	[tilespmem:s7], [sflag:$0x1] =	stream.indirect_vreg.gather [hbm4b:s5+s2], $0x80, v4, vm0, $0xb8;
	[tilespmem:$0x10800] =	vst v63  }
0x2a6: {  	s9 =	simm.s32 $0xD800  }
0x2a7: {  	[tilespmem:s9], [sflag:$0x1] =	stream.indirect_vreg.gather [hbm4b:s4+s2], $0x80, v3, vm0, $0xb8;
	[tilespmem:$0x10800] =	vst v63  }
0x2a8: {  	s21 =	simm.s32 $0xE000  }
0x2a9: {  	[tilespmem:s21], [sflag:$0x1] =	stream.indirect_vreg.gather [hbm4b:s5+s2], $0x80, v3, vm0, $0xb8;
	[tilespmem:$0x10800] =	vst v63  }
0x2aa: {  	v3 =	vld [tilespmem:$0x4B0];
	_ =	sdelay $0x4  }
0x2ab: {  	v39 =	vshll.u32 v3, $0x2  }
0x2ac: {  	v3 =	vand.u32 $0x7, v3;
	v4 =	vand.u32 $0xFFFFFFE0, v39  }
0x2ad: {  	v3 =	vor.u32 v3, v4  }
0x2ae: {  	v4 =	vperm.xlane v3, v0;
	_ =	sdelay $0x1  }
0x2af: {  	v4 =	vadd.s32 v1, v4;
	_ =	sdelay $0x1  }
0x2b0: {  	v3 =	vperm.xlane v3, v2;
	_ =	sdelay $0x1  }
0x2b1: {  	s10 =	simm.s32 $0xE800;
	v3 =	vadd.s32 v1, v3  }
0x2b2: {  	[tilespmem:s10], [sflag:$0x1] =	stream.indirect_vreg.gather [hbm4b:s4+s2], $0x80, v4, vm0, $0xb8;
	[tilespmem:$0x10800] =	vst v63  }
0x2b3: {  	s11 =	simm.s32 $0xF000  }
0x2b4: {  	[tilespmem:s11], [sflag:$0x1] =	stream.indirect_vreg.gather [hbm4b:s5+s2], $0x80, v4, vm0, $0xb8;
	[tilespmem:$0x10800] =	vst v63  }
0x2b5: {  	s3 =	simm.s32 $0xF800  }
0x2b6: {  	[tilespmem:s3], [sflag:$0x1] =	stream.indirect_vreg.gather [hbm4b:s4+s2], $0x80, v3, vm0, $0xb8;
	[tilespmem:$0x10800] =	vst v63  }
0x2b7: {  	s12 =	simm.s32 $0x10000  }
0x2b8: {  	[tilespmem:s12], [sflag:$0x1] =	stream.indirect_vreg.gather [hbm4b:s5+s2], $0x80, v3, vm0, $0xb8;
	[tilespmem:$0x10800] =	vst v63  }
0x2b9: {  	s21 =	rddreg [dreg:$0xb]  }
0x2ba: {  	[hbm4b:s21+s2] =	stream.linear.scatter [tilespmem:s8], [sflag:$0x2], $0x8000, $0x38;
	[tilespmem:$0x10800] =	vst v63  }
0x2bb: {  	_ =	swait.ge [sflag:s24], $0x8000  }
0x2bc: {  	[sflag:s24] =	ssyncset.done $0x0  }
0x2bd: {  	[sflag:s24] =	ssyncadd.s32 $0xFFFF8000  }
0x2be: {  	_ =	swait.ge [sflag:s15], $0x8000  }
0x2bf: {  	[sflag:s15] =	ssyncset.done $0x0  }
0x2c0: {  	[sflag:s15] =	ssyncadd.s32 $0xFFFF8000  }
0x2c1: {  	v3 =	vld [tilespmem:$0x500];
	_ =	sdelay $0x4  }
0x2c2: {  	v40 =	vshll.u32 v3, $0x2  }
0x2c3: {  	v3 =	vand.u32 $0x7, v3;
	v4 =	vand.u32 $0xFFFFFFE0, v40  }
0x2c4: {  	v3 =	vor.u32 v3, v4  }
0x2c5: {  	v4 =	vperm.xlane v3, v0;
	_ =	sdelay $0x1  }
0x2c6: {  	v4 =	vadd.s32 v1, v4;
	_ =	sdelay $0x1  }
0x2c7: {  	v3 =	vperm.xlane v3, v2;
	_ =	sdelay $0x1  }
0x2c8: {  	v3 =	vadd.s32 v1, v3  }
0x2c9: {  	[tilespmem:s8], [sflag:$0x1] =	stream.indirect_vreg.gather [hbm4b:s4+s2], $0x80, v4, vm0, $0xb8;
	[tilespmem:$0x10800] =	vst v63  }
0x2ca: {  	s13 =	simm.s32 $0x1000  }
0x2cb: {  	[tilespmem:s13], [sflag:$0x1] =	stream.indirect_vreg.gather [hbm4b:s5+s2], $0x80, v4, vm0, $0xb8;
	[tilespmem:$0x10800] =	vst v63  }
0x2cc: {  	s21 =	simm.s32 $0x1800  }
0x2cd: {  	[tilespmem:s21], [sflag:$0x1] =	stream.indirect_vreg.gather [hbm4b:s4+s2], $0x80, v3, vm0, $0xb8;
	[tilespmem:$0x10800] =	vst v63  }
0x2ce: {  	s21 =	simm.s32 $0x2000  }
0x2cf: {  	[tilespmem:s21], [sflag:$0x1] =	stream.indirect_vreg.gather [hbm4b:s5+s2], $0x80, v3, vm0, $0xb8;
	[tilespmem:$0x10800] =	vst v63  }
0x2d0: {  	v3 =	vld [tilespmem:$0x510];
	_ =	sdelay $0x4  }
0x2d1: {  	v41 =	vshll.u32 v3, $0x2  }
0x2d2: {  	v3 =	vand.u32 $0x7, v3;
	v4 =	vand.u32 $0xFFFFFFE0, v41  }
0x2d3: {  	v3 =	vor.u32 v3, v4  }
0x2d4: {  	v4 =	vperm.xlane v3, v0;
	_ =	sdelay $0x1  }
0x2d5: {  	v4 =	vadd.s32 v1, v4;
	_ =	sdelay $0x1  }
0x2d6: {  	v3 =	vperm.xlane v3, v2;
	_ =	sdelay $0x1  }
0x2d7: {  	s21 =	simm.s32 $0x2800;
	v3 =	vadd.s32 v1, v3  }
0x2d8: {  	[tilespmem:s21], [sflag:$0x1] =	stream.indirect_vreg.gather [hbm4b:s4+s2], $0x80, v4, vm0, $0xb8;
	[tilespmem:$0x10800] =	vst v63  }
0x2d9: {  	s21 =	simm.s32 $0x3000  }
0x2da: {  	[tilespmem:s21], [sflag:$0x1] =	stream.indirect_vreg.gather [hbm4b:s5+s2], $0x80, v4, vm0, $0xb8;
	[tilespmem:$0x10800] =	vst v63  }
0x2db: {  	s21 =	simm.s32 $0x3800  }
0x2dc: {  	[tilespmem:s21], [sflag:$0x1] =	stream.indirect_vreg.gather [hbm4b:s4+s2], $0x80, v3, vm0, $0xb8;
	[tilespmem:$0x10800] =	vst v63  }
0x2dd: {  	s21 =	simm.s32 $0x4000  }
0x2de: {  	[tilespmem:s21], [sflag:$0x1] =	stream.indirect_vreg.gather [hbm4b:s5+s2], $0x80, v3, vm0, $0xb8;
	[tilespmem:$0x10800] =	vst v63  }
0x2df: {  	v3 =	vld [tilespmem:$0x520];
	_ =	sdelay $0x4  }
0x2e0: {  	v42 =	vshll.u32 v3, $0x2  }
0x2e1: {  	v3 =	vand.u32 $0x7, v3;
	v4 =	vand.u32 $0xFFFFFFE0, v42  }
0x2e2: {  	v3 =	vor.u32 v3, v4  }
0x2e3: {  	v4 =	vperm.xlane v3, v0;
	_ =	sdelay $0x1  }
0x2e4: {  	v4 =	vadd.s32 v1, v4;
	_ =	sdelay $0x1  }
0x2e5: {  	v3 =	vperm.xlane v3, v2;
	_ =	sdelay $0x1  }
0x2e6: {  	s21 =	simm.s32 $0x4800;
	v3 =	vadd.s32 v1, v3  }
0x2e7: {  	[tilespmem:s21], [sflag:$0x1] =	stream.indirect_vreg.gather [hbm4b:s4+s2], $0x80, v4, vm0, $0xb8;
	[tilespmem:$0x10800] =	vst v63  }
0x2e8: {  	s21 =	simm.s32 $0x5000  }
0x2e9: {  	[tilespmem:s21], [sflag:$0x1] =	stream.indirect_vreg.gather [hbm4b:s5+s2], $0x80, v4, vm0, $0xb8;
	[tilespmem:$0x10800] =	vst v63  }
0x2ea: {  	s17 =	simm.s32 $0x5800  }
0x2eb: {  	[tilespmem:s17], [sflag:$0x1] =	stream.indirect_vreg.gather [hbm4b:s4+s2], $0x80, v3, vm0, $0xb8;
	[tilespmem:$0x10800] =	vst v63  }
0x2ec: {  	s28 =	simm.s32 $0x6000  }
0x2ed: {  	[tilespmem:s28], [sflag:$0x1] =	stream.indirect_vreg.gather [hbm4b:s5+s2], $0x80, v3, vm0, $0xb8;
	[tilespmem:$0x10800] =	vst v63  }
0x2ee: {  	v3 =	vld [tilespmem:$0x530];
	_ =	sdelay $0x4  }
0x2ef: {  	v43 =	vshll.u32 v3, $0x2  }
0x2f0: {  	v3 =	vand.u32 $0x7, v3;
	v4 =	vand.u32 $0xFFFFFFE0, v43  }
0x2f1: {  	v3 =	vor.u32 v3, v4  }
0x2f2: {  	v4 =	vperm.xlane v3, v0;
	_ =	sdelay $0x1  }
0x2f3: {  	v4 =	vadd.s32 v1, v4;
	_ =	sdelay $0x1  }
0x2f4: {  	v3 =	vperm.xlane v3, v2;
	_ =	sdelay $0x1  }
0x2f5: {  	s28 =	simm.s32 $0x6800;
	v3 =	vadd.s32 v1, v3  }
0x2f6: {  	[tilespmem:s28], [sflag:$0x1] =	stream.indirect_vreg.gather [hbm4b:s4+s2], $0x80, v4, vm0, $0xb8;
	[tilespmem:$0x10800] =	vst v63  }
0x2f7: {  	s29 =	simm.s32 $0x7000  }
0x2f8: {  	[tilespmem:s29], [sflag:$0x1] =	stream.indirect_vreg.gather [hbm4b:s5+s2], $0x80, v4, vm0, $0xb8;
	[tilespmem:$0x10800] =	vst v63  }
0x2f9: {  	s30 =	simm.s32 $0x7800  }
0x2fa: {  	[tilespmem:s30], [sflag:$0x1] =	stream.indirect_vreg.gather [hbm4b:s4+s2], $0x80, v3, vm0, $0xb8;
	[tilespmem:$0x10800] =	vst v63  }
0x2fb: {  	s14 =	simm.s32 $0x8000  }
0x2fc: {  	[tilespmem:s14], [sflag:$0x1] =	stream.indirect_vreg.gather [hbm4b:s5+s2], $0x80, v3, vm0, $0xb8;
	[tilespmem:$0x10800] =	vst v63  }
0x2fd: {  	s28 =	rddreg [dreg:$0xc]  }
0x2fe: {  	[hbm4b:s28+s2] =	stream.linear.scatter [tilespmem:s25], [sflag:$0x2], $0x8000, $0x38;
	[tilespmem:$0x10800] =	vst v63  }
0x2ff: {  	_ =	swait.ge [sflag:s24], $0x8000  }
0x300: {  	[sflag:s24] =	ssyncset.done $0x0  }
0x301: {  	[sflag:s24] =	ssyncadd.s32 $0xFFFF8000  }
0x302: {  	_ =	swait.ge [sflag:s15], $0x8000  }
0x303: {  	[sflag:s15] =	ssyncset.done $0x0  }
0x304: {  	[sflag:s15] =	ssyncadd.s32 $0xFFFF8000  }
0x305: {  	v3 =	vld [tilespmem:$0x580];
	_ =	sdelay $0x4  }
0x306: {  	v44 =	vshll.u32 v3, $0x2  }
0x307: {  	v3 =	vand.u32 $0x7, v3;
	v4 =	vand.u32 $0xFFFFFFE0, v44  }
0x308: {  	v3 =	vor.u32 v3, v4  }
0x309: {  	v4 =	vperm.xlane v3, v0;
	_ =	sdelay $0x1  }
0x30a: {  	v4 =	vadd.s32 v1, v4;
	_ =	sdelay $0x1  }
0x30b: {  	v3 =	vperm.xlane v3, v2;
	_ =	sdelay $0x1  }
0x30c: {  	v3 =	vadd.s32 v1, v3  }
0x30d: {  	[tilespmem:s25], [sflag:$0x1] =	stream.indirect_vreg.gather [hbm4b:s4+s2], $0x80, v4, vm0, $0xb8;
	[tilespmem:$0x10800] =	vst v63  }
0x30e: {  	s31 =	simm.s32 $0x9000  }
0x30f: {  	[tilespmem:s31], [sflag:$0x1] =	stream.indirect_vreg.gather [hbm4b:s5+s2], $0x80, v4, vm0, $0xb8;
	[tilespmem:$0x10800] =	vst v63  }
0x310: {  	s26 =	simm.s32 $0x9800  }
0x311: {  	[tilespmem:s26], [sflag:$0x1] =	stream.indirect_vreg.gather [hbm4b:s4+s2], $0x80, v3, vm0, $0xb8;
	[tilespmem:$0x10800] =	vst v63  }
0x312: {  	s22 =	simm.s32 $0xA000  }
0x313: {  	[tilespmem:s22], [sflag:$0x1] =	stream.indirect_vreg.gather [hbm4b:s5+s2], $0x80, v3, vm0, $0xb8;
	[tilespmem:$0x10800] =	vst v63  }
0x314: {  	v3 =	vld [tilespmem:$0x590];
	_ =	sdelay $0x4  }
0x315: {  	v45 =	vshll.u32 v3, $0x2  }
0x316: {  	v3 =	vand.u32 $0x7, v3;
	v4 =	vand.u32 $0xFFFFFFE0, v45  }
0x317: {  	v3 =	vor.u32 v3, v4  }
0x318: {  	v4 =	vperm.xlane v3, v0;
	_ =	sdelay $0x1  }
0x319: {  	v4 =	vadd.s32 v1, v4;
	_ =	sdelay $0x1  }
0x31a: {  	v3 =	vperm.xlane v3, v2;
	_ =	sdelay $0x1  }
0x31b: {  	s6 =	simm.s32 $0xA800;
	v3 =	vadd.s32 v1, v3  }
0x31c: {  	[tilespmem:s6], [sflag:$0x1] =	stream.indirect_vreg.gather [hbm4b:s4+s2], $0x80, v4, vm0, $0xb8;
	[tilespmem:$0x10800] =	vst v63  }
0x31d: {  	s18 =	simm.s32 $0xB000  }
0x31e: {  	[tilespmem:s18], [sflag:$0x1] =	stream.indirect_vreg.gather [hbm4b:s5+s2], $0x80, v4, vm0, $0xb8;
	[tilespmem:$0x10800] =	vst v63  }
0x31f: {  	s19 =	simm.s32 $0xB800  }
0x320: {  	[tilespmem:s19], [sflag:$0x1] =	stream.indirect_vreg.gather [hbm4b:s4+s2], $0x80, v3, vm0, $0xb8;
	[tilespmem:$0x10800] =	vst v63  }
0x321: {  	s23 =	simm.s32 $0xC000  }
0x322: {  	[tilespmem:s23], [sflag:$0x1] =	stream.indirect_vreg.gather [hbm4b:s5+s2], $0x80, v3, vm0, $0xb8;
	[tilespmem:$0x10800] =	vst v63  }
0x323: {  	v3 =	vld [tilespmem:$0x5A0];
	_ =	sdelay $0x4  }
0x324: {  	v46 =	vshll.u32 v3, $0x2  }
0x325: {  	v3 =	vand.u32 $0x7, v3;
	v4 =	vand.u32 $0xFFFFFFE0, v46  }
0x326: {  	v3 =	vor.u32 v3, v4  }
0x327: {  	v4 =	vperm.xlane v3, v0;
	_ =	sdelay $0x1  }
0x328: {  	v4 =	vadd.s32 v1, v4;
	_ =	sdelay $0x1  }
0x329: {  	v3 =	vperm.xlane v3, v2;
	_ =	sdelay $0x1  }
0x32a: {  	s1 =	simm.s32 $0xC800;
	v3 =	vadd.s32 v1, v3  }
0x32b: {  	[tilespmem:s1], [sflag:$0x1] =	stream.indirect_vreg.gather [hbm4b:s4+s2], $0x80, v4, vm0, $0xb8;
	[tilespmem:$0x10800] =	vst v63  }
0x32c: {  	s7 =	simm.s32 $0xD000  }
0x32d: {  	[tilespmem:s7], [sflag:$0x1] =	stream.indirect_vreg.gather [hbm4b:s5+s2], $0x80, v4, vm0, $0xb8;
	[tilespmem:$0x10800] =	vst v63  }
0x32e: {  	s9 =	simm.s32 $0xD800  }
0x32f: {  	[tilespmem:s9], [sflag:$0x1] =	stream.indirect_vreg.gather [hbm4b:s4+s2], $0x80, v3, vm0, $0xb8;
	[tilespmem:$0x10800] =	vst v63  }
0x330: {  	s20 =	simm.s32 $0xE000  }
0x331: {  	[tilespmem:s20], [sflag:$0x1] =	stream.indirect_vreg.gather [hbm4b:s5+s2], $0x80, v3, vm0, $0xb8;
	[tilespmem:$0x10800] =	vst v63  }
0x332: {  	v3 =	vld [tilespmem:$0x5B0];
	_ =	sdelay $0x4  }
0x333: {  	v47 =	vshll.u32 v3, $0x2  }
0x334: {  	v3 =	vand.u32 $0x7, v3;
	v4 =	vand.u32 $0xFFFFFFE0, v47  }
0x335: {  	v3 =	vor.u32 v3, v4  }
0x336: {  	v4 =	vperm.xlane v3, v0;
	_ =	sdelay $0x1  }
0x337: {  	v4 =	vadd.s32 v1, v4;
	_ =	sdelay $0x1  }
0x338: {  	v3 =	vperm.xlane v3, v2;
	_ =	sdelay $0x1  }
0x339: {  	s10 =	simm.s32 $0xE800;
	v3 =	vadd.s32 v1, v3  }
0x33a: {  	[tilespmem:s10], [sflag:$0x1] =	stream.indirect_vreg.gather [hbm4b:s4+s2], $0x80, v4, vm0, $0xb8;
	[tilespmem:$0x10800] =	vst v63  }
0x33b: {  	s11 =	simm.s32 $0xF000  }
0x33c: {  	[tilespmem:s11], [sflag:$0x1] =	stream.indirect_vreg.gather [hbm4b:s5+s2], $0x80, v4, vm0, $0xb8;
	[tilespmem:$0x10800] =	vst v63  }
0x33d: {  	s3 =	simm.s32 $0xF800  }
0x33e: {  	[tilespmem:s3], [sflag:$0x1] =	stream.indirect_vreg.gather [hbm4b:s4+s2], $0x80, v3, vm0, $0xb8;
	[tilespmem:$0x10800] =	vst v63  }
0x33f: {  	s12 =	simm.s32 $0x10000  }
0x340: {  	[tilespmem:s12], [sflag:$0x1] =	stream.indirect_vreg.gather [hbm4b:s5+s2], $0x80, v3, vm0, $0xb8;
	[tilespmem:$0x10800] =	vst v63  }
0x341: {  	s23 =	rddreg [dreg:$0xd]  }
0x342: {  	[hbm4b:s23+s2] =	stream.linear.scatter [tilespmem:s8], [sflag:$0x2], $0x8000, $0x38;
	[tilespmem:$0x10800] =	vst v63  }
0x343: {  	_ =	swait.ge [sflag:s24], $0x8000  }
0x344: {  	[sflag:s24] =	ssyncset.done $0x0  }
0x345: {  	[sflag:s24] =	ssyncadd.s32 $0xFFFF8000  }
0x346: {  	_ =	swait.ge [sflag:s15], $0x8000  }
0x347: {  	[sflag:s15] =	ssyncset.done $0x0  }
0x348: {  	[sflag:s15] =	ssyncadd.s32 $0xFFFF8000  }
0x349: {  	v3 =	vld [tilespmem:$0x600];
	_ =	sdelay $0x4  }
0x34a: {  	v48 =	vshll.u32 v3, $0x2  }
0x34b: {  	v3 =	vand.u32 $0x7, v3;
	v4 =	vand.u32 $0xFFFFFFE0, v48  }
0x34c: {  	v3 =	vor.u32 v3, v4  }
0x34d: {  	v4 =	vperm.xlane v3, v0;
	_ =	sdelay $0x1  }
0x34e: {  	v4 =	vadd.s32 v1, v4;
	_ =	sdelay $0x1  }
0x34f: {  	v3 =	vperm.xlane v3, v2;
	_ =	sdelay $0x1  }
0x350: {  	v3 =	vadd.s32 v1, v3  }
0x351: {  	[tilespmem:s8], [sflag:$0x1] =	stream.indirect_vreg.gather [hbm4b:s4+s2], $0x80, v4, vm0, $0xb8;
	[tilespmem:$0x10800] =	vst v63  }
0x352: {  	s13 =	simm.s32 $0x1000  }
0x353: {  	[tilespmem:s13], [sflag:$0x1] =	stream.indirect_vreg.gather [hbm4b:s5+s2], $0x80, v4, vm0, $0xb8;
	[tilespmem:$0x10800] =	vst v63  }
0x354: {  	s16 =	simm.s32 $0x1800  }
0x355: {  	[tilespmem:s16], [sflag:$0x1] =	stream.indirect_vreg.gather [hbm4b:s4+s2], $0x80, v3, vm0, $0xb8;
	[tilespmem:$0x10800] =	vst v63  }
0x356: {  	s20 =	simm.s32 $0x2000  }
0x357: {  	[tilespmem:s20], [sflag:$0x1] =	stream.indirect_vreg.gather [hbm4b:s5+s2], $0x80, v3, vm0, $0xb8;
	[tilespmem:$0x10800] =	vst v63  }
0x358: {  	v3 =	vld [tilespmem:$0x610];
	_ =	sdelay $0x4  }
0x359: {  	v49 =	vshll.u32 v3, $0x2  }
0x35a: {  	v3 =	vand.u32 $0x7, v3;
	v4 =	vand.u32 $0xFFFFFFE0, v49  }
0x35b: {  	v3 =	vor.u32 v3, v4  }
0x35c: {  	v4 =	vperm.xlane v3, v0;
	_ =	sdelay $0x1  }
0x35d: {  	v4 =	vadd.s32 v1, v4;
	_ =	sdelay $0x1  }
0x35e: {  	v3 =	vperm.xlane v3, v2;
	_ =	sdelay $0x1  }
0x35f: {  	s23 =	simm.s32 $0x2800;
	v3 =	vadd.s32 v1, v3  }
0x360: {  	[tilespmem:s23], [sflag:$0x1] =	stream.indirect_vreg.gather [hbm4b:s4+s2], $0x80, v4, vm0, $0xb8;
	[tilespmem:$0x10800] =	vst v63  }
0x361: {  	s16 =	simm.s32 $0x3000  }
0x362: {  	[tilespmem:s16], [sflag:$0x1] =	stream.indirect_vreg.gather [hbm4b:s5+s2], $0x80, v4, vm0, $0xb8;
	[tilespmem:$0x10800] =	vst v63  }
0x363: {  	s20 =	simm.s32 $0x3800  }
0x364: {  	[tilespmem:s20], [sflag:$0x1] =	stream.indirect_vreg.gather [hbm4b:s4+s2], $0x80, v3, vm0, $0xb8;
	[tilespmem:$0x10800] =	vst v63  }
0x365: {  	s23 =	simm.s32 $0x4000  }
0x366: {  	[tilespmem:s23], [sflag:$0x1] =	stream.indirect_vreg.gather [hbm4b:s5+s2], $0x80, v3, vm0, $0xb8;
	[tilespmem:$0x10800] =	vst v63  }
0x367: {  	v3 =	vld [tilespmem:$0x620];
	_ =	sdelay $0x4  }
0x368: {  	v50 =	vshll.u32 v3, $0x2  }
0x369: {  	v3 =	vand.u32 $0x7, v3;
	v4 =	vand.u32 $0xFFFFFFE0, v50  }
0x36a: {  	v3 =	vor.u32 v3, v4  }
0x36b: {  	v4 =	vperm.xlane v3, v0;
	_ =	sdelay $0x1  }
0x36c: {  	v4 =	vadd.s32 v1, v4;
	_ =	sdelay $0x1  }
0x36d: {  	v3 =	vperm.xlane v3, v2;
	_ =	sdelay $0x1  }
0x36e: {  	s16 =	simm.s32 $0x4800;
	v3 =	vadd.s32 v1, v3  }
0x36f: {  	[tilespmem:s16], [sflag:$0x1] =	stream.indirect_vreg.gather [hbm4b:s4+s2], $0x80, v4, vm0, $0xb8;
	[tilespmem:$0x10800] =	vst v63  }
0x370: {  	s20 =	simm.s32 $0x5000  }
0x371: {  	[tilespmem:s20], [sflag:$0x1] =	stream.indirect_vreg.gather [hbm4b:s5+s2], $0x80, v4, vm0, $0xb8;
	[tilespmem:$0x10800] =	vst v63  }
0x372: {  	s17 =	simm.s32 $0x5800  }
0x373: {  	[tilespmem:s17], [sflag:$0x1] =	stream.indirect_vreg.gather [hbm4b:s4+s2], $0x80, v3, vm0, $0xb8;
	[tilespmem:$0x10800] =	vst v63  }
0x374: {  	s21 =	simm.s32 $0x6000  }
0x375: {  	[tilespmem:s21], [sflag:$0x1] =	stream.indirect_vreg.gather [hbm4b:s5+s2], $0x80, v3, vm0, $0xb8;
	[tilespmem:$0x10800] =	vst v63  }
0x376: {  	v3 =	vld [tilespmem:$0x630];
	_ =	sdelay $0x4  }
0x377: {  	v51 =	vshll.u32 v3, $0x2  }
0x378: {  	v3 =	vand.u32 $0x7, v3;
	v4 =	vand.u32 $0xFFFFFFE0, v51  }
0x379: {  	v3 =	vor.u32 v3, v4  }
0x37a: {  	v4 =	vperm.xlane v3, v0;
	_ =	sdelay $0x1  }
0x37b: {  	v4 =	vadd.s32 v1, v4;
	_ =	sdelay $0x1  }
0x37c: {  	v3 =	vperm.xlane v3, v2;
	_ =	sdelay $0x1  }
0x37d: {  	s23 =	simm.s32 $0x6800;
	v3 =	vadd.s32 v1, v3  }
0x37e: {  	[tilespmem:s23], [sflag:$0x1] =	stream.indirect_vreg.gather [hbm4b:s4+s2], $0x80, v4, vm0, $0xb8;
	[tilespmem:$0x10800] =	vst v63  }
0x37f: {  	s29 =	simm.s32 $0x7000  }
0x380: {  	[tilespmem:s29], [sflag:$0x1] =	stream.indirect_vreg.gather [hbm4b:s5+s2], $0x80, v4, vm0, $0xb8;
	[tilespmem:$0x10800] =	vst v63  }
0x381: {  	s30 =	simm.s32 $0x7800  }
0x382: {  	[tilespmem:s30], [sflag:$0x1] =	stream.indirect_vreg.gather [hbm4b:s4+s2], $0x80, v3, vm0, $0xb8;
	[tilespmem:$0x10800] =	vst v63  }
0x383: {  	s14 =	simm.s32 $0x8000  }
0x384: {  	[tilespmem:s14], [sflag:$0x1] =	stream.indirect_vreg.gather [hbm4b:s5+s2], $0x80, v3, vm0, $0xb8;
	[tilespmem:$0x10800] =	vst v63  }
0x385: {  	s30 =	rddreg [dreg:$0xe]  }
0x386: {  	[hbm4b:s30+s2] =	stream.linear.scatter [tilespmem:s25], [sflag:$0x2], $0x8000, $0x38;
	[tilespmem:$0x10800] =	vst v63  }
0x387: {  	_ =	swait.ge [sflag:s24], $0x8000  }
0x388: {  	[sflag:s24] =	ssyncset.done $0x0  }
0x389: {  	[sflag:s24] =	ssyncadd.s32 $0xFFFF8000  }
0x38a: {  	_ =	swait.ge [sflag:s15], $0x8000  }
0x38b: {  	[sflag:s15] =	ssyncset.done $0x0  }
0x38c: {  	[sflag:s15] =	ssyncadd.s32 $0xFFFF8000  }
0x38d: {  	v3 =	vld [tilespmem:$0x680];
	_ =	sdelay $0x4  }
0x38e: {  	v52 =	vshll.u32 v3, $0x2  }
0x38f: {  	v3 =	vand.u32 $0x7, v3;
	v4 =	vand.u32 $0xFFFFFFE0, v52  }
0x390: {  	v3 =	vor.u32 v3, v4  }
0x391: {  	v4 =	vperm.xlane v3, v0;
	_ =	sdelay $0x1  }
0x392: {  	v4 =	vadd.s32 v1, v4;
	_ =	sdelay $0x1  }
0x393: {  	v3 =	vperm.xlane v3, v2;
	_ =	sdelay $0x1  }
0x394: {  	v3 =	vadd.s32 v1, v3  }
0x395: {  	[tilespmem:s25], [sflag:$0x1] =	stream.indirect_vreg.gather [hbm4b:s4+s2], $0x80, v4, vm0, $0xb8;
	[tilespmem:$0x10800] =	vst v63  }
0x396: {  	s28 =	simm.s32 $0x9000  }
0x397: {  	[tilespmem:s28], [sflag:$0x1] =	stream.indirect_vreg.gather [hbm4b:s5+s2], $0x80, v4, vm0, $0xb8;
	[tilespmem:$0x10800] =	vst v63  }
0x398: {  	s29 =	simm.s32 $0x9800  }
0x399: {  	[tilespmem:s29], [sflag:$0x1] =	stream.indirect_vreg.gather [hbm4b:s4+s2], $0x80, v3, vm0, $0xb8;
	[tilespmem:$0x10800] =	vst v63  }
0x39a: {  	s30 =	simm.s32 $0xA000  }
0x39b: {  	[tilespmem:s30], [sflag:$0x1] =	stream.indirect_vreg.gather [hbm4b:s5+s2], $0x80, v3, vm0, $0xb8;
	[tilespmem:$0x10800] =	vst v63  }
0x39c: {  	v3 =	vld [tilespmem:$0x690];
	_ =	sdelay $0x4  }
0x39d: {  	v53 =	vshll.u32 v3, $0x2  }
0x39e: {  	v3 =	vand.u32 $0x7, v3;
	v4 =	vand.u32 $0xFFFFFFE0, v53  }
0x39f: {  	v3 =	vor.u32 v3, v4  }
0x3a0: {  	v4 =	vperm.xlane v3, v0;
	_ =	sdelay $0x1  }
0x3a1: {  	v4 =	vadd.s32 v1, v4;
	_ =	sdelay $0x1  }
0x3a2: {  	v3 =	vperm.xlane v3, v2;
	_ =	sdelay $0x1  }
0x3a3: {  	s31 =	simm.s32 $0xA800;
	v3 =	vadd.s32 v1, v3  }
0x3a4: {  	[tilespmem:s31], [sflag:$0x1] =	stream.indirect_vreg.gather [hbm4b:s4+s2], $0x80, v4, vm0, $0xb8;
	[tilespmem:$0x10800] =	vst v63  }
0x3a5: {  	s6 =	simm.s32 $0xB000  }
0x3a6: {  	[tilespmem:s6], [sflag:$0x1] =	stream.indirect_vreg.gather [hbm4b:s5+s2], $0x80, v4, vm0, $0xb8;
	[tilespmem:$0x10800] =	vst v63  }
0x3a7: {  	s19 =	simm.s32 $0xB800  }
0x3a8: {  	[tilespmem:s19], [sflag:$0x1] =	stream.indirect_vreg.gather [hbm4b:s4+s2], $0x80, v3, vm0, $0xb8;
	[tilespmem:$0x10800] =	vst v63  }
0x3a9: {  	s26 =	simm.s32 $0xC000  }
0x3aa: {  	[tilespmem:s26], [sflag:$0x1] =	stream.indirect_vreg.gather [hbm4b:s5+s2], $0x80, v3, vm0, $0xb8;
	[tilespmem:$0x10800] =	vst v63  }
0x3ab: {  	v3 =	vld [tilespmem:$0x6A0];
	_ =	sdelay $0x4  }
0x3ac: {  	v54 =	vshll.u32 v3, $0x2  }
0x3ad: {  	v3 =	vand.u32 $0x7, v3;
	v4 =	vand.u32 $0xFFFFFFE0, v54  }
0x3ae: {  	v3 =	vor.u32 v3, v4  }
0x3af: {  	v4 =	vperm.xlane v3, v0;
	_ =	sdelay $0x1  }
0x3b0: {  	v4 =	vadd.s32 v1, v4;
	_ =	sdelay $0x1  }
0x3b1: {  	v3 =	vperm.xlane v3, v2;
	_ =	sdelay $0x1  }
0x3b2: {  	s1 =	simm.s32 $0xC800;
	v3 =	vadd.s32 v1, v3  }
0x3b3: {  	[tilespmem:s1], [sflag:$0x1] =	stream.indirect_vreg.gather [hbm4b:s4+s2], $0x80, v4, vm0, $0xb8;
	[tilespmem:$0x10800] =	vst v63  }
0x3b4: {  	s7 =	simm.s32 $0xD000  }
0x3b5: {  	[tilespmem:s7], [sflag:$0x1] =	stream.indirect_vreg.gather [hbm4b:s5+s2], $0x80, v4, vm0, $0xb8;
	[tilespmem:$0x10800] =	vst v63  }
0x3b6: {  	s9 =	simm.s32 $0xD800  }
0x3b7: {  	[tilespmem:s9], [sflag:$0x1] =	stream.indirect_vreg.gather [hbm4b:s4+s2], $0x80, v3, vm0, $0xb8;
	[tilespmem:$0x10800] =	vst v63  }
0x3b8: {  	s22 =	simm.s32 $0xE000  }
0x3b9: {  	[tilespmem:s22], [sflag:$0x1] =	stream.indirect_vreg.gather [hbm4b:s5+s2], $0x80, v3, vm0, $0xb8;
	[tilespmem:$0x10800] =	vst v63  }
0x3ba: {  	v3 =	vld [tilespmem:$0x6B0];
	_ =	sdelay $0x4  }
0x3bb: {  	v55 =	vshll.u32 v3, $0x2  }
0x3bc: {  	v3 =	vand.u32 $0x7, v3;
	v4 =	vand.u32 $0xFFFFFFE0, v55  }
0x3bd: {  	v3 =	vor.u32 v3, v4  }
0x3be: {  	v4 =	vperm.xlane v3, v0;
	_ =	sdelay $0x1  }
0x3bf: {  	v4 =	vadd.s32 v1, v4;
	_ =	sdelay $0x1  }
0x3c0: {  	v3 =	vperm.xlane v3, v2;
	_ =	sdelay $0x1  }
0x3c1: {  	s10 =	simm.s32 $0xE800;
	v3 =	vadd.s32 v1, v3  }
0x3c2: {  	[tilespmem:s10], [sflag:$0x1] =	stream.indirect_vreg.gather [hbm4b:s4+s2], $0x80, v4, vm0, $0xb8;
	[tilespmem:$0x10800] =	vst v63  }
0x3c3: {  	s11 =	simm.s32 $0xF000  }
0x3c4: {  	[tilespmem:s11], [sflag:$0x1] =	stream.indirect_vreg.gather [hbm4b:s5+s2], $0x80, v4, vm0, $0xb8;
	[tilespmem:$0x10800] =	vst v63  }
0x3c5: {  	s3 =	simm.s32 $0xF800  }
0x3c6: {  	[tilespmem:s3], [sflag:$0x1] =	stream.indirect_vreg.gather [hbm4b:s4+s2], $0x80, v3, vm0, $0xb8;
	[tilespmem:$0x10800] =	vst v63  }
0x3c7: {  	s18 =	simm.s32 $0x10000  }
0x3c8: {  	[tilespmem:s18], [sflag:$0x1] =	stream.indirect_vreg.gather [hbm4b:s5+s2], $0x80, v3, vm0, $0xb8;
	[tilespmem:$0x10800] =	vst v63  }
0x3c9: {  	s26 =	rddreg [dreg:$0xf]  }
0x3ca: {  	[hbm4b:s26+s2] =	stream.linear.scatter [tilespmem:s8], [sflag:$0x2], $0x8000, $0x38;
	[tilespmem:$0x10800] =	vst v63  }
0x3cb: {  	_ =	swait.ge [sflag:s24], $0x8000  }
0x3cc: {  	[sflag:s24] =	ssyncset.done $0x0  }
0x3cd: {  	[sflag:s24] =	ssyncadd.s32 $0xFFFF8000  }
0x3ce: {  	_ =	swait.ge [sflag:s15], $0x8000  }
0x3cf: {  	[sflag:s15] =	ssyncset.done $0x0  }
0x3d0: {  	[sflag:s15] =	ssyncadd.s32 $0xFFFF8000  }
0x3d1: {  	v3 =	vld [tilespmem:$0x700];
	_ =	sdelay $0x4  }
0x3d2: {  	v56 =	vshll.u32 v3, $0x2  }
0x3d3: {  	v3 =	vand.u32 $0x7, v3;
	v4 =	vand.u32 $0xFFFFFFE0, v56  }
0x3d4: {  	v3 =	vor.u32 v3, v4  }
0x3d5: {  	v4 =	vperm.xlane v3, v0;
	_ =	sdelay $0x1  }
0x3d6: {  	v4 =	vadd.s32 v1, v4;
	_ =	sdelay $0x1  }
0x3d7: {  	v3 =	vperm.xlane v3, v2;
	_ =	sdelay $0x1  }
0x3d8: {  	v3 =	vadd.s32 v1, v3  }
0x3d9: {  	[tilespmem:s8], [sflag:$0x1] =	stream.indirect_vreg.gather [hbm4b:s4+s2], $0x80, v4, vm0, $0xb8;
	[tilespmem:$0x10800] =	vst v63  }
0x3da: {  	s12 =	simm.s32 $0x1000  }
0x3db: {  	[tilespmem:s12], [sflag:$0x1] =	stream.indirect_vreg.gather [hbm4b:s5+s2], $0x80, v4, vm0, $0xb8;
	[tilespmem:$0x10800] =	vst v63  }
0x3dc: {  	s18 =	simm.s32 $0x1800  }
0x3dd: {  	[tilespmem:s18], [sflag:$0x1] =	stream.indirect_vreg.gather [hbm4b:s4+s2], $0x80, v3, vm0, $0xb8;
	[tilespmem:$0x10800] =	vst v63  }
0x3de: {  	s22 =	simm.s32 $0x2000  }
0x3df: {  	[tilespmem:s22], [sflag:$0x1] =	stream.indirect_vreg.gather [hbm4b:s5+s2], $0x80, v3, vm0, $0xb8;
	[tilespmem:$0x10800] =	vst v63  }
0x3e0: {  	v3 =	vld [tilespmem:$0x710];
	_ =	sdelay $0x4  }
0x3e1: {  	v57 =	vshll.u32 v3, $0x2  }
0x3e2: {  	v3 =	vand.u32 $0x7, v3;
	v4 =	vand.u32 $0xFFFFFFE0, v57  }
0x3e3: {  	v3 =	vor.u32 v3, v4  }
0x3e4: {  	v4 =	vperm.xlane v3, v0;
	_ =	sdelay $0x1  }
0x3e5: {  	v4 =	vadd.s32 v1, v4;
	_ =	sdelay $0x1  }
0x3e6: {  	v3 =	vperm.xlane v3, v2;
	_ =	sdelay $0x1  }
0x3e7: {  	s26 =	simm.s32 $0x2800;
	v3 =	vadd.s32 v1, v3  }
0x3e8: {  	[tilespmem:s26], [sflag:$0x1] =	stream.indirect_vreg.gather [hbm4b:s4+s2], $0x80, v4, vm0, $0xb8;
	[tilespmem:$0x10800] =	vst v63  }
0x3e9: {  	s16 =	simm.s32 $0x3000  }
0x3ea: {  	[tilespmem:s16], [sflag:$0x1] =	stream.indirect_vreg.gather [hbm4b:s5+s2], $0x80, v4, vm0, $0xb8;
	[tilespmem:$0x10800] =	vst v63  }
0x3eb: {  	s18 =	simm.s32 $0x3800  }
0x3ec: {  	[tilespmem:s18], [sflag:$0x1] =	stream.indirect_vreg.gather [hbm4b:s4+s2], $0x80, v3, vm0, $0xb8;
	[tilespmem:$0x10800] =	vst v63  }
0x3ed: {  	s22 =	simm.s32 $0x4000  }
0x3ee: {  	[tilespmem:s22], [sflag:$0x1] =	stream.indirect_vreg.gather [hbm4b:s5+s2], $0x80, v3, vm0, $0xb8;
	[tilespmem:$0x10800] =	vst v63  }
0x3ef: {  	v3 =	vld [tilespmem:$0x720];
	_ =	sdelay $0x4  }
0x3f0: {  	v58 =	vshll.u32 v3, $0x2  }
0x3f1: {  	v3 =	vand.u32 $0x7, v3;
	v4 =	vand.u32 $0xFFFFFFE0, v58  }
0x3f2: {  	v3 =	vor.u32 v3, v4  }
0x3f3: {  	v4 =	vperm.xlane v3, v0;
	_ =	sdelay $0x1  }
0x3f4: {  	v4 =	vadd.s32 v1, v4;
	_ =	sdelay $0x1  }
0x3f5: {  	v3 =	vperm.xlane v3, v2;
	_ =	sdelay $0x1  }
0x3f6: {  	s26 =	simm.s32 $0x4800;
	v3 =	vadd.s32 v1, v3  }
0x3f7: {  	[tilespmem:s26], [sflag:$0x1] =	stream.indirect_vreg.gather [hbm4b:s4+s2], $0x80, v4, vm0, $0xb8;
	[tilespmem:$0x10800] =	vst v63  }
0x3f8: {  	s16 =	simm.s32 $0x5000  }
0x3f9: {  	[tilespmem:s16], [sflag:$0x1] =	stream.indirect_vreg.gather [hbm4b:s5+s2], $0x80, v4, vm0, $0xb8;
	[tilespmem:$0x10800] =	vst v63  }
0x3fa: {  	s13 =	simm.s32 $0x5800  }
0x3fb: {  	[tilespmem:s13], [sflag:$0x1] =	stream.indirect_vreg.gather [hbm4b:s4+s2], $0x80, v3, vm0, $0xb8;
	[tilespmem:$0x10800] =	vst v63  }
0x3fc: {  	s17 =	simm.s32 $0x6000  }
0x3fd: {  	[tilespmem:s17], [sflag:$0x1] =	stream.indirect_vreg.gather [hbm4b:s5+s2], $0x80, v3, vm0, $0xb8;
	[tilespmem:$0x10800] =	vst v63  }
0x3fe: {  	v3 =	vld [tilespmem:$0x730];
	_ =	sdelay $0x4  }
0x3ff: {  	v59 =	vshll.u32 v3, $0x2  }
0x400: {  	v3 =	vand.u32 $0x7, v3;
	v4 =	vand.u32 $0xFFFFFFE0, v59  }
0x401: {  	v3 =	vor.u32 v3, v4  }
0x402: {  	v4 =	vperm.xlane v3, v0;
	_ =	sdelay $0x1  }
0x403: {  	v4 =	vadd.s32 v1, v4;
	_ =	sdelay $0x1  }
0x404: {  	v3 =	vperm.xlane v3, v2;
	_ =	sdelay $0x1  }
0x405: {  	s18 =	simm.s32 $0x6800;
	v3 =	vadd.s32 v1, v3  }
0x406: {  	[tilespmem:s18], [sflag:$0x1] =	stream.indirect_vreg.gather [hbm4b:s4+s2], $0x80, v4, vm0, $0xb8;
	[tilespmem:$0x10800] =	vst v63  }
0x407: {  	s21 =	simm.s32 $0x7000  }
0x408: {  	[tilespmem:s21], [sflag:$0x1] =	stream.indirect_vreg.gather [hbm4b:s5+s2], $0x80, v4, vm0, $0xb8;
	[tilespmem:$0x10800] =	vst v63  }
0x409: {  	s23 =	simm.s32 $0x7800  }
0x40a: {  	[tilespmem:s23], [sflag:$0x1] =	stream.indirect_vreg.gather [hbm4b:s4+s2], $0x80, v3, vm0, $0xb8;
	[tilespmem:$0x10800] =	vst v63  }
0x40b: {  	s20 =	simm.s32 $0x8000  }
0x40c: {  	[tilespmem:s20], [sflag:$0x1] =	stream.indirect_vreg.gather [hbm4b:s5+s2], $0x80, v3, vm0, $0xb8;
	[tilespmem:$0x10800] =	vst v63  }
0x40d: {  	s22 =	rddreg [dreg:$0x10]  }
0x40e: {  	[hbm4b:s22+s2] =	stream.linear.scatter [tilespmem:s25], [sflag:$0x2], $0x8000, $0x38;
	[tilespmem:$0x10800] =	vst v63  }
0x40f: {  	_ =	swait.ge [sflag:s24], $0x8000  }
0x410: {  	[sflag:s24] =	ssyncset.done $0x0  }
0x411: {  	[sflag:s24] =	ssyncadd.s32 $0xFFFF8000  }
0x412: {  	_ =	swait.ge [sflag:s15], $0x8000  }
0x413: {  	[sflag:s15] =	ssyncset.done $0x0  }
0x414: {  	[sflag:s15] =	ssyncadd.s32 $0xFFFF8000  }
0x415: {  	v3 =	vld [tilespmem:$0x780];
	_ =	sdelay $0x4  }
0x416: {  	v60 =	vshll.u32 v3, $0x2  }
0x417: {  	v3 =	vand.u32 $0x7, v3;
	v4 =	vand.u32 $0xFFFFFFE0, v60  }
0x418: {  	v3 =	vor.u32 v3, v4  }
0x419: {  	v4 =	vperm.xlane v3, v0;
	_ =	sdelay $0x1  }
0x41a: {  	v4 =	vadd.s32 v1, v4;
	_ =	sdelay $0x1  }
0x41b: {  	v3 =	vperm.xlane v3, v2;
	_ =	sdelay $0x1  }
0x41c: {  	v3 =	vadd.s32 v1, v3  }
0x41d: {  	[tilespmem:s25], [sflag:$0x1] =	stream.indirect_vreg.gather [hbm4b:s4+s2], $0x80, v4, vm0, $0xb8;
	[tilespmem:$0x10800] =	vst v63  }
0x41e: {  	s14 =	simm.s32 $0x9000  }
0x41f: {  	[tilespmem:s14], [sflag:$0x1] =	stream.indirect_vreg.gather [hbm4b:s5+s2], $0x80, v4, vm0, $0xb8;
	[tilespmem:$0x10800] =	vst v63  }
0x420: {  	s23 =	simm.s32 $0x9800  }
0x421: {  	[tilespmem:s23], [sflag:$0x1] =	stream.indirect_vreg.gather [hbm4b:s4+s2], $0x80, v3, vm0, $0xb8;
	[tilespmem:$0x10800] =	vst v63  }
0x422: {  	s26 =	simm.s32 $0xA000  }
0x423: {  	[tilespmem:s26], [sflag:$0x1] =	stream.indirect_vreg.gather [hbm4b:s5+s2], $0x80, v3, vm0, $0xb8;
	[tilespmem:$0x10800] =	vst v63  }
0x424: {  	v3 =	vld [tilespmem:$0x790];
	_ =	sdelay $0x4  }
0x425: {  	v61 =	vshll.u32 v3, $0x2  }
0x426: {  	v3 =	vand.u32 $0x7, v3;
	v4 =	vand.u32 $0xFFFFFFE0, v61  }
0x427: {  	v3 =	vor.u32 v3, v4  }
0x428: {  	v4 =	vperm.xlane v3, v0;
	_ =	sdelay $0x1  }
0x429: {  	v4 =	vadd.s32 v1, v4;
	_ =	sdelay $0x1  }
0x42a: {  	v3 =	vperm.xlane v3, v2;
	_ =	sdelay $0x1  }
0x42b: {  	s31 =	simm.s32 $0xA800;
	v3 =	vadd.s32 v1, v3  }
0x42c: {  	[tilespmem:s31], [sflag:$0x1] =	stream.indirect_vreg.gather [hbm4b:s4+s2], $0x80, v4, vm0, $0xb8;
	[tilespmem:$0x10800] =	vst v63  }
0x42d: {  	s28 =	simm.s32 $0xB000  }
0x42e: {  	[tilespmem:s28], [sflag:$0x1] =	stream.indirect_vreg.gather [hbm4b:s5+s2], $0x80, v4, vm0, $0xb8;
	[tilespmem:$0x10800] =	vst v63  }
0x42f: {  	s29 =	simm.s32 $0xB800  }
0x430: {  	[tilespmem:s29], [sflag:$0x1] =	stream.indirect_vreg.gather [hbm4b:s4+s2], $0x80, v3, vm0, $0xb8;
	[tilespmem:$0x10800] =	vst v63  }
0x431: {  	s30 =	simm.s32 $0xC000  }
0x432: {  	[tilespmem:s30], [sflag:$0x1] =	stream.indirect_vreg.gather [hbm4b:s5+s2], $0x80, v3, vm0, $0xb8;
	[tilespmem:$0x10800] =	vst v63  }
0x433: {  	v3 =	vld [tilespmem:$0x7A0];
	_ =	sdelay $0x4  }
0x434: {  	v62 =	vshll.u32 v3, $0x2  }
0x435: {  	v3 =	vand.u32 $0x7, v3;
	v4 =	vand.u32 $0xFFFFFFE0, v62  }
0x436: {  	v3 =	vor.u32 v3, v4  }
0x437: {  	v4 =	vperm.xlane v3, v0;
	_ =	sdelay $0x1  }
0x438: {  	v4 =	vadd.s32 v1, v4;
	_ =	sdelay $0x1  }
0x439: {  	v3 =	vperm.xlane v3, v2;
	_ =	sdelay $0x1  }
0x43a: {  	s6 =	simm.s32 $0xC800;
	v3 =	vadd.s32 v1, v3  }
0x43b: {  	[tilespmem:s6], [sflag:$0x1] =	stream.indirect_vreg.gather [hbm4b:s4+s2], $0x80, v4, vm0, $0xb8;
	[tilespmem:$0x10800] =	vst v63  }
0x43c: {  	s1 =	simm.s32 $0xD000  }
0x43d: {  	[tilespmem:s1], [sflag:$0x1] =	stream.indirect_vreg.gather [hbm4b:s5+s2], $0x80, v4, vm0, $0xb8;
	[tilespmem:$0x10800] =	vst v63  }
0x43e: {  	s7 =	simm.s32 $0xD800  }
0x43f: {  	[tilespmem:s7], [sflag:$0x1] =	stream.indirect_vreg.gather [hbm4b:s4+s2], $0x80, v3, vm0, $0xb8;
	[tilespmem:$0x10800] =	vst v63  }
0x440: {  	s19 =	simm.s32 $0xE000  }
0x441: {  	[tilespmem:s19], [sflag:$0x1] =	stream.indirect_vreg.gather [hbm4b:s5+s2], $0x80, v3, vm0, $0xb8;
	[tilespmem:$0x10800] =	vst v63  }
0x442: {  	v3 =	vld [tilespmem:$0x7B0];
	_ =	sdelay $0x4  }
0x443: {  	v63 =	vshll.u32 v3, $0x2  }
0x444: {  	v3 =	vand.u32 $0x7, v3;
	v4 =	vand.u32 $0xFFFFFFE0, v63  }
0x445: {  	v3 =	vor.u32 v3, v4  }
0x446: {  	v4 =	vperm.xlane v3, v0;
	_ =	sdelay $0x1  }
0x447: {  	v4 =	vadd.s32 v1, v4;
	_ =	sdelay $0x1  }
0x448: {  	v3 =	vperm.xlane v3, v2;
	_ =	sdelay $0x1  }
0x449: {  	s9 =	simm.s32 $0xE800;
	v3 =	vadd.s32 v1, v3  }
0x44a: {  	[tilespmem:s9], [sflag:$0x1] =	stream.indirect_vreg.gather [hbm4b:s4+s2], $0x80, v4, vm0, $0xb8;
	[tilespmem:$0x10800] =	vst v63  }
0x44b: {  	s10 =	simm.s32 $0xF000  }
0x44c: {  	[tilespmem:s10], [sflag:$0x1] =	stream.indirect_vreg.gather [hbm4b:s5+s2], $0x80, v4, vm0, $0xb8;
	[tilespmem:$0x10800] =	vst v63  }
0x44d: {  	s11 =	simm.s32 $0xF800  }
0x44e: {  	[tilespmem:s11], [sflag:$0x1] =	stream.indirect_vreg.gather [hbm4b:s4+s2], $0x80, v3, vm0, $0xb8;
	[tilespmem:$0x10800] =	vst v63  }
0x44f: {  	s3 =	simm.s32 $0x10000  }
0x450: {  	[tilespmem:s3], [sflag:$0x1] =	stream.indirect_vreg.gather [hbm4b:s5+s2], $0x80, v3, vm0, $0xb8;
	[tilespmem:$0x10800] =	vst v63  }
0x451: {  	s30 =	rddreg [dreg:$0x11]  }
0x452: {  	[hbm4b:s30+s2] =	stream.linear.scatter [tilespmem:s8], [sflag:$0x2], $0x8000, $0x38;
	[tilespmem:$0x10800] =	vst v63  }
0x453: {  	_ =	swait.ge [sflag:s24], $0x8000  }
0x454: {  	[sflag:s24] =	ssyncset.done $0x0  }
0x455: {  	[sflag:s24] =	ssyncadd.s32 $0xFFFF8000  }
0x456: {  	_ =	swait.ge [sflag:s15], $0x8000  }
0x457: {  	p0 =	sne.s32 s0, $0x1;
	[sflag:s15] =	ssyncset.done $0x0  }
.Ltmp0:
0x458: {  	s31 =	rddreg [dreg:$0x12];
	[sflag:s15] =	ssyncadd.s32 $0xFFFF8000;
	(pc) =	sbr.rel @p0 .LBB2_1-.Ltmp0, $4  }
0x459: {  	[hbm4b:s31+s2] =	stream.linear.scatter [tilespmem:s25], [sflag:$0x2], $0x8000, $0x38;
	[tilespmem:$0x10800] =	vst v63  }
0x45a: {  	_ =	swait.ge [sflag:s15], $0x8000  }
0x45b: {  	[sflag:s15] =	ssyncset.done $0x0  }
0x45c: {  	s0 =	sadd.s32 $0xFFFFFFFF, s0;
	[sflag:s15] =	ssyncadd.s32 $0xFFFF8000  }
0x45d: {  	_ =	sfence.sel $0x180000  }
0x45e: {  	[bflag:$0x0] =	sbarrier.arrive $0xFFFF  }
0x45f: {  	_ =	strace $0x9000004A  }
0x460: {  	s0 =	stileid.u32;
	[bflag:$0x2] =	sbarrier.arrive $0xFFFF  }
0x461: {  	p0 =	sne.s32 s0, $0x0;
	s0 =	rddreg [dreg:$0x2]  }
0x462: {  	s0 =	sadd.s32 @!p0 $0x100000, s0  }
0x463: {  	[sflag:s0] =	ssyncadd.tile.s32 @!p0 $0x1;
	_ =	shalt  }
.Lfunc_end2:
_tile_overlayer_lowered:
.L_overlay_start_2:
0x464: {  	(tag) =	ssettag $0x2  }
0x465: {  	s0 =	rddreg [dreg:$0x0];
	s2 =	stileid.u32  }
0x466: {  	s1 =	rddreg [dreg:$0x1];
	p0 =	sne.s32 s2, $0x0  }
0x467: {  	s3 =	rddreg [dreg:$0x2];
	[bflag:$0x3] =	sbarrier.arrive $0xFFFF;
	s2 =	simm.s32 @!p0 $0x1C03  }
0x468: {  	[timem:s3], [sflag:s2] =	dma.local @!p0 [hbm:s0], s1  }
0x469: {  	s0 =	simm.s32 @!p0 $0x3  }
0x46a: {  	_ =	swait.ge @!p0 [sflag:s0], s1  }
0x46b: {  	s1 =	ssub.s32 @!p0 $0x0, s1;
	[sflag:s0] =	ssyncset.done @!p0 $0x0  }
0x46c: {  	[sflag:s0] =	ssyncadd.s32 @!p0 s1  }
0x46d: {  	[bflag:$0x3] =	sbarrier.arrive $0xFFFF  }
0x46e: {  	_ =	shalt  }

</sc_bundles>
